<compile_context>
chip_gen: v7x
topology: tpu7x:2x2x1
jax: 0.10.2.dev20260603
libtpu: 0.0.44.dev20260713+nightly
codegen_flags: <defaults>
</compile_context>

<pallas_src>
import functools

import jax
import jax.numpy as jnp
from jax import lax
from jax.experimental import pallas as pl
from jax.experimental.pallas import tpu as pltpu
from jax.experimental.pallas import tpu_sc as plsc

N = 10000
E = 320000
D = 128
H = 128

NC = 2
NS = 16
NW = NC * NS
EW = E // NW
EB = 125
KB = EW // EB
ER = E // EB
QL = (32, 32, 32, 29)

_MESH = plsc.VectorSubcoreMesh(
    core_axis_name="c", subcore_axis_name="s", num_cores=NC, num_subcores=NS
)


@functools.partial(
    pl.kernel,
    out_type=jax.ShapeDtypeStruct((NC * N,), jnp.float32),
    mesh=_MESH,
    scratch_types=[
        pltpu.VMEM((KB, EB), jnp.int32),
        pltpu.VMEM((128,), jnp.float32),
        pltpu.VMEM((1008,), jnp.float32),
        pltpu.VMEM_SHARED((N,), jnp.float32),
    ],
)
def _deg_kernel(ei_hbm, out_hbm, dst_v, ones_v, tmp_v, acc):
    c = lax.axis_index("c")
    s = lax.axis_index("s")
    wid = c * NS + s
    for i in range(8):
        ones_v[pl.ds(i * 16, 16)] = jnp.ones((16,), jnp.float32)

    def _zfill(i, carry):
        tmp_v[pl.ds(i * 16, 16)] = jnp.zeros((16,), jnp.float32)
        return carry

    lax.fori_loop(0, 63, _zfill, 0)

    @pl.when(s < 10)
    def _zero():
        pltpu.sync_copy(tmp_v.at[pl.ds(0, 1000)], acc.at[pl.ds(s * 1000, 1000)])

    plsc.subcore_barrier()
    pltpu.sync_copy(ei_hbm.at[1].at[pl.ds(wid * KB, KB)], dst_v)

    def _blk(k, carry):
        pltpu.sync_copy(ones_v.at[pl.ds(0, EB)], acc.at[dst_v.at[k]], add=True)
        return carry

    lax.fori_loop(0, KB, _blk, 0)
    plsc.subcore_barrier()

    @pl.when(s < 10)
    def _out():
        pltpu.sync_copy(acc.at[pl.ds(s * 1000, 1000)], tmp_v.at[pl.ds(0, 1000)])
        pltpu.sync_copy(tmp_v.at[pl.ds(0, 1000)],
                        out_hbm.at[pl.ds(c * N + s * 1000, 1000)])


@functools.partial(
    pl.kernel,
    out_type=jax.ShapeDtypeStruct((NC, N, H), jnp.float32),
    mesh=_MESH,
    scratch_types=[
        pltpu.VMEM((KB // 2, EB), jnp.int32),
        pltpu.VMEM((KB // 2, EB), jnp.int32),
        pltpu.VMEM((2, EB, H), jnp.float32),
        pltpu.VMEM_SHARED((N, H), jnp.float32),
        [pltpu.SemaphoreType.DMA] * 4,
        [pltpu.SemaphoreType.DMA] * 4,
    ],
)
def _msg_kernel(y_hbm, ei_hbm, out_hbm, src_v, dst_v, rows_v, acc,
                gsem0, gsem1):
    c = lax.axis_index("c")
    s = lax.axis_index("s")
    wid = c * NS + s
    KBP = KB // 2
    gsems = (gsem0, gsem1)

    def _issue(k, b):
        o = 0
        for q, ql in enumerate(QL):
            pltpu.async_copy(y_hbm.at[src_v.at[k].at[pl.ds(o, ql)]],
                             rows_v.at[b].at[pl.ds(o, ql)], gsems[b][q])
            o += ql

    def _wait(k, b):
        o = 0
        for q, ql in enumerate(QL):
            pltpu.make_async_copy(y_hbm.at[src_v.at[k].at[pl.ds(o, ql)]],
                                  rows_v.at[b].at[pl.ds(o, ql)],
                                  gsems[b][q]).wait()
            o += ql

    def _zfill(k, carry):
        for i in range(H // 16):
            rows_v[0, k, pl.ds(i * 16, 16)] = jnp.zeros((16,), jnp.float32)
        return carry

    lax.fori_loop(0, EB, _zfill, 0)
    for j in range(5):
        pltpu.sync_copy(rows_v.at[0], acc.at[pl.ds(s * 625 + j * 125, 125)])

    plsc.subcore_barrier()

    for ph in range(2):
        base = wid * KB + ph * KBP
        pltpu.sync_copy(ei_hbm.at[0].at[pl.ds(base, KBP)], src_v)
        pltpu.sync_copy(ei_hbm.at[1].at[pl.ds(base, KBP)], dst_v)
        _issue(0, 0)

        def _blk(j, carry):
            k0 = 2 * j
            _wait(k0, 0)
            _issue(k0 + 1, 1)
            pltpu.sync_copy(rows_v.at[0], acc.at[dst_v.at[k0]], add=True)
            _wait(k0 + 1, 1)

            @pl.when(j < KBP // 2 - 1)
            def _next():
                _issue(k0 + 2, 0)

            pltpu.sync_copy(rows_v.at[1], acc.at[dst_v.at[k0 + 1]], add=True)
            return carry

        lax.fori_loop(0, KBP // 2, _blk, 0)

    plsc.subcore_barrier()

    @pl.when(s < 10)
    def _out():
        pltpu.sync_copy(acc.at[pl.ds(s * 1000, 1000)],
                        out_hbm.at[c].at[pl.ds(s * 1000, 1000)])


BN = 1000
_G = N // BN


def _prep1_body(x_ref, w_ref, degp_ref, dinv_ref, xw_ref, y_ref):
    dinv = lax.rsqrt(degp_ref[0] + degp_ref[1] + 1.0)
    xw = jnp.dot(x_ref[...], w_ref[...], preferred_element_type=jnp.float32)
    dinv_ref[...] = dinv
    xw_ref[...] = xw
    y_ref[...] = xw * dinv


def _mid_body(p_ref, xw_ref, dinv_ref, b_ref, w2_ref, xw2_ref, y2_ref):
    dinv = dinv_ref[...]
    h = jnp.maximum(
        (p_ref[0] + p_ref[1]) * dinv + xw_ref[...] * (dinv * dinv) + b_ref[...],
        0.0)
    xw2 = jnp.dot(h, w2_ref[...], preferred_element_type=jnp.float32)
    xw2_ref[...] = xw2
    y2_ref[...] = xw2 * dinv


def _fin_body(p_ref, xw_ref, dinv_ref, b_ref, out_ref):
    dinv = dinv_ref[...]
    out_ref[...] = jnp.maximum(
        (p_ref[0] + p_ref[1]) * dinv + xw_ref[...] * (dinv * dinv) + b_ref[...],
        0.0)


_prep1 = pl.pallas_call(
    _prep1_body,
    grid=(_G,),
    in_specs=[
        pl.BlockSpec((BN, D), lambda i: (i, 0)),
        pl.BlockSpec((D, H), lambda i: (0, 0)),
        pl.BlockSpec((NC, BN, 1), lambda i: (0, i, 0)),
    ],
    out_specs=[
        pl.BlockSpec((BN, 1), lambda i: (i, 0)),
        pl.BlockSpec((BN, H), lambda i: (i, 0)),
        pl.BlockSpec((BN, H), lambda i: (i, 0)),
    ],
    out_shape=[
        jax.ShapeDtypeStruct((N, 1), jnp.float32),
        jax.ShapeDtypeStruct((N, H), jnp.float32),
        jax.ShapeDtypeStruct((N, H), jnp.float32),
    ],
)

_mid = pl.pallas_call(
    _mid_body,
    grid=(_G,),
    in_specs=[
        pl.BlockSpec((NC, BN, H), lambda i: (0, i, 0)),
        pl.BlockSpec((BN, H), lambda i: (i, 0)),
        pl.BlockSpec((BN, 1), lambda i: (i, 0)),
        pl.BlockSpec((1, H), lambda i: (0, 0)),
        pl.BlockSpec((H, H), lambda i: (0, 0)),
    ],
    out_specs=[
        pl.BlockSpec((BN, H), lambda i: (i, 0)),
        pl.BlockSpec((BN, H), lambda i: (i, 0)),
    ],
    out_shape=[
        jax.ShapeDtypeStruct((N, H), jnp.float32),
        jax.ShapeDtypeStruct((N, H), jnp.float32),
    ],
)

_fin = pl.pallas_call(
    _fin_body,
    grid=(_G,),
    in_specs=[
        pl.BlockSpec((NC, BN, H), lambda i: (0, i, 0)),
        pl.BlockSpec((BN, H), lambda i: (i, 0)),
        pl.BlockSpec((BN, 1), lambda i: (i, 0)),
        pl.BlockSpec((1, H), lambda i: (0, 0)),
    ],
    out_specs=pl.BlockSpec((BN, H), lambda i: (i, 0)),
    out_shape=jax.ShapeDtypeStruct((N, H), jnp.float32),
)


def kernel(x, edge_index, W1, b1, W2, b2):
    ei = edge_index.reshape(2, ER, EB)

    degp = _deg_kernel(ei)
    dinv, xw1, y1 = _prep1(x, W1, degp.reshape(NC, N, 1))
    p1 = _msg_kernel(y1, ei)
    xw2, y2 = _mid(p1, xw1, dinv, b1.reshape(1, H), W2)
    p2 = _msg_kernel(y2, ei)
    return _fin(p2, xw2, dinv, b2.reshape(1, H))

# --- scband reference (transcript-rebuilt; emitter-appended) ---
"""Pipeline reference for scband-gcnn-30236569764271 (READ-ONLY COPY).

The authoritative reference and input builder live on the scoring server;
editing this copy changes nothing except your own understanding.
"""

import jax, jax.numpy as jnp
import numpy as np

N = 10000
E = 320000
D = 128
H = 128


def setup_inputs(seed: int = 0) -> dict:
    key = jax.random.key(seed)
    k1, k2, k3, k4 = jax.random.split(key, 4)
    x = jax.random.normal(k1, (N, D), dtype=jnp.float32)
    edge_index = jax.random.randint(k2, (2, E), 0, N, dtype=jnp.int32)
    # GCNConv layer 1 params (glorot init, zero bias)
    s1 = (6.0 / (D + H)) ** 0.5
    W1 = jax.random.uniform(k3, (D, H), dtype=jnp.float32, minval=-s1, maxval=s1)
    b1 = jnp.zeros((H,), dtype=jnp.float32)
    # GCNConv layer 2 params
    s2 = (6.0 / (H + H)) ** 0.5
    W2 = jax.random.uniform(k4, (H, H), dtype=jnp.float32, minval=-s2, maxval=s2)
    b2 = jnp.zeros((H,), dtype=jnp.float32)
    return {"x": x, "edge_index": edge_index, "W1": W1, "b1": b1, "W2": W2, "b2": b2}


def _gcn_layer(x, edge_index, W, b):
    # PyG GCNConv semantics: add self-loops, symmetric normalization,
    # out[i] = sum_{j -> i} (1/sqrt(deg_j * deg_i)) * (x_j @ W) + b
    src = edge_index[0]
    dst = edge_index[1]
    loop = jnp.arange(N, dtype=src.dtype)
    src2 = jnp.concatenate([src, loop])
    dst2 = jnp.concatenate([dst, loop])
    deg = jnp.zeros((N,), dtype=x.dtype).at[dst2].add(1.0)
    dinv = jnp.where(deg > 0, 1.0 / jnp.sqrt(deg), 0.0)
    norm = dinv[src2] * dinv[dst2]
    xw = x @ W
    msgs = jnp.take(xw, src2, axis=0) * norm[:, None]
    out = jnp.zeros((N, W.shape[1]), dtype=x.dtype).at[dst2].add(msgs)
    return out + b


def reference(x, edge_index, W1, b1, W2, b2):
    h = jax.nn.relu(_gcn_layer(x, edge_index, W1, b1))
    h = jax.nn.relu(_gcn_layer(h, edge_index, W2, b2))
    return h

if __name__ == "__main__":
    import jax
    _d = setup_inputs()
    print(jax.jit(kernel)(*tuple(_d.values())))

</pallas_src>

<mosaic_0001>
#map = affine_map<(d0, d1) -> (0, 0, 0)>
#map1 = affine_map<(d0, d1) -> (0)>
module attributes {stable_mosaic.version = 14 : i64} {
  func.func @_deg_kernel(%arg0: i32, %arg1: i32, %arg2: memref<2x2560x125xi32, #tpu.memory_space<hbm>>, %arg3: memref<20000xf32, #tpu.memory_space<hbm>>, %arg4: memref<80x125xi32, #tpu.memory_space<vmem>>, %arg5: memref<128xf32, #tpu.memory_space<vmem>>, %arg6: memref<1008xf32, #tpu.memory_space<vmem>>, %arg7: memref<10000xf32, #tpu.memory_space<vmem_shared>>) attributes {dimension_semantics = [#tpu.dimension_semantics<core_parallel>, #tpu.dimension_semantics<subcore_parallel>], iteration_bounds = array<i64: 2, 16>, scalar_prefetch = 0 : i64, scratch_operands = 4 : i64, tpu.core_type = #tpu.core_type<sc_vector_subcore>, window_params = [{transform_indices = #map}, {transform_indices = #map1}]} {
    %mul3A = arith.constant 16 : i32
    %mul3A_0 = arith.muli %arg0, %mul3A : i32
    %add3A = arith.addi %mul3A_0, %arg1 : i32
    %broadcast_in_dim3A = arith.constant 1.000000e+00 : f32
    %broadcast_in_dim3A_1 = vector.broadcast %broadcast_in_dim3A : f32 to vector<16xf32>
    %swap3A = arith.constant 0 : index
    %swap3A_2 = tpu.vector_load %arg5[%swap3A] {strides = array<i32>} : memref<128xf32, #tpu.memory_space<vmem>>, vector<16xf32>,
    %swap3A_3 = vector.shape_cast %swap3A_2 : vector<16xf32> to vector<16xf32>
    %swap3A_4 = vector.shape_cast %broadcast_in_dim3A_1 : vector<16xf32> to vector<16xf32>
    tpu.vector_store %arg5[%swap3A], %swap3A_4 {strides = array<i32>} : memref<128xf32, #tpu.memory_space<vmem>>, vector<16xf32>,
    %broadcast_in_dim3A_5 = arith.constant 1.000000e+00 : f32
    %broadcast_in_dim3A_6 = vector.broadcast %broadcast_in_dim3A_5 : f32 to vector<16xf32>
    %swap3A_7 = arith.constant 16 : index
    %swap3A_8 = tpu.vector_load %arg5[%swap3A_7] {strides = array<i32>} : memref<128xf32, #tpu.memory_space<vmem>>, vector<16xf32>,
    %swap3A_9 = vector.shape_cast %swap3A_8 : vector<16xf32> to vector<16xf32>
    %swap3A_10 = vector.shape_cast %broadcast_in_dim3A_6 : vector<16xf32> to vector<16xf32>
    tpu.vector_store %arg5[%swap3A_7], %swap3A_10 {strides = array<i32>} : memref<128xf32, #tpu.memory_space<vmem>>, vector<16xf32>,
    %broadcast_in_dim3A_11 = arith.constant 1.000000e+00 : f32
    %broadcast_in_dim3A_12 = vector.broadcast %broadcast_in_dim3A_11 : f32 to vector<16xf32>
    %swap3A_13 = arith.constant 32 : index
    %swap3A_14 = tpu.vector_load %arg5[%swap3A_13] {strides = array<i32>} : memref<128xf32, #tpu.memory_space<vmem>>, vector<16xf32>,
    %swap3A_15 = vector.shape_cast %swap3A_14 : vector<16xf32> to vector<16xf32>
    %swap3A_16 = vector.shape_cast %broadcast_in_dim3A_12 : vector<16xf32> to vector<16xf32>
    tpu.vector_store %arg5[%swap3A_13], %swap3A_16 {strides = array<i32>} : memref<128xf32, #tpu.memory_space<vmem>>, vector<16xf32>,
    %broadcast_in_dim3A_17 = arith.constant 1.000000e+00 : f32
    %broadcast_in_dim3A_18 = vector.broadcast %broadcast_in_dim3A_17 : f32 to vector<16xf32>
    %swap3A_19 = arith.constant 48 : index
    %swap3A_20 = tpu.vector_load %arg5[%swap3A_19] {strides = array<i32>} : memref<128xf32, #tpu.memory_space<vmem>>, vector<16xf32>,
    %swap3A_21 = vector.shape_cast %swap3A_20 : vector<16xf32> to vector<16xf32>
    %swap3A_22 = vector.shape_cast %broadcast_in_dim3A_18 : vector<16xf32> to vector<16xf32>
    tpu.vector_store %arg5[%swap3A_19], %swap3A_22 {strides = array<i32>} : memref<128xf32, #tpu.memory_space<vmem>>, vector<16xf32>,
    %broadcast_in_dim3A_23 = arith.constant 1.000000e+00 : f32
    %broadcast_in_dim3A_24 = vector.broadcast %broadcast_in_dim3A_23 : f32 to vector<16xf32>
    %swap3A_25 = arith.constant 64 : index
    %swap3A_26 = tpu.vector_load %arg5[%swap3A_25] {strides = array<i32>} : memref<128xf32, #tpu.memory_space<vmem>>, vector<16xf32>,
    %swap3A_27 = vector.shape_cast %swap3A_26 : vector<16xf32> to vector<16xf32>
    %swap3A_28 = vector.shape_cast %broadcast_in_dim3A_24 : vector<16xf32> to vector<16xf32>
    tpu.vector_store %arg5[%swap3A_25], %swap3A_28 {strides = array<i32>} : memref<128xf32, #tpu.memory_space<vmem>>, vector<16xf32>,
    %broadcast_in_dim3A_29 = arith.constant 1.000000e+00 : f32
    %broadcast_in_dim3A_30 = vector.broadcast %broadcast_in_dim3A_29 : f32 to vector<16xf32>
    %swap3A_31 = arith.constant 80 : index
    %swap3A_32 = tpu.vector_load %arg5[%swap3A_31] {strides = array<i32>} : memref<128xf32, #tpu.memory_space<vmem>>, vector<16xf32>,
    %swap3A_33 = vector.shape_cast %swap3A_32 : vector<16xf32> to vector<16xf32>
    %swap3A_34 = vector.shape_cast %broadcast_in_dim3A_30 : vector<16xf32> to vector<16xf32>
    tpu.vector_store %arg5[%swap3A_31], %swap3A_34 {strides = array<i32>} : memref<128xf32, #tpu.memory_space<vmem>>, vector<16xf32>,
    %broadcast_in_dim3A_35 = arith.constant 1.000000e+00 : f32
    %broadcast_in_dim3A_36 = vector.broadcast %broadcast_in_dim3A_35 : f32 to vector<16xf32>
    %swap3A_37 = arith.constant 96 : index
    %swap3A_38 = tpu.vector_load %arg5[%swap3A_37] {strides = array<i32>} : memref<128xf32, #tpu.memory_space<vmem>>, vector<16xf32>,
    %swap3A_39 = vector.shape_cast %swap3A_38 : vector<16xf32> to vector<16xf32>
    %swap3A_40 = vector.shape_cast %broadcast_in_dim3A_36 : vector<16xf32> to vector<16xf32>
    tpu.vector_store %arg5[%swap3A_37], %swap3A_40 {strides = array<i32>} : memref<128xf32, #tpu.memory_space<vmem>>, vector<16xf32>,
    %broadcast_in_dim3A_41 = arith.constant 1.000000e+00 : f32
    %broadcast_in_dim3A_42 = vector.broadcast %broadcast_in_dim3A_41 : f32 to vector<16xf32>
    %swap3A_43 = arith.constant 112 : index
    %swap3A_44 = tpu.vector_load %arg5[%swap3A_43] {strides = array<i32>} : memref<128xf32, #tpu.memory_space<vmem>>, vector<16xf32>,
    %swap3A_45 = vector.shape_cast %swap3A_44 : vector<16xf32> to vector<16xf32>
    %swap3A_46 = vector.shape_cast %broadcast_in_dim3A_42 : vector<16xf32> to vector<16xf32>
    tpu.vector_store %arg5[%swap3A_43], %swap3A_46 {strides = array<i32>} : memref<128xf32, #tpu.memory_space<vmem>>, vector<16xf32>,
    %scan3A = arith.constant 0 : i32
    %scan3A_47 = arith.constant 0 : i32
    %scan3A_48 = arith.constant 63 : i32
    %scan3A_49 = arith.addi %scan3A_47, %scan3A_48 : i32
    %scan3A_50 = arith.constant 1 : i32
    scf.for %scan3A_68 = %scan3A_47 to %scan3A_49 step %scan3A_50  : i32 {
      %broadcast_in_dim3A_69 = arith.constant 0.000000e+00 : f32
      %broadcast_in_dim3A_70 = vector.broadcast %broadcast_in_dim3A_69 : f32 to vector<16xf32>
      %mul3A_71 = arith.constant 16 : i32
      %mul3A_72 = arith.muli %scan3A_68, %mul3A_71 : i32
      %swap3A_73 = arith.index_cast %mul3A_72 : i32 to index
      %swap3A_74 = tpu.vector_load %arg6[%swap3A_73] {strides = array<i32>} : memref<1008xf32, #tpu.memory_space<vmem>>, vector<16xf32>,
      %swap3A_75 = vector.shape_cast %swap3A_74 : vector<16xf32> to vector<16xf32>
      %swap3A_76 = vector.shape_cast %broadcast_in_dim3A_70 : vector<16xf32> to vector<16xf32>
      tpu.vector_store %arg6[%swap3A_73], %swap3A_76 {strides = array<i32>} : memref<1008xf32, #tpu.memory_space<vmem>>, vector<16xf32>,
    }
    %scan3A_51 = arith.constant 63 : i32
    %lt3A = arith.constant 10 : i32
    %lt3A_52 = arith.cmpi slt, %arg1, %lt3A : i32
    %convert_element_type3A = arith.extui %lt3A_52 : i1 to i32
    %cond3A = arith.constant 0 : i32
    %cond3A_53 = arith.cmpi ne, %convert_element_type3A, %cond3A : i32
    scf.if %cond3A_53 {
      %mul3A_68 = arith.constant 1000 : i32
      %mul3A_69 = arith.muli %arg1, %mul3A_68 : i32
      "tpu.region"() ({
        %run_scoped3A_70 = tpu.sem_alloc : memref<!tpu.dma_semaphore, #tpu.memory_space<semaphore_mem>>
        %dma_start3A = arith.constant 0 : i32
        %dma_start3A_71 = tpu.memref_slice %arg6[%dma_start3A] : memref<1008xf32, #tpu.memory_space<vmem>> -> memref<1000xf32, #tpu.memory_space<vmem>>
        %dma_start3A_72 = tpu.memref_slice %arg7[%mul3A_69] : memref<10000xf32, #tpu.memory_space<vmem_shared>> -> memref<1000xf32, #tpu.memory_space<vmem_shared>>
        %dma_start3A_73 = tpu.memref_slice %arg7[%mul3A_69] : memref<10000xf32, #tpu.memory_space<vmem_shared>> -> memref<1000xf32, #tpu.memory_space<vmem_shared>>
        %dma_start3A_74 = arith.constant 0 : i32
        %dma_start3A_75 = tpu.memref_slice %arg6[%dma_start3A_74] : memref<1008xf32, #tpu.memory_space<vmem>> -> memref<1000xf32, #tpu.memory_space<vmem>>
        tpu.enqueue_dma source(%dma_start3A_75 : memref<1000xf32, #tpu.memory_space<vmem>>) target(%dma_start3A_73 : memref<1000xf32, #tpu.memory_space<vmem_shared>>) target_semaphore(%run_scoped3A_70 : memref<!tpu.dma_semaphore, #tpu.memory_space<semaphore_mem>>)
        %dma_wait3A = arith.constant 0 : i32
        %dma_wait3A_76 = tpu.memref_slice %arg6[%dma_wait3A] : memref<1008xf32, #tpu.memory_space<vmem>> -> memref<1000xf32, #tpu.memory_space<vmem>>
        %dma_wait3A_77 = tpu.memref_slice %arg7[%mul3A_69] : memref<10000xf32, #tpu.memory_space<vmem_shared>> -> memref<1000xf32, #tpu.memory_space<vmem_shared>>
        %dma_wait3A_78 = tpu.memref_slice %arg7[%mul3A_69] : memref<10000xf32, #tpu.memory_space<vmem_shared>> -> memref<1000xf32, #tpu.memory_space<vmem_shared>>
        %dma_wait3A_79 = arith.constant 0 : i32
        %dma_wait3A_80 = tpu.memref_slice %arg6[%dma_wait3A_79] : memref<1008xf32, #tpu.memory_space<vmem>> -> memref<1000xf32, #tpu.memory_space<vmem>>
        tpu.wait_dma2 semaphore(%run_scoped3A_70 : memref<!tpu.dma_semaphore, #tpu.memory_space<semaphore_mem>>) src(%dma_wait3A_80 : memref<1000xf32, #tpu.memory_space<vmem>>) dst(%dma_wait3A_78 : memref<1000xf32, #tpu.memory_space<vmem_shared>>)
        tpu.yield
      }) : () -> ()
    } else {
    }
    %barrier3A = arith.constant 0 : index
    tpu.barrier barrier_id(%barrier3A)
    %mul3A_54 = arith.constant 80 : i32
    %mul3A_55 = arith.muli %add3A, %mul3A_54 : i32
    %run_scoped3A = arith.constant 1 : i32
    "tpu.region"() ({
      %run_scoped3A_68 = tpu.sem_alloc : memref<!tpu.dma_semaphore, #tpu.memory_space<semaphore_mem>>
      %dma_start3A = arith.constant 0 : i32
      %dma_start3A_69 = arith.constant 0 : i32
      %dma_start3A_70 = tpu.memref_slice %arg2[%run_scoped3A, %dma_start3A, %dma_start3A_69] : memref<2x2560x125xi32, #tpu.memory_space<hbm>> -> memref<1x2560x125xi32, #tpu.memory_space<hbm>>
      %dma_start3A_71 = tpu.memref_squeeze %dma_start3A_70 : memref<1x2560x125xi32, #tpu.memory_space<hbm>> -> memref<2560x125xi32, #tpu.memory_space<hbm>>
      %dma_start3A_72 = arith.constant 0 : i32
      %dma_start3A_73 = tpu.memref_slice %dma_start3A_71[%mul3A_55, %dma_start3A_72] : memref<2560x125xi32, #tpu.memory_space<hbm>> -> memref<80x125xi32, #tpu.memory_space<hbm>>
      %dma_start3A_74 = arith.constant 0 : i32
      %dma_start3A_75 = arith.constant 0 : i32
      %dma_start3A_76 = tpu.memref_slice %arg2[%run_scoped3A, %dma_start3A_74, %dma_start3A_75] : memref<2x2560x125xi32, #tpu.memory_space<hbm>> -> memref<1x2560x125xi32, #tpu.memory_space<hbm>>
      %dma_start3A_77 = tpu.memref_squeeze %dma_start3A_76 : memref<1x2560x125xi32, #tpu.memory_space<hbm>> -> memref<2560x125xi32, #tpu.memory_space<hbm>>
      %dma_start3A_78 = arith.constant 0 : i32
      %dma_start3A_79 = tpu.memref_slice %dma_start3A_77[%mul3A_55, %dma_start3A_78] : memref<2560x125xi32, #tpu.memory_space<hbm>> -> memref<80x125xi32, #tpu.memory_space<hbm>>
      tpu.enqueue_dma source(%dma_start3A_79 : memref<80x125xi32, #tpu.memory_space<hbm>>) target(%arg4 : memref<80x125xi32, #tpu.memory_space<vmem>>) target_semaphore(%run_scoped3A_68 : memref<!tpu.dma_semaphore, #tpu.memory_space<semaphore_mem>>)
      %dma_wait3A = arith.constant 0 : i32
      %dma_wait3A_80 = arith.constant 0 : i32
      %dma_wait3A_81 = tpu.memref_slice %arg2[%run_scoped3A, %dma_wait3A, %dma_wait3A_80] : memref<2x2560x125xi32, #tpu.memory_space<hbm>> -> memref<1x2560x125xi32, #tpu.memory_space<hbm>>
      %dma_wait3A_82 = tpu.memref_squeeze %dma_wait3A_81 : memref<1x2560x125xi32, #tpu.memory_space<hbm>> -> memref<2560x125xi32, #tpu.memory_space<hbm>>
      %dma_wait3A_83 = arith.constant 0 : i32
      %dma_wait3A_84 = tpu.memref_slice %dma_wait3A_82[%mul3A_55, %dma_wait3A_83] : memref<2560x125xi32, #tpu.memory_space<hbm>> -> memref<80x125xi32, #tpu.memory_space<hbm>>
      %dma_wait3A_85 = arith.constant 0 : i32
      %dma_wait3A_86 = arith.constant 0 : i32
      %dma_wait3A_87 = tpu.memref_slice %arg2[%run_scoped3A, %dma_wait3A_85, %dma_wait3A_86] : memref<2x2560x125xi32, #tpu.memory_space<hbm>> -> memref<1x2560x125xi32, #tpu.memory_space<hbm>>
      %dma_wait3A_88 = tpu.memref_squeeze %dma_wait3A_87 : memref<1x2560x125xi32, #tpu.memory_space<hbm>> -> memref<2560x125xi32, #tpu.memory_space<hbm>>
      %dma_wait3A_89 = arith.constant 0 : i32
      %dma_wait3A_90 = tpu.memref_slice %dma_wait3A_88[%mul3A_55, %dma_wait3A_89] : memref<2560x125xi32, #tpu.memory_space<hbm>> -> memref<80x125xi32, #tpu.memory_space<hbm>>
      tpu.wait_dma2 semaphore(%run_scoped3A_68 : memref<!tpu.dma_semaphore, #tpu.memory_space<semaphore_mem>>) src(%dma_wait3A_90 : memref<80x125xi32, #tpu.memory_space<hbm>>) dst(%arg4 : memref<80x125xi32, #tpu.memory_space<vmem>>)
      tpu.yield
    }) : () -> ()
    %scan3A_56 = arith.constant 0 : i32
    %scan3A_57 = arith.constant 0 : i32
    %scan3A_58 = arith.constant 80 : i32
    %scan3A_59 = arith.addi %scan3A_57, %scan3A_58 : i32
    %scan3A_60 = arith.constant 1 : i32
    scf.for %scan3A_68 = %scan3A_57 to %scan3A_59 step %scan3A_60  : i32 {
      "tpu.region"() ({
        %run_scoped3A_69 = tpu.sem_alloc : memref<!tpu.dma_semaphore, #tpu.memory_space<semaphore_mem>>
        %dma_start3A = arith.constant 0 : i32
        %dma_start3A_70 = tpu.memref_slice %arg5[%dma_start3A] : memref<128xf32, #tpu.memory_space<vmem>> -> memref<125xf32, #tpu.memory_space<vmem>>
        %dma_start3A_71 = arith.constant 0 : i32
        %dma_start3A_72 = tpu.memref_slice %arg4[%scan3A_68, %dma_start3A_71] : memref<80x125xi32, #tpu.memory_space<vmem>> -> memref<1x125xi32, #tpu.memory_space<vmem>>
        %dma_start3A_73 = tpu.memref_squeeze %dma_start3A_72 : memref<1x125xi32, #tpu.memory_space<vmem>> -> memref<125xi32, #tpu.memory_space<vmem>>
        %dma_start3A_74 = arith.constant 0 : i32
        %dma_start3A_75 = tpu.memref_slice %arg7[%dma_start3A_74] : memref<10000xf32, #tpu.memory_space<vmem_shared>> -> memref<10000xf32, #tpu.memory_space<vmem_shared>>
        tpu.enqueue_indirect_dma source(%dma_start3A_70 : memref<125xf32, #tpu.memory_space<vmem>>) target(%dma_start3A_75 : memref<10000xf32, #tpu.memory_space<vmem_shared>>) offsets(%dma_start3A_73 : memref<125xi32, #tpu.memory_space<vmem>>) semaphore(%run_scoped3A_69 : memref<!tpu.dma_semaphore, #tpu.memory_space<semaphore_mem>>) {add = true}
        %dma_wait3A = arith.constant 0 : i32
        %dma_wait3A_76 = tpu.memref_slice %arg5[%dma_wait3A] : memref<128xf32, #tpu.memory_space<vmem>> -> memref<125xf32, #tpu.memory_space<vmem>>
        %dma_wait3A_77 = arith.constant 0 : i32
        %dma_wait3A_78 = tpu.memref_slice %arg4[%scan3A_68, %dma_wait3A_77] : memref<80x125xi32, #tpu.memory_space<vmem>> -> memref<1x125xi32, #tpu.memory_space<vmem>>
        %dma_wait3A_79 = tpu.memref_squeeze %dma_wait3A_78 : memref<1x125xi32, #tpu.memory_space<vmem>> -> memref<125xi32, #tpu.memory_space<vmem>>
        %dma_wait3A_80 = arith.constant 0 : i32
        %dma_wait3A_81 = tpu.memref_slice %arg7[%dma_wait3A_80] : memref<10000xf32, #tpu.memory_space<vmem_shared>> -> memref<10000xf32, #tpu.memory_space<vmem_shared>>
        tpu.wait_indirect_dma semaphore(%run_scoped3A_69 : memref<!tpu.dma_semaphore, #tpu.memory_space<semaphore_mem>>) src(%dma_wait3A_76 : memref<125xf32, #tpu.memory_space<vmem>>) dst(%dma_wait3A_81 : memref<10000xf32, #tpu.memory_space<vmem_shared>>)
        tpu.yield
      }) : () -> ()
    }
    %scan3A_61 = arith.constant 80 : i32
    %barrier3A_62 = arith.constant 0 : index
    tpu.barrier barrier_id(%barrier3A_62)
    %lt3A_63 = arith.constant 10 : i32
    %lt3A_64 = arith.cmpi slt, %arg1, %lt3A_63 : i32
    %convert_element_type3A_65 = arith.extui %lt3A_64 : i1 to i32
    %cond3A_66 = arith.constant 0 : i32
    %cond3A_67 = arith.cmpi ne, %convert_element_type3A_65, %cond3A_66 : i32
    scf.if %cond3A_67 {
      %mul3A_68 = arith.constant 1000 : i32
      %mul3A_69 = arith.muli %arg1, %mul3A_68 : i32
      "tpu.region"() ({
        %run_scoped3A_75 = tpu.sem_alloc : memref<!tpu.dma_semaphore, #tpu.memory_space<semaphore_mem>>
        %dma_start3A = arith.constant 0 : i32
        %dma_start3A_76 = tpu.memref_slice %arg6[%dma_start3A] : memref<1008xf32, #tpu.memory_space<vmem>> -> memref<1000xf32, #tpu.memory_space<vmem>>
        %dma_start3A_77 = tpu.memref_slice %arg7[%mul3A_69] : memref<10000xf32, #tpu.memory_space<vmem_shared>> -> memref<1000xf32, #tpu.memory_space<vmem_shared>>
        %dma_start3A_78 = arith.constant 0 : i32
        %dma_start3A_79 = tpu.memref_slice %arg6[%dma_start3A_78] : memref<1008xf32, #tpu.memory_space<vmem>> -> memref<1000xf32, #tpu.memory_space<vmem>>
        %dma_start3A_80 = tpu.memref_slice %arg7[%mul3A_69] : memref<10000xf32, #tpu.memory_space<vmem_shared>> -> memref<1000xf32, #tpu.memory_space<vmem_shared>>
        tpu.enqueue_dma source(%dma_start3A_80 : memref<1000xf32, #tpu.memory_space<vmem_shared>>) target(%dma_start3A_79 : memref<1000xf32, #tpu.memory_space<vmem>>) target_semaphore(%run_scoped3A_75 : memref<!tpu.dma_semaphore, #tpu.memory_space<semaphore_mem>>)
        %dma_wait3A = arith.constant 0 : i32
        %dma_wait3A_81 = tpu.memref_slice %arg6[%dma_wait3A] : memref<1008xf32, #tpu.memory_space<vmem>> -> memref<1000xf32, #tpu.memory_space<vmem>>
        %dma_wait3A_82 = tpu.memref_slice %arg7[%mul3A_69] : memref<10000xf32, #tpu.memory_space<vmem_shared>> -> memref<1000xf32, #tpu.memory_space<vmem_shared>>
        %dma_wait3A_83 = arith.constant 0 : i32
        %dma_wait3A_84 = tpu.memref_slice %arg6[%dma_wait3A_83] : memref<1008xf32, #tpu.memory_space<vmem>> -> memref<1000xf32, #tpu.memory_space<vmem>>
        %dma_wait3A_85 = tpu.memref_slice %arg7[%mul3A_69] : memref<10000xf32, #tpu.memory_space<vmem_shared>> -> memref<1000xf32, #tpu.memory_space<vmem_shared>>
        tpu.wait_dma2 semaphore(%run_scoped3A_75 : memref<!tpu.dma_semaphore, #tpu.memory_space<semaphore_mem>>) src(%dma_wait3A_85 : memref<1000xf32, #tpu.memory_space<vmem_shared>>) dst(%dma_wait3A_84 : memref<1000xf32, #tpu.memory_space<vmem>>)
        tpu.yield
      }) : () -> ()
      %mul3A_70 = arith.constant 10000 : i32
      %mul3A_71 = arith.muli %arg0, %mul3A_70 : i32
      %mul3A_72 = arith.constant 1000 : i32
      %mul3A_73 = arith.muli %arg1, %mul3A_72 : i32
      %add3A_74 = arith.addi %mul3A_71, %mul3A_73 : i32
      "tpu.region"() ({
        %run_scoped3A_75 = tpu.sem_alloc : memref<!tpu.dma_semaphore, #tpu.memory_space<semaphore_mem>>
        %dma_start3A = arith.constant 0 : i32
        %dma_start3A_76 = tpu.memref_slice %arg6[%dma_start3A] : memref<1008xf32, #tpu.memory_space<vmem>> -> memref<1000xf32, #tpu.memory_space<vmem>>
        %dma_start3A_77 = tpu.memref_slice %arg3[%add3A_74] : memref<20000xf32, #tpu.memory_space<hbm>> -> memref<1000xf32, #tpu.memory_space<hbm>>
        %dma_start3A_78 = tpu.memref_slice %arg3[%add3A_74] : memref<20000xf32, #tpu.memory_space<hbm>> -> memref<1000xf32, #tpu.memory_space<hbm>>
        %dma_start3A_79 = arith.constant 0 : i32
        %dma_start3A_80 = tpu.memref_slice %arg6[%dma_start3A_79] : memref<1008xf32, #tpu.memory_space<vmem>> -> memref<1000xf32, #tpu.memory_space<vmem>>
        tpu.enqueue_dma source(%dma_start3A_80 : memref<1000xf32, #tpu.memory_space<vmem>>) target(%dma_start3A_78 : memref<1000xf32, #tpu.memory_space<hbm>>) target_semaphore(%run_scoped3A_75 : memref<!tpu.dma_semaphore, #tpu.memory_space<semaphore_mem>>)
        %dma_wait3A = arith.constant 0 : i32
        %dma_wait3A_81 = tpu.memref_slice %arg6[%dma_wait3A] : memref<1008xf32, #tpu.memory_space<vmem>> -> memref<1000xf32, #tpu.memory_space<vmem>>
        %dma_wait3A_82 = tpu.memref_slice %arg3[%add3A_74] : memref<20000xf32, #tpu.memory_space<hbm>> -> memref<1000xf32, #tpu.memory_space<hbm>>
        %dma_wait3A_83 = tpu.memref_slice %arg3[%add3A_74] : memref<20000xf32, #tpu.memory_space<hbm>> -> memref<1000xf32, #tpu.memory_space<hbm>>
        %dma_wait3A_84 = arith.constant 0 : i32
        %dma_wait3A_85 = tpu.memref_slice %arg6[%dma_wait3A_84] : memref<1008xf32, #tpu.memory_space<vmem>> -> memref<1000xf32, #tpu.memory_space<vmem>>
        tpu.wait_dma2 semaphore(%run_scoped3A_75 : memref<!tpu.dma_semaphore, #tpu.memory_space<semaphore_mem>>) src(%dma_wait3A_85 : memref<1000xf32, #tpu.memory_space<vmem>>) dst(%dma_wait3A_83 : memref<1000xf32, #tpu.memory_space<hbm>>)
        tpu.yield
      }) : () -> ()
    } else {
    }
    return
  }
}

#map = affine_map<(d0, d1) -> (0, 0)>
#map1 = affine_map<(d0, d1) -> (0, 0, 0)>
module attributes {stable_mosaic.version = 14 : i64} {
  func.func @_msg_kernel(%arg0: i32, %arg1: i32, %arg2: memref<10000x128xf32, #tpu.memory_space<hbm>>, %arg3: memref<2x2560x125xi32, #tpu.memory_space<hbm>>, %arg4: memref<2x10000x128xf32, #tpu.memory_space<hbm>>, %arg5: memref<40x125xi32, #tpu.memory_space<vmem>>, %arg6: memref<40x125xi32, #tpu.memory_space<vmem>>, %arg7: memref<2x125x128xf32, #tpu.memory_space<vmem>>, %arg8: memref<10000x128xf32, #tpu.memory_space<vmem_shared>>, %arg9: memref<!tpu.dma_semaphore, #tpu.memory_space<semaphore_mem>>, %arg10: memref<!tpu.dma_semaphore, #tpu.memory_space<semaphore_mem>>, %arg11: memref<!tpu.dma_semaphore, #tpu.memory_space<semaphore_mem>>, %arg12: memref<!tpu.dma_semaphore, #tpu.memory_space<semaphore_mem>>, %arg13: memref<!tpu.dma_semaphore, #tpu.memory_space<semaphore_mem>>, %arg14: memref<!tpu.dma_semaphore, #tpu.memory_space<semaphore_mem>>, %arg15: memref<!tpu.dma_semaphore, #tpu.memory_space<semaphore_mem>>, %arg16: memref<!tpu.dma_semaphore, #tpu.memory_space<semaphore_mem>>) attributes {dimension_semantics = [#tpu.dimension_semantics<core_parallel>, #tpu.dimension_semantics<subcore_parallel>], iteration_bounds = array<i64: 2, 16>, scalar_prefetch = 0 : i64, scratch_operands = 12 : i64, tpu.core_type = #tpu.core_type<sc_vector_subcore>, window_params = [{transform_indices = #map}, {transform_indices = #map1}, {transform_indices = #map1}]} {
    %mul3A = arith.constant 16 : i32
    %mul3A_0 = arith.muli %arg0, %mul3A : i32
    %add3A = arith.addi %mul3A_0, %arg1 : i32
    %scan3A = arith.constant 0 : i32
    %scan3A_1 = arith.constant 0 : i32
    %scan3A_2 = arith.constant 125 : i32
    %scan3A_3 = arith.addi %scan3A_1, %scan3A_2 : i32
    %scan3A_4 = arith.constant 1 : i32
    scf.for %scan3A_192 = %scan3A_1 to %scan3A_3 step %scan3A_4  : i32 {
      %broadcast_in_dim3A = arith.constant 0.000000e+00 : f32
      %broadcast_in_dim3A_193 = vector.broadcast %broadcast_in_dim3A : f32 to vector<16xf32>
      %swap3A = arith.constant 0 : i32
      %swap3A_194 = arith.index_cast %swap3A : i32 to index
      %swap3A_195 = arith.index_cast %scan3A_192 : i32 to index
      %swap3A_196 = arith.constant 0 : index
      %swap3A_197 = tpu.vector_load %arg7[%swap3A_194, %swap3A_195, %swap3A_196] {strides = array<i32>} : memref<2x125x128xf32, #tpu.memory_space<vmem>>, vector<1x1x16xf32>,
      %swap3A_198 = vector.shape_cast %swap3A_197 : vector<1x1x16xf32> to vector<16xf32>
      %swap3A_199 = vector.shape_cast %broadcast_in_dim3A_193 : vector<16xf32> to vector<1x1x16xf32>
      tpu.vector_store %arg7[%swap3A_194, %swap3A_195, %swap3A_196], %swap3A_199 {strides = array<i32>} : memref<2x125x128xf32, #tpu.memory_space<vmem>>, vector<1x1x16xf32>,
      %broadcast_in_dim3A_200 = arith.constant 0.000000e+00 : f32
      %broadcast_in_dim3A_201 = vector.broadcast %broadcast_in_dim3A_200 : f32 to vector<16xf32>
      %swap3A_202 = arith.constant 0 : i32
      %swap3A_203 = arith.index_cast %swap3A_202 : i32 to index
      %swap3A_204 = arith.index_cast %scan3A_192 : i32 to index
      %swap3A_205 = arith.constant 16 : index
      %swap3A_206 = tpu.vector_load %arg7[%swap3A_203, %swap3A_204, %swap3A_205] {strides = array<i32>} : memref<2x125x128xf32, #tpu.memory_space<vmem>>, vector<1x1x16xf32>,
      %swap3A_207 = vector.shape_cast %swap3A_206 : vector<1x1x16xf32> to vector<16xf32>
      %swap3A_208 = vector.shape_cast %broadcast_in_dim3A_201 : vector<16xf32> to vector<1x1x16xf32>
      tpu.vector_store %arg7[%swap3A_203, %swap3A_204, %swap3A_205], %swap3A_208 {strides = array<i32>} : memref<2x125x128xf32, #tpu.memory_space<vmem>>, vector<1x1x16xf32>,
      %broadcast_in_dim3A_209 = arith.constant 0.000000e+00 : f32
      %broadcast_in_dim3A_210 = vector.broadcast %broadcast_in_dim3A_209 : f32 to vector<16xf32>
      %swap3A_211 = arith.constant 0 : i32
      %swap3A_212 = arith.index_cast %swap3A_211 : i32 to index
      %swap3A_213 = arith.index_cast %scan3A_192 : i32 to index
      %swap3A_214 = arith.constant 32 : index
      %swap3A_215 = tpu.vector_load %arg7[%swap3A_212, %swap3A_213, %swap3A_214] {strides = array<i32>} : memref<2x125x128xf32, #tpu.memory_space<vmem>>, vector<1x1x16xf32>,
      %swap3A_216 = vector.shape_cast %swap3A_215 : vector<1x1x16xf32> to vector<16xf32>
      %swap3A_217 = vector.shape_cast %broadcast_in_dim3A_210 : vector<16xf32> to vector<1x1x16xf32>
      tpu.vector_store %arg7[%swap3A_212, %swap3A_213, %swap3A_214], %swap3A_217 {strides = array<i32>} : memref<2x125x128xf32, #tpu.memory_space<vmem>>, vector<1x1x16xf32>,
      %broadcast_in_dim3A_218 = arith.constant 0.000000e+00 : f32
      %broadcast_in_dim3A_219 = vector.broadcast %broadcast_in_dim3A_218 : f32 to vector<16xf32>
      %swap3A_220 = arith.constant 0 : i32
      %swap3A_221 = arith.index_cast %swap3A_220 : i32 to index
      %swap3A_222 = arith.index_cast %scan3A_192 : i32 to index
      %swap3A_223 = arith.constant 48 : index
      %swap3A_224 = tpu.vector_load %arg7[%swap3A_221, %swap3A_222, %swap3A_223] {strides = array<i32>} : memref<2x125x128xf32, #tpu.memory_space<vmem>>, vector<1x1x16xf32>,
      %swap3A_225 = vector.shape_cast %swap3A_224 : vector<1x1x16xf32> to vector<16xf32>
      %swap3A_226 = vector.shape_cast %broadcast_in_dim3A_219 : vector<16xf32> to vector<1x1x16xf32>
      tpu.vector_store %arg7[%swap3A_221, %swap3A_222, %swap3A_223], %swap3A_226 {strides = array<i32>} : memref<2x125x128xf32, #tpu.memory_space<vmem>>, vector<1x1x16xf32>,
      %broadcast_in_dim3A_227 = arith.constant 0.000000e+00 : f32
      %broadcast_in_dim3A_228 = vector.broadcast %broadcast_in_dim3A_227 : f32 to vector<16xf32>
      %swap3A_229 = arith.constant 0 : i32
      %swap3A_230 = arith.index_cast %swap3A_229 : i32 to index
      %swap3A_231 = arith.index_cast %scan3A_192 : i32 to index
      %swap3A_232 = arith.constant 64 : index
      %swap3A_233 = tpu.vector_load %arg7[%swap3A_230, %swap3A_231, %swap3A_232] {strides = array<i32>} : memref<2x125x128xf32, #tpu.memory_space<vmem>>, vector<1x1x16xf32>,
      %swap3A_234 = vector.shape_cast %swap3A_233 : vector<1x1x16xf32> to vector<16xf32>
      %swap3A_235 = vector.shape_cast %broadcast_in_dim3A_228 : vector<16xf32> to vector<1x1x16xf32>
      tpu.vector_store %arg7[%swap3A_230, %swap3A_231, %swap3A_232], %swap3A_235 {strides = array<i32>} : memref<2x125x128xf32, #tpu.memory_space<vmem>>, vector<1x1x16xf32>,
      %broadcast_in_dim3A_236 = arith.constant 0.000000e+00 : f32
      %broadcast_in_dim3A_237 = vector.broadcast %broadcast_in_dim3A_236 : f32 to vector<16xf32>
      %swap3A_238 = arith.constant 0 : i32
      %swap3A_239 = arith.index_cast %swap3A_238 : i32 to index
      %swap3A_240 = arith.index_cast %scan3A_192 : i32 to index
      %swap3A_241 = arith.constant 80 : index
      %swap3A_242 = tpu.vector_load %arg7[%swap3A_239, %swap3A_240, %swap3A_241] {strides = array<i32>} : memref<2x125x128xf32, #tpu.memory_space<vmem>>, vector<1x1x16xf32>,
      %swap3A_243 = vector.shape_cast %swap3A_242 : vector<1x1x16xf32> to vector<16xf32>
      %swap3A_244 = vector.shape_cast %broadcast_in_dim3A_237 : vector<16xf32> to vector<1x1x16xf32>
      tpu.vector_store %arg7[%swap3A_239, %swap3A_240, %swap3A_241], %swap3A_244 {strides = array<i32>} : memref<2x125x128xf32, #tpu.memory_space<vmem>>, vector<1x1x16xf32>,
      %broadcast_in_dim3A_245 = arith.constant 0.000000e+00 : f32
      %broadcast_in_dim3A_246 = vector.broadcast %broadcast_in_dim3A_245 : f32 to vector<16xf32>
      %swap3A_247 = arith.constant 0 : i32
      %swap3A_248 = arith.index_cast %swap3A_247 : i32 to index
      %swap3A_249 = arith.index_cast %scan3A_192 : i32 to index
      %swap3A_250 = arith.constant 96 : index
      %swap3A_251 = tpu.vector_load %arg7[%swap3A_248, %swap3A_249, %swap3A_250] {strides = array<i32>} : memref<2x125x128xf32, #tpu.memory_space<vmem>>, vector<1x1x16xf32>,
      %swap3A_252 = vector.shape_cast %swap3A_251 : vector<1x1x16xf32> to vector<16xf32>
      %swap3A_253 = vector.shape_cast %broadcast_in_dim3A_246 : vector<16xf32> to vector<1x1x16xf32>
      tpu.vector_store %arg7[%swap3A_248, %swap3A_249, %swap3A_250], %swap3A_253 {strides = array<i32>} : memref<2x125x128xf32, #tpu.memory_space<vmem>>, vector<1x1x16xf32>,
      %broadcast_in_dim3A_254 = arith.constant 0.000000e+00 : f32
      %broadcast_in_dim3A_255 = vector.broadcast %broadcast_in_dim3A_254 : f32 to vector<16xf32>
      %swap3A_256 = arith.constant 0 : i32
      %swap3A_257 = arith.index_cast %swap3A_256 : i32 to index
      %swap3A_258 = arith.index_cast %scan3A_192 : i32 to index
      %swap3A_259 = arith.constant 112 : index
      %swap3A_260 = tpu.vector_load %arg7[%swap3A_257, %swap3A_258, %swap3A_259] {strides = array<i32>} : memref<2x125x128xf32, #tpu.memory_space<vmem>>, vector<1x1x16xf32>,
      %swap3A_261 = vector.shape_cast %swap3A_260 : vector<1x1x16xf32> to vector<16xf32>
      %swap3A_262 = vector.shape_cast %broadcast_in_dim3A_255 : vector<16xf32> to vector<1x1x16xf32>
      tpu.vector_store %arg7[%swap3A_257, %swap3A_258, %swap3A_259], %swap3A_262 {strides = array<i32>} : memref<2x125x128xf32, #tpu.memory_space<vmem>>, vector<1x1x16xf32>,
    }
    %scan3A_5 = arith.constant 125 : i32
    %mul3A_6 = arith.constant 625 : i32
    %mul3A_7 = arith.muli %arg1, %mul3A_6 : i32
    %add3A_8 = arith.constant 0 : i32
    %add3A_9 = arith.addi %mul3A_7, %add3A_8 : i32
    %run_scoped3A = arith.constant 0 : i32
    "tpu.region"() ({
      %run_scoped3A_192 = tpu.sem_alloc : memref<!tpu.dma_semaphore, #tpu.memory_space<semaphore_mem>>
      %dma_start3A_193 = arith.constant 0 : i32
      %dma_start3A_194 = arith.constant 0 : i32
      %dma_start3A_195 = tpu.memref_slice %arg7[%run_scoped3A, %dma_start3A_193, %dma_start3A_194] : memref<2x125x128xf32, #tpu.memory_space<vmem>> -> memref<1x125x128xf32, #tpu.memory_space<vmem>>
      %dma_start3A_196 = tpu.memref_squeeze %dma_start3A_195 : memref<1x125x128xf32, #tpu.memory_space<vmem>> -> memref<125x128xf32, #tpu.memory_space<vmem>>
      %dma_start3A_197 = arith.constant 0 : i32
      %dma_start3A_198 = tpu.memref_slice %arg8[%add3A_9, %dma_start3A_197] : memref<10000x128xf32, #tpu.memory_space<vmem_shared>> -> memref<125x128xf32, #tpu.memory_space<vmem_shared>>
      %dma_start3A_199 = arith.constant 0 : i32
      %dma_start3A_200 = tpu.memref_slice %arg8[%add3A_9, %dma_start3A_199] : memref<10000x128xf32, #tpu.memory_space<vmem_shared>> -> memref<125x128xf32, #tpu.memory_space<vmem_shared>>
      %dma_start3A_201 = arith.constant 0 : i32
      %dma_start3A_202 = arith.constant 0 : i32
      %dma_start3A_203 = tpu.memref_slice %arg7[%run_scoped3A, %dma_start3A_201, %dma_start3A_202] : memref<2x125x128xf32, #tpu.memory_space<vmem>> -> memref<1x125x128xf32, #tpu.memory_space<vmem>>
      %dma_start3A_204 = tpu.memref_squeeze %dma_start3A_203 : memref<1x125x128xf32, #tpu.memory_space<vmem>> -> memref<125x128xf32, #tpu.memory_space<vmem>>
      tpu.enqueue_dma source(%dma_start3A_204 : memref<125x128xf32, #tpu.memory_space<vmem>>) target(%dma_start3A_200 : memref<125x128xf32, #tpu.memory_space<vmem_shared>>) target_semaphore(%run_scoped3A_192 : memref<!tpu.dma_semaphore, #tpu.memory_space<semaphore_mem>>)
      %dma_wait3A = arith.constant 0 : i32
      %dma_wait3A_205 = arith.constant 0 : i32
      %dma_wait3A_206 = tpu.memref_slice %arg7[%run_scoped3A, %dma_wait3A, %dma_wait3A_205] : memref<2x125x128xf32, #tpu.memory_space<vmem>> -> memref<1x125x128xf32, #tpu.memory_space<vmem>>
      %dma_wait3A_207 = tpu.memref_squeeze %dma_wait3A_206 : memref<1x125x128xf32, #tpu.memory_space<vmem>> -> memref<125x128xf32, #tpu.memory_space<vmem>>
      %dma_wait3A_208 = arith.constant 0 : i32
      %dma_wait3A_209 = tpu.memref_slice %arg8[%add3A_9, %dma_wait3A_208] : memref<10000x128xf32, #tpu.memory_space<vmem_shared>> -> memref<125x128xf32, #tpu.memory_space<vmem_shared>>
      %dma_wait3A_210 = arith.constant 0 : i32
      %dma_wait3A_211 = tpu.memref_slice %arg8[%add3A_9, %dma_wait3A_210] : memref<10000x128xf32, #tpu.memory_space<vmem_shared>> -> memref<125x128xf32, #tpu.memory_space<vmem_shared>>
      %dma_wait3A_212 = arith.constant 0 : i32
      %dma_wait3A_213 = arith.constant 0 : i32
      %dma_wait3A_214 = tpu.memref_slice %arg7[%run_scoped3A, %dma_wait3A_212, %dma_wait3A_213] : memref<2x125x128xf32, #tpu.memory_space<vmem>> -> memref<1x125x128xf32, #tpu.memory_space<vmem>>
      %dma_wait3A_215 = tpu.memref_squeeze %dma_wait3A_214 : memref<1x125x128xf32, #tpu.memory_space<vmem>> -> memref<125x128xf32, #tpu.memory_space<vmem>>
      tpu.wait_dma2 semaphore(%run_scoped3A_192 : memref<!tpu.dma_semaphore, #tpu.memory_space<semaphore_mem>>) src(%dma_wait3A_215 : memref<125x128xf32, #tpu.memory_space<vmem>>) dst(%dma_wait3A_211 : memref<125x128xf32, #tpu.memory_space<vmem_shared>>)
      tpu.yield
    }) : () -> ()
    %mul3A_10 = arith.constant 625 : i32
    %mul3A_11 = arith.muli %arg1, %mul3A_10 : i32
    %add3A_12 = arith.constant 125 : i32
    %add3A_13 = arith.addi %mul3A_11, %add3A_12 : i32
    %run_scoped3A_14 = arith.constant 0 : i32
    "tpu.region"() ({
      %run_scoped3A_192 = tpu.sem_alloc : memref<!tpu.dma_semaphore, #tpu.memory_space<semaphore_mem>>
      %dma_start3A_193 = arith.constant 0 : i32
      %dma_start3A_194 = arith.constant 0 : i32
      %dma_start3A_195 = tpu.memref_slice %arg7[%run_scoped3A_14, %dma_start3A_193, %dma_start3A_194] : memref<2x125x128xf32, #tpu.memory_space<vmem>> -> memref<1x125x128xf32, #tpu.memory_space<vmem>>
      %dma_start3A_196 = tpu.memref_squeeze %dma_start3A_195 : memref<1x125x128xf32, #tpu.memory_space<vmem>> -> memref<125x128xf32, #tpu.memory_space<vmem>>
      %dma_start3A_197 = arith.constant 0 : i32
      %dma_start3A_198 = tpu.memref_slice %arg8[%add3A_13, %dma_start3A_197] : memref<10000x128xf32, #tpu.memory_space<vmem_shared>> -> memref<125x128xf32, #tpu.memory_space<vmem_shared>>
      %dma_start3A_199 = arith.constant 0 : i32
      %dma_start3A_200 = tpu.memref_slice %arg8[%add3A_13, %dma_start3A_199] : memref<10000x128xf32, #tpu.memory_space<vmem_shared>> -> memref<125x128xf32, #tpu.memory_space<vmem_shared>>
      %dma_start3A_201 = arith.constant 0 : i32
      %dma_start3A_202 = arith.constant 0 : i32
      %dma_start3A_203 = tpu.memref_slice %arg7[%run_scoped3A_14, %dma_start3A_201, %dma_start3A_202] : memref<2x125x128xf32, #tpu.memory_space<vmem>> -> memref<1x125x128xf32, #tpu.memory_space<vmem>>
      %dma_start3A_204 = tpu.memref_squeeze %dma_start3A_203 : memref<1x125x128xf32, #tpu.memory_space<vmem>> -> memref<125x128xf32, #tpu.memory_space<vmem>>
      tpu.enqueue_dma source(%dma_start3A_204 : memref<125x128xf32, #tpu.memory_space<vmem>>) target(%dma_start3A_200 : memref<125x128xf32, #tpu.memory_space<vmem_shared>>) target_semaphore(%run_scoped3A_192 : memref<!tpu.dma_semaphore, #tpu.memory_space<semaphore_mem>>)
      %dma_wait3A = arith.constant 0 : i32
      %dma_wait3A_205 = arith.constant 0 : i32
      %dma_wait3A_206 = tpu.memref_slice %arg7[%run_scoped3A_14, %dma_wait3A, %dma_wait3A_205] : memref<2x125x128xf32, #tpu.memory_space<vmem>> -> memref<1x125x128xf32, #tpu.memory_space<vmem>>
      %dma_wait3A_207 = tpu.memref_squeeze %dma_wait3A_206 : memref<1x125x128xf32, #tpu.memory_space<vmem>> -> memref<125x128xf32, #tpu.memory_space<vmem>>
      %dma_wait3A_208 = arith.constant 0 : i32
      %dma_wait3A_209 = tpu.memref_slice %arg8[%add3A_13, %dma_wait3A_208] : memref<10000x128xf32, #tpu.memory_space<vmem_shared>> -> memref<125x128xf32, #tpu.memory_space<vmem_shared>>
      %dma_wait3A_210 = arith.constant 0 : i32
      %dma_wait3A_211 = tpu.memref_slice %arg8[%add3A_13, %dma_wait3A_210] : memref<10000x128xf32, #tpu.memory_space<vmem_shared>> -> memref<125x128xf32, #tpu.memory_space<vmem_shared>>
      %dma_wait3A_212 = arith.constant 0 : i32
      %dma_wait3A_213 = arith.constant 0 : i32
      %dma_wait3A_214 = tpu.memref_slice %arg7[%run_scoped3A_14, %dma_wait3A_212, %dma_wait3A_213] : memref<2x125x128xf32, #tpu.memory_space<vmem>> -> memref<1x125x128xf32, #tpu.memory_space<vmem>>
      %dma_wait3A_215 = tpu.memref_squeeze %dma_wait3A_214 : memref<1x125x128xf32, #tpu.memory_space<vmem>> -> memref<125x128xf32, #tpu.memory_space<vmem>>
      tpu.wait_dma2 semaphore(%run_scoped3A_192 : memref<!tpu.dma_semaphore, #tpu.memory_space<semaphore_mem>>) src(%dma_wait3A_215 : memref<125x128xf32, #tpu.memory_space<vmem>>) dst(%dma_wait3A_211 : memref<125x128xf32, #tpu.memory_space<vmem_shared>>)
      tpu.yield
    }) : () -> ()
    %mul3A_15 = arith.constant 625 : i32
    %mul3A_16 = arith.muli %arg1, %mul3A_15 : i32
    %add3A_17 = arith.constant 250 : i32
    %add3A_18 = arith.addi %mul3A_16, %add3A_17 : i32
    %run_scoped3A_19 = arith.constant 0 : i32
    "tpu.region"() ({
      %run_scoped3A_192 = tpu.sem_alloc : memref<!tpu.dma_semaphore, #tpu.memory_space<semaphore_mem>>
      %dma_start3A_193 = arith.constant 0 : i32
      %dma_start3A_194 = arith.constant 0 : i32
      %dma_start3A_195 = tpu.memref_slice %arg7[%run_scoped3A_19, %dma_start3A_193, %dma_start3A_194] : memref<2x125x128xf32, #tpu.memory_space<vmem>> -> memref<1x125x128xf32, #tpu.memory_space<vmem>>
      %dma_start3A_196 = tpu.memref_squeeze %dma_start3A_195 : memref<1x125x128xf32, #tpu.memory_space<vmem>> -> memref<125x128xf32, #tpu.memory_space<vmem>>
      %dma_start3A_197 = arith.constant 0 : i32
      %dma_start3A_198 = tpu.memref_slice %arg8[%add3A_18, %dma_start3A_197] : memref<10000x128xf32, #tpu.memory_space<vmem_shared>> -> memref<125x128xf32, #tpu.memory_space<vmem_shared>>
      %dma_start3A_199 = arith.constant 0 : i32
      %dma_start3A_200 = tpu.memref_slice %arg8[%add3A_18, %dma_start3A_199] : memref<10000x128xf32, #tpu.memory_space<vmem_shared>> -> memref<125x128xf32, #tpu.memory_space<vmem_shared>>
      %dma_start3A_201 = arith.constant 0 : i32
      %dma_start3A_202 = arith.constant 0 : i32
      %dma_start3A_203 = tpu.memref_slice %arg7[%run_scoped3A_19, %dma_start3A_201, %dma_start3A_202] : memref<2x125x128xf32, #tpu.memory_space<vmem>> -> memref<1x125x128xf32, #tpu.memory_space<vmem>>
      %dma_start3A_204 = tpu.memref_squeeze %dma_start3A_203 : memref<1x125x128xf32, #tpu.memory_space<vmem>> -> memref<125x128xf32, #tpu.memory_space<vmem>>
      tpu.enqueue_dma source(%dma_start3A_204 : memref<125x128xf32, #tpu.memory_space<vmem>>) target(%dma_start3A_200 : memref<125x128xf32, #tpu.memory_space<vmem_shared>>) target_semaphore(%run_scoped3A_192 : memref<!tpu.dma_semaphore, #tpu.memory_space<semaphore_mem>>)
      %dma_wait3A = arith.constant 0 : i32
      %dma_wait3A_205 = arith.constant 0 : i32
      %dma_wait3A_206 = tpu.memref_slice %arg7[%run_scoped3A_19, %dma_wait3A, %dma_wait3A_205] : memref<2x125x128xf32, #tpu.memory_space<vmem>> -> memref<1x125x128xf32, #tpu.memory_space<vmem>>
      %dma_wait3A_207 = tpu.memref_squeeze %dma_wait3A_206 : memref<1x125x128xf32, #tpu.memory_space<vmem>> -> memref<125x128xf32, #tpu.memory_space<vmem>>
      %dma_wait3A_208 = arith.constant 0 : i32
      %dma_wait3A_209 = tpu.memref_slice %arg8[%add3A_18, %dma_wait3A_208] : memref<10000x128xf32, #tpu.memory_space<vmem_shared>> -> memref<125x128xf32, #tpu.memory_space<vmem_shared>>
      %dma_wait3A_210 = arith.constant 0 : i32
      %dma_wait3A_211 = tpu.memref_slice %arg8[%add3A_18, %dma_wait3A_210] : memref<10000x128xf32, #tpu.memory_space<vmem_shared>> -> memref<125x128xf32, #tpu.memory_space<vmem_shared>>
      %dma_wait3A_212 = arith.constant 0 : i32
      %dma_wait3A_213 = arith.constant 0 : i32
      %dma_wait3A_214 = tpu.memref_slice %arg7[%run_scoped3A_19, %dma_wait3A_212, %dma_wait3A_213] : memref<2x125x128xf32, #tpu.memory_space<vmem>> -> memref<1x125x128xf32, #tpu.memory_space<vmem>>
      %dma_wait3A_215 = tpu.memref_squeeze %dma_wait3A_214 : memref<1x125x128xf32, #tpu.memory_space<vmem>> -> memref<125x128xf32, #tpu.memory_space<vmem>>
      tpu.wait_dma2 semaphore(%run_scoped3A_192 : memref<!tpu.dma_semaphore, #tpu.memory_space<semaphore_mem>>) src(%dma_wait3A_215 : memref<125x128xf32, #tpu.memory_space<vmem>>) dst(%dma_wait3A_211 : memref<125x128xf32, #tpu.memory_space<vmem_shared>>)
      tpu.yield
    }) : () -> ()
    %mul3A_20 = arith.constant 625 : i32
    %mul3A_21 = arith.muli %arg1, %mul3A_20 : i32
    %add3A_22 = arith.constant 375 : i32
    %add3A_23 = arith.addi %mul3A_21, %add3A_22 : i32
    %run_scoped3A_24 = arith.constant 0 : i32
    "tpu.region"() ({
      %run_scoped3A_192 = tpu.sem_alloc : memref<!tpu.dma_semaphore, #tpu.memory_space<semaphore_mem>>
      %dma_start3A_193 = arith.constant 0 : i32
      %dma_start3A_194 = arith.constant 0 : i32
      %dma_start3A_195 = tpu.memref_slice %arg7[%run_scoped3A_24, %dma_start3A_193, %dma_start3A_194] : memref<2x125x128xf32, #tpu.memory_space<vmem>> -> memref<1x125x128xf32, #tpu.memory_space<vmem>>
      %dma_start3A_196 = tpu.memref_squeeze %dma_start3A_195 : memref<1x125x128xf32, #tpu.memory_space<vmem>> -> memref<125x128xf32, #tpu.memory_space<vmem>>
      %dma_start3A_197 = arith.constant 0 : i32
      %dma_start3A_198 = tpu.memref_slice %arg8[%add3A_23, %dma_start3A_197] : memref<10000x128xf32, #tpu.memory_space<vmem_shared>> -> memref<125x128xf32, #tpu.memory_space<vmem_shared>>
      %dma_start3A_199 = arith.constant 0 : i32
      %dma_start3A_200 = tpu.memref_slice %arg8[%add3A_23, %dma_start3A_199] : memref<10000x128xf32, #tpu.memory_space<vmem_shared>> -> memref<125x128xf32, #tpu.memory_space<vmem_shared>>
      %dma_start3A_201 = arith.constant 0 : i32
      %dma_start3A_202 = arith.constant 0 : i32
      %dma_start3A_203 = tpu.memref_slice %arg7[%run_scoped3A_24, %dma_start3A_201, %dma_start3A_202] : memref<2x125x128xf32, #tpu.memory_space<vmem>> -> memref<1x125x128xf32, #tpu.memory_space<vmem>>
      %dma_start3A_204 = tpu.memref_squeeze %dma_start3A_203 : memref<1x125x128xf32, #tpu.memory_space<vmem>> -> memref<125x128xf32, #tpu.memory_space<vmem>>
      tpu.enqueue_dma source(%dma_start3A_204 : memref<125x128xf32, #tpu.memory_space<vmem>>) target(%dma_start3A_200 : memref<125x128xf32, #tpu.memory_space<vmem_shared>>) target_semaphore(%run_scoped3A_192 : memref<!tpu.dma_semaphore, #tpu.memory_space<semaphore_mem>>)
      %dma_wait3A = arith.constant 0 : i32
      %dma_wait3A_205 = arith.constant 0 : i32
      %dma_wait3A_206 = tpu.memref_slice %arg7[%run_scoped3A_24, %dma_wait3A, %dma_wait3A_205] : memref<2x125x128xf32, #tpu.memory_space<vmem>> -> memref<1x125x128xf32, #tpu.memory_space<vmem>>
      %dma_wait3A_207 = tpu.memref_squeeze %dma_wait3A_206 : memref<1x125x128xf32, #tpu.memory_space<vmem>> -> memref<125x128xf32, #tpu.memory_space<vmem>>
      %dma_wait3A_208 = arith.constant 0 : i32
      %dma_wait3A_209 = tpu.memref_slice %arg8[%add3A_23, %dma_wait3A_208] : memref<10000x128xf32, #tpu.memory_space<vmem_shared>> -> memref<125x128xf32, #tpu.memory_space<vmem_shared>>
      %dma_wait3A_210 = arith.constant 0 : i32
      %dma_wait3A_211 = tpu.memref_slice %arg8[%add3A_23, %dma_wait3A_210] : memref<10000x128xf32, #tpu.memory_space<vmem_shared>> -> memref<125x128xf32, #tpu.memory_space<vmem_shared>>
      %dma_wait3A_212 = arith.constant 0 : i32
      %dma_wait3A_213 = arith.constant 0 : i32
      %dma_wait3A_214 = tpu.memref_slice %arg7[%run_scoped3A_24, %dma_wait3A_212, %dma_wait3A_213] : memref<2x125x128xf32, #tpu.memory_space<vmem>> -> memref<1x125x128xf32, #tpu.memory_space<vmem>>
      %dma_wait3A_215 = tpu.memref_squeeze %dma_wait3A_214 : memref<1x125x128xf32, #tpu.memory_space<vmem>> -> memref<125x128xf32, #tpu.memory_space<vmem>>
      tpu.wait_dma2 semaphore(%run_scoped3A_192 : memref<!tpu.dma_semaphore, #tpu.memory_space<semaphore_mem>>) src(%dma_wait3A_215 : memref<125x128xf32, #tpu.memory_space<vmem>>) dst(%dma_wait3A_211 : memref<125x128xf32, #tpu.memory_space<vmem_shared>>)
      tpu.yield
    }) : () -> ()
    %mul3A_25 = arith.constant 625 : i32
    %mul3A_26 = arith.muli %arg1, %mul3A_25 : i32
    %add3A_27 = arith.constant 500 : i32
    %add3A_28 = arith.addi %mul3A_26, %add3A_27 : i32
    %run_scoped3A_29 = arith.constant 0 : i32
    "tpu.region"() ({
      %run_scoped3A_192 = tpu.sem_alloc : memref<!tpu.dma_semaphore, #tpu.memory_space<semaphore_mem>>
      %dma_start3A_193 = arith.constant 0 : i32
      %dma_start3A_194 = arith.constant 0 : i32
      %dma_start3A_195 = tpu.memref_slice %arg7[%run_scoped3A_29, %dma_start3A_193, %dma_start3A_194] : memref<2x125x128xf32, #tpu.memory_space<vmem>> -> memref<1x125x128xf32, #tpu.memory_space<vmem>>
      %dma_start3A_196 = tpu.memref_squeeze %dma_start3A_195 : memref<1x125x128xf32, #tpu.memory_space<vmem>> -> memref<125x128xf32, #tpu.memory_space<vmem>>
      %dma_start3A_197 = arith.constant 0 : i32
      %dma_start3A_198 = tpu.memref_slice %arg8[%add3A_28, %dma_start3A_197] : memref<10000x128xf32, #tpu.memory_space<vmem_shared>> -> memref<125x128xf32, #tpu.memory_space<vmem_shared>>
      %dma_start3A_199 = arith.constant 0 : i32
      %dma_start3A_200 = tpu.memref_slice %arg8[%add3A_28, %dma_start3A_199] : memref<10000x128xf32, #tpu.memory_space<vmem_shared>> -> memref<125x128xf32, #tpu.memory_space<vmem_shared>>
      %dma_start3A_201 = arith.constant 0 : i32
      %dma_start3A_202 = arith.constant 0 : i32
      %dma_start3A_203 = tpu.memref_slice %arg7[%run_scoped3A_29, %dma_start3A_201, %dma_start3A_202] : memref<2x125x128xf32, #tpu.memory_space<vmem>> -> memref<1x125x128xf32, #tpu.memory_space<vmem>>
      %dma_start3A_204 = tpu.memref_squeeze %dma_start3A_203 : memref<1x125x128xf32, #tpu.memory_space<vmem>> -> memref<125x128xf32, #tpu.memory_space<vmem>>
      tpu.enqueue_dma source(%dma_start3A_204 : memref<125x128xf32, #tpu.memory_space<vmem>>) target(%dma_start3A_200 : memref<125x128xf32, #tpu.memory_space<vmem_shared>>) target_semaphore(%run_scoped3A_192 : memref<!tpu.dma_semaphore, #tpu.memory_space<semaphore_mem>>)
      %dma_wait3A = arith.constant 0 : i32
      %dma_wait3A_205 = arith.constant 0 : i32
      %dma_wait3A_206 = tpu.memref_slice %arg7[%run_scoped3A_29, %dma_wait3A, %dma_wait3A_205] : memref<2x125x128xf32, #tpu.memory_space<vmem>> -> memref<1x125x128xf32, #tpu.memory_space<vmem>>
      %dma_wait3A_207 = tpu.memref_squeeze %dma_wait3A_206 : memref<1x125x128xf32, #tpu.memory_space<vmem>> -> memref<125x128xf32, #tpu.memory_space<vmem>>
      %dma_wait3A_208 = arith.constant 0 : i32
      %dma_wait3A_209 = tpu.memref_slice %arg8[%add3A_28, %dma_wait3A_208] : memref<10000x128xf32, #tpu.memory_space<vmem_shared>> -> memref<125x128xf32, #tpu.memory_space<vmem_shared>>
      %dma_wait3A_210 = arith.constant 0 : i32
      %dma_wait3A_211 = tpu.memref_slice %arg8[%add3A_28, %dma_wait3A_210] : memref<10000x128xf32, #tpu.memory_space<vmem_shared>> -> memref<125x128xf32, #tpu.memory_space<vmem_shared>>
      %dma_wait3A_212 = arith.constant 0 : i32
      %dma_wait3A_213 = arith.constant 0 : i32
      %dma_wait3A_214 = tpu.memref_slice %arg7[%run_scoped3A_29, %dma_wait3A_212, %dma_wait3A_213] : memref<2x125x128xf32, #tpu.memory_space<vmem>> -> memref<1x125x128xf32, #tpu.memory_space<vmem>>
      %dma_wait3A_215 = tpu.memref_squeeze %dma_wait3A_214 : memref<1x125x128xf32, #tpu.memory_space<vmem>> -> memref<125x128xf32, #tpu.memory_space<vmem>>
      tpu.wait_dma2 semaphore(%run_scoped3A_192 : memref<!tpu.dma_semaphore, #tpu.memory_space<semaphore_mem>>) src(%dma_wait3A_215 : memref<125x128xf32, #tpu.memory_space<vmem>>) dst(%dma_wait3A_211 : memref<125x128xf32, #tpu.memory_space<vmem_shared>>)
      tpu.yield
    }) : () -> ()
    %barrier3A = arith.constant 0 : index
    tpu.barrier barrier_id(%barrier3A)
    %mul3A_30 = arith.constant 80 : i32
    %mul3A_31 = arith.muli %add3A, %mul3A_30 : i32
    %add3A_32 = arith.constant 0 : i32
    %add3A_33 = arith.addi %mul3A_31, %add3A_32 : i32
    %run_scoped3A_34 = arith.constant 0 : i32
    "tpu.region"() ({
      %run_scoped3A_192 = tpu.sem_alloc : memref<!tpu.dma_semaphore, #tpu.memory_space<semaphore_mem>>
      %dma_start3A_193 = arith.constant 0 : i32
      %dma_start3A_194 = arith.constant 0 : i32
      %dma_start3A_195 = tpu.memref_slice %arg3[%run_scoped3A_34, %dma_start3A_193, %dma_start3A_194] : memref<2x2560x125xi32, #tpu.memory_space<hbm>> -> memref<1x2560x125xi32, #tpu.memory_space<hbm>>
      %dma_start3A_196 = tpu.memref_squeeze %dma_start3A_195 : memref<1x2560x125xi32, #tpu.memory_space<hbm>> -> memref<2560x125xi32, #tpu.memory_space<hbm>>
      %dma_start3A_197 = arith.constant 0 : i32
      %dma_start3A_198 = tpu.memref_slice %dma_start3A_196[%add3A_33, %dma_start3A_197] : memref<2560x125xi32, #tpu.memory_space<hbm>> -> memref<40x125xi32, #tpu.memory_space<hbm>>
      %dma_start3A_199 = arith.constant 0 : i32
      %dma_start3A_200 = arith.constant 0 : i32
      %dma_start3A_201 = tpu.memref_slice %arg3[%run_scoped3A_34, %dma_start3A_199, %dma_start3A_200] : memref<2x2560x125xi32, #tpu.memory_space<hbm>> -> memref<1x2560x125xi32, #tpu.memory_space<hbm>>
      %dma_start3A_202 = tpu.memref_squeeze %dma_start3A_201 : memref<1x2560x125xi32, #tpu.memory_space<hbm>> -> memref<2560x125xi32, #tpu.memory_space<hbm>>
      %dma_start3A_203 = arith.constant 0 : i32
      %dma_start3A_204 = tpu.memref_slice %dma_start3A_202[%add3A_33, %dma_start3A_203] : memref<2560x125xi32, #tpu.memory_space<hbm>> -> memref<40x125xi32, #tpu.memory_space<hbm>>
      tpu.enqueue_dma source(%dma_start3A_204 : memref<40x125xi32, #tpu.memory_space<hbm>>) target(%arg5 : memref<40x125xi32, #tpu.memory_space<vmem>>) target_semaphore(%run_scoped3A_192 : memref<!tpu.dma_semaphore, #tpu.memory_space<semaphore_mem>>)
      %dma_wait3A = arith.constant 0 : i32
      %dma_wait3A_205 = arith.constant 0 : i32
      %dma_wait3A_206 = tpu.memref_slice %arg3[%run_scoped3A_34, %dma_wait3A, %dma_wait3A_205] : memref<2x2560x125xi32, #tpu.memory_space<hbm>> -> memref<1x2560x125xi32, #tpu.memory_space<hbm>>
      %dma_wait3A_207 = tpu.memref_squeeze %dma_wait3A_206 : memref<1x2560x125xi32, #tpu.memory_space<hbm>> -> memref<2560x125xi32, #tpu.memory_space<hbm>>
      %dma_wait3A_208 = arith.constant 0 : i32
      %dma_wait3A_209 = tpu.memref_slice %dma_wait3A_207[%add3A_33, %dma_wait3A_208] : memref<2560x125xi32, #tpu.memory_space<hbm>> -> memref<40x125xi32, #tpu.memory_space<hbm>>
      %dma_wait3A_210 = arith.constant 0 : i32
      %dma_wait3A_211 = arith.constant 0 : i32
      %dma_wait3A_212 = tpu.memref_slice %arg3[%run_scoped3A_34, %dma_wait3A_210, %dma_wait3A_211] : memref<2x2560x125xi32, #tpu.memory_space<hbm>> -> memref<1x2560x125xi32, #tpu.memory_space<hbm>>
      %dma_wait3A_213 = tpu.memref_squeeze %dma_wait3A_212 : memref<1x2560x125xi32, #tpu.memory_space<hbm>> -> memref<2560x125xi32, #tpu.memory_space<hbm>>
      %dma_wait3A_214 = arith.constant 0 : i32
      %dma_wait3A_215 = tpu.memref_slice %dma_wait3A_213[%add3A_33, %dma_wait3A_214] : memref<2560x125xi32, #tpu.memory_space<hbm>> -> memref<40x125xi32, #tpu.memory_space<hbm>>
      tpu.wait_dma2 semaphore(%run_scoped3A_192 : memref<!tpu.dma_semaphore, #tpu.memory_space<semaphore_mem>>) src(%dma_wait3A_215 : memref<40x125xi32, #tpu.memory_space<hbm>>) dst(%arg5 : memref<40x125xi32, #tpu.memory_space<vmem>>)
      tpu.yield
    }) : () -> ()
    %run_scoped3A_35 = arith.constant 1 : i32
    "tpu.region"() ({
      %run_scoped3A_192 = tpu.sem_alloc : memref<!tpu.dma_semaphore, #tpu.memory_space<semaphore_mem>>
      %dma_start3A_193 = arith.constant 0 : i32
      %dma_start3A_194 = arith.constant 0 : i32
      %dma_start3A_195 = tpu.memref_slice %arg3[%run_scoped3A_35, %dma_start3A_193, %dma_start3A_194] : memref<2x2560x125xi32, #tpu.memory_space<hbm>> -> memref<1x2560x125xi32, #tpu.memory_space<hbm>>
      %dma_start3A_196 = tpu.memref_squeeze %dma_start3A_195 : memref<1x2560x125xi32, #tpu.memory_space<hbm>> -> memref<2560x125xi32, #tpu.memory_space<hbm>>
      %dma_start3A_197 = arith.constant 0 : i32
      %dma_start3A_198 = tpu.memref_slice %dma_start3A_196[%add3A_33, %dma_start3A_197] : memref<2560x125xi32, #tpu.memory_space<hbm>> -> memref<40x125xi32, #tpu.memory_space<hbm>>
      %dma_start3A_199 = arith.constant 0 : i32
      %dma_start3A_200 = arith.constant 0 : i32
      %dma_start3A_201 = tpu.memref_slice %arg3[%run_scoped3A_35, %dma_start3A_199, %dma_start3A_200] : memref<2x2560x125xi32, #tpu.memory_space<hbm>> -> memref<1x2560x125xi32, #tpu.memory_space<hbm>>
      %dma_start3A_202 = tpu.memref_squeeze %dma_start3A_201 : memref<1x2560x125xi32, #tpu.memory_space<hbm>> -> memref<2560x125xi32, #tpu.memory_space<hbm>>
      %dma_start3A_203 = arith.constant 0 : i32
      %dma_start3A_204 = tpu.memref_slice %dma_start3A_202[%add3A_33, %dma_start3A_203] : memref<2560x125xi32, #tpu.memory_space<hbm>> -> memref<40x125xi32, #tpu.memory_space<hbm>>
      tpu.enqueue_dma source(%dma_start3A_204 : memref<40x125xi32, #tpu.memory_space<hbm>>) target(%arg6 : memref<40x125xi32, #tpu.memory_space<vmem>>) target_semaphore(%run_scoped3A_192 : memref<!tpu.dma_semaphore, #tpu.memory_space<semaphore_mem>>)
      %dma_wait3A = arith.constant 0 : i32
      %dma_wait3A_205 = arith.constant 0 : i32
      %dma_wait3A_206 = tpu.memref_slice %arg3[%run_scoped3A_35, %dma_wait3A, %dma_wait3A_205] : memref<2x2560x125xi32, #tpu.memory_space<hbm>> -> memref<1x2560x125xi32, #tpu.memory_space<hbm>>
      %dma_wait3A_207 = tpu.memref_squeeze %dma_wait3A_206 : memref<1x2560x125xi32, #tpu.memory_space<hbm>> -> memref<2560x125xi32, #tpu.memory_space<hbm>>
      %dma_wait3A_208 = arith.constant 0 : i32
      %dma_wait3A_209 = tpu.memref_slice %dma_wait3A_207[%add3A_33, %dma_wait3A_208] : memref<2560x125xi32, #tpu.memory_space<hbm>> -> memref<40x125xi32, #tpu.memory_space<hbm>>
      %dma_wait3A_210 = arith.constant 0 : i32
      %dma_wait3A_211 = arith.constant 0 : i32
      %dma_wait3A_212 = tpu.memref_slice %arg3[%run_scoped3A_35, %dma_wait3A_210, %dma_wait3A_211] : memref<2x2560x125xi32, #tpu.memory_space<hbm>> -> memref<1x2560x125xi32, #tpu.memory_space<hbm>>
      %dma_wait3A_213 = tpu.memref_squeeze %dma_wait3A_212 : memref<1x2560x125xi32, #tpu.memory_space<hbm>> -> memref<2560x125xi32, #tpu.memory_space<hbm>>
      %dma_wait3A_214 = arith.constant 0 : i32
      %dma_wait3A_215 = tpu.memref_slice %dma_wait3A_213[%add3A_33, %dma_wait3A_214] : memref<2560x125xi32, #tpu.memory_space<hbm>> -> memref<40x125xi32, #tpu.memory_space<hbm>>
      tpu.wait_dma2 semaphore(%run_scoped3A_192 : memref<!tpu.dma_semaphore, #tpu.memory_space<semaphore_mem>>) src(%dma_wait3A_215 : memref<40x125xi32, #tpu.memory_space<hbm>>) dst(%arg6 : memref<40x125xi32, #tpu.memory_space<vmem>>)
      tpu.yield
    }) : () -> ()
    %dma_start3A = arith.constant 0 : i32
    %dma_start3A_36 = arith.constant 0 : i32
    %dma_start3A_37 = arith.constant 0 : i32
    %dma_start3A_38 = arith.constant 0 : i32
    %dma_start3A_39 = tpu.memref_slice %arg7[%dma_start3A_36, %dma_start3A_37, %dma_start3A_38] : memref<2x125x128xf32, #tpu.memory_space<vmem>> -> memref<1x125x128xf32, #tpu.memory_space<vmem>>
    %dma_start3A_40 = tpu.memref_squeeze %dma_start3A_39 : memref<1x125x128xf32, #tpu.memory_space<vmem>> -> memref<125x128xf32, #tpu.memory_space<vmem>>
    %dma_start3A_41 = arith.constant 0 : i32
    %dma_start3A_42 = arith.constant 0 : i32
    %dma_start3A_43 = tpu.memref_slice %dma_start3A_40[%dma_start3A_41, %dma_start3A_42] : memref<125x128xf32, #tpu.memory_space<vmem>> -> memref<32x128xf32, #tpu.memory_space<vmem>>
    %dma_start3A_44 = arith.constant 0 : i32
    %dma_start3A_45 = tpu.memref_slice %arg5[%dma_start3A, %dma_start3A_44] : memref<40x125xi32, #tpu.memory_space<vmem>> -> memref<1x125xi32, #tpu.memory_space<vmem>>
    %dma_start3A_46 = tpu.memref_squeeze %dma_start3A_45 : memref<1x125xi32, #tpu.memory_space<vmem>> -> memref<125xi32, #tpu.memory_space<vmem>>
    %dma_start3A_47 = arith.constant 0 : i32
    %dma_start3A_48 = tpu.memref_slice %dma_start3A_46[%dma_start3A_47] : memref<125xi32, #tpu.memory_space<vmem>> -> memref<32xi32, #tpu.memory_space<vmem>>
    %dma_start3A_49 = arith.constant 0 : i32
    %dma_start3A_50 = arith.constant 0 : i32
    %dma_start3A_51 = tpu.memref_slice %arg2[%dma_start3A_49, %dma_start3A_50] : memref<10000x128xf32, #tpu.memory_space<hbm>> -> memref<10000x128xf32, #tpu.memory_space<hbm>>
    tpu.enqueue_indirect_dma source(%dma_start3A_51 : memref<10000x128xf32, #tpu.memory_space<hbm>>) target(%dma_start3A_43 : memref<32x128xf32, #tpu.memory_space<vmem>>) offsets(%dma_start3A_48 : memref<32xi32, #tpu.memory_space<vmem>>) semaphore(%arg9 : memref<!tpu.dma_semaphore, #tpu.memory_space<semaphore_mem>>)
    %dma_start3A_52 = arith.constant 0 : i32
    %dma_start3A_53 = arith.constant 0 : i32
    %dma_start3A_54 = arith.constant 0 : i32
    %dma_start3A_55 = arith.constant 0 : i32
    %dma_start3A_56 = tpu.memref_slice %arg7[%dma_start3A_53, %dma_start3A_54, %dma_start3A_55] : memref<2x125x128xf32, #tpu.memory_space<vmem>> -> memref<1x125x128xf32, #tpu.memory_space<vmem>>
    %dma_start3A_57 = tpu.memref_squeeze %dma_start3A_56 : memref<1x125x128xf32, #tpu.memory_space<vmem>> -> memref<125x128xf32, #tpu.memory_space<vmem>>
    %dma_start3A_58 = arith.constant 32 : i32
    %dma_start3A_59 = arith.constant 0 : i32
    %dma_start3A_60 = tpu.memref_slice %dma_start3A_57[%dma_start3A_58, %dma_start3A_59] : memref<125x128xf32, #tpu.memory_space<vmem>> -> memref<32x128xf32, #tpu.memory_space<vmem>>
    %dma_start3A_61 = arith.constant 0 : i32
    %dma_start3A_62 = tpu.memref_slice %arg5[%dma_start3A_52, %dma_start3A_61] : memref<40x125xi32, #tpu.memory_space<vmem>> -> memref<1x125xi32, #tpu.memory_space<vmem>>
    %dma_start3A_63 = tpu.memref_squeeze %dma_start3A_62 : memref<1x125xi32, #tpu.memory_space<vmem>> -> memref<125xi32, #tpu.memory_space<vmem>>
    %dma_start3A_64 = arith.constant 32 : i32
    %dma_start3A_65 = tpu.memref_slice %dma_start3A_63[%dma_start3A_64] : memref<125xi32, #tpu.memory_space<vmem>> -> memref<32xi32, #tpu.memory_space<vmem>>
    %dma_start3A_66 = arith.constant 0 : i32
    %dma_start3A_67 = arith.constant 0 : i32
    %dma_start3A_68 = tpu.memref_slice %arg2[%dma_start3A_66, %dma_start3A_67] : memref<10000x128xf32, #tpu.memory_space<hbm>> -> memref<10000x128xf32, #tpu.memory_space<hbm>>
    tpu.enqueue_indirect_dma source(%dma_start3A_68 : memref<10000x128xf32, #tpu.memory_space<hbm>>) target(%dma_start3A_60 : memref<32x128xf32, #tpu.memory_space<vmem>>) offsets(%dma_start3A_65 : memref<32xi32, #tpu.memory_space<vmem>>) semaphore(%arg10 : memref<!tpu.dma_semaphore, #tpu.memory_space<semaphore_mem>>)
    %dma_start3A_69 = arith.constant 0 : i32
    %dma_start3A_70 = arith.constant 0 : i32
    %dma_start3A_71 = arith.constant 0 : i32
    %dma_start3A_72 = arith.constant 0 : i32
    %dma_start3A_73 = tpu.memref_slice %arg7[%dma_start3A_70, %dma_start3A_71, %dma_start3A_72] : memref<2x125x128xf32, #tpu.memory_space<vmem>> -> memref<1x125x128xf32, #tpu.memory_space<vmem>>
    %dma_start3A_74 = tpu.memref_squeeze %dma_start3A_73 : memref<1x125x128xf32, #tpu.memory_space<vmem>> -> memref<125x128xf32, #tpu.memory_space<vmem>>
    %dma_start3A_75 = arith.constant 64 : i32
    %dma_start3A_76 = arith.constant 0 : i32
    %dma_start3A_77 = tpu.memref_slice %dma_start3A_74[%dma_start3A_75, %dma_start3A_76] : memref<125x128xf32, #tpu.memory_space<vmem>> -> memref<32x128xf32, #tpu.memory_space<vmem>>
    %dma_start3A_78 = arith.constant 0 : i32
    %dma_start3A_79 = tpu.memref_slice %arg5[%dma_start3A_69, %dma_start3A_78] : memref<40x125xi32, #tpu.memory_space<vmem>> -> memref<1x125xi32, #tpu.memory_space<vmem>>
    %dma_start3A_80 = tpu.memref_squeeze %dma_start3A_79 : memref<1x125xi32, #tpu.memory_space<vmem>> -> memref<125xi32, #tpu.memory_space<vmem>>
    %dma_start3A_81 = arith.constant 64 : i32
    %dma_start3A_82 = tpu.memref_slice %dma_start3A_80[%dma_start3A_81] : memref<125xi32, #tpu.memory_space<vmem>> -> memref<32xi32, #tpu.memory_space<vmem>>
    %dma_start3A_83 = arith.constant 0 : i32
    %dma_start3A_84 = arith.constant 0 : i32
    %dma_start3A_85 = tpu.memref_slice %arg2[%dma_start3A_83, %dma_start3A_84] : memref<10000x128xf32, #tpu.memory_space<hbm>> -> memref<10000x128xf32, #tpu.memory_space<hbm>>
    tpu.enqueue_indirect_dma source(%dma_start3A_85 : memref<10000x128xf32, #tpu.memory_space<hbm>>) target(%dma_start3A_77 : memref<32x128xf32, #tpu.memory_space<vmem>>) offsets(%dma_start3A_82 : memref<32xi32, #tpu.memory_space<vmem>>) semaphore(%arg11 : memref<!tpu.dma_semaphore, #tpu.memory_space<semaphore_mem>>)
    %dma_start3A_86 = arith.constant 0 : i32
    %dma_start3A_87 = arith.constant 0 : i32
    %dma_start3A_88 = arith.constant 0 : i32
    %dma_start3A_89 = arith.constant 0 : i32
    %dma_start3A_90 = tpu.memref_slice %arg7[%dma_start3A_87, %dma_start3A_88, %dma_start3A_89] : memref<2x125x128xf32, #tpu.memory_space<vmem>> -> memref<1x125x128xf32, #tpu.memory_space<vmem>>
    %dma_start3A_91 = tpu.memref_squeeze %dma_start3A_90 : memref<1x125x128xf32, #tpu.memory_space<vmem>> -> memref<125x128xf32, #tpu.memory_space<vmem>>
    %dma_start3A_92 = arith.constant 96 : i32
    %dma_start3A_93 = arith.constant 0 : i32
    %dma_start3A_94 = tpu.memref_slice %dma_start3A_91[%dma_start3A_92, %dma_start3A_93] : memref<125x128xf32, #tpu.memory_space<vmem>> -> memref<29x128xf32, #tpu.memory_space<vmem>>
    %dma_start3A_95 = arith.constant 0 : i32
    %dma_start3A_96 = tpu.memref_slice %arg5[%dma_start3A_86, %dma_start3A_95] : memref<40x125xi32, #tpu.memory_space<vmem>> -> memref<1x125xi32, #tpu.memory_space<vmem>>
    %dma_start3A_97 = tpu.memref_squeeze %dma_start3A_96 : memref<1x125xi32, #tpu.memory_space<vmem>> -> memref<125xi32, #tpu.memory_space<vmem>>
    %dma_start3A_98 = arith.constant 96 : i32
    %dma_start3A_99 = tpu.memref_slice %dma_start3A_97[%dma_start3A_98] : memref<125xi32, #tpu.memory_space<vmem>> -> memref<29xi32, #tpu.memory_space<vmem>>
    %dma_start3A_100 = arith.constant 0 : i32
    %dma_start3A_101 = arith.constant 0 : i32
    %dma_start3A_102 = tpu.memref_slice %arg2[%dma_start3A_100, %dma_start3A_101] : memref<10000x128xf32, #tpu.memory_space<hbm>> -> memref<10000x128xf32, #tpu.memory_space<hbm>>
    tpu.enqueue_indirect_dma source(%dma_start3A_102 : memref<10000x128xf32, #tpu.memory_space<hbm>>) target(%dma_start3A_94 : memref<29x128xf32, #tpu.memory_space<vmem>>) offsets(%dma_start3A_99 : memref<29xi32, #tpu.memory_space<vmem>>) semaphore(%arg12 : memref<!tpu.dma_semaphore, #tpu.memory_space<semaphore_mem>>)
    %scan3A_103 = arith.constant 0 : i32
    %scan3A_104 = arith.constant 0 : i32
    %scan3A_105 = arith.constant 20 : i32
    %scan3A_106 = arith.addi %scan3A_104, %scan3A_105 : i32
    %scan3A_107 = arith.constant 1 : i32
    scf.for %scan3A_192 = %scan3A_104 to %scan3A_106 step %scan3A_107  : i32 {
      %mul3A_193 = arith.constant 2 : i32
      %mul3A_194 = arith.muli %mul3A_193, %scan3A_192 : i32
      %dma_wait3A = arith.constant 0 : i32
      %dma_wait3A_195 = arith.constant 0 : i32
      %dma_wait3A_196 = arith.constant 0 : i32
      %dma_wait3A_197 = tpu.memref_slice %arg7[%dma_wait3A, %dma_wait3A_195, %dma_wait3A_196] : memref<2x125x128xf32, #tpu.memory_space<vmem>> -> memref<1x125x128xf32, #tpu.memory_space<vmem>>
      %dma_wait3A_198 = tpu.memref_squeeze %dma_wait3A_197 : memref<1x125x128xf32, #tpu.memory_space<vmem>> -> memref<125x128xf32, #tpu.memory_space<vmem>>
      %dma_wait3A_199 = arith.constant 0 : i32
      %dma_wait3A_200 = arith.constant 0 : i32
      %dma_wait3A_201 = tpu.memref_slice %dma_wait3A_198[%dma_wait3A_199, %dma_wait3A_200] : memref<125x128xf32, #tpu.memory_space<vmem>> -> memref<32x128xf32, #tpu.memory_space<vmem>>
      %dma_wait3A_202 = arith.constant 0 : i32
      %dma_wait3A_203 = tpu.memref_slice %arg5[%mul3A_194, %dma_wait3A_202] : memref<40x125xi32, #tpu.memory_space<vmem>> -> memref<1x125xi32, #tpu.memory_space<vmem>>
      %dma_wait3A_204 = tpu.memref_squeeze %dma_wait3A_203 : memref<1x125xi32, #tpu.memory_space<vmem>> -> memref<125xi32, #tpu.memory_space<vmem>>
      %dma_wait3A_205 = arith.constant 0 : i32
      %dma_wait3A_206 = tpu.memref_slice %dma_wait3A_204[%dma_wait3A_205] : memref<125xi32, #tpu.memory_space<vmem>> -> memref<32xi32, #tpu.memory_space<vmem>>
      %dma_wait3A_207 = arith.constant 0 : i32
      %dma_wait3A_208 = arith.constant 0 : i32
      %dma_wait3A_209 = tpu.memref_slice %arg2[%dma_wait3A_207, %dma_wait3A_208] : memref<10000x128xf32, #tpu.memory_space<hbm>> -> memref<10000x128xf32, #tpu.memory_space<hbm>>
      tpu.wait_indirect_dma semaphore(%arg9 : memref<!tpu.dma_semaphore, #tpu.memory_space<semaphore_mem>>) src(%dma_wait3A_209 : memref<10000x128xf32, #tpu.memory_space<hbm>>) dst(%dma_wait3A_201 : memref<32x128xf32, #tpu.memory_space<vmem>>)
      %dma_wait3A_210 = arith.constant 0 : i32
      %dma_wait3A_211 = arith.constant 0 : i32
      %dma_wait3A_212 = arith.constant 0 : i32
      %dma_wait3A_213 = tpu.memref_slice %arg7[%dma_wait3A_210, %dma_wait3A_211, %dma_wait3A_212] : memref<2x125x128xf32, #tpu.memory_space<vmem>> -> memref<1x125x128xf32, #tpu.memory_space<vmem>>
      %dma_wait3A_214 = tpu.memref_squeeze %dma_wait3A_213 : memref<1x125x128xf32, #tpu.memory_space<vmem>> -> memref<125x128xf32, #tpu.memory_space<vmem>>
      %dma_wait3A_215 = arith.constant 32 : i32
      %dma_wait3A_216 = arith.constant 0 : i32
      %dma_wait3A_217 = tpu.memref_slice %dma_wait3A_214[%dma_wait3A_215, %dma_wait3A_216] : memref<125x128xf32, #tpu.memory_space<vmem>> -> memref<32x128xf32, #tpu.memory_space<vmem>>
      %dma_wait3A_218 = arith.constant 0 : i32
      %dma_wait3A_219 = tpu.memref_slice %arg5[%mul3A_194, %dma_wait3A_218] : memref<40x125xi32, #tpu.memory_space<vmem>> -> memref<1x125xi32, #tpu.memory_space<vmem>>
      %dma_wait3A_220 = tpu.memref_squeeze %dma_wait3A_219 : memref<1x125xi32, #tpu.memory_space<vmem>> -> memref<125xi32, #tpu.memory_space<vmem>>
      %dma_wait3A_221 = arith.constant 32 : i32
      %dma_wait3A_222 = tpu.memref_slice %dma_wait3A_220[%dma_wait3A_221] : memref<125xi32, #tpu.memory_space<vmem>> -> memref<32xi32, #tpu.memory_space<vmem>>
      %dma_wait3A_223 = arith.constant 0 : i32
      %dma_wait3A_224 = arith.constant 0 : i32
      %dma_wait3A_225 = tpu.memref_slice %arg2[%dma_wait3A_223, %dma_wait3A_224] : memref<10000x128xf32, #tpu.memory_space<hbm>> -> memref<10000x128xf32, #tpu.memory_space<hbm>>
      tpu.wait_indirect_dma semaphore(%arg10 : memref<!tpu.dma_semaphore, #tpu.memory_space<semaphore_mem>>) src(%dma_wait3A_225 : memref<10000x128xf32, #tpu.memory_space<hbm>>) dst(%dma_wait3A_217 : memref<32x128xf32, #tpu.memory_space<vmem>>)
      %dma_wait3A_226 = arith.constant 0 : i32
      %dma_wait3A_227 = arith.constant 0 : i32
      %dma_wait3A_228 = arith.constant 0 : i32
      %dma_wait3A_229 = tpu.memref_slice %arg7[%dma_wait3A_226, %dma_wait3A_227, %dma_wait3A_228] : memref<2x125x128xf32, #tpu.memory_space<vmem>> -> memref<1x125x128xf32, #tpu.memory_space<vmem>>
      %dma_wait3A_230 = tpu.memref_squeeze %dma_wait3A_229 : memref<1x125x128xf32, #tpu.memory_space<vmem>> -> memref<125x128xf32, #tpu.memory_space<vmem>>
      %dma_wait3A_231 = arith.constant 64 : i32
      %dma_wait3A_232 = arith.constant 0 : i32
      %dma_wait3A_233 = tpu.memref_slice %dma_wait3A_230[%dma_wait3A_231, %dma_wait3A_232] : memref<125x128xf32, #tpu.memory_space<vmem>> -> memref<32x128xf32, #tpu.memory_space<vmem>>
      %dma_wait3A_234 = arith.constant 0 : i32
      %dma_wait3A_235 = tpu.memref_slice %arg5[%mul3A_194, %dma_wait3A_234] : memref<40x125xi32, #tpu.memory_space<vmem>> -> memref<1x125xi32, #tpu.memory_space<vmem>>
      %dma_wait3A_236 = tpu.memref_squeeze %dma_wait3A_235 : memref<1x125xi32, #tpu.memory_space<vmem>> -> memref<125xi32, #tpu.memory_space<vmem>>
      %dma_wait3A_237 = arith.constant 64 : i32
      %dma_wait3A_238 = tpu.memref_slice %dma_wait3A_236[%dma_wait3A_237] : memref<125xi32, #tpu.memory_space<vmem>> -> memref<32xi32, #tpu.memory_space<vmem>>
      %dma_wait3A_239 = arith.constant 0 : i32
      %dma_wait3A_240 = arith.constant 0 : i32
      %dma_wait3A_241 = tpu.memref_slice %arg2[%dma_wait3A_239, %dma_wait3A_240] : memref<10000x128xf32, #tpu.memory_space<hbm>> -> memref<10000x128xf32, #tpu.memory_space<hbm>>
      tpu.wait_indirect_dma semaphore(%arg11 : memref<!tpu.dma_semaphore, #tpu.memory_space<semaphore_mem>>) src(%dma_wait3A_241 : memref<10000x128xf32, #tpu.memory_space<hbm>>) dst(%dma_wait3A_233 : memref<32x128xf32, #tpu.memory_space<vmem>>)
      %dma_wait3A_242 = arith.constant 0 : i32
      %dma_wait3A_243 = arith.constant 0 : i32
      %dma_wait3A_244 = arith.constant 0 : i32
      %dma_wait3A_245 = tpu.memref_slice %arg7[%dma_wait3A_242, %dma_wait3A_243, %dma_wait3A_244] : memref<2x125x128xf32, #tpu.memory_space<vmem>> -> memref<1x125x128xf32, #tpu.memory_space<vmem>>
      %dma_wait3A_246 = tpu.memref_squeeze %dma_wait3A_245 : memref<1x125x128xf32, #tpu.memory_space<vmem>> -> memref<125x128xf32, #tpu.memory_space<vmem>>
      %dma_wait3A_247 = arith.constant 96 : i32
      %dma_wait3A_248 = arith.constant 0 : i32
      %dma_wait3A_249 = tpu.memref_slice %dma_wait3A_246[%dma_wait3A_247, %dma_wait3A_248] : memref<125x128xf32, #tpu.memory_space<vmem>> -> memref<29x128xf32, #tpu.memory_space<vmem>>
      %dma_wait3A_250 = arith.constant 0 : i32
      %dma_wait3A_251 = tpu.memref_slice %arg5[%mul3A_194, %dma_wait3A_250] : memref<40x125xi32, #tpu.memory_space<vmem>> -> memref<1x125xi32, #tpu.memory_space<vmem>>
      %dma_wait3A_252 = tpu.memref_squeeze %dma_wait3A_251 : memref<1x125xi32, #tpu.memory_space<vmem>> -> memref<125xi32, #tpu.memory_space<vmem>>
      %dma_wait3A_253 = arith.constant 96 : i32
      %dma_wait3A_254 = tpu.memref_slice %dma_wait3A_252[%dma_wait3A_253] : memref<125xi32, #tpu.memory_space<vmem>> -> memref<29xi32, #tpu.memory_space<vmem>>
      %dma_wait3A_255 = arith.constant 0 : i32
      %dma_wait3A_256 = arith.constant 0 : i32
      %dma_wait3A_257 = tpu.memref_slice %arg2[%dma_wait3A_255, %dma_wait3A_256] : memref<10000x128xf32, #tpu.memory_space<hbm>> -> memref<10000x128xf32, #tpu.memory_space<hbm>>
      tpu.wait_indirect_dma semaphore(%arg12 : memref<!tpu.dma_semaphore, #tpu.memory_space<semaphore_mem>>) src(%dma_wait3A_257 : memref<10000x128xf32, #tpu.memory_space<hbm>>) dst(%dma_wait3A_249 : memref<29x128xf32, #tpu.memory_space<vmem>>)
      %add3A_258 = arith.constant 1 : i32
      %add3A_259 = arith.addi %mul3A_194, %add3A_258 : i32
      %dma_start3A_260 = arith.constant 1 : i32
      %dma_start3A_261 = arith.constant 0 : i32
      %dma_start3A_262 = arith.constant 0 : i32
      %dma_start3A_263 = tpu.memref_slice %arg7[%dma_start3A_260, %dma_start3A_261, %dma_start3A_262] : memref<2x125x128xf32, #tpu.memory_space<vmem>> -> memref<1x125x128xf32, #tpu.memory_space<vmem>>
      %dma_start3A_264 = tpu.memref_squeeze %dma_start3A_263 : memref<1x125x128xf32, #tpu.memory_space<vmem>> -> memref<125x128xf32, #tpu.memory_space<vmem>>
      %dma_start3A_265 = arith.constant 0 : i32
      %dma_start3A_266 = arith.constant 0 : i32
      %dma_start3A_267 = tpu.memref_slice %dma_start3A_264[%dma_start3A_265, %dma_start3A_266] : memref<125x128xf32, #tpu.memory_space<vmem>> -> memref<32x128xf32, #tpu.memory_space<vmem>>
      %dma_start3A_268 = arith.constant 0 : i32
      %dma_start3A_269 = tpu.memref_slice %arg5[%add3A_259, %dma_start3A_268] : memref<40x125xi32, #tpu.memory_space<vmem>> -> memref<1x125xi32, #tpu.memory_space<vmem>>
      %dma_start3A_270 = tpu.memref_squeeze %dma_start3A_269 : memref<1x125xi32, #tpu.memory_space<vmem>> -> memref<125xi32, #tpu.memory_space<vmem>>
      %dma_start3A_271 = arith.constant 0 : i32
      %dma_start3A_272 = tpu.memref_slice %dma_start3A_270[%dma_start3A_271] : memref<125xi32, #tpu.memory_space<vmem>> -> memref<32xi32, #tpu.memory_space<vmem>>
      %dma_start3A_273 = arith.constant 0 : i32
      %dma_start3A_274 = arith.constant 0 : i32
      %dma_start3A_275 = tpu.memref_slice %arg2[%dma_start3A_273, %dma_start3A_274] : memref<10000x128xf32, #tpu.memory_space<hbm>> -> memref<10000x128xf32, #tpu.memory_space<hbm>>
      tpu.enqueue_indirect_dma source(%dma_start3A_275 : memref<10000x128xf32, #tpu.memory_space<hbm>>) target(%dma_start3A_267 : memref<32x128xf32, #tpu.memory_space<vmem>>) offsets(%dma_start3A_272 : memref<32xi32, #tpu.memory_space<vmem>>) semaphore(%arg13 : memref<!tpu.dma_semaphore, #tpu.memory_space<semaphore_mem>>)
      %dma_start3A_276 = arith.constant 1 : i32
      %dma_start3A_277 = arith.constant 0 : i32
      %dma_start3A_278 = arith.constant 0 : i32
      %dma_start3A_279 = tpu.memref_slice %arg7[%dma_start3A_276, %dma_start3A_277, %dma_start3A_278] : memref<2x125x128xf32, #tpu.memory_space<vmem>> -> memref<1x125x128xf32, #tpu.memory_space<vmem>>
      %dma_start3A_280 = tpu.memref_squeeze %dma_start3A_279 : memref<1x125x128xf32, #tpu.memory_space<vmem>> -> memref<125x128xf32, #tpu.memory_space<vmem>>
      %dma_start3A_281 = arith.constant 32 : i32
      %dma_start3A_282 = arith.constant 0 : i32
      %dma_start3A_283 = tpu.memref_slice %dma_start3A_280[%dma_start3A_281, %dma_start3A_282] : memref<125x128xf32, #tpu.memory_space<vmem>> -> memref<32x128xf32, #tpu.memory_space<vmem>>
      %dma_start3A_284 = arith.constant 0 : i32
      %dma_start3A_285 = tpu.memref_slice %arg5[%add3A_259, %dma_start3A_284] : memref<40x125xi32, #tpu.memory_space<vmem>> -> memref<1x125xi32, #tpu.memory_space<vmem>>
      %dma_start3A_286 = tpu.memref_squeeze %dma_start3A_285 : memref<1x125xi32, #tpu.memory_space<vmem>> -> memref<125xi32, #tpu.memory_space<vmem>>
      %dma_start3A_287 = arith.constant 32 : i32
      %dma_start3A_288 = tpu.memref_slice %dma_start3A_286[%dma_start3A_287] : memref<125xi32, #tpu.memory_space<vmem>> -> memref<32xi32, #tpu.memory_space<vmem>>
      %dma_start3A_289 = arith.constant 0 : i32
      %dma_start3A_290 = arith.constant 0 : i32
      %dma_start3A_291 = tpu.memref_slice %arg2[%dma_start3A_289, %dma_start3A_290] : memref<10000x128xf32, #tpu.memory_space<hbm>> -> memref<10000x128xf32, #tpu.memory_space<hbm>>
      tpu.enqueue_indirect_dma source(%dma_start3A_291 : memref<10000x128xf32, #tpu.memory_space<hbm>>) target(%dma_start3A_283 : memref<32x128xf32, #tpu.memory_space<vmem>>) offsets(%dma_start3A_288 : memref<32xi32, #tpu.memory_space<vmem>>) semaphore(%arg14 : memref<!tpu.dma_semaphore, #tpu.memory_space<semaphore_mem>>)
      %dma_start3A_292 = arith.constant 1 : i32
      %dma_start3A_293 = arith.constant 0 : i32
      %dma_start3A_294 = arith.constant 0 : i32
      %dma_start3A_295 = tpu.memref_slice %arg7[%dma_start3A_292, %dma_start3A_293, %dma_start3A_294] : memref<2x125x128xf32, #tpu.memory_space<vmem>> -> memref<1x125x128xf32, #tpu.memory_space<vmem>>
      %dma_start3A_296 = tpu.memref_squeeze %dma_start3A_295 : memref<1x125x128xf32, #tpu.memory_space<vmem>> -> memref<125x128xf32, #tpu.memory_space<vmem>>
      %dma_start3A_297 = arith.constant 64 : i32
      %dma_start3A_298 = arith.constant 0 : i32
      %dma_start3A_299 = tpu.memref_slice %dma_start3A_296[%dma_start3A_297, %dma_start3A_298] : memref<125x128xf32, #tpu.memory_space<vmem>> -> memref<32x128xf32, #tpu.memory_space<vmem>>
      %dma_start3A_300 = arith.constant 0 : i32
      %dma_start3A_301 = tpu.memref_slice %arg5[%add3A_259, %dma_start3A_300] : memref<40x125xi32, #tpu.memory_space<vmem>> -> memref<1x125xi32, #tpu.memory_space<vmem>>
      %dma_start3A_302 = tpu.memref_squeeze %dma_start3A_301 : memref<1x125xi32, #tpu.memory_space<vmem>> -> memref<125xi32, #tpu.memory_space<vmem>>
      %dma_start3A_303 = arith.constant 64 : i32
      %dma_start3A_304 = tpu.memref_slice %dma_start3A_302[%dma_start3A_303] : memref<125xi32, #tpu.memory_space<vmem>> -> memref<32xi32, #tpu.memory_space<vmem>>
      %dma_start3A_305 = arith.constant 0 : i32
      %dma_start3A_306 = arith.constant 0 : i32
      %dma_start3A_307 = tpu.memref_slice %arg2[%dma_start3A_305, %dma_start3A_306] : memref<10000x128xf32, #tpu.memory_space<hbm>> -> memref<10000x128xf32, #tpu.memory_space<hbm>>
      tpu.enqueue_indirect_dma source(%dma_start3A_307 : memref<10000x128xf32, #tpu.memory_space<hbm>>) target(%dma_start3A_299 : memref<32x128xf32, #tpu.memory_space<vmem>>) offsets(%dma_start3A_304 : memref<32xi32, #tpu.memory_space<vmem>>) semaphore(%arg15 : memref<!tpu.dma_semaphore, #tpu.memory_space<semaphore_mem>>)
      %dma_start3A_308 = arith.constant 1 : i32
      %dma_start3A_309 = arith.constant 0 : i32
      %dma_start3A_310 = arith.constant 0 : i32
      %dma_start3A_311 = tpu.memref_slice %arg7[%dma_start3A_308, %dma_start3A_309, %dma_start3A_310] : memref<2x125x128xf32, #tpu.memory_space<vmem>> -> memref<1x125x128xf32, #tpu.memory_space<vmem>>
      %dma_start3A_312 = tpu.memref_squeeze %dma_start3A_311 : memref<1x125x128xf32, #tpu.memory_space<vmem>> -> memref<125x128xf32, #tpu.memory_space<vmem>>
      %dma_start3A_313 = arith.constant 96 : i32
      %dma_start3A_314 = arith.constant 0 : i32
      %dma_start3A_315 = tpu.memref_slice %dma_start3A_312[%dma_start3A_313, %dma_start3A_314] : memref<125x128xf32, #tpu.memory_space<vmem>> -> memref<29x128xf32, #tpu.memory_space<vmem>>
      %dma_start3A_316 = arith.constant 0 : i32
      %dma_start3A_317 = tpu.memref_slice %arg5[%add3A_259, %dma_start3A_316] : memref<40x125xi32, #tpu.memory_space<vmem>> -> memref<1x125xi32, #tpu.memory_space<vmem>>
      %dma_start3A_318 = tpu.memref_squeeze %dma_start3A_317 : memref<1x125xi32, #tpu.memory_space<vmem>> -> memref<125xi32, #tpu.memory_space<vmem>>
      %dma_start3A_319 = arith.constant 96 : i32
      %dma_start3A_320 = tpu.memref_slice %dma_start3A_318[%dma_start3A_319] : memref<125xi32, #tpu.memory_space<vmem>> -> memref<29xi32, #tpu.memory_space<vmem>>
      %dma_start3A_321 = arith.constant 0 : i32
      %dma_start3A_322 = arith.constant 0 : i32
      %dma_start3A_323 = tpu.memref_slice %arg2[%dma_start3A_321, %dma_start3A_322] : memref<10000x128xf32, #tpu.memory_space<hbm>> -> memref<10000x128xf32, #tpu.memory_space<hbm>>
      tpu.enqueue_indirect_dma source(%dma_start3A_323 : memref<10000x128xf32, #tpu.memory_space<hbm>>) target(%dma_start3A_315 : memref<29x128xf32, #tpu.memory_space<vmem>>) offsets(%dma_start3A_320 : memref<29xi32, #tpu.memory_space<vmem>>) semaphore(%arg16 : memref<!tpu.dma_semaphore, #tpu.memory_space<semaphore_mem>>)
      %run_scoped3A_324 = arith.constant 0 : i32
      "tpu.region"() ({
        %run_scoped3A_399 = tpu.sem_alloc : memref<!tpu.dma_semaphore, #tpu.memory_space<semaphore_mem>>
        %dma_start3A_400 = arith.constant 0 : i32
        %dma_start3A_401 = arith.constant 0 : i32
        %dma_start3A_402 = tpu.memref_slice %arg7[%run_scoped3A_324, %dma_start3A_400, %dma_start3A_401] : memref<2x125x128xf32, #tpu.memory_space<vmem>> -> memref<1x125x128xf32, #tpu.memory_space<vmem>>
        %dma_start3A_403 = tpu.memref_squeeze %dma_start3A_402 : memref<1x125x128xf32, #tpu.memory_space<vmem>> -> memref<125x128xf32, #tpu.memory_space<vmem>>
        %dma_start3A_404 = arith.constant 0 : i32
        %dma_start3A_405 = tpu.memref_slice %arg6[%mul3A_194, %dma_start3A_404] : memref<40x125xi32, #tpu.memory_space<vmem>> -> memref<1x125xi32, #tpu.memory_space<vmem>>
        %dma_start3A_406 = tpu.memref_squeeze %dma_start3A_405 : memref<1x125xi32, #tpu.memory_space<vmem>> -> memref<125xi32, #tpu.memory_space<vmem>>
        %dma_start3A_407 = arith.constant 0 : i32
        %dma_start3A_408 = arith.constant 0 : i32
        %dma_start3A_409 = tpu.memref_slice %arg8[%dma_start3A_407, %dma_start3A_408] : memref<10000x128xf32, #tpu.memory_space<vmem_shared>> -> memref<10000x128xf32, #tpu.memory_space<vmem_shared>>
        tpu.enqueue_indirect_dma source(%dma_start3A_403 : memref<125x128xf32, #tpu.memory_space<vmem>>) target(%dma_start3A_409 : memref<10000x128xf32, #tpu.memory_space<vmem_shared>>) offsets(%dma_start3A_406 : memref<125xi32, #tpu.memory_space<vmem>>) semaphore(%run_scoped3A_399 : memref<!tpu.dma_semaphore, #tpu.memory_space<semaphore_mem>>) {add = true}
        %dma_wait3A_410 = arith.constant 0 : i32
        %dma_wait3A_411 = arith.constant 0 : i32
        %dma_wait3A_412 = tpu.memref_slice %arg7[%run_scoped3A_324, %dma_wait3A_410, %dma_wait3A_411] : memref<2x125x128xf32, #tpu.memory_space<vmem>> -> memref<1x125x128xf32, #tpu.memory_space<vmem>>
        %dma_wait3A_413 = tpu.memref_squeeze %dma_wait3A_412 : memref<1x125x128xf32, #tpu.memory_space<vmem>> -> memref<125x128xf32, #tpu.memory_space<vmem>>
        %dma_wait3A_414 = arith.constant 0 : i32
        %dma_wait3A_415 = tpu.memref_slice %arg6[%mul3A_194, %dma_wait3A_414] : memref<40x125xi32, #tpu.memory_space<vmem>> -> memref<1x125xi32, #tpu.memory_space<vmem>>
        %dma_wait3A_416 = tpu.memref_squeeze %dma_wait3A_415 : memref<1x125xi32, #tpu.memory_space<vmem>> -> memref<125xi32, #tpu.memory_space<vmem>>
        %dma_wait3A_417 = arith.constant 0 : i32
        %dma_wait3A_418 = arith.constant 0 : i32
        %dma_wait3A_419 = tpu.memref_slice %arg8[%dma_wait3A_417, %dma_wait3A_418] : memref<10000x128xf32, #tpu.memory_space<vmem_shared>> -> memref<10000x128xf32, #tpu.memory_space<vmem_shared>>
        tpu.wait_indirect_dma semaphore(%run_scoped3A_399 : memref<!tpu.dma_semaphore, #tpu.memory_space<semaphore_mem>>) src(%dma_wait3A_413 : memref<125x128xf32, #tpu.memory_space<vmem>>) dst(%dma_wait3A_419 : memref<10000x128xf32, #tpu.memory_space<vmem_shared>>)
        tpu.yield
      }) : () -> ()
      %add3A_325 = arith.constant 1 : i32
      %add3A_326 = arith.addi %mul3A_194, %add3A_325 : i32
      %dma_wait3A_327 = arith.constant 1 : i32
      %dma_wait3A_328 = arith.constant 0 : i32
      %dma_wait3A_329 = arith.constant 0 : i32
      %dma_wait3A_330 = tpu.memref_slice %arg7[%dma_wait3A_327, %dma_wait3A_328, %dma_wait3A_329] : memref<2x125x128xf32, #tpu.memory_space<vmem>> -> memref<1x125x128xf32, #tpu.memory_space<vmem>>
      %dma_wait3A_331 = tpu.memref_squeeze %dma_wait3A_330 : memref<1x125x128xf32, #tpu.memory_space<vmem>> -> memref<125x128xf32, #tpu.memory_space<vmem>>
      %dma_wait3A_332 = arith.constant 0 : i32
      %dma_wait3A_333 = arith.constant 0 : i32
      %dma_wait3A_334 = tpu.memref_slice %dma_wait3A_331[%dma_wait3A_332, %dma_wait3A_333] : memref<125x128xf32, #tpu.memory_space<vmem>> -> memref<32x128xf32, #tpu.memory_space<vmem>>
      %dma_wait3A_335 = arith.constant 0 : i32
      %dma_wait3A_336 = tpu.memref_slice %arg5[%add3A_326, %dma_wait3A_335] : memref<40x125xi32, #tpu.memory_space<vmem>> -> memref<1x125xi32, #tpu.memory_space<vmem>>
      %dma_wait3A_337 = tpu.memref_squeeze %dma_wait3A_336 : memref<1x125xi32, #tpu.memory_space<vmem>> -> memref<125xi32, #tpu.memory_space<vmem>>
      %dma_wait3A_338 = arith.constant 0 : i32
      %dma_wait3A_339 = tpu.memref_slice %dma_wait3A_337[%dma_wait3A_338] : memref<125xi32, #tpu.memory_space<vmem>> -> memref<32xi32, #tpu.memory_space<vmem>>
      %dma_wait3A_340 = arith.constant 0 : i32
      %dma_wait3A_341 = arith.constant 0 : i32
      %dma_wait3A_342 = tpu.memref_slice %arg2[%dma_wait3A_340, %dma_wait3A_341] : memref<10000x128xf32, #tpu.memory_space<hbm>> -> memref<10000x128xf32, #tpu.memory_space<hbm>>
      tpu.wait_indirect_dma semaphore(%arg13 : memref<!tpu.dma_semaphore, #tpu.memory_space<semaphore_mem>>) src(%dma_wait3A_342 : memref<10000x128xf32, #tpu.memory_space<hbm>>) dst(%dma_wait3A_334 : memref<32x128xf32, #tpu.memory_space<vmem>>)
      %dma_wait3A_343 = arith.constant 1 : i32
      %dma_wait3A_344 = arith.constant 0 : i32
      %dma_wait3A_345 = arith.constant 0 : i32
      %dma_wait3A_346 = tpu.memref_slice %arg7[%dma_wait3A_343, %dma_wait3A_344, %dma_wait3A_345] : memref<2x125x128xf32, #tpu.memory_space<vmem>> -> memref<1x125x128xf32, #tpu.memory_space<vmem>>
      %dma_wait3A_347 = tpu.memref_squeeze %dma_wait3A_346 : memref<1x125x128xf32, #tpu.memory_space<vmem>> -> memref<125x128xf32, #tpu.memory_space<vmem>>
      %dma_wait3A_348 = arith.constant 32 : i32
      %dma_wait3A_349 = arith.constant 0 : i32
      %dma_wait3A_350 = tpu.memref_slice %dma_wait3A_347[%dma_wait3A_348, %dma_wait3A_349] : memref<125x128xf32, #tpu.memory_space<vmem>> -> memref<32x128xf32, #tpu.memory_space<vmem>>
      %dma_wait3A_351 = arith.constant 0 : i32
      %dma_wait3A_352 = tpu.memref_slice %arg5[%add3A_326, %dma_wait3A_351] : memref<40x125xi32, #tpu.memory_space<vmem>> -> memref<1x125xi32, #tpu.memory_space<vmem>>
      %dma_wait3A_353 = tpu.memref_squeeze %dma_wait3A_352 : memref<1x125xi32, #tpu.memory_space<vmem>> -> memref<125xi32, #tpu.memory_space<vmem>>
      %dma_wait3A_354 = arith.constant 32 : i32
      %dma_wait3A_355 = tpu.memref_slice %dma_wait3A_353[%dma_wait3A_354] : memref<125xi32, #tpu.memory_space<vmem>> -> memref<32xi32, #tpu.memory_space<vmem>>
      %dma_wait3A_356 = arith.constant 0 : i32
      %dma_wait3A_357 = arith.constant 0 : i32
      %dma_wait3A_358 = tpu.memref_slice %arg2[%dma_wait3A_356, %dma_wait3A_357] : memref<10000x128xf32, #tpu.memory_space<hbm>> -> memref<10000x128xf32, #tpu.memory_space<hbm>>
      tpu.wait_indirect_dma semaphore(%arg14 : memref<!tpu.dma_semaphore, #tpu.memory_space<semaphore_mem>>) src(%dma_wait3A_358 : memref<10000x128xf32, #tpu.memory_space<hbm>>) dst(%dma_wait3A_350 : memref<32x128xf32, #tpu.memory_space<vmem>>)
      %dma_wait3A_359 = arith.constant 1 : i32
      %dma_wait3A_360 = arith.constant 0 : i32
      %dma_wait3A_361 = arith.constant 0 : i32
      %dma_wait3A_362 = tpu.memref_slice %arg7[%dma_wait3A_359, %dma_wait3A_360, %dma_wait3A_361] : memref<2x125x128xf32, #tpu.memory_space<vmem>> -> memref<1x125x128xf32, #tpu.memory_space<vmem>>
      %dma_wait3A_363 = tpu.memref_squeeze %dma_wait3A_362 : memref<1x125x128xf32, #tpu.memory_space<vmem>> -> memref<125x128xf32, #tpu.memory_space<vmem>>
      %dma_wait3A_364 = arith.constant 64 : i32
      %dma_wait3A_365 = arith.constant 0 : i32
      %dma_wait3A_366 = tpu.memref_slice %dma_wait3A_363[%dma_wait3A_364, %dma_wait3A_365] : memref<125x128xf32, #tpu.memory_space<vmem>> -> memref<32x128xf32, #tpu.memory_space<vmem>>
      %dma_wait3A_367 = arith.constant 0 : i32
      %dma_wait3A_368 = tpu.memref_slice %arg5[%add3A_326, %dma_wait3A_367] : memref<40x125xi32, #tpu.memory_space<vmem>> -> memref<1x125xi32, #tpu.memory_space<vmem>>
      %dma_wait3A_369 = tpu.memref_squeeze %dma_wait3A_368 : memref<1x125xi32, #tpu.memory_space<vmem>> -> memref<125xi32, #tpu.memory_space<vmem>>
      %dma_wait3A_370 = arith.constant 64 : i32
      %dma_wait3A_371 = tpu.memref_slice %dma_wait3A_369[%dma_wait3A_370] : memref<125xi32, #tpu.memory_space<vmem>> -> memref<32xi32, #tpu.memory_space<vmem>>
      %dma_wait3A_372 = arith.constant 0 : i32
      %dma_wait3A_373 = arith.constant 0 : i32
      %dma_wait3A_374 = tpu.memref_slice %arg2[%dma_wait3A_372, %dma_wait3A_373] : memref<10000x128xf32, #tpu.memory_space<hbm>> -> memref<10000x128xf32, #tpu.memory_space<hbm>>
      tpu.wait_indirect_dma semaphore(%arg15 : memref<!tpu.dma_semaphore, #tpu.memory_space<semaphore_mem>>) src(%dma_wait3A_374 : memref<10000x128xf32, #tpu.memory_space<hbm>>) dst(%dma_wait3A_366 : memref<32x128xf32, #tpu.memory_space<vmem>>)
      %dma_wait3A_375 = arith.constant 1 : i32
      %dma_wait3A_376 = arith.constant 0 : i32
      %dma_wait3A_377 = arith.constant 0 : i32
      %dma_wait3A_378 = tpu.memref_slice %arg7[%dma_wait3A_375, %dma_wait3A_376, %dma_wait3A_377] : memref<2x125x128xf32, #tpu.memory_space<vmem>> -> memref<1x125x128xf32, #tpu.memory_space<vmem>>
      %dma_wait3A_379 = tpu.memref_squeeze %dma_wait3A_378 : memref<1x125x128xf32, #tpu.memory_space<vmem>> -> memref<125x128xf32, #tpu.memory_space<vmem>>
      %dma_wait3A_380 = arith.constant 96 : i32
      %dma_wait3A_381 = arith.constant 0 : i32
      %dma_wait3A_382 = tpu.memref_slice %dma_wait3A_379[%dma_wait3A_380, %dma_wait3A_381] : memref<125x128xf32, #tpu.memory_space<vmem>> -> memref<29x128xf32, #tpu.memory_space<vmem>>
      %dma_wait3A_383 = arith.constant 0 : i32
      %dma_wait3A_384 = tpu.memref_slice %arg5[%add3A_326, %dma_wait3A_383] : memref<40x125xi32, #tpu.memory_space<vmem>> -> memref<1x125xi32, #tpu.memory_space<vmem>>
      %dma_wait3A_385 = tpu.memref_squeeze %dma_wait3A_384 : memref<1x125xi32, #tpu.memory_space<vmem>> -> memref<125xi32, #tpu.memory_space<vmem>>
      %dma_wait3A_386 = arith.constant 96 : i32
      %dma_wait3A_387 = tpu.memref_slice %dma_wait3A_385[%dma_wait3A_386] : memref<125xi32, #tpu.memory_space<vmem>> -> memref<29xi32, #tpu.memory_space<vmem>>
      %dma_wait3A_388 = arith.constant 0 : i32
      %dma_wait3A_389 = arith.constant 0 : i32
      %dma_wait3A_390 = tpu.memref_slice %arg2[%dma_wait3A_388, %dma_wait3A_389] : memref<10000x128xf32, #tpu.memory_space<hbm>> -> memref<10000x128xf32, #tpu.memory_space<hbm>>
      tpu.wait_indirect_dma semaphore(%arg16 : memref<!tpu.dma_semaphore, #tpu.memory_space<semaphore_mem>>) src(%dma_wait3A_390 : memref<10000x128xf32, #tpu.memory_space<hbm>>) dst(%dma_wait3A_382 : memref<29x128xf32, #tpu.memory_space<vmem>>)
      %lt3A_391 = arith.constant 19 : i32
      %lt3A_392 = arith.cmpi slt, %scan3A_192, %lt3A_391 : i32
      %convert_element_type3A_393 = arith.extui %lt3A_392 : i1 to i32
      %cond3A_394 = arith.constant 0 : i32
      %cond3A_395 = arith.cmpi ne, %convert_element_type3A_393, %cond3A_394 : i32
      scf.if %cond3A_395 {
        %add3A_399 = arith.constant 2 : i32
        %add3A_400 = arith.addi %mul3A_194, %add3A_399 : i32
        %dma_start3A_401 = arith.constant 0 : i32
        %dma_start3A_402 = arith.constant 0 : i32
        %dma_start3A_403 = arith.constant 0 : i32
        %dma_start3A_404 = tpu.memref_slice %arg7[%dma_start3A_401, %dma_start3A_402, %dma_start3A_403] : memref<2x125x128xf32, #tpu.memory_space<vmem>> -> memref<1x125x128xf32, #tpu.memory_space<vmem>>
        %dma_start3A_405 = tpu.memref_squeeze %dma_start3A_404 : memref<1x125x128xf32, #tpu.memory_space<vmem>> -> memref<125x128xf32, #tpu.memory_space<vmem>>
        %dma_start3A_406 = arith.constant 0 : i32
        %dma_start3A_407 = arith.constant 0 : i32
        %dma_start3A_408 = tpu.memref_slice %dma_start3A_405[%dma_start3A_406, %dma_start3A_407] : memref<125x128xf32, #tpu.memory_space<vmem>> -> memref<32x128xf32, #tpu.memory_space<vmem>>
        %dma_start3A_409 = arith.constant 0 : i32
        %dma_start3A_410 = tpu.memref_slice %arg5[%add3A_400, %dma_start3A_409] : memref<40x125xi32, #tpu.memory_space<vmem>> -> memref<1x125xi32, #tpu.memory_space<vmem>>
        %dma_start3A_411 = tpu.memref_squeeze %dma_start3A_410 : memref<1x125xi32, #tpu.memory_space<vmem>> -> memref<125xi32, #tpu.memory_space<vmem>>
        %dma_start3A_412 = arith.constant 0 : i32
        %dma_start3A_413 = tpu.memref_slice %dma_start3A_411[%dma_start3A_412] : memref<125xi32, #tpu.memory_space<vmem>> -> memref<32xi32, #tpu.memory_space<vmem>>
        %dma_start3A_414 = arith.constant 0 : i32
        %dma_start3A_415 = arith.constant 0 : i32
        %dma_start3A_416 = tpu.memref_slice %arg2[%dma_start3A_414, %dma_start3A_415] : memref<10000x128xf32, #tpu.memory_space<hbm>> -> memref<10000x128xf32, #tpu.memory_space<hbm>>
        tpu.enqueue_indirect_dma source(%dma_start3A_416 : memref<10000x128xf32, #tpu.memory_space<hbm>>) target(%dma_start3A_408 : memref<32x128xf32, #tpu.memory_space<vmem>>) offsets(%dma_start3A_413 : memref<32xi32, #tpu.memory_space<vmem>>) semaphore(%arg9 : memref<!tpu.dma_semaphore, #tpu.memory_space<semaphore_mem>>)
        %dma_start3A_417 = arith.constant 0 : i32
        %dma_start3A_418 = arith.constant 0 : i32
        %dma_start3A_419 = arith.constant 0 : i32
        %dma_start3A_420 = tpu.memref_slice %arg7[%dma_start3A_417, %dma_start3A_418, %dma_start3A_419] : memref<2x125x128xf32, #tpu.memory_space<vmem>> -> memref<1x125x128xf32, #tpu.memory_space<vmem>>
        %dma_start3A_421 = tpu.memref_squeeze %dma_start3A_420 : memref<1x125x128xf32, #tpu.memory_space<vmem>> -> memref<125x128xf32, #tpu.memory_space<vmem>>
        %dma_start3A_422 = arith.constant 32 : i32
        %dma_start3A_423 = arith.constant 0 : i32
        %dma_start3A_424 = tpu.memref_slice %dma_start3A_421[%dma_start3A_422, %dma_start3A_423] : memref<125x128xf32, #tpu.memory_space<vmem>> -> memref<32x128xf32, #tpu.memory_space<vmem>>
        %dma_start3A_425 = arith.constant 0 : i32
        %dma_start3A_426 = tpu.memref_slice %arg5[%add3A_400, %dma_start3A_425] : memref<40x125xi32, #tpu.memory_space<vmem>> -> memref<1x125xi32, #tpu.memory_space<vmem>>
        %dma_start3A_427 = tpu.memref_squeeze %dma_start3A_426 : memref<1x125xi32, #tpu.memory_space<vmem>> -> memref<125xi32, #tpu.memory_space<vmem>>
        %dma_start3A_428 = arith.constant 32 : i32
        %dma_start3A_429 = tpu.memref_slice %dma_start3A_427[%dma_start3A_428] : memref<125xi32, #tpu.memory_space<vmem>> -> memref<32xi32, #tpu.memory_space<vmem>>
        %dma_start3A_430 = arith.constant 0 : i32
        %dma_start3A_431 = arith.constant 0 : i32
        %dma_start3A_432 = tpu.memref_slice %arg2[%dma_start3A_430, %dma_start3A_431] : memref<10000x128xf32, #tpu.memory_space<hbm>> -> memref<10000x128xf32, #tpu.memory_space<hbm>>
        tpu.enqueue_indirect_dma source(%dma_start3A_432 : memref<10000x128xf32, #tpu.memory_space<hbm>>) target(%dma_start3A_424 : memref<32x128xf32, #tpu.memory_space<vmem>>) offsets(%dma_start3A_429 : memref<32xi32, #tpu.memory_space<vmem>>) semaphore(%arg10 : memref<!tpu.dma_semaphore, #tpu.memory_space<semaphore_mem>>)
        %dma_start3A_433 = arith.constant 0 : i32
        %dma_start3A_434 = arith.constant 0 : i32
        %dma_start3A_435 = arith.constant 0 : i32
        %dma_start3A_436 = tpu.memref_slice %arg7[%dma_start3A_433, %dma_start3A_434, %dma_start3A_435] : memref<2x125x128xf32, #tpu.memory_space<vmem>> -> memref<1x125x128xf32, #tpu.memory_space<vmem>>
        %dma_start3A_437 = tpu.memref_squeeze %dma_start3A_436 : memref<1x125x128xf32, #tpu.memory_space<vmem>> -> memref<125x128xf32, #tpu.memory_space<vmem>>
        %dma_start3A_438 = arith.constant 64 : i32
        %dma_start3A_439 = arith.constant 0 : i32
        %dma_start3A_440 = tpu.memref_slice %dma_start3A_437[%dma_start3A_438, %dma_start3A_439] : memref<125x128xf32, #tpu.memory_space<vmem>> -> memref<32x128xf32, #tpu.memory_space<vmem>>
        %dma_start3A_441 = arith.constant 0 : i32
        %dma_start3A_442 = tpu.memref_slice %arg5[%add3A_400, %dma_start3A_441] : memref<40x125xi32, #tpu.memory_space<vmem>> -> memref<1x125xi32, #tpu.memory_space<vmem>>
        %dma_start3A_443 = tpu.memref_squeeze %dma_start3A_442 : memref<1x125xi32, #tpu.memory_space<vmem>> -> memref<125xi32, #tpu.memory_space<vmem>>
        %dma_start3A_444 = arith.constant 64 : i32
        %dma_start3A_445 = tpu.memref_slice %dma_start3A_443[%dma_start3A_444] : memref<125xi32, #tpu.memory_space<vmem>> -> memref<32xi32, #tpu.memory_space<vmem>>
        %dma_start3A_446 = arith.constant 0 : i32
        %dma_start3A_447 = arith.constant 0 : i32
        %dma_start3A_448 = tpu.memref_slice %arg2[%dma_start3A_446, %dma_start3A_447] : memref<10000x128xf32, #tpu.memory_space<hbm>> -> memref<10000x128xf32, #tpu.memory_space<hbm>>
        tpu.enqueue_indirect_dma source(%dma_start3A_448 : memref<10000x128xf32, #tpu.memory_space<hbm>>) target(%dma_start3A_440 : memref<32x128xf32, #tpu.memory_space<vmem>>) offsets(%dma_start3A_445 : memref<32xi32, #tpu.memory_space<vmem>>) semaphore(%arg11 : memref<!tpu.dma_semaphore, #tpu.memory_space<semaphore_mem>>)
        %dma_start3A_449 = arith.constant 0 : i32
        %dma_start3A_450 = arith.constant 0 : i32
        %dma_start3A_451 = arith.constant 0 : i32
        %dma_start3A_452 = tpu.memref_slice %arg7[%dma_start3A_449, %dma_start3A_450, %dma_start3A_451] : memref<2x125x128xf32, #tpu.memory_space<vmem>> -> memref<1x125x128xf32, #tpu.memory_space<vmem>>
        %dma_start3A_453 = tpu.memref_squeeze %dma_start3A_452 : memref<1x125x128xf32, #tpu.memory_space<vmem>> -> memref<125x128xf32, #tpu.memory_space<vmem>>
        %dma_start3A_454 = arith.constant 96 : i32
        %dma_start3A_455 = arith.constant 0 : i32
        %dma_start3A_456 = tpu.memref_slice %dma_start3A_453[%dma_start3A_454, %dma_start3A_455] : memref<125x128xf32, #tpu.memory_space<vmem>> -> memref<29x128xf32, #tpu.memory_space<vmem>>
        %dma_start3A_457 = arith.constant 0 : i32
        %dma_start3A_458 = tpu.memref_slice %arg5[%add3A_400, %dma_start3A_457] : memref<40x125xi32, #tpu.memory_space<vmem>> -> memref<1x125xi32, #tpu.memory_space<vmem>>
        %dma_start3A_459 = tpu.memref_squeeze %dma_start3A_458 : memref<1x125xi32, #tpu.memory_space<vmem>> -> memref<125xi32, #tpu.memory_space<vmem>>
        %dma_start3A_460 = arith.constant 96 : i32
        %dma_start3A_461 = tpu.memref_slice %dma_start3A_459[%dma_start3A_460] : memref<125xi32, #tpu.memory_space<vmem>> -> memref<29xi32, #tpu.memory_space<vmem>>
        %dma_start3A_462 = arith.constant 0 : i32
        %dma_start3A_463 = arith.constant 0 : i32
        %dma_start3A_464 = tpu.memref_slice %arg2[%dma_start3A_462, %dma_start3A_463] : memref<10000x128xf32, #tpu.memory_space<hbm>> -> memref<10000x128xf32, #tpu.memory_space<hbm>>
        tpu.enqueue_indirect_dma source(%dma_start3A_464 : memref<10000x128xf32, #tpu.memory_space<hbm>>) target(%dma_start3A_456 : memref<29x128xf32, #tpu.memory_space<vmem>>) offsets(%dma_start3A_461 : memref<29xi32, #tpu.memory_space<vmem>>) semaphore(%arg12 : memref<!tpu.dma_semaphore, #tpu.memory_space<semaphore_mem>>)
      } else {
      }
      %add3A_396 = arith.constant 1 : i32
      %add3A_397 = arith.addi %mul3A_194, %add3A_396 : i32
      %run_scoped3A_398 = arith.constant 1 : i32
      "tpu.region"() ({
        %run_scoped3A_399 = tpu.sem_alloc : memref<!tpu.dma_semaphore, #tpu.memory_space<semaphore_mem>>
        %dma_start3A_400 = arith.constant 0 : i32
        %dma_start3A_401 = arith.constant 0 : i32
        %dma_start3A_402 = tpu.memref_slice %arg7[%run_scoped3A_398, %dma_start3A_400, %dma_start3A_401] : memref<2x125x128xf32, #tpu.memory_space<vmem>> -> memref<1x125x128xf32, #tpu.memory_space<vmem>>
        %dma_start3A_403 = tpu.memref_squeeze %dma_start3A_402 : memref<1x125x128xf32, #tpu.memory_space<vmem>> -> memref<125x128xf32, #tpu.memory_space<vmem>>
        %dma_start3A_404 = arith.constant 0 : i32
        %dma_start3A_405 = tpu.memref_slice %arg6[%add3A_397, %dma_start3A_404] : memref<40x125xi32, #tpu.memory_space<vmem>> -> memref<1x125xi32, #tpu.memory_space<vmem>>
        %dma_start3A_406 = tpu.memref_squeeze %dma_start3A_405 : memref<1x125xi32, #tpu.memory_space<vmem>> -> memref<125xi32, #tpu.memory_space<vmem>>
        %dma_start3A_407 = arith.constant 0 : i32
        %dma_start3A_408 = arith.constant 0 : i32
        %dma_start3A_409 = tpu.memref_slice %arg8[%dma_start3A_407, %dma_start3A_408] : memref<10000x128xf32, #tpu.memory_space<vmem_shared>> -> memref<10000x128xf32, #tpu.memory_space<vmem_shared>>
        tpu.enqueue_indirect_dma source(%dma_start3A_403 : memref<125x128xf32, #tpu.memory_space<vmem>>) target(%dma_start3A_409 : memref<10000x128xf32, #tpu.memory_space<vmem_shared>>) offsets(%dma_start3A_406 : memref<125xi32, #tpu.memory_space<vmem>>) semaphore(%run_scoped3A_399 : memref<!tpu.dma_semaphore, #tpu.memory_space<semaphore_mem>>) {add = true}
        %dma_wait3A_410 = arith.constant 0 : i32
        %dma_wait3A_411 = arith.constant 0 : i32
        %dma_wait3A_412 = tpu.memref_slice %arg7[%run_scoped3A_398, %dma_wait3A_410, %dma_wait3A_411] : memref<2x125x128xf32, #tpu.memory_space<vmem>> -> memref<1x125x128xf32, #tpu.memory_space<vmem>>
        %dma_wait3A_413 = tpu.memref_squeeze %dma_wait3A_412 : memref<1x125x128xf32, #tpu.memory_space<vmem>> -> memref<125x128xf32, #tpu.memory_space<vmem>>
        %dma_wait3A_414 = arith.constant 0 : i32
        %dma_wait3A_415 = tpu.memref_slice %arg6[%add3A_397, %dma_wait3A_414] : memref<40x125xi32, #tpu.memory_space<vmem>> -> memref<1x125xi32, #tpu.memory_space<vmem>>
        %dma_wait3A_416 = tpu.memref_squeeze %dma_wait3A_415 : memref<1x125xi32, #tpu.memory_space<vmem>> -> memref<125xi32, #tpu.memory_space<vmem>>
        %dma_wait3A_417 = arith.constant 0 : i32
        %dma_wait3A_418 = arith.constant 0 : i32
        %dma_wait3A_419 = tpu.memref_slice %arg8[%dma_wait3A_417, %dma_wait3A_418] : memref<10000x128xf32, #tpu.memory_space<vmem_shared>> -> memref<10000x128xf32, #tpu.memory_space<vmem_shared>>
        tpu.wait_indirect_dma semaphore(%run_scoped3A_399 : memref<!tpu.dma_semaphore, #tpu.memory_space<semaphore_mem>>) src(%dma_wait3A_413 : memref<125x128xf32, #tpu.memory_space<vmem>>) dst(%dma_wait3A_419 : memref<10000x128xf32, #tpu.memory_space<vmem_shared>>)
        tpu.yield
      }) : () -> ()
    }
    %scan3A_108 = arith.constant 20 : i32
    %mul3A_109 = arith.constant 80 : i32
    %mul3A_110 = arith.muli %add3A, %mul3A_109 : i32
    %add3A_111 = arith.constant 40 : i32
    %add3A_112 = arith.addi %mul3A_110, %add3A_111 : i32
    %run_scoped3A_113 = arith.constant 0 : i32
    "tpu.region"() ({
      %run_scoped3A_192 = tpu.sem_alloc : memref<!tpu.dma_semaphore, #tpu.memory_space<semaphore_mem>>
      %dma_start3A_193 = arith.constant 0 : i32
      %dma_start3A_194 = arith.constant 0 : i32
      %dma_start3A_195 = tpu.memref_slice %arg3[%run_scoped3A_113, %dma_start3A_193, %dma_start3A_194] : memref<2x2560x125xi32, #tpu.memory_space<hbm>> -> memref<1x2560x125xi32, #tpu.memory_space<hbm>>
      %dma_start3A_196 = tpu.memref_squeeze %dma_start3A_195 : memref<1x2560x125xi32, #tpu.memory_space<hbm>> -> memref<2560x125xi32, #tpu.memory_space<hbm>>
      %dma_start3A_197 = arith.constant 0 : i32
      %dma_start3A_198 = tpu.memref_slice %dma_start3A_196[%add3A_112, %dma_start3A_197] : memref<2560x125xi32, #tpu.memory_space<hbm>> -> memref<40x125xi32, #tpu.memory_space<hbm>>
      %dma_start3A_199 = arith.constant 0 : i32
      %dma_start3A_200 = arith.constant 0 : i32
      %dma_start3A_201 = tpu.memref_slice %arg3[%run_scoped3A_113, %dma_start3A_199, %dma_start3A_200] : memref<2x2560x125xi32, #tpu.memory_space<hbm>> -> memref<1x2560x125xi32, #tpu.memory_space<hbm>>
      %dma_start3A_202 = tpu.memref_squeeze %dma_start3A_201 : memref<1x2560x125xi32, #tpu.memory_space<hbm>> -> memref<2560x125xi32, #tpu.memory_space<hbm>>
      %dma_start3A_203 = arith.constant 0 : i32
      %dma_start3A_204 = tpu.memref_slice %dma_start3A_202[%add3A_112, %dma_start3A_203] : memref<2560x125xi32, #tpu.memory_space<hbm>> -> memref<40x125xi32, #tpu.memory_space<hbm>>
      tpu.enqueue_dma source(%dma_start3A_204 : memref<40x125xi32, #tpu.memory_space<hbm>>) target(%arg5 : memref<40x125xi32, #tpu.memory_space<vmem>>) target_semaphore(%run_scoped3A_192 : memref<!tpu.dma_semaphore, #tpu.memory_space<semaphore_mem>>)
      %dma_wait3A = arith.constant 0 : i32
      %dma_wait3A_205 = arith.constant 0 : i32
      %dma_wait3A_206 = tpu.memref_slice %arg3[%run_scoped3A_113, %dma_wait3A, %dma_wait3A_205] : memref<2x2560x125xi32, #tpu.memory_space<hbm>> -> memref<1x2560x125xi32, #tpu.memory_space<hbm>>
      %dma_wait3A_207 = tpu.memref_squeeze %dma_wait3A_206 : memref<1x2560x125xi32, #tpu.memory_space<hbm>> -> memref<2560x125xi32, #tpu.memory_space<hbm>>
      %dma_wait3A_208 = arith.constant 0 : i32
      %dma_wait3A_209 = tpu.memref_slice %dma_wait3A_207[%add3A_112, %dma_wait3A_208] : memref<2560x125xi32, #tpu.memory_space<hbm>> -> memref<40x125xi32, #tpu.memory_space<hbm>>
      %dma_wait3A_210 = arith.constant 0 : i32
      %dma_wait3A_211 = arith.constant 0 : i32
      %dma_wait3A_212 = tpu.memref_slice %arg3[%run_scoped3A_113, %dma_wait3A_210, %dma_wait3A_211] : memref<2x2560x125xi32, #tpu.memory_space<hbm>> -> memref<1x2560x125xi32, #tpu.memory_space<hbm>>
      %dma_wait3A_213 = tpu.memref_squeeze %dma_wait3A_212 : memref<1x2560x125xi32, #tpu.memory_space<hbm>> -> memref<2560x125xi32, #tpu.memory_space<hbm>>
      %dma_wait3A_214 = arith.constant 0 : i32
      %dma_wait3A_215 = tpu.memref_slice %dma_wait3A_213[%add3A_112, %dma_wait3A_214] : memref<2560x125xi32, #tpu.memory_space<hbm>> -> memref<40x125xi32, #tpu.memory_space<hbm>>
      tpu.wait_dma2 semaphore(%run_scoped3A_192 : memref<!tpu.dma_semaphore, #tpu.memory_space<semaphore_mem>>) src(%dma_wait3A_215 : memref<40x125xi32, #tpu.memory_space<hbm>>) dst(%arg5 : memref<40x125xi32, #tpu.memory_space<vmem>>)
      tpu.yield
    }) : () -> ()
    %run_scoped3A_114 = arith.constant 1 : i32
    "tpu.region"() ({
      %run_scoped3A_192 = tpu.sem_alloc : memref<!tpu.dma_semaphore, #tpu.memory_space<semaphore_mem>>
      %dma_start3A_193 = arith.constant 0 : i32
      %dma_start3A_194 = arith.constant 0 : i32
      %dma_start3A_195 = tpu.memref_slice %arg3[%run_scoped3A_114, %dma_start3A_193, %dma_start3A_194] : memref<2x2560x125xi32, #tpu.memory_space<hbm>> -> memref<1x2560x125xi32, #tpu.memory_space<hbm>>
      %dma_start3A_196 = tpu.memref_squeeze %dma_start3A_195 : memref<1x2560x125xi32, #tpu.memory_space<hbm>> -> memref<2560x125xi32, #tpu.memory_space<hbm>>
      %dma_start3A_197 = arith.constant 0 : i32
      %dma_start3A_198 = tpu.memref_slice %dma_start3A_196[%add3A_112, %dma_start3A_197] : memref<2560x125xi32, #tpu.memory_space<hbm>> -> memref<40x125xi32, #tpu.memory_space<hbm>>
      %dma_start3A_199 = arith.constant 0 : i32
      %dma_start3A_200 = arith.constant 0 : i32
      %dma_start3A_201 = tpu.memref_slice %arg3[%run_scoped3A_114, %dma_start3A_199, %dma_start3A_200] : memref<2x2560x125xi32, #tpu.memory_space<hbm>> -> memref<1x2560x125xi32, #tpu.memory_space<hbm>>
      %dma_start3A_202 = tpu.memref_squeeze %dma_start3A_201 : memref<1x2560x125xi32, #tpu.memory_space<hbm>> -> memref<2560x125xi32, #tpu.memory_space<hbm>>
      %dma_start3A_203 = arith.constant 0 : i32
      %dma_start3A_204 = tpu.memref_slice %dma_start3A_202[%add3A_112, %dma_start3A_203] : memref<2560x125xi32, #tpu.memory_space<hbm>> -> memref<40x125xi32, #tpu.memory_space<hbm>>
      tpu.enqueue_dma source(%dma_start3A_204 : memref<40x125xi32, #tpu.memory_space<hbm>>) target(%arg6 : memref<40x125xi32, #tpu.memory_space<vmem>>) target_semaphore(%run_scoped3A_192 : memref<!tpu.dma_semaphore, #tpu.memory_space<semaphore_mem>>)
      %dma_wait3A = arith.constant 0 : i32
      %dma_wait3A_205 = arith.constant 0 : i32
      %dma_wait3A_206 = tpu.memref_slice %arg3[%run_scoped3A_114, %dma_wait3A, %dma_wait3A_205] : memref<2x2560x125xi32, #tpu.memory_space<hbm>> -> memref<1x2560x125xi32, #tpu.memory_space<hbm>>
      %dma_wait3A_207 = tpu.memref_squeeze %dma_wait3A_206 : memref<1x2560x125xi32, #tpu.memory_space<hbm>> -> memref<2560x125xi32, #tpu.memory_space<hbm>>
      %dma_wait3A_208 = arith.constant 0 : i32
      %dma_wait3A_209 = tpu.memref_slice %dma_wait3A_207[%add3A_112, %dma_wait3A_208] : memref<2560x125xi32, #tpu.memory_space<hbm>> -> memref<40x125xi32, #tpu.memory_space<hbm>>
      %dma_wait3A_210 = arith.constant 0 : i32
      %dma_wait3A_211 = arith.constant 0 : i32
      %dma_wait3A_212 = tpu.memref_slice %arg3[%run_scoped3A_114, %dma_wait3A_210, %dma_wait3A_211] : memref<2x2560x125xi32, #tpu.memory_space<hbm>> -> memref<1x2560x125xi32, #tpu.memory_space<hbm>>
      %dma_wait3A_213 = tpu.memref_squeeze %dma_wait3A_212 : memref<1x2560x125xi32, #tpu.memory_space<hbm>> -> memref<2560x125xi32, #tpu.memory_space<hbm>>
      %dma_wait3A_214 = arith.constant 0 : i32
      %dma_wait3A_215 = tpu.memref_slice %dma_wait3A_213[%add3A_112, %dma_wait3A_214] : memref<2560x125xi32, #tpu.memory_space<hbm>> -> memref<40x125xi32, #tpu.memory_space<hbm>>
      tpu.wait_dma2 semaphore(%run_scoped3A_192 : memref<!tpu.dma_semaphore, #tpu.memory_space<semaphore_mem>>) src(%dma_wait3A_215 : memref<40x125xi32, #tpu.memory_space<hbm>>) dst(%arg6 : memref<40x125xi32, #tpu.memory_space<vmem>>)
      tpu.yield
    }) : () -> ()
    %dma_start3A_115 = arith.constant 0 : i32
    %dma_start3A_116 = arith.constant 0 : i32
    %dma_start3A_117 = arith.constant 0 : i32
    %dma_start3A_118 = arith.constant 0 : i32
    %dma_start3A_119 = tpu.memref_slice %arg7[%dma_start3A_116, %dma_start3A_117, %dma_start3A_118] : memref<2x125x128xf32, #tpu.memory_space<vmem>> -> memref<1x125x128xf32, #tpu.memory_space<vmem>>
    %dma_start3A_120 = tpu.memref_squeeze %dma_start3A_119 : memref<1x125x128xf32, #tpu.memory_space<vmem>> -> memref<125x128xf32, #tpu.memory_space<vmem>>
    %dma_start3A_121 = arith.constant 0 : i32
    %dma_start3A_122 = arith.constant 0 : i32
    %dma_start3A_123 = tpu.memref_slice %dma_start3A_120[%dma_start3A_121, %dma_start3A_122] : memref<125x128xf32, #tpu.memory_space<vmem>> -> memref<32x128xf32, #tpu.memory_space<vmem>>
    %dma_start3A_124 = arith.constant 0 : i32
    %dma_start3A_125 = tpu.memref_slice %arg5[%dma_start3A_115, %dma_start3A_124] : memref<40x125xi32, #tpu.memory_space<vmem>> -> memref<1x125xi32, #tpu.memory_space<vmem>>
    %dma_start3A_126 = tpu.memref_squeeze %dma_start3A_125 : memref<1x125xi32, #tpu.memory_space<vmem>> -> memref<125xi32, #tpu.memory_space<vmem>>
    %dma_start3A_127 = arith.constant 0 : i32
    %dma_start3A_128 = tpu.memref_slice %dma_start3A_126[%dma_start3A_127] : memref<125xi32, #tpu.memory_space<vmem>> -> memref<32xi32, #tpu.memory_space<vmem>>
    %dma_start3A_129 = arith.constant 0 : i32
    %dma_start3A_130 = arith.constant 0 : i32
    %dma_start3A_131 = tpu.memref_slice %arg2[%dma_start3A_129, %dma_start3A_130] : memref<10000x128xf32, #tpu.memory_space<hbm>> -> memref<10000x128xf32, #tpu.memory_space<hbm>>
    tpu.enqueue_indirect_dma source(%dma_start3A_131 : memref<10000x128xf32, #tpu.memory_space<hbm>>) target(%dma_start3A_123 : memref<32x128xf32, #tpu.memory_space<vmem>>) offsets(%dma_start3A_128 : memref<32xi32, #tpu.memory_space<vmem>>) semaphore(%arg9 : memref<!tpu.dma_semaphore, #tpu.memory_space<semaphore_mem>>)
    %dma_start3A_132 = arith.constant 0 : i32
    %dma_start3A_133 = arith.constant 0 : i32
    %dma_start3A_134 = arith.constant 0 : i32
    %dma_start3A_135 = arith.constant 0 : i32
    %dma_start3A_136 = tpu.memref_slice %arg7[%dma_start3A_133, %dma_start3A_134, %dma_start3A_135] : memref<2x125x128xf32, #tpu.memory_space<vmem>> -> memref<1x125x128xf32, #tpu.memory_space<vmem>>
    %dma_start3A_137 = tpu.memref_squeeze %dma_start3A_136 : memref<1x125x128xf32, #tpu.memory_space<vmem>> -> memref<125x128xf32, #tpu.memory_space<vmem>>
    %dma_start3A_138 = arith.constant 32 : i32
    %dma_start3A_139 = arith.constant 0 : i32
    %dma_start3A_140 = tpu.memref_slice %dma_start3A_137[%dma_start3A_138, %dma_start3A_139] : memref<125x128xf32, #tpu.memory_space<vmem>> -> memref<32x128xf32, #tpu.memory_space<vmem>>
    %dma_start3A_141 = arith.constant 0 : i32
    %dma_start3A_142 = tpu.memref_slice %arg5[%dma_start3A_132, %dma_start3A_141] : memref<40x125xi32, #tpu.memory_space<vmem>> -> memref<1x125xi32, #tpu.memory_space<vmem>>
    %dma_start3A_143 = tpu.memref_squeeze %dma_start3A_142 : memref<1x125xi32, #tpu.memory_space<vmem>> -> memref<125xi32, #tpu.memory_space<vmem>>
    %dma_start3A_144 = arith.constant 32 : i32
    %dma_start3A_145 = tpu.memref_slice %dma_start3A_143[%dma_start3A_144] : memref<125xi32, #tpu.memory_space<vmem>> -> memref<32xi32, #tpu.memory_space<vmem>>
    %dma_start3A_146 = arith.constant 0 : i32
    %dma_start3A_147 = arith.constant 0 : i32
    %dma_start3A_148 = tpu.memref_slice %arg2[%dma_start3A_146, %dma_start3A_147] : memref<10000x128xf32, #tpu.memory_space<hbm>> -> memref<10000x128xf32, #tpu.memory_space<hbm>>
    tpu.enqueue_indirect_dma source(%dma_start3A_148 : memref<10000x128xf32, #tpu.memory_space<hbm>>) target(%dma_start3A_140 : memref<32x128xf32, #tpu.memory_space<vmem>>) offsets(%dma_start3A_145 : memref<32xi32, #tpu.memory_space<vmem>>) semaphore(%arg10 : memref<!tpu.dma_semaphore, #tpu.memory_space<semaphore_mem>>)
    %dma_start3A_149 = arith.constant 0 : i32
    %dma_start3A_150 = arith.constant 0 : i32
    %dma_start3A_151 = arith.constant 0 : i32
    %dma_start3A_152 = arith.constant 0 : i32
    %dma_start3A_153 = tpu.memref_slice %arg7[%dma_start3A_150, %dma_start3A_151, %dma_start3A_152] : memref<2x125x128xf32, #tpu.memory_space<vmem>> -> memref<1x125x128xf32, #tpu.memory_space<vmem>>
    %dma_start3A_154 = tpu.memref_squeeze %dma_start3A_153 : memref<1x125x128xf32, #tpu.memory_space<vmem>> -> memref<125x128xf32, #tpu.memory_space<vmem>>
    %dma_start3A_155 = arith.constant 64 : i32
    %dma_start3A_156 = arith.constant 0 : i32
    %dma_start3A_157 = tpu.memref_slice %dma_start3A_154[%dma_start3A_155, %dma_start3A_156] : memref<125x128xf32, #tpu.memory_space<vmem>> -> memref<32x128xf32, #tpu.memory_space<vmem>>
    %dma_start3A_158 = arith.constant 0 : i32
    %dma_start3A_159 = tpu.memref_slice %arg5[%dma_start3A_149, %dma_start3A_158] : memref<40x125xi32, #tpu.memory_space<vmem>> -> memref<1x125xi32, #tpu.memory_space<vmem>>
    %dma_start3A_160 = tpu.memref_squeeze %dma_start3A_159 : memref<1x125xi32, #tpu.memory_space<vmem>> -> memref<125xi32, #tpu.memory_space<vmem>>
    %dma_start3A_161 = arith.constant 64 : i32
    %dma_start3A_162 = tpu.memref_slice %dma_start3A_160[%dma_start3A_161] : memref<125xi32, #tpu.memory_space<vmem>> -> memref<32xi32, #tpu.memory_space<vmem>>
    %dma_start3A_163 = arith.constant 0 : i32
    %dma_start3A_164 = arith.constant 0 : i32
    %dma_start3A_165 = tpu.memref_slice %arg2[%dma_start3A_163, %dma_start3A_164] : memref<10000x128xf32, #tpu.memory_space<hbm>> -> memref<10000x128xf32, #tpu.memory_space<hbm>>
    tpu.enqueue_indirect_dma source(%dma_start3A_165 : memref<10000x128xf32, #tpu.memory_space<hbm>>) target(%dma_start3A_157 : memref<32x128xf32, #tpu.memory_space<vmem>>) offsets(%dma_start3A_162 : memref<32xi32, #tpu.memory_space<vmem>>) semaphore(%arg11 : memref<!tpu.dma_semaphore, #tpu.memory_space<semaphore_mem>>)
    %dma_start3A_166 = arith.constant 0 : i32
    %dma_start3A_167 = arith.constant 0 : i32
    %dma_start3A_168 = arith.constant 0 : i32
    %dma_start3A_169 = arith.constant 0 : i32
    %dma_start3A_170 = tpu.memref_slice %arg7[%dma_start3A_167, %dma_start3A_168, %dma_start3A_169] : memref<2x125x128xf32, #tpu.memory_space<vmem>> -> memref<1x125x128xf32, #tpu.memory_space<vmem>>
    %dma_start3A_171 = tpu.memref_squeeze %dma_start3A_170 : memref<1x125x128xf32, #tpu.memory_space<vmem>> -> memref<125x128xf32, #tpu.memory_space<vmem>>
    %dma_start3A_172 = arith.constant 96 : i32
    %dma_start3A_173 = arith.constant 0 : i32
    %dma_start3A_174 = tpu.memref_slice %dma_start3A_171[%dma_start3A_172, %dma_start3A_173] : memref<125x128xf32, #tpu.memory_space<vmem>> -> memref<29x128xf32, #tpu.memory_space<vmem>>
    %dma_start3A_175 = arith.constant 0 : i32
    %dma_start3A_176 = tpu.memref_slice %arg5[%dma_start3A_166, %dma_start3A_175] : memref<40x125xi32, #tpu.memory_space<vmem>> -> memref<1x125xi32, #tpu.memory_space<vmem>>
    %dma_start3A_177 = tpu.memref_squeeze %dma_start3A_176 : memref<1x125xi32, #tpu.memory_space<vmem>> -> memref<125xi32, #tpu.memory_space<vmem>>
    %dma_start3A_178 = arith.constant 96 : i32
    %dma_start3A_179 = tpu.memref_slice %dma_start3A_177[%dma_start3A_178] : memref<125xi32, #tpu.memory_space<vmem>> -> memref<29xi32, #tpu.memory_space<vmem>>
    %dma_start3A_180 = arith.constant 0 : i32
    %dma_start3A_181 = arith.constant 0 : i32
    %dma_start3A_182 = tpu.memref_slice %arg2[%dma_start3A_180, %dma_start3A_181] : memref<10000x128xf32, #tpu.memory_space<hbm>> -> memref<10000x128xf32, #tpu.memory_space<hbm>>
    tpu.enqueue_indirect_dma source(%dma_start3A_182 : memref<10000x128xf32, #tpu.memory_space<hbm>>) target(%dma_start3A_174 : memref<29x128xf32, #tpu.memory_space<vmem>>) offsets(%dma_start3A_179 : memref<29xi32, #tpu.memory_space<vmem>>) semaphore(%arg12 : memref<!tpu.dma_semaphore, #tpu.memory_space<semaphore_mem>>)
    %scan3A_183 = arith.constant 0 : i32
    %scan3A_184 = arith.constant 0 : i32
    %scan3A_185 = arith.constant 20 : i32
    %scan3A_186 = arith.addi %scan3A_184, %scan3A_185 : i32
    %scan3A_187 = arith.constant 1 : i32
    scf.for %scan3A_192 = %scan3A_184 to %scan3A_186 step %scan3A_187  : i32 {
      %mul3A_193 = arith.constant 2 : i32
      %mul3A_194 = arith.muli %mul3A_193, %scan3A_192 : i32
      %dma_wait3A = arith.constant 0 : i32
      %dma_wait3A_195 = arith.constant 0 : i32
      %dma_wait3A_196 = arith.constant 0 : i32
      %dma_wait3A_197 = tpu.memref_slice %arg7[%dma_wait3A, %dma_wait3A_195, %dma_wait3A_196] : memref<2x125x128xf32, #tpu.memory_space<vmem>> -> memref<1x125x128xf32, #tpu.memory_space<vmem>>
      %dma_wait3A_198 = tpu.memref_squeeze %dma_wait3A_197 : memref<1x125x128xf32, #tpu.memory_space<vmem>> -> memref<125x128xf32, #tpu.memory_space<vmem>>
      %dma_wait3A_199 = arith.constant 0 : i32
      %dma_wait3A_200 = arith.constant 0 : i32
      %dma_wait3A_201 = tpu.memref_slice %dma_wait3A_198[%dma_wait3A_199, %dma_wait3A_200] : memref<125x128xf32, #tpu.memory_space<vmem>> -> memref<32x128xf32, #tpu.memory_space<vmem>>
      %dma_wait3A_202 = arith.constant 0 : i32
      %dma_wait3A_203 = tpu.memref_slice %arg5[%mul3A_194, %dma_wait3A_202] : memref<40x125xi32, #tpu.memory_space<vmem>> -> memref<1x125xi32, #tpu.memory_space<vmem>>
      %dma_wait3A_204 = tpu.memref_squeeze %dma_wait3A_203 : memref<1x125xi32, #tpu.memory_space<vmem>> -> memref<125xi32, #tpu.memory_space<vmem>>
      %dma_wait3A_205 = arith.constant 0 : i32
      %dma_wait3A_206 = tpu.memref_slice %dma_wait3A_204[%dma_wait3A_205] : memref<125xi32, #tpu.memory_space<vmem>> -> memref<32xi32, #tpu.memory_space<vmem>>
      %dma_wait3A_207 = arith.constant 0 : i32
      %dma_wait3A_208 = arith.constant 0 : i32
      %dma_wait3A_209 = tpu.memref_slice %arg2[%dma_wait3A_207, %dma_wait3A_208] : memref<10000x128xf32, #tpu.memory_space<hbm>> -> memref<10000x128xf32, #tpu.memory_space<hbm>>
      tpu.wait_indirect_dma semaphore(%arg9 : memref<!tpu.dma_semaphore, #tpu.memory_space<semaphore_mem>>) src(%dma_wait3A_209 : memref<10000x128xf32, #tpu.memory_space<hbm>>) dst(%dma_wait3A_201 : memref<32x128xf32, #tpu.memory_space<vmem>>)
      %dma_wait3A_210 = arith.constant 0 : i32
      %dma_wait3A_211 = arith.constant 0 : i32
      %dma_wait3A_212 = arith.constant 0 : i32
      %dma_wait3A_213 = tpu.memref_slice %arg7[%dma_wait3A_210, %dma_wait3A_211, %dma_wait3A_212] : memref<2x125x128xf32, #tpu.memory_space<vmem>> -> memref<1x125x128xf32, #tpu.memory_space<vmem>>
      %dma_wait3A_214 = tpu.memref_squeeze %dma_wait3A_213 : memref<1x125x128xf32, #tpu.memory_space<vmem>> -> memref<125x128xf32, #tpu.memory_space<vmem>>
      %dma_wait3A_215 = arith.constant 32 : i32
      %dma_wait3A_216 = arith.constant 0 : i32
      %dma_wait3A_217 = tpu.memref_slice %dma_wait3A_214[%dma_wait3A_215, %dma_wait3A_216] : memref<125x128xf32, #tpu.memory_space<vmem>> -> memref<32x128xf32, #tpu.memory_space<vmem>>
      %dma_wait3A_218 = arith.constant 0 : i32
      %dma_wait3A_219 = tpu.memref_slice %arg5[%mul3A_194, %dma_wait3A_218] : memref<40x125xi32, #tpu.memory_space<vmem>> -> memref<1x125xi32, #tpu.memory_space<vmem>>
      %dma_wait3A_220 = tpu.memref_squeeze %dma_wait3A_219 : memref<1x125xi32, #tpu.memory_space<vmem>> -> memref<125xi32, #tpu.memory_space<vmem>>
      %dma_wait3A_221 = arith.constant 32 : i32
      %dma_wait3A_222 = tpu.memref_slice %dma_wait3A_220[%dma_wait3A_221] : memref<125xi32, #tpu.memory_space<vmem>> -> memref<32xi32, #tpu.memory_space<vmem>>
      %dma_wait3A_223 = arith.constant 0 : i32
      %dma_wait3A_224 = arith.constant 0 : i32
      %dma_wait3A_225 = tpu.memref_slice %arg2[%dma_wait3A_223, %dma_wait3A_224] : memref<10000x128xf32, #tpu.memory_space<hbm>> -> memref<10000x128xf32, #tpu.memory_space<hbm>>
      tpu.wait_indirect_dma semaphore(%arg10 : memref<!tpu.dma_semaphore, #tpu.memory_space<semaphore_mem>>) src(%dma_wait3A_225 : memref<10000x128xf32, #tpu.memory_space<hbm>>) dst(%dma_wait3A_217 : memref<32x128xf32, #tpu.memory_space<vmem>>)
      %dma_wait3A_226 = arith.constant 0 : i32
      %dma_wait3A_227 = arith.constant 0 : i32
      %dma_wait3A_228 = arith.constant 0 : i32
      %dma_wait3A_229 = tpu.memref_slice %arg7[%dma_wait3A_226, %dma_wait3A_227, %dma_wait3A_228] : memref<2x125x128xf32, #tpu.memory_space<vmem>> -> memref<1x125x128xf32, #tpu.memory_space<vmem>>
      %dma_wait3A_230 = tpu.memref_squeeze %dma_wait3A_229 : memref<1x125x128xf32, #tpu.memory_space<vmem>> -> memref<125x128xf32, #tpu.memory_space<vmem>>
      %dma_wait3A_231 = arith.constant 64 : i32
      %dma_wait3A_232 = arith.constant 0 : i32
      %dma_wait3A_233 = tpu.memref_slice %dma_wait3A_230[%dma_wait3A_231, %dma_wait3A_232] : memref<125x128xf32, #tpu.memory_space<vmem>> -> memref<32x128xf32, #tpu.memory_space<vmem>>
      %dma_wait3A_234 = arith.constant 0 : i32
      %dma_wait3A_235 = tpu.memref_slice %arg5[%mul3A_194, %dma_wait3A_234] : memref<40x125xi32, #tpu.memory_space<vmem>> -> memref<1x125xi32, #tpu.memory_space<vmem>>
      %dma_wait3A_236 = tpu.memref_squeeze %dma_wait3A_235 : memref<1x125xi32, #tpu.memory_space<vmem>> -> memref<125xi32, #tpu.memory_space<vmem>>
      %dma_wait3A_237 = arith.constant 64 : i32
      %dma_wait3A_238 = tpu.memref_slice %dma_wait3A_236[%dma_wait3A_237] : memref<125xi32, #tpu.memory_space<vmem>> -> memref<32xi32, #tpu.memory_space<vmem>>
      %dma_wait3A_239 = arith.constant 0 : i32
      %dma_wait3A_240 = arith.constant 0 : i32
      %dma_wait3A_241 = tpu.memref_slice %arg2[%dma_wait3A_239, %dma_wait3A_240] : memref<10000x128xf32, #tpu.memory_space<hbm>> -> memref<10000x128xf32, #tpu.memory_space<hbm>>
      tpu.wait_indirect_dma semaphore(%arg11 : memref<!tpu.dma_semaphore, #tpu.memory_space<semaphore_mem>>) src(%dma_wait3A_241 : memref<10000x128xf32, #tpu.memory_space<hbm>>) dst(%dma_wait3A_233 : memref<32x128xf32, #tpu.memory_space<vmem>>)
      %dma_wait3A_242 = arith.constant 0 : i32
      %dma_wait3A_243 = arith.constant 0 : i32
      %dma_wait3A_244 = arith.constant 0 : i32
      %dma_wait3A_245 = tpu.memref_slice %arg7[%dma_wait3A_242, %dma_wait3A_243, %dma_wait3A_244] : memref<2x125x128xf32, #tpu.memory_space<vmem>> -> memref<1x125x128xf32, #tpu.memory_space<vmem>>
      %dma_wait3A_246 = tpu.memref_squeeze %dma_wait3A_245 : memref<1x125x128xf32, #tpu.memory_space<vmem>> -> memref<125x128xf32, #tpu.memory_space<vmem>>
      %dma_wait3A_247 = arith.constant 96 : i32
      %dma_wait3A_248 = arith.constant 0 : i32
      %dma_wait3A_249 = tpu.memref_slice %dma_wait3A_246[%dma_wait3A_247, %dma_wait3A_248] : memref<125x128xf32, #tpu.memory_space<vmem>> -> memref<29x128xf32, #tpu.memory_space<vmem>>
      %dma_wait3A_250 = arith.constant 0 : i32
      %dma_wait3A_251 = tpu.memref_slice %arg5[%mul3A_194, %dma_wait3A_250] : memref<40x125xi32, #tpu.memory_space<vmem>> -> memref<1x125xi32, #tpu.memory_space<vmem>>
      %dma_wait3A_252 = tpu.memref_squeeze %dma_wait3A_251 : memref<1x125xi32, #tpu.memory_space<vmem>> -> memref<125xi32, #tpu.memory_space<vmem>>
      %dma_wait3A_253 = arith.constant 96 : i32
      %dma_wait3A_254 = tpu.memref_slice %dma_wait3A_252[%dma_wait3A_253] : memref<125xi32, #tpu.memory_space<vmem>> -> memref<29xi32, #tpu.memory_space<vmem>>
      %dma_wait3A_255 = arith.constant 0 : i32
      %dma_wait3A_256 = arith.constant 0 : i32
      %dma_wait3A_257 = tpu.memref_slice %arg2[%dma_wait3A_255, %dma_wait3A_256] : memref<10000x128xf32, #tpu.memory_space<hbm>> -> memref<10000x128xf32, #tpu.memory_space<hbm>>
      tpu.wait_indirect_dma semaphore(%arg12 : memref<!tpu.dma_semaphore, #tpu.memory_space<semaphore_mem>>) src(%dma_wait3A_257 : memref<10000x128xf32, #tpu.memory_space<hbm>>) dst(%dma_wait3A_249 : memref<29x128xf32, #tpu.memory_space<vmem>>)
      %add3A_258 = arith.constant 1 : i32
      %add3A_259 = arith.addi %mul3A_194, %add3A_258 : i32
      %dma_start3A_260 = arith.constant 1 : i32
      %dma_start3A_261 = arith.constant 0 : i32
      %dma_start3A_262 = arith.constant 0 : i32
      %dma_start3A_263 = tpu.memref_slice %arg7[%dma_start3A_260, %dma_start3A_261, %dma_start3A_262] : memref<2x125x128xf32, #tpu.memory_space<vmem>> -> memref<1x125x128xf32, #tpu.memory_space<vmem>>
      %dma_start3A_264 = tpu.memref_squeeze %dma_start3A_263 : memref<1x125x128xf32, #tpu.memory_space<vmem>> -> memref<125x128xf32, #tpu.memory_space<vmem>>
      %dma_start3A_265 = arith.constant 0 : i32
      %dma_start3A_266 = arith.constant 0 : i32
      %dma_start3A_267 = tpu.memref_slice %dma_start3A_264[%dma_start3A_265, %dma_start3A_266] : memref<125x128xf32, #tpu.memory_space<vmem>> -> memref<32x128xf32, #tpu.memory_space<vmem>>
      %dma_start3A_268 = arith.constant 0 : i32
      %dma_start3A_269 = tpu.memref_slice %arg5[%add3A_259, %dma_start3A_268] : memref<40x125xi32, #tpu.memory_space<vmem>> -> memref<1x125xi32, #tpu.memory_space<vmem>>
      %dma_start3A_270 = tpu.memref_squeeze %dma_start3A_269 : memref<1x125xi32, #tpu.memory_space<vmem>> -> memref<125xi32, #tpu.memory_space<vmem>>
      %dma_start3A_271 = arith.constant 0 : i32
      %dma_start3A_272 = tpu.memref_slice %dma_start3A_270[%dma_start3A_271] : memref<125xi32, #tpu.memory_space<vmem>> -> memref<32xi32, #tpu.memory_space<vmem>>
      %dma_start3A_273 = arith.constant 0 : i32
      %dma_start3A_274 = arith.constant 0 : i32
      %dma_start3A_275 = tpu.memref_slice %arg2[%dma_start3A_273, %dma_start3A_274] : memref<10000x128xf32, #tpu.memory_space<hbm>> -> memref<10000x128xf32, #tpu.memory_space<hbm>>
      tpu.enqueue_indirect_dma source(%dma_start3A_275 : memref<10000x128xf32, #tpu.memory_space<hbm>>) target(%dma_start3A_267 : memref<32x128xf32, #tpu.memory_space<vmem>>) offsets(%dma_start3A_272 : memref<32xi32, #tpu.memory_space<vmem>>) semaphore(%arg13 : memref<!tpu.dma_semaphore, #tpu.memory_space<semaphore_mem>>)
      %dma_start3A_276 = arith.constant 1 : i32
      %dma_start3A_277 = arith.constant 0 : i32
      %dma_start3A_278 = arith.constant 0 : i32
      %dma_start3A_279 = tpu.memref_slice %arg7[%dma_start3A_276, %dma_start3A_277, %dma_start3A_278] : memref<2x125x128xf32, #tpu.memory_space<vmem>> -> memref<1x125x128xf32, #tpu.memory_space<vmem>>
      %dma_start3A_280 = tpu.memref_squeeze %dma_start3A_279 : memref<1x125x128xf32, #tpu.memory_space<vmem>> -> memref<125x128xf32, #tpu.memory_space<vmem>>
      %dma_start3A_281 = arith.constant 32 : i32
      %dma_start3A_282 = arith.constant 0 : i32
      %dma_start3A_283 = tpu.memref_slice %dma_start3A_280[%dma_start3A_281, %dma_start3A_282] : memref<125x128xf32, #tpu.memory_space<vmem>> -> memref<32x128xf32, #tpu.memory_space<vmem>>
      %dma_start3A_284 = arith.constant 0 : i32
      %dma_start3A_285 = tpu.memref_slice %arg5[%add3A_259, %dma_start3A_284] : memref<40x125xi32, #tpu.memory_space<vmem>> -> memref<1x125xi32, #tpu.memory_space<vmem>>
      %dma_start3A_286 = tpu.memref_squeeze %dma_start3A_285 : memref<1x125xi32, #tpu.memory_space<vmem>> -> memref<125xi32, #tpu.memory_space<vmem>>
      %dma_start3A_287 = arith.constant 32 : i32
      %dma_start3A_288 = tpu.memref_slice %dma_start3A_286[%dma_start3A_287] : memref<125xi32, #tpu.memory_space<vmem>> -> memref<32xi32, #tpu.memory_space<vmem>>
      %dma_start3A_289 = arith.constant 0 : i32
      %dma_start3A_290 = arith.constant 0 : i32
      %dma_start3A_291 = tpu.memref_slice %arg2[%dma_start3A_289, %dma_start3A_290] : memref<10000x128xf32, #tpu.memory_space<hbm>> -> memref<10000x128xf32, #tpu.memory_space<hbm>>
      tpu.enqueue_indirect_dma source(%dma_start3A_291 : memref<10000x128xf32, #tpu.memory_space<hbm>>) target(%dma_start3A_283 : memref<32x128xf32, #tpu.memory_space<vmem>>) offsets(%dma_start3A_288 : memref<32xi32, #tpu.memory_space<vmem>>) semaphore(%arg14 : memref<!tpu.dma_semaphore, #tpu.memory_space<semaphore_mem>>)
      %dma_start3A_292 = arith.constant 1 : i32
      %dma_start3A_293 = arith.constant 0 : i32
      %dma_start3A_294 = arith.constant 0 : i32
      %dma_start3A_295 = tpu.memref_slice %arg7[%dma_start3A_292, %dma_start3A_293, %dma_start3A_294] : memref<2x125x128xf32, #tpu.memory_space<vmem>> -> memref<1x125x128xf32, #tpu.memory_space<vmem>>
      %dma_start3A_296 = tpu.memref_squeeze %dma_start3A_295 : memref<1x125x128xf32, #tpu.memory_space<vmem>> -> memref<125x128xf32, #tpu.memory_space<vmem>>
      %dma_start3A_297 = arith.constant 64 : i32
      %dma_start3A_298 = arith.constant 0 : i32
      %dma_start3A_299 = tpu.memref_slice %dma_start3A_296[%dma_start3A_297, %dma_start3A_298] : memref<125x128xf32, #tpu.memory_space<vmem>> -> memref<32x128xf32, #tpu.memory_space<vmem>>
      %dma_start3A_300 = arith.constant 0 : i32
      %dma_start3A_301 = tpu.memref_slice %arg5[%add3A_259, %dma_start3A_300] : memref<40x125xi32, #tpu.memory_space<vmem>> -> memref<1x125xi32, #tpu.memory_space<vmem>>
      %dma_start3A_302 = tpu.memref_squeeze %dma_start3A_301 : memref<1x125xi32, #tpu.memory_space<vmem>> -> memref<125xi32, #tpu.memory_space<vmem>>
      %dma_start3A_303 = arith.constant 64 : i32
      %dma_start3A_304 = tpu.memref_slice %dma_start3A_302[%dma_start3A_303] : memref<125xi32, #tpu.memory_space<vmem>> -> memref<32xi32, #tpu.memory_space<vmem>>
      %dma_start3A_305 = arith.constant 0 : i32
      %dma_start3A_306 = arith.constant 0 : i32
      %dma_start3A_307 = tpu.memref_slice %arg2[%dma_start3A_305, %dma_start3A_306] : memref<10000x128xf32, #tpu.memory_space<hbm>> -> memref<10000x128xf32, #tpu.memory_space<hbm>>
      tpu.enqueue_indirect_dma source(%dma_start3A_307 : memref<10000x128xf32, #tpu.memory_space<hbm>>) target(%dma_start3A_299 : memref<32x128xf32, #tpu.memory_space<vmem>>) offsets(%dma_start3A_304 : memref<32xi32, #tpu.memory_space<vmem>>) semaphore(%arg15 : memref<!tpu.dma_semaphore, #tpu.memory_space<semaphore_mem>>)
      %dma_start3A_308 = arith.constant 1 : i32
      %dma_start3A_309 = arith.constant 0 : i32
      %dma_start3A_310 = arith.constant 0 : i32
      %dma_start3A_311 = tpu.memref_slice %arg7[%dma_start3A_308, %dma_start3A_309, %dma_start3A_310] : memref<2x125x128xf32, #tpu.memory_space<vmem>> -> memref<1x125x128xf32, #tpu.memory_space<vmem>>
      %dma_start3A_312 = tpu.memref_squeeze %dma_start3A_311 : memref<1x125x128xf32, #tpu.memory_space<vmem>> -> memref<125x128xf32, #tpu.memory_space<vmem>>
      %dma_start3A_313 = arith.constant 96 : i32
      %dma_start3A_314 = arith.constant 0 : i32
      %dma_start3A_315 = tpu.memref_slice %dma_start3A_312[%dma_start3A_313, %dma_start3A_314] : memref<125x128xf32, #tpu.memory_space<vmem>> -> memref<29x128xf32, #tpu.memory_space<vmem>>
      %dma_start3A_316 = arith.constant 0 : i32
      %dma_start3A_317 = tpu.memref_slice %arg5[%add3A_259, %dma_start3A_316] : memref<40x125xi32, #tpu.memory_space<vmem>> -> memref<1x125xi32, #tpu.memory_space<vmem>>
      %dma_start3A_318 = tpu.memref_squeeze %dma_start3A_317 : memref<1x125xi32, #tpu.memory_space<vmem>> -> memref<125xi32, #tpu.memory_space<vmem>>
      %dma_start3A_319 = arith.constant 96 : i32
      %dma_start3A_320 = tpu.memref_slice %dma_start3A_318[%dma_start3A_319] : memref<125xi32, #tpu.memory_space<vmem>> -> memref<29xi32, #tpu.memory_space<vmem>>
      %dma_start3A_321 = arith.constant 0 : i32
      %dma_start3A_322 = arith.constant 0 : i32
      %dma_start3A_323 = tpu.memref_slice %arg2[%dma_start3A_321, %dma_start3A_322] : memref<10000x128xf32, #tpu.memory_space<hbm>> -> memref<10000x128xf32, #tpu.memory_space<hbm>>
      tpu.enqueue_indirect_dma source(%dma_start3A_323 : memref<10000x128xf32, #tpu.memory_space<hbm>>) target(%dma_start3A_315 : memref<29x128xf32, #tpu.memory_space<vmem>>) offsets(%dma_start3A_320 : memref<29xi32, #tpu.memory_space<vmem>>) semaphore(%arg16 : memref<!tpu.dma_semaphore, #tpu.memory_space<semaphore_mem>>)
      %run_scoped3A_324 = arith.constant 0 : i32
      "tpu.region"() ({
        %run_scoped3A_399 = tpu.sem_alloc : memref<!tpu.dma_semaphore, #tpu.memory_space<semaphore_mem>>
        %dma_start3A_400 = arith.constant 0 : i32
        %dma_start3A_401 = arith.constant 0 : i32
        %dma_start3A_402 = tpu.memref_slice %arg7[%run_scoped3A_324, %dma_start3A_400, %dma_start3A_401] : memref<2x125x128xf32, #tpu.memory_space<vmem>> -> memref<1x125x128xf32, #tpu.memory_space<vmem>>
        %dma_start3A_403 = tpu.memref_squeeze %dma_start3A_402 : memref<1x125x128xf32, #tpu.memory_space<vmem>> -> memref<125x128xf32, #tpu.memory_space<vmem>>
        %dma_start3A_404 = arith.constant 0 : i32
        %dma_start3A_405 = tpu.memref_slice %arg6[%mul3A_194, %dma_start3A_404] : memref<40x125xi32, #tpu.memory_space<vmem>> -> memref<1x125xi32, #tpu.memory_space<vmem>>
        %dma_start3A_406 = tpu.memref_squeeze %dma_start3A_405 : memref<1x125xi32, #tpu.memory_space<vmem>> -> memref<125xi32, #tpu.memory_space<vmem>>
        %dma_start3A_407 = arith.constant 0 : i32
        %dma_start3A_408 = arith.constant 0 : i32
        %dma_start3A_409 = tpu.memref_slice %arg8[%dma_start3A_407, %dma_start3A_408] : memref<10000x128xf32, #tpu.memory_space<vmem_shared>> -> memref<10000x128xf32, #tpu.memory_space<vmem_shared>>
        tpu.enqueue_indirect_dma source(%dma_start3A_403 : memref<125x128xf32, #tpu.memory_space<vmem>>) target(%dma_start3A_409 : memref<10000x128xf32, #tpu.memory_space<vmem_shared>>) offsets(%dma_start3A_406 : memref<125xi32, #tpu.memory_space<vmem>>) semaphore(%run_scoped3A_399 : memref<!tpu.dma_semaphore, #tpu.memory_space<semaphore_mem>>) {add = true}
        %dma_wait3A_410 = arith.constant 0 : i32
        %dma_wait3A_411 = arith.constant 0 : i32
        %dma_wait3A_412 = tpu.memref_slice %arg7[%run_scoped3A_324, %dma_wait3A_410, %dma_wait3A_411] : memref<2x125x128xf32, #tpu.memory_space<vmem>> -> memref<1x125x128xf32, #tpu.memory_space<vmem>>
        %dma_wait3A_413 = tpu.memref_squeeze %dma_wait3A_412 : memref<1x125x128xf32, #tpu.memory_space<vmem>> -> memref<125x128xf32, #tpu.memory_space<vmem>>
        %dma_wait3A_414 = arith.constant 0 : i32
        %dma_wait3A_415 = tpu.memref_slice %arg6[%mul3A_194, %dma_wait3A_414] : memref<40x125xi32, #tpu.memory_space<vmem>> -> memref<1x125xi32, #tpu.memory_space<vmem>>
        %dma_wait3A_416 = tpu.memref_squeeze %dma_wait3A_415 : memref<1x125xi32, #tpu.memory_space<vmem>> -> memref<125xi32, #tpu.memory_space<vmem>>
        %dma_wait3A_417 = arith.constant 0 : i32
        %dma_wait3A_418 = arith.constant 0 : i32
        %dma_wait3A_419 = tpu.memref_slice %arg8[%dma_wait3A_417, %dma_wait3A_418] : memref<10000x128xf32, #tpu.memory_space<vmem_shared>> -> memref<10000x128xf32, #tpu.memory_space<vmem_shared>>
        tpu.wait_indirect_dma semaphore(%run_scoped3A_399 : memref<!tpu.dma_semaphore, #tpu.memory_space<semaphore_mem>>) src(%dma_wait3A_413 : memref<125x128xf32, #tpu.memory_space<vmem>>) dst(%dma_wait3A_419 : memref<10000x128xf32, #tpu.memory_space<vmem_shared>>)
        tpu.yield
      }) : () -> ()
      %add3A_325 = arith.constant 1 : i32
      %add3A_326 = arith.addi %mul3A_194, %add3A_325 : i32
      %dma_wait3A_327 = arith.constant 1 : i32
      %dma_wait3A_328 = arith.constant 0 : i32
      %dma_wait3A_329 = arith.constant 0 : i32
      %dma_wait3A_330 = tpu.memref_slice %arg7[%dma_wait3A_327, %dma_wait3A_328, %dma_wait3A_329] : memref<2x125x128xf32, #tpu.memory_space<vmem>> -> memref<1x125x128xf32, #tpu.memory_space<vmem>>
      %dma_wait3A_331 = tpu.memref_squeeze %dma_wait3A_330 : memref<1x125x128xf32, #tpu.memory_space<vmem>> -> memref<125x128xf32, #tpu.memory_space<vmem>>
      %dma_wait3A_332 = arith.constant 0 : i32
      %dma_wait3A_333 = arith.constant 0 : i32
      %dma_wait3A_334 = tpu.memref_slice %dma_wait3A_331[%dma_wait3A_332, %dma_wait3A_333] : memref<125x128xf32, #tpu.memory_space<vmem>> -> memref<32x128xf32, #tpu.memory_space<vmem>>
      %dma_wait3A_335 = arith.constant 0 : i32
      %dma_wait3A_336 = tpu.memref_slice %arg5[%add3A_326, %dma_wait3A_335] : memref<40x125xi32, #tpu.memory_space<vmem>> -> memref<1x125xi32, #tpu.memory_space<vmem>>
      %dma_wait3A_337 = tpu.memref_squeeze %dma_wait3A_336 : memref<1x125xi32, #tpu.memory_space<vmem>> -> memref<125xi32, #tpu.memory_space<vmem>>
      %dma_wait3A_338 = arith.constant 0 : i32
      %dma_wait3A_339 = tpu.memref_slice %dma_wait3A_337[%dma_wait3A_338] : memref<125xi32, #tpu.memory_space<vmem>> -> memref<32xi32, #tpu.memory_space<vmem>>
      %dma_wait3A_340 = arith.constant 0 : i32
      %dma_wait3A_341 = arith.constant 0 : i32
      %dma_wait3A_342 = tpu.memref_slice %arg2[%dma_wait3A_340, %dma_wait3A_341] : memref<10000x128xf32, #tpu.memory_space<hbm>> -> memref<10000x128xf32, #tpu.memory_space<hbm>>
      tpu.wait_indirect_dma semaphore(%arg13 : memref<!tpu.dma_semaphore, #tpu.memory_space<semaphore_mem>>) src(%dma_wait3A_342 : memref<10000x128xf32, #tpu.memory_space<hbm>>) dst(%dma_wait3A_334 : memref<32x128xf32, #tpu.memory_space<vmem>>)
      %dma_wait3A_343 = arith.constant 1 : i32
      %dma_wait3A_344 = arith.constant 0 : i32
      %dma_wait3A_345 = arith.constant 0 : i32
      %dma_wait3A_346 = tpu.memref_slice %arg7[%dma_wait3A_343, %dma_wait3A_344, %dma_wait3A_345] : memref<2x125x128xf32, #tpu.memory_space<vmem>> -> memref<1x125x128xf32, #tpu.memory_space<vmem>>
      %dma_wait3A_347 = tpu.memref_squeeze %dma_wait3A_346 : memref<1x125x128xf32, #tpu.memory_space<vmem>> -> memref<125x128xf32, #tpu.memory_space<vmem>>
      %dma_wait3A_348 = arith.constant 32 : i32
      %dma_wait3A_349 = arith.constant 0 : i32
      %dma_wait3A_350 = tpu.memref_slice %dma_wait3A_347[%dma_wait3A_348, %dma_wait3A_349] : memref<125x128xf32, #tpu.memory_space<vmem>> -> memref<32x128xf32, #tpu.memory_space<vmem>>
      %dma_wait3A_351 = arith.constant 0 : i32
      %dma_wait3A_352 = tpu.memref_slice %arg5[%add3A_326, %dma_wait3A_351] : memref<40x125xi32, #tpu.memory_space<vmem>> -> memref<1x125xi32, #tpu.memory_space<vmem>>
      %dma_wait3A_353 = tpu.memref_squeeze %dma_wait3A_352 : memref<1x125xi32, #tpu.memory_space<vmem>> -> memref<125xi32, #tpu.memory_space<vmem>>
      %dma_wait3A_354 = arith.constant 32 : i32
      %dma_wait3A_355 = tpu.memref_slice %dma_wait3A_353[%dma_wait3A_354] : memref<125xi32, #tpu.memory_space<vmem>> -> memref<32xi32, #tpu.memory_space<vmem>>
      %dma_wait3A_356 = arith.constant 0 : i32
      %dma_wait3A_357 = arith.constant 0 : i32
      %dma_wait3A_358 = tpu.memref_slice %arg2[%dma_wait3A_356, %dma_wait3A_357] : memref<10000x128xf32, #tpu.memory_space<hbm>> -> memref<10000x128xf32, #tpu.memory_space<hbm>>
      tpu.wait_indirect_dma semaphore(%arg14 : memref<!tpu.dma_semaphore, #tpu.memory_space<semaphore_mem>>) src(%dma_wait3A_358 : memref<10000x128xf32, #tpu.memory_space<hbm>>) dst(%dma_wait3A_350 : memref<32x128xf32, #tpu.memory_space<vmem>>)
      %dma_wait3A_359 = arith.constant 1 : i32
      %dma_wait3A_360 = arith.constant 0 : i32
      %dma_wait3A_361 = arith.constant 0 : i32
      %dma_wait3A_362 = tpu.memref_slice %arg7[%dma_wait3A_359, %dma_wait3A_360, %dma_wait3A_361] : memref<2x125x128xf32, #tpu.memory_space<vmem>> -> memref<1x125x128xf32, #tpu.memory_space<vmem>>
      %dma_wait3A_363 = tpu.memref_squeeze %dma_wait3A_362 : memref<1x125x128xf32, #tpu.memory_space<vmem>> -> memref<125x128xf32, #tpu.memory_space<vmem>>
      %dma_wait3A_364 = arith.constant 64 : i32
      %dma_wait3A_365 = arith.constant 0 : i32
      %dma_wait3A_366 = tpu.memref_slice %dma_wait3A_363[%dma_wait3A_364, %dma_wait3A_365] : memref<125x128xf32, #tpu.memory_space<vmem>> -> memref<32x128xf32, #tpu.memory_space<vmem>>
      %dma_wait3A_367 = arith.constant 0 : i32
      %dma_wait3A_368 = tpu.memref_slice %arg5[%add3A_326, %dma_wait3A_367] : memref<40x125xi32, #tpu.memory_space<vmem>> -> memref<1x125xi32, #tpu.memory_space<vmem>>
      %dma_wait3A_369 = tpu.memref_squeeze %dma_wait3A_368 : memref<1x125xi32, #tpu.memory_space<vmem>> -> memref<125xi32, #tpu.memory_space<vmem>>
      %dma_wait3A_370 = arith.constant 64 : i32
      %dma_wait3A_371 = tpu.memref_slice %dma_wait3A_369[%dma_wait3A_370] : memref<125xi32, #tpu.memory_space<vmem>> -> memref<32xi32, #tpu.memory_space<vmem>>
      %dma_wait3A_372 = arith.constant 0 : i32
      %dma_wait3A_373 = arith.constant 0 : i32
      %dma_wait3A_374 = tpu.memref_slice %arg2[%dma_wait3A_372, %dma_wait3A_373] : memref<10000x128xf32, #tpu.memory_space<hbm>> -> memref<10000x128xf32, #tpu.memory_space<hbm>>
      tpu.wait_indirect_dma semaphore(%arg15 : memref<!tpu.dma_semaphore, #tpu.memory_space<semaphore_mem>>) src(%dma_wait3A_374 : memref<10000x128xf32, #tpu.memory_space<hbm>>) dst(%dma_wait3A_366 : memref<32x128xf32, #tpu.memory_space<vmem>>)
      %dma_wait3A_375 = arith.constant 1 : i32
      %dma_wait3A_376 = arith.constant 0 : i32
      %dma_wait3A_377 = arith.constant 0 : i32
      %dma_wait3A_378 = tpu.memref_slice %arg7[%dma_wait3A_375, %dma_wait3A_376, %dma_wait3A_377] : memref<2x125x128xf32, #tpu.memory_space<vmem>> -> memref<1x125x128xf32, #tpu.memory_space<vmem>>
      %dma_wait3A_379 = tpu.memref_squeeze %dma_wait3A_378 : memref<1x125x128xf32, #tpu.memory_space<vmem>> -> memref<125x128xf32, #tpu.memory_space<vmem>>
      %dma_wait3A_380 = arith.constant 96 : i32
      %dma_wait3A_381 = arith.constant 0 : i32
      %dma_wait3A_382 = tpu.memref_slice %dma_wait3A_379[%dma_wait3A_380, %dma_wait3A_381] : memref<125x128xf32, #tpu.memory_space<vmem>> -> memref<29x128xf32, #tpu.memory_space<vmem>>
      %dma_wait3A_383 = arith.constant 0 : i32
      %dma_wait3A_384 = tpu.memref_slice %arg5[%add3A_326, %dma_wait3A_383] : memref<40x125xi32, #tpu.memory_space<vmem>> -> memref<1x125xi32, #tpu.memory_space<vmem>>
      %dma_wait3A_385 = tpu.memref_squeeze %dma_wait3A_384 : memref<1x125xi32, #tpu.memory_space<vmem>> -> memref<125xi32, #tpu.memory_space<vmem>>
      %dma_wait3A_386 = arith.constant 96 : i32
      %dma_wait3A_387 = tpu.memref_slice %dma_wait3A_385[%dma_wait3A_386] : memref<125xi32, #tpu.memory_space<vmem>> -> memref<29xi32, #tpu.memory_space<vmem>>
      %dma_wait3A_388 = arith.constant 0 : i32
      %dma_wait3A_389 = arith.constant 0 : i32
      %dma_wait3A_390 = tpu.memref_slice %arg2[%dma_wait3A_388, %dma_wait3A_389] : memref<10000x128xf32, #tpu.memory_space<hbm>> -> memref<10000x128xf32, #tpu.memory_space<hbm>>
      tpu.wait_indirect_dma semaphore(%arg16 : memref<!tpu.dma_semaphore, #tpu.memory_space<semaphore_mem>>) src(%dma_wait3A_390 : memref<10000x128xf32, #tpu.memory_space<hbm>>) dst(%dma_wait3A_382 : memref<29x128xf32, #tpu.memory_space<vmem>>)
      %lt3A_391 = arith.constant 19 : i32
      %lt3A_392 = arith.cmpi slt, %scan3A_192, %lt3A_391 : i32
      %convert_element_type3A_393 = arith.extui %lt3A_392 : i1 to i32
      %cond3A_394 = arith.constant 0 : i32
      %cond3A_395 = arith.cmpi ne, %convert_element_type3A_393, %cond3A_394 : i32
      scf.if %cond3A_395 {
        %add3A_399 = arith.constant 2 : i32
        %add3A_400 = arith.addi %mul3A_194, %add3A_399 : i32
        %dma_start3A_401 = arith.constant 0 : i32
        %dma_start3A_402 = arith.constant 0 : i32
        %dma_start3A_403 = arith.constant 0 : i32
        %dma_start3A_404 = tpu.memref_slice %arg7[%dma_start3A_401, %dma_start3A_402, %dma_start3A_403] : memref<2x125x128xf32, #tpu.memory_space<vmem>> -> memref<1x125x128xf32, #tpu.memory_space<vmem>>
        %dma_start3A_405 = tpu.memref_squeeze %dma_start3A_404 : memref<1x125x128xf32, #tpu.memory_space<vmem>> -> memref<125x128xf32, #tpu.memory_space<vmem>>
        %dma_start3A_406 = arith.constant 0 : i32
        %dma_start3A_407 = arith.constant 0 : i32
        %dma_start3A_408 = tpu.memref_slice %dma_start3A_405[%dma_start3A_406, %dma_start3A_407] : memref<125x128xf32, #tpu.memory_space<vmem>> -> memref<32x128xf32, #tpu.memory_space<vmem>>
        %dma_start3A_409 = arith.constant 0 : i32
        %dma_start3A_410 = tpu.memref_slice %arg5[%add3A_400, %dma_start3A_409] : memref<40x125xi32, #tpu.memory_space<vmem>> -> memref<1x125xi32, #tpu.memory_space<vmem>>
        %dma_start3A_411 = tpu.memref_squeeze %dma_start3A_410 : memref<1x125xi32, #tpu.memory_space<vmem>> -> memref<125xi32, #tpu.memory_space<vmem>>
        %dma_start3A_412 = arith.constant 0 : i32
        %dma_start3A_413 = tpu.memref_slice %dma_start3A_411[%dma_start3A_412] : memref<125xi32, #tpu.memory_space<vmem>> -> memref<32xi32, #tpu.memory_space<vmem>>
        %dma_start3A_414 = arith.constant 0 : i32
        %dma_start3A_415 = arith.constant 0 : i32
        %dma_start3A_416 = tpu.memref_slice %arg2[%dma_start3A_414, %dma_start3A_415] : memref<10000x128xf32, #tpu.memory_space<hbm>> -> memref<10000x128xf32, #tpu.memory_space<hbm>>
        tpu.enqueue_indirect_dma source(%dma_start3A_416 : memref<10000x128xf32, #tpu.memory_space<hbm>>) target(%dma_start3A_408 : memref<32x128xf32, #tpu.memory_space<vmem>>) offsets(%dma_start3A_413 : memref<32xi32, #tpu.memory_space<vmem>>) semaphore(%arg9 : memref<!tpu.dma_semaphore, #tpu.memory_space<semaphore_mem>>)
        %dma_start3A_417 = arith.constant 0 : i32
        %dma_start3A_418 = arith.constant 0 : i32
        %dma_start3A_419 = arith.constant 0 : i32
        %dma_start3A_420 = tpu.memref_slice %arg7[%dma_start3A_417, %dma_start3A_418, %dma_start3A_419] : memref<2x125x128xf32, #tpu.memory_space<vmem>> -> memref<1x125x128xf32, #tpu.memory_space<vmem>>
        %dma_start3A_421 = tpu.memref_squeeze %dma_start3A_420 : memref<1x125x128xf32, #tpu.memory_space<vmem>> -> memref<125x128xf32, #tpu.memory_space<vmem>>
        %dma_start3A_422 = arith.constant 32 : i32
        %dma_start3A_423 = arith.constant 0 : i32
        %dma_start3A_424 = tpu.memref_slice %dma_start3A_421[%dma_start3A_422, %dma_start3A_423] : memref<125x128xf32, #tpu.memory_space<vmem>> -> memref<32x128xf32, #tpu.memory_space<vmem>>
        %dma_start3A_425 = arith.constant 0 : i32
        %dma_start3A_426 = tpu.memref_slice %arg5[%add3A_400, %dma_start3A_425] : memref<40x125xi32, #tpu.memory_space<vmem>> -> memref<1x125xi32, #tpu.memory_space<vmem>>
        %dma_start3A_427 = tpu.memref_squeeze %dma_start3A_426 : memref<1x125xi32, #tpu.memory_space<vmem>> -> memref<125xi32, #tpu.memory_space<vmem>>
        %dma_start3A_428 = arith.constant 32 : i32
        %dma_start3A_429 = tpu.memref_slice %dma_start3A_427[%dma_start3A_428] : memref<125xi32, #tpu.memory_space<vmem>> -> memref<32xi32, #tpu.memory_space<vmem>>
        %dma_start3A_430 = arith.constant 0 : i32
        %dma_start3A_431 = arith.constant 0 : i32
        %dma_start3A_432 = tpu.memref_slice %arg2[%dma_start3A_430, %dma_start3A_431] : memref<10000x128xf32, #tpu.memory_space<hbm>> -> memref<10000x128xf32, #tpu.memory_space<hbm>>
        tpu.enqueue_indirect_dma source(%dma_start3A_432 : memref<10000x128xf32, #tpu.memory_space<hbm>>) target(%dma_start3A_424 : memref<32x128xf32, #tpu.memory_space<vmem>>) offsets(%dma_start3A_429 : memref<32xi32, #tpu.memory_space<vmem>>) semaphore(%arg10 : memref<!tpu.dma_semaphore, #tpu.memory_space<semaphore_mem>>)
        %dma_start3A_433 = arith.constant 0 : i32
        %dma_start3A_434 = arith.constant 0 : i32
        %dma_start3A_435 = arith.constant 0 : i32
        %dma_start3A_436 = tpu.memref_slice %arg7[%dma_start3A_433, %dma_start3A_434, %dma_start3A_435] : memref<2x125x128xf32, #tpu.memory_space<vmem>> -> memref<1x125x128xf32, #tpu.memory_space<vmem>>
        %dma_start3A_437 = tpu.memref_squeeze %dma_start3A_436 : memref<1x125x128xf32, #tpu.memory_space<vmem>> -> memref<125x128xf32, #tpu.memory_space<vmem>>
        %dma_start3A_438 = arith.constant 64 : i32
        %dma_start3A_439 = arith.constant 0 : i32
        %dma_start3A_440 = tpu.memref_slice %dma_start3A_437[%dma_start3A_438, %dma_start3A_439] : memref<125x128xf32, #tpu.memory_space<vmem>> -> memref<32x128xf32, #tpu.memory_space<vmem>>
        %dma_start3A_441 = arith.constant 0 : i32
        %dma_start3A_442 = tpu.memref_slice %arg5[%add3A_400, %dma_start3A_441] : memref<40x125xi32, #tpu.memory_space<vmem>> -> memref<1x125xi32, #tpu.memory_space<vmem>>
        %dma_start3A_443 = tpu.memref_squeeze %dma_start3A_442 : memref<1x125xi32, #tpu.memory_space<vmem>> -> memref<125xi32, #tpu.memory_space<vmem>>
        %dma_start3A_444 = arith.constant 64 : i32
        %dma_start3A_445 = tpu.memref_slice %dma_start3A_443[%dma_start3A_444] : memref<125xi32, #tpu.memory_space<vmem>> -> memref<32xi32, #tpu.memory_space<vmem>>
        %dma_start3A_446 = arith.constant 0 : i32
        %dma_start3A_447 = arith.constant 0 : i32
        %dma_start3A_448 = tpu.memref_slice %arg2[%dma_start3A_446, %dma_start3A_447] : memref<10000x128xf32, #tpu.memory_space<hbm>> -> memref<10000x128xf32, #tpu.memory_space<hbm>>
        tpu.enqueue_indirect_dma source(%dma_start3A_448 : memref<10000x128xf32, #tpu.memory_space<hbm>>) target(%dma_start3A_440 : memref<32x128xf32, #tpu.memory_space<vmem>>) offsets(%dma_start3A_445 : memref<32xi32, #tpu.memory_space<vmem>>) semaphore(%arg11 : memref<!tpu.dma_semaphore, #tpu.memory_space<semaphore_mem>>)
        %dma_start3A_449 = arith.constant 0 : i32
        %dma_start3A_450 = arith.constant 0 : i32
        %dma_start3A_451 = arith.constant 0 : i32
        %dma_start3A_452 = tpu.memref_slice %arg7[%dma_start3A_449, %dma_start3A_450, %dma_start3A_451] : memref<2x125x128xf32, #tpu.memory_space<vmem>> -> memref<1x125x128xf32, #tpu.memory_space<vmem>>
        %dma_start3A_453 = tpu.memref_squeeze %dma_start3A_452 : memref<1x125x128xf32, #tpu.memory_space<vmem>> -> memref<125x128xf32, #tpu.memory_space<vmem>>
        %dma_start3A_454 = arith.constant 96 : i32
        %dma_start3A_455 = arith.constant 0 : i32
        %dma_start3A_456 = tpu.memref_slice %dma_start3A_453[%dma_start3A_454, %dma_start3A_455] : memref<125x128xf32, #tpu.memory_space<vmem>> -> memref<29x128xf32, #tpu.memory_space<vmem>>
        %dma_start3A_457 = arith.constant 0 : i32
        %dma_start3A_458 = tpu.memref_slice %arg5[%add3A_400, %dma_start3A_457] : memref<40x125xi32, #tpu.memory_space<vmem>> -> memref<1x125xi32, #tpu.memory_space<vmem>>
        %dma_start3A_459 = tpu.memref_squeeze %dma_start3A_458 : memref<1x125xi32, #tpu.memory_space<vmem>> -> memref<125xi32, #tpu.memory_space<vmem>>
        %dma_start3A_460 = arith.constant 96 : i32
        %dma_start3A_461 = tpu.memref_slice %dma_start3A_459[%dma_start3A_460] : memref<125xi32, #tpu.memory_space<vmem>> -> memref<29xi32, #tpu.memory_space<vmem>>
        %dma_start3A_462 = arith.constant 0 : i32
        %dma_start3A_463 = arith.constant 0 : i32
        %dma_start3A_464 = tpu.memref_slice %arg2[%dma_start3A_462, %dma_start3A_463] : memref<10000x128xf32, #tpu.memory_space<hbm>> -> memref<10000x128xf32, #tpu.memory_space<hbm>>
        tpu.enqueue_indirect_dma source(%dma_start3A_464 : memref<10000x128xf32, #tpu.memory_space<hbm>>) target(%dma_start3A_456 : memref<29x128xf32, #tpu.memory_space<vmem>>) offsets(%dma_start3A_461 : memref<29xi32, #tpu.memory_space<vmem>>) semaphore(%arg12 : memref<!tpu.dma_semaphore, #tpu.memory_space<semaphore_mem>>)
      } else {
      }
      %add3A_396 = arith.constant 1 : i32
      %add3A_397 = arith.addi %mul3A_194, %add3A_396 : i32
      %run_scoped3A_398 = arith.constant 1 : i32
      "tpu.region"() ({
        %run_scoped3A_399 = tpu.sem_alloc : memref<!tpu.dma_semaphore, #tpu.memory_space<semaphore_mem>>
        %dma_start3A_400 = arith.constant 0 : i32
        %dma_start3A_401 = arith.constant 0 : i32
        %dma_start3A_402 = tpu.memref_slice %arg7[%run_scoped3A_398, %dma_start3A_400, %dma_start3A_401] : memref<2x125x128xf32, #tpu.memory_space<vmem>> -> memref<1x125x128xf32, #tpu.memory_space<vmem>>
        %dma_start3A_403 = tpu.memref_squeeze %dma_start3A_402 : memref<1x125x128xf32, #tpu.memory_space<vmem>> -> memref<125x128xf32, #tpu.memory_space<vmem>>
        %dma_start3A_404 = arith.constant 0 : i32
        %dma_start3A_405 = tpu.memref_slice %arg6[%add3A_397, %dma_start3A_404] : memref<40x125xi32, #tpu.memory_space<vmem>> -> memref<1x125xi32, #tpu.memory_space<vmem>>
        %dma_start3A_406 = tpu.memref_squeeze %dma_start3A_405 : memref<1x125xi32, #tpu.memory_space<vmem>> -> memref<125xi32, #tpu.memory_space<vmem>>
        %dma_start3A_407 = arith.constant 0 : i32
        %dma_start3A_408 = arith.constant 0 : i32
        %dma_start3A_409 = tpu.memref_slice %arg8[%dma_start3A_407, %dma_start3A_408] : memref<10000x128xf32, #tpu.memory_space<vmem_shared>> -> memref<10000x128xf32, #tpu.memory_space<vmem_shared>>
        tpu.enqueue_indirect_dma source(%dma_start3A_403 : memref<125x128xf32, #tpu.memory_space<vmem>>) target(%dma_start3A_409 : memref<10000x128xf32, #tpu.memory_space<vmem_shared>>) offsets(%dma_start3A_406 : memref<125xi32, #tpu.memory_space<vmem>>) semaphore(%run_scoped3A_399 : memref<!tpu.dma_semaphore, #tpu.memory_space<semaphore_mem>>) {add = true}
        %dma_wait3A_410 = arith.constant 0 : i32
        %dma_wait3A_411 = arith.constant 0 : i32
        %dma_wait3A_412 = tpu.memref_slice %arg7[%run_scoped3A_398, %dma_wait3A_410, %dma_wait3A_411] : memref<2x125x128xf32, #tpu.memory_space<vmem>> -> memref<1x125x128xf32, #tpu.memory_space<vmem>>
        %dma_wait3A_413 = tpu.memref_squeeze %dma_wait3A_412 : memref<1x125x128xf32, #tpu.memory_space<vmem>> -> memref<125x128xf32, #tpu.memory_space<vmem>>
        %dma_wait3A_414 = arith.constant 0 : i32
        %dma_wait3A_415 = tpu.memref_slice %arg6[%add3A_397, %dma_wait3A_414] : memref<40x125xi32, #tpu.memory_space<vmem>> -> memref<1x125xi32, #tpu.memory_space<vmem>>
        %dma_wait3A_416 = tpu.memref_squeeze %dma_wait3A_415 : memref<1x125xi32, #tpu.memory_space<vmem>> -> memref<125xi32, #tpu.memory_space<vmem>>
        %dma_wait3A_417 = arith.constant 0 : i32
        %dma_wait3A_418 = arith.constant 0 : i32
        %dma_wait3A_419 = tpu.memref_slice %arg8[%dma_wait3A_417, %dma_wait3A_418] : memref<10000x128xf32, #tpu.memory_space<vmem_shared>> -> memref<10000x128xf32, #tpu.memory_space<vmem_shared>>
        tpu.wait_indirect_dma semaphore(%run_scoped3A_399 : memref<!tpu.dma_semaphore, #tpu.memory_space<semaphore_mem>>) src(%dma_wait3A_413 : memref<125x128xf32, #tpu.memory_space<vmem>>) dst(%dma_wait3A_419 : memref<10000x128xf32, #tpu.memory_space<vmem_shared>>)
        tpu.yield
      }) : () -> ()
    }
    %scan3A_188 = arith.constant 20 : i32
    %barrier3A_189 = arith.constant 0 : index
    tpu.barrier barrier_id(%barrier3A_189)
    %lt3A = arith.constant 10 : i32
    %lt3A_190 = arith.cmpi slt, %arg1, %lt3A : i32
    %convert_element_type3A = arith.extui %lt3A_190 : i1 to i32
    %cond3A = arith.constant 0 : i32
    %cond3A_191 = arith.cmpi ne, %convert_element_type3A, %cond3A : i32
    scf.if %cond3A_191 {
      %mul3A_192 = arith.constant 1000 : i32
      %mul3A_193 = arith.muli %arg1, %mul3A_192 : i32
      %mul3A_194 = arith.constant 1000 : i32
      %mul3A_195 = arith.muli %arg1, %mul3A_194 : i32
      "tpu.region"() ({
        %run_scoped3A_196 = tpu.sem_alloc : memref<!tpu.dma_semaphore, #tpu.memory_space<semaphore_mem>>
        %dma_start3A_197 = arith.constant 0 : i32
        %dma_start3A_198 = arith.constant 0 : i32
        %dma_start3A_199 = tpu.memref_slice %arg4[%arg0, %dma_start3A_197, %dma_start3A_198] : memref<2x10000x128xf32, #tpu.memory_space<hbm>> -> memref<1x10000x128xf32, #tpu.memory_space<hbm>>
        %dma_start3A_200 = tpu.memref_squeeze %dma_start3A_199 : memref<1x10000x128xf32, #tpu.memory_space<hbm>> -> memref<10000x128xf32, #tpu.memory_space<hbm>>
        %dma_start3A_201 = arith.constant 0 : i32
        %dma_start3A_202 = tpu.memref_slice %dma_start3A_200[%mul3A_195, %dma_start3A_201] : memref<10000x128xf32, #tpu.memory_space<hbm>> -> memref<1000x128xf32, #tpu.memory_space<hbm>>
        %dma_start3A_203 = arith.constant 0 : i32
        %dma_start3A_204 = tpu.memref_slice %arg8[%mul3A_193, %dma_start3A_203] : memref<10000x128xf32, #tpu.memory_space<vmem_shared>> -> memref<1000x128xf32, #tpu.memory_space<vmem_shared>>
        tpu.enqueue_dma source(%dma_start3A_204 : memref<1000x128xf32, #tpu.memory_space<vmem_shared>>) target(%dma_start3A_202 : memref<1000x128xf32, #tpu.memory_space<hbm>>) target_semaphore(%run_scoped3A_196 : memref<!tpu.dma_semaphore, #tpu.memory_space<semaphore_mem>>)
        %dma_wait3A = arith.constant 0 : i32
        %dma_wait3A_205 = arith.constant 0 : i32
        %dma_wait3A_206 = tpu.memref_slice %arg4[%arg0, %dma_wait3A, %dma_wait3A_205] : memref<2x10000x128xf32, #tpu.memory_space<hbm>> -> memref<1x10000x128xf32, #tpu.memory_space<hbm>>
        %dma_wait3A_207 = tpu.memref_squeeze %dma_wait3A_206 : memref<1x10000x128xf32, #tpu.memory_space<hbm>> -> memref<10000x128xf32, #tpu.memory_space<hbm>>
        %dma_wait3A_208 = arith.constant 0 : i32
        %dma_wait3A_209 = tpu.memref_slice %dma_wait3A_207[%mul3A_195, %dma_wait3A_208] : memref<10000x128xf32, #tpu.memory_space<hbm>> -> memref<1000x128xf32, #tpu.memory_space<hbm>>
        %dma_wait3A_210 = arith.constant 0 : i32
        %dma_wait3A_211 = tpu.memref_slice %arg8[%mul3A_193, %dma_wait3A_210] : memref<10000x128xf32, #tpu.memory_space<vmem_shared>> -> memref<1000x128xf32, #tpu.memory_space<vmem_shared>>
        tpu.wait_dma2 semaphore(%run_scoped3A_196 : memref<!tpu.dma_semaphore, #tpu.memory_space<semaphore_mem>>) src(%dma_wait3A_211 : memref<1000x128xf32, #tpu.memory_space<vmem_shared>>) dst(%dma_wait3A_209 : memref<1000x128xf32, #tpu.memory_space<hbm>>)
        tpu.yield
      }) : () -> ()
    } else {
    }
    return
  }
}

#map = affine_map<(d0, d1) -> (0, 0)>
#map1 = affine_map<(d0, d1) -> (0, 0, 0)>
module attributes {stable_mosaic.version = 14 : i64} {
  func.func @_msg_kernel(%arg0: i32, %arg1: i32, %arg2: memref<10000x128xf32, #tpu.memory_space<hbm>>, %arg3: memref<2x2560x125xi32, #tpu.memory_space<hbm>>, %arg4: memref<2x10000x128xf32, #tpu.memory_space<hbm>>, %arg5: memref<40x125xi32, #tpu.memory_space<vmem>>, %arg6: memref<40x125xi32, #tpu.memory_space<vmem>>, %arg7: memref<2x125x128xf32, #tpu.memory_space<vmem>>, %arg8: memref<10000x128xf32, #tpu.memory_space<vmem_shared>>, %arg9: memref<!tpu.dma_semaphore, #tpu.memory_space<semaphore_mem>>, %arg10: memref<!tpu.dma_semaphore, #tpu.memory_space<semaphore_mem>>, %arg11: memref<!tpu.dma_semaphore, #tpu.memory_space<semaphore_mem>>, %arg12: memref<!tpu.dma_semaphore, #tpu.memory_space<semaphore_mem>>, %arg13: memref<!tpu.dma_semaphore, #tpu.memory_space<semaphore_mem>>, %arg14: memref<!tpu.dma_semaphore, #tpu.memory_space<semaphore_mem>>, %arg15: memref<!tpu.dma_semaphore, #tpu.memory_space<semaphore_mem>>, %arg16: memref<!tpu.dma_semaphore, #tpu.memory_space<semaphore_mem>>) attributes {dimension_semantics = [#tpu.dimension_semantics<core_parallel>, #tpu.dimension_semantics<subcore_parallel>], iteration_bounds = array<i64: 2, 16>, scalar_prefetch = 0 : i64, scratch_operands = 12 : i64, tpu.core_type = #tpu.core_type<sc_vector_subcore>, window_params = [{transform_indices = #map}, {transform_indices = #map1}, {transform_indices = #map1}]} {
    %mul3A = arith.constant 16 : i32
    %mul3A_0 = arith.muli %arg0, %mul3A : i32
    %add3A = arith.addi %mul3A_0, %arg1 : i32
    %scan3A = arith.constant 0 : i32
    %scan3A_1 = arith.constant 0 : i32
    %scan3A_2 = arith.constant 125 : i32
    %scan3A_3 = arith.addi %scan3A_1, %scan3A_2 : i32
    %scan3A_4 = arith.constant 1 : i32
    scf.for %scan3A_192 = %scan3A_1 to %scan3A_3 step %scan3A_4  : i32 {
      %broadcast_in_dim3A = arith.constant 0.000000e+00 : f32
      %broadcast_in_dim3A_193 = vector.broadcast %broadcast_in_dim3A : f32 to vector<16xf32>
      %swap3A = arith.constant 0 : i32
      %swap3A_194 = arith.index_cast %swap3A : i32 to index
      %swap3A_195 = arith.index_cast %scan3A_192 : i32 to index
      %swap3A_196 = arith.constant 0 : index
      %swap3A_197 = tpu.vector_load %arg7[%swap3A_194, %swap3A_195, %swap3A_196] {strides = array<i32>} : memref<2x125x128xf32, #tpu.memory_space<vmem>>, vector<1x1x16xf32>,
      %swap3A_198 = vector.shape_cast %swap3A_197 : vector<1x1x16xf32> to vector<16xf32>
      %swap3A_199 = vector.shape_cast %broadcast_in_dim3A_193 : vector<16xf32> to vector<1x1x16xf32>
      tpu.vector_store %arg7[%swap3A_194, %swap3A_195, %swap3A_196], %swap3A_199 {strides = array<i32>} : memref<2x125x128xf32, #tpu.memory_space<vmem>>, vector<1x1x16xf32>,
      %broadcast_in_dim3A_200 = arith.constant 0.000000e+00 : f32
      %broadcast_in_dim3A_201 = vector.broadcast %broadcast_in_dim3A_200 : f32 to vector<16xf32>
      %swap3A_202 = arith.constant 0 : i32
      %swap3A_203 = arith.index_cast %swap3A_202 : i32 to index
      %swap3A_204 = arith.index_cast %scan3A_192 : i32 to index
      %swap3A_205 = arith.constant 16 : index
      %swap3A_206 = tpu.vector_load %arg7[%swap3A_203, %swap3A_204, %swap3A_205] {strides = array<i32>} : memref<2x125x128xf32, #tpu.memory_space<vmem>>, vector<1x1x16xf32>,
      %swap3A_207 = vector.shape_cast %swap3A_206 : vector<1x1x16xf32> to vector<16xf32>
      %swap3A_208 = vector.shape_cast %broadcast_in_dim3A_201 : vector<16xf32> to vector<1x1x16xf32>
      tpu.vector_store %arg7[%swap3A_203, %swap3A_204, %swap3A_205], %swap3A_208 {strides = array<i32>} : memref<2x125x128xf32, #tpu.memory_space<vmem>>, vector<1x1x16xf32>,
      %broadcast_in_dim3A_209 = arith.constant 0.000000e+00 : f32
      %broadcast_in_dim3A_210 = vector.broadcast %broadcast_in_dim3A_209 : f32 to vector<16xf32>
      %swap3A_211 = arith.constant 0 : i32
      %swap3A_212 = arith.index_cast %swap3A_211 : i32 to index
      %swap3A_213 = arith.index_cast %scan3A_192 : i32 to index
      %swap3A_214 = arith.constant 32 : index
      %swap3A_215 = tpu.vector_load %arg7[%swap3A_212, %swap3A_213, %swap3A_214] {strides = array<i32>} : memref<2x125x128xf32, #tpu.memory_space<vmem>>, vector<1x1x16xf32>,
      %swap3A_216 = vector.shape_cast %swap3A_215 : vector<1x1x16xf32> to vector<16xf32>
      %swap3A_217 = vector.shape_cast %broadcast_in_dim3A_210 : vector<16xf32> to vector<1x1x16xf32>
      tpu.vector_store %arg7[%swap3A_212, %swap3A_213, %swap3A_214], %swap3A_217 {strides = array<i32>} : memref<2x125x128xf32, #tpu.memory_space<vmem>>, vector<1x1x16xf32>,
      %broadcast_in_dim3A_218 = arith.constant 0.000000e+00 : f32
      %broadcast_in_dim3A_219 = vector.broadcast %broadcast_in_dim3A_218 : f32 to vector<16xf32>
      %swap3A_220 = arith.constant 0 : i32
      %swap3A_221 = arith.index_cast %swap3A_220 : i32 to index
      %swap3A_222 = arith.index_cast %scan3A_192 : i32 to index
      %swap3A_223 = arith.constant 48 : index
      %swap3A_224 = tpu.vector_load %arg7[%swap3A_221, %swap3A_222, %swap3A_223] {strides = array<i32>} : memref<2x125x128xf32, #tpu.memory_space<vmem>>, vector<1x1x16xf32>,
      %swap3A_225 = vector.shape_cast %swap3A_224 : vector<1x1x16xf32> to vector<16xf32>
      %swap3A_226 = vector.shape_cast %broadcast_in_dim3A_219 : vector<16xf32> to vector<1x1x16xf32>
      tpu.vector_store %arg7[%swap3A_221, %swap3A_222, %swap3A_223], %swap3A_226 {strides = array<i32>} : memref<2x125x128xf32, #tpu.memory_space<vmem>>, vector<1x1x16xf32>,
      %broadcast_in_dim3A_227 = arith.constant 0.000000e+00 : f32
      %broadcast_in_dim3A_228 = vector.broadcast %broadcast_in_dim3A_227 : f32 to vector<16xf32>
      %swap3A_229 = arith.constant 0 : i32
      %swap3A_230 = arith.index_cast %swap3A_229 : i32 to index
      %swap3A_231 = arith.index_cast %scan3A_192 : i32 to index
      %swap3A_232 = arith.constant 64 : index
      %swap3A_233 = tpu.vector_load %arg7[%swap3A_230, %swap3A_231, %swap3A_232] {strides = array<i32>} : memref<2x125x128xf32, #tpu.memory_space<vmem>>, vector<1x1x16xf32>,
      %swap3A_234 = vector.shape_cast %swap3A_233 : vector<1x1x16xf32> to vector<16xf32>
      %swap3A_235 = vector.shape_cast %broadcast_in_dim3A_228 : vector<16xf32> to vector<1x1x16xf32>
      tpu.vector_store %arg7[%swap3A_230, %swap3A_231, %swap3A_232], %swap3A_235 {strides = array<i32>} : memref<2x125x128xf32, #tpu.memory_space<vmem>>, vector<1x1x16xf32>,
      %broadcast_in_dim3A_236 = arith.constant 0.000000e+00 : f32
      %broadcast_in_dim3A_237 = vector.broadcast %broadcast_in_dim3A_236 : f32 to vector<16xf32>
      %swap3A_238 = arith.constant 0 : i32
      %swap3A_239 = arith.index_cast %swap3A_238 : i32 to index
      %swap3A_240 = arith.index_cast %scan3A_192 : i32 to index
      %swap3A_241 = arith.constant 80 : index
      %swap3A_242 = tpu.vector_load %arg7[%swap3A_239, %swap3A_240, %swap3A_241] {strides = array<i32>} : memref<2x125x128xf32, #tpu.memory_space<vmem>>, vector<1x1x16xf32>,
      %swap3A_243 = vector.shape_cast %swap3A_242 : vector<1x1x16xf32> to vector<16xf32>
      %swap3A_244 = vector.shape_cast %broadcast_in_dim3A_237 : vector<16xf32> to vector<1x1x16xf32>
      tpu.vector_store %arg7[%swap3A_239, %swap3A_240, %swap3A_241], %swap3A_244 {strides = array<i32>} : memref<2x125x128xf32, #tpu.memory_space<vmem>>, vector<1x1x16xf32>,
      %broadcast_in_dim3A_245 = arith.constant 0.000000e+00 : f32
      %broadcast_in_dim3A_246 = vector.broadcast %broadcast_in_dim3A_245 : f32 to vector<16xf32>
      %swap3A_247 = arith.constant 0 : i32
      %swap3A_248 = arith.index_cast %swap3A_247 : i32 to index
      %swap3A_249 = arith.index_cast %scan3A_192 : i32 to index
      %swap3A_250 = arith.constant 96 : index
      %swap3A_251 = tpu.vector_load %arg7[%swap3A_248, %swap3A_249, %swap3A_250] {strides = array<i32>} : memref<2x125x128xf32, #tpu.memory_space<vmem>>, vector<1x1x16xf32>,
      %swap3A_252 = vector.shape_cast %swap3A_251 : vector<1x1x16xf32> to vector<16xf32>
      %swap3A_253 = vector.shape_cast %broadcast_in_dim3A_246 : vector<16xf32> to vector<1x1x16xf32>
      tpu.vector_store %arg7[%swap3A_248, %swap3A_249, %swap3A_250], %swap3A_253 {strides = array<i32>} : memref<2x125x128xf32, #tpu.memory_space<vmem>>, vector<1x1x16xf32>,
      %broadcast_in_dim3A_254 = arith.constant 0.000000e+00 : f32
      %broadcast_in_dim3A_255 = vector.broadcast %broadcast_in_dim3A_254 : f32 to vector<16xf32>
      %swap3A_256 = arith.constant 0 : i32
      %swap3A_257 = arith.index_cast %swap3A_256 : i32 to index
      %swap3A_258 = arith.index_cast %scan3A_192 : i32 to index
      %swap3A_259 = arith.constant 112 : index
      %swap3A_260 = tpu.vector_load %arg7[%swap3A_257, %swap3A_258, %swap3A_259] {strides = array<i32>} : memref<2x125x128xf32, #tpu.memory_space<vmem>>, vector<1x1x16xf32>,
      %swap3A_261 = vector.shape_cast %swap3A_260 : vector<1x1x16xf32> to vector<16xf32>
      %swap3A_262 = vector.shape_cast %broadcast_in_dim3A_255 : vector<16xf32> to vector<1x1x16xf32>
      tpu.vector_store %arg7[%swap3A_257, %swap3A_258, %swap3A_259], %swap3A_262 {strides = array<i32>} : memref<2x125x128xf32, #tpu.memory_space<vmem>>, vector<1x1x16xf32>,
    }
    %scan3A_5 = arith.constant 125 : i32
    %mul3A_6 = arith.constant 625 : i32
    %mul3A_7 = arith.muli %arg1, %mul3A_6 : i32
    %add3A_8 = arith.constant 0 : i32
    %add3A_9 = arith.addi %mul3A_7, %add3A_8 : i32
    %run_scoped3A = arith.constant 0 : i32
    "tpu.region"() ({
      %run_scoped3A_192 = tpu.sem_alloc : memref<!tpu.dma_semaphore, #tpu.memory_space<semaphore_mem>>
      %dma_start3A_193 = arith.constant 0 : i32
      %dma_start3A_194 = arith.constant 0 : i32
      %dma_start3A_195 = tpu.memref_slice %arg7[%run_scoped3A, %dma_start3A_193, %dma_start3A_194] : memref<2x125x128xf32, #tpu.memory_space<vmem>> -> memref<1x125x128xf32, #tpu.memory_space<vmem>>
      %dma_start3A_196 = tpu.memref_squeeze %dma_start3A_195 : memref<1x125x128xf32, #tpu.memory_space<vmem>> -> memref<125x128xf32, #tpu.memory_space<vmem>>
      %dma_start3A_197 = arith.constant 0 : i32
      %dma_start3A_198 = tpu.memref_slice %arg8[%add3A_9, %dma_start3A_197] : memref<10000x128xf32, #tpu.memory_space<vmem_shared>> -> memref<125x128xf32, #tpu.memory_space<vmem_shared>>
      %dma_start3A_199 = arith.constant 0 : i32
      %dma_start3A_200 = tpu.memref_slice %arg8[%add3A_9, %dma_start3A_199] : memref<10000x128xf32, #tpu.memory_space<vmem_shared>> -> memref<125x128xf32, #tpu.memory_space<vmem_shared>>
      %dma_start3A_201 = arith.constant 0 : i32
      %dma_start3A_202 = arith.constant 0 : i32
      %dma_start3A_203 = tpu.memref_slice %arg7[%run_scoped3A, %dma_start3A_201, %dma_start3A_202] : memref<2x125x128xf32, #tpu.memory_space<vmem>> -> memref<1x125x128xf32, #tpu.memory_space<vmem>>
      %dma_start3A_204 = tpu.memref_squeeze %dma_start3A_203 : memref<1x125x128xf32, #tpu.memory_space<vmem>> -> memref<125x128xf32, #tpu.memory_space<vmem>>
      tpu.enqueue_dma source(%dma_start3A_204 : memref<125x128xf32, #tpu.memory_space<vmem>>) target(%dma_start3A_200 : memref<125x128xf32, #tpu.memory_space<vmem_shared>>) target_semaphore(%run_scoped3A_192 : memref<!tpu.dma_semaphore, #tpu.memory_space<semaphore_mem>>)
      %dma_wait3A = arith.constant 0 : i32
      %dma_wait3A_205 = arith.constant 0 : i32
      %dma_wait3A_206 = tpu.memref_slice %arg7[%run_scoped3A, %dma_wait3A, %dma_wait3A_205] : memref<2x125x128xf32, #tpu.memory_space<vmem>> -> memref<1x125x128xf32, #tpu.memory_space<vmem>>
      %dma_wait3A_207 = tpu.memref_squeeze %dma_wait3A_206 : memref<1x125x128xf32, #tpu.memory_space<vmem>> -> memref<125x128xf32, #tpu.memory_space<vmem>>
      %dma_wait3A_208 = arith.constant 0 : i32
      %dma_wait3A_209 = tpu.memref_slice %arg8[%add3A_9, %dma_wait3A_208] : memref<10000x128xf32, #tpu.memory_space<vmem_shared>> -> memref<125x128xf32, #tpu.memory_space<vmem_shared>>
      %dma_wait3A_210 = arith.constant 0 : i32
      %dma_wait3A_211 = tpu.memref_slice %arg8[%add3A_9, %dma_wait3A_210] : memref<10000x128xf32, #tpu.memory_space<vmem_shared>> -> memref<125x128xf32, #tpu.memory_space<vmem_shared>>
      %dma_wait3A_212 = arith.constant 0 : i32
      %dma_wait3A_213 = arith.constant 0 : i32
      %dma_wait3A_214 = tpu.memref_slice %arg7[%run_scoped3A, %dma_wait3A_212, %dma_wait3A_213] : memref<2x125x128xf32, #tpu.memory_space<vmem>> -> memref<1x125x128xf32, #tpu.memory_space<vmem>>
      %dma_wait3A_215 = tpu.memref_squeeze %dma_wait3A_214 : memref<1x125x128xf32, #tpu.memory_space<vmem>> -> memref<125x128xf32, #tpu.memory_space<vmem>>
      tpu.wait_dma2 semaphore(%run_scoped3A_192 : memref<!tpu.dma_semaphore, #tpu.memory_space<semaphore_mem>>) src(%dma_wait3A_215 : memref<125x128xf32, #tpu.memory_space<vmem>>) dst(%dma_wait3A_211 : memref<125x128xf32, #tpu.memory_space<vmem_shared>>)
      tpu.yield
    }) : () -> ()
    %mul3A_10 = arith.constant 625 : i32
    %mul3A_11 = arith.muli %arg1, %mul3A_10 : i32
    %add3A_12 = arith.constant 125 : i32
    %add3A_13 = arith.addi %mul3A_11, %add3A_12 : i32
    %run_scoped3A_14 = arith.constant 0 : i32
    "tpu.region"() ({
      %run_scoped3A_192 = tpu.sem_alloc : memref<!tpu.dma_semaphore, #tpu.memory_space<semaphore_mem>>
      %dma_start3A_193 = arith.constant 0 : i32
      %dma_start3A_194 = arith.constant 0 : i32
      %dma_start3A_195 = tpu.memref_slice %arg7[%run_scoped3A_14, %dma_start3A_193, %dma_start3A_194] : memref<2x125x128xf32, #tpu.memory_space<vmem>> -> memref<1x125x128xf32, #tpu.memory_space<vmem>>
      %dma_start3A_196 = tpu.memref_squeeze %dma_start3A_195 : memref<1x125x128xf32, #tpu.memory_space<vmem>> -> memref<125x128xf32, #tpu.memory_space<vmem>>
      %dma_start3A_197 = arith.constant 0 : i32
      %dma_start3A_198 = tpu.memref_slice %arg8[%add3A_13, %dma_start3A_197] : memref<10000x128xf32, #tpu.memory_space<vmem_shared>> -> memref<125x128xf32, #tpu.memory_space<vmem_shared>>
      %dma_start3A_199 = arith.constant 0 : i32
      %dma_start3A_200 = tpu.memref_slice %arg8[%add3A_13, %dma_start3A_199] : memref<10000x128xf32, #tpu.memory_space<vmem_shared>> -> memref<125x128xf32, #tpu.memory_space<vmem_shared>>
      %dma_start3A_201 = arith.constant 0 : i32
      %dma_start3A_202 = arith.constant 0 : i32
      %dma_start3A_203 = tpu.memref_slice %arg7[%run_scoped3A_14, %dma_start3A_201, %dma_start3A_202] : memref<2x125x128xf32, #tpu.memory_space<vmem>> -> memref<1x125x128xf32, #tpu.memory_space<vmem>>
      %dma_start3A_204 = tpu.memref_squeeze %dma_start3A_203 : memref<1x125x128xf32, #tpu.memory_space<vmem>> -> memref<125x128xf32, #tpu.memory_space<vmem>>
      tpu.enqueue_dma source(%dma_start3A_204 : memref<125x128xf32, #tpu.memory_space<vmem>>) target(%dma_start3A_200 : memref<125x128xf32, #tpu.memory_space<vmem_shared>>) target_semaphore(%run_scoped3A_192 : memref<!tpu.dma_semaphore, #tpu.memory_space<semaphore_mem>>)
      %dma_wait3A = arith.constant 0 : i32
      %dma_wait3A_205 = arith.constant 0 : i32
      %dma_wait3A_206 = tpu.memref_slice %arg7[%run_scoped3A_14, %dma_wait3A, %dma_wait3A_205] : memref<2x125x128xf32, #tpu.memory_space<vmem>> -> memref<1x125x128xf32, #tpu.memory_space<vmem>>
      %dma_wait3A_207 = tpu.memref_squeeze %dma_wait3A_206 : memref<1x125x128xf32, #tpu.memory_space<vmem>> -> memref<125x128xf32, #tpu.memory_space<vmem>>
      %dma_wait3A_208 = arith.constant 0 : i32
      %dma_wait3A_209 = tpu.memref_slice %arg8[%add3A_13, %dma_wait3A_208] : memref<10000x128xf32, #tpu.memory_space<vmem_shared>> -> memref<125x128xf32, #tpu.memory_space<vmem_shared>>
      %dma_wait3A_210 = arith.constant 0 : i32
      %dma_wait3A_211 = tpu.memref_slice %arg8[%add3A_13, %dma_wait3A_210] : memref<10000x128xf32, #tpu.memory_space<vmem_shared>> -> memref<125x128xf32, #tpu.memory_space<vmem_shared>>
      %dma_wait3A_212 = arith.constant 0 : i32
      %dma_wait3A_213 = arith.constant 0 : i32
      %dma_wait3A_214 = tpu.memref_slice %arg7[%run_scoped3A_14, %dma_wait3A_212, %dma_wait3A_213] : memref<2x125x128xf32, #tpu.memory_space<vmem>> -> memref<1x125x128xf32, #tpu.memory_space<vmem>>
      %dma_wait3A_215 = tpu.memref_squeeze %dma_wait3A_214 : memref<1x125x128xf32, #tpu.memory_space<vmem>> -> memref<125x128xf32, #tpu.memory_space<vmem>>
      tpu.wait_dma2 semaphore(%run_scoped3A_192 : memref<!tpu.dma_semaphore, #tpu.memory_space<semaphore_mem>>) src(%dma_wait3A_215 : memref<125x128xf32, #tpu.memory_space<vmem>>) dst(%dma_wait3A_211 : memref<125x128xf32, #tpu.memory_space<vmem_shared>>)
      tpu.yield
    }) : () -> ()
    %mul3A_15 = arith.constant 625 : i32
    %mul3A_16 = arith.muli %arg1, %mul3A_15 : i32
    %add3A_17 = arith.constant 250 : i32
    %add3A_18 = arith.addi %mul3A_16, %add3A_17 : i32
    %run_scoped3A_19 = arith.constant 0 : i32
    "tpu.region"() ({
      %run_scoped3A_192 = tpu.sem_alloc : memref<!tpu.dma_semaphore, #tpu.memory_space<semaphore_mem>>
      %dma_start3A_193 = arith.constant 0 : i32
      %dma_start3A_194 = arith.constant 0 : i32
      %dma_start3A_195 = tpu.memref_slice %arg7[%run_scoped3A_19, %dma_start3A_193, %dma_start3A_194] : memref<2x125x128xf32, #tpu.memory_space<vmem>> -> memref<1x125x128xf32, #tpu.memory_space<vmem>>
      %dma_start3A_196 = tpu.memref_squeeze %dma_start3A_195 : memref<1x125x128xf32, #tpu.memory_space<vmem>> -> memref<125x128xf32, #tpu.memory_space<vmem>>
      %dma_start3A_197 = arith.constant 0 : i32
      %dma_start3A_198 = tpu.memref_slice %arg8[%add3A_18, %dma_start3A_197] : memref<10000x128xf32, #tpu.memory_space<vmem_shared>> -> memref<125x128xf32, #tpu.memory_space<vmem_shared>>
      %dma_start3A_199 = arith.constant 0 : i32
      %dma_start3A_200 = tpu.memref_slice %arg8[%add3A_18, %dma_start3A_199] : memref<10000x128xf32, #tpu.memory_space<vmem_shared>> -> memref<125x128xf32, #tpu.memory_space<vmem_shared>>
      %dma_start3A_201 = arith.constant 0 : i32
      %dma_start3A_202 = arith.constant 0 : i32
      %dma_start3A_203 = tpu.memref_slice %arg7[%run_scoped3A_19, %dma_start3A_201, %dma_start3A_202] : memref<2x125x128xf32, #tpu.memory_space<vmem>> -> memref<1x125x128xf32, #tpu.memory_space<vmem>>
      %dma_start3A_204 = tpu.memref_squeeze %dma_start3A_203 : memref<1x125x128xf32, #tpu.memory_space<vmem>> -> memref<125x128xf32, #tpu.memory_space<vmem>>
      tpu.enqueue_dma source(%dma_start3A_204 : memref<125x128xf32, #tpu.memory_space<vmem>>) target(%dma_start3A_200 : memref<125x128xf32, #tpu.memory_space<vmem_shared>>) target_semaphore(%run_scoped3A_192 : memref<!tpu.dma_semaphore, #tpu.memory_space<semaphore_mem>>)
      %dma_wait3A = arith.constant 0 : i32
      %dma_wait3A_205 = arith.constant 0 : i32
      %dma_wait3A_206 = tpu.memref_slice %arg7[%run_scoped3A_19, %dma_wait3A, %dma_wait3A_205] : memref<2x125x128xf32, #tpu.memory_space<vmem>> -> memref<1x125x128xf32, #tpu.memory_space<vmem>>
      %dma_wait3A_207 = tpu.memref_squeeze %dma_wait3A_206 : memref<1x125x128xf32, #tpu.memory_space<vmem>> -> memref<125x128xf32, #tpu.memory_space<vmem>>
      %dma_wait3A_208 = arith.constant 0 : i32
      %dma_wait3A_209 = tpu.memref_slice %arg8[%add3A_18, %dma_wait3A_208] : memref<10000x128xf32, #tpu.memory_space<vmem_shared>> -> memref<125x128xf32, #tpu.memory_space<vmem_shared>>
      %dma_wait3A_210 = arith.constant 0 : i32
      %dma_wait3A_211 = tpu.memref_slice %arg8[%add3A_18, %dma_wait3A_210] : memref<10000x128xf32, #tpu.memory_space<vmem_shared>> -> memref<125x128xf32, #tpu.memory_space<vmem_shared>>
      %dma_wait3A_212 = arith.constant 0 : i32
      %dma_wait3A_213 = arith.constant 0 : i32
      %dma_wait3A_214 = tpu.memref_slice %arg7[%run_scoped3A_19, %dma_wait3A_212, %dma_wait3A_213] : memref<2x125x128xf32, #tpu.memory_space<vmem>> -> memref<1x125x128xf32, #tpu.memory_space<vmem>>
      %dma_wait3A_215 = tpu.memref_squeeze %dma_wait3A_214 : memref<1x125x128xf32, #tpu.memory_space<vmem>> -> memref<125x128xf32, #tpu.memory_space<vmem>>
      tpu.wait_dma2 semaphore(%run_scoped3A_192 : memref<!tpu.dma_semaphore, #tpu.memory_space<semaphore_mem>>) src(%dma_wait3A_215 : memref<125x128xf32, #tpu.memory_space<vmem>>) dst(%dma_wait3A_211 : memref<125x128xf32, #tpu.memory_space<vmem_shared>>)
      tpu.yield
    }) : () -> ()
    %mul3A_20 = arith.constant 625 : i32
    %mul3A_21 = arith.muli %arg1, %mul3A_20 : i32
    %add3A_22 = arith.constant 375 : i32
    %add3A_23 = arith.addi %mul3A_21, %add3A_22 : i32
    %run_scoped3A_24 = arith.constant 0 : i32
    "tpu.region"() ({
      %run_scoped3A_192 = tpu.sem_alloc : memref<!tpu.dma_semaphore, #tpu.memory_space<semaphore_mem>>
      %dma_start3A_193 = arith.constant 0 : i32
      %dma_start3A_194 = arith.constant 0 : i32
      %dma_start3A_195 = tpu.memref_slice %arg7[%run_scoped3A_24, %dma_start3A_193, %dma_start3A_194] : memref<2x125x128xf32, #tpu.memory_space<vmem>> -> memref<1x125x128xf32, #tpu.memory_space<vmem>>
      %dma_start3A_196 = tpu.memref_squeeze %dma_start3A_195 : memref<1x125x128xf32, #tpu.memory_space<vmem>> -> memref<125x128xf32, #tpu.memory_space<vmem>>
      %dma_start3A_197 = arith.constant 0 : i32
      %dma_start3A_198 = tpu.memref_slice %arg8[%add3A_23, %dma_start3A_197] : memref<10000x128xf32, #tpu.memory_space<vmem_shared>> -> memref<125x128xf32, #tpu.memory_space<vmem_shared>>
      %dma_start3A_199 = arith.constant 0 : i32
      %dma_start3A_200 = tpu.memref_slice %arg8[%add3A_23, %dma_start3A_199] : memref<10000x128xf32, #tpu.memory_space<vmem_shared>> -> memref<125x128xf32, #tpu.memory_space<vmem_shared>>
      %dma_start3A_201 = arith.constant 0 : i32
      %dma_start3A_202 = arith.constant 0 : i32
      %dma_start3A_203 = tpu.memref_slice %arg7[%run_scoped3A_24, %dma_start3A_201, %dma_start3A_202] : memref<2x125x128xf32, #tpu.memory_space<vmem>> -> memref<1x125x128xf32, #tpu.memory_space<vmem>>
      %dma_start3A_204 = tpu.memref_squeeze %dma_start3A_203 : memref<1x125x128xf32, #tpu.memory_space<vmem>> -> memref<125x128xf32, #tpu.memory_space<vmem>>
      tpu.enqueue_dma source(%dma_start3A_204 : memref<125x128xf32, #tpu.memory_space<vmem>>) target(%dma_start3A_200 : memref<125x128xf32, #tpu.memory_space<vmem_shared>>) target_semaphore(%run_scoped3A_192 : memref<!tpu.dma_semaphore, #tpu.memory_space<semaphore_mem>>)
      %dma_wait3A = arith.constant 0 : i32
      %dma_wait3A_205 = arith.constant 0 : i32
      %dma_wait3A_206 = tpu.memref_slice %arg7[%run_scoped3A_24, %dma_wait3A, %dma_wait3A_205] : memref<2x125x128xf32, #tpu.memory_space<vmem>> -> memref<1x125x128xf32, #tpu.memory_space<vmem>>
      %dma_wait3A_207 = tpu.memref_squeeze %dma_wait3A_206 : memref<1x125x128xf32, #tpu.memory_space<vmem>> -> memref<125x128xf32, #tpu.memory_space<vmem>>
      %dma_wait3A_208 = arith.constant 0 : i32
      %dma_wait3A_209 = tpu.memref_slice %arg8[%add3A_23, %dma_wait3A_208] : memref<10000x128xf32, #tpu.memory_space<vmem_shared>> -> memref<125x128xf32, #tpu.memory_space<vmem_shared>>
      %dma_wait3A_210 = arith.constant 0 : i32
      %dma_wait3A_211 = tpu.memref_slice %arg8[%add3A_23, %dma_wait3A_210] : memref<10000x128xf32, #tpu.memory_space<vmem_shared>> -> memref<125x128xf32, #tpu.memory_space<vmem_shared>>
      %dma_wait3A_212 = arith.constant 0 : i32
      %dma_wait3A_213 = arith.constant 0 : i32
      %dma_wait3A_214 = tpu.memref_slice %arg7[%run_scoped3A_24, %dma_wait3A_212, %dma_wait3A_213] : memref<2x125x128xf32, #tpu.memory_space<vmem>> -> memref<1x125x128xf32, #tpu.memory_space<vmem>>
      %dma_wait3A_215 = tpu.memref_squeeze %dma_wait3A_214 : memref<1x125x128xf32, #tpu.memory_space<vmem>> -> memref<125x128xf32, #tpu.memory_space<vmem>>
      tpu.wait_dma2 semaphore(%run_scoped3A_192 : memref<!tpu.dma_semaphore, #tpu.memory_space<semaphore_mem>>) src(%dma_wait3A_215 : memref<125x128xf32, #tpu.memory_space<vmem>>) dst(%dma_wait3A_211 : memref<125x128xf32, #tpu.memory_space<vmem_shared>>)
      tpu.yield
    }) : () -> ()
    %mul3A_25 = arith.constant 625 : i32
    %mul3A_26 = arith.muli %arg1, %mul3A_25 : i32
    %add3A_27 = arith.constant 500 : i32
    %add3A_28 = arith.addi %mul3A_26, %add3A_27 : i32
    %run_scoped3A_29 = arith.constant 0 : i32
    "tpu.region"() ({
      %run_scoped3A_192 = tpu.sem_alloc : memref<!tpu.dma_semaphore, #tpu.memory_space<semaphore_mem>>
      %dma_start3A_193 = arith.constant 0 : i32
      %dma_start3A_194 = arith.constant 0 : i32
      %dma_start3A_195 = tpu.memref_slice %arg7[%run_scoped3A_29, %dma_start3A_193, %dma_start3A_194] : memref<2x125x128xf32, #tpu.memory_space<vmem>> -> memref<1x125x128xf32, #tpu.memory_space<vmem>>
      %dma_start3A_196 = tpu.memref_squeeze %dma_start3A_195 : memref<1x125x128xf32, #tpu.memory_space<vmem>> -> memref<125x128xf32, #tpu.memory_space<vmem>>
      %dma_start3A_197 = arith.constant 0 : i32
      %dma_start3A_198 = tpu.memref_slice %arg8[%add3A_28, %dma_start3A_197] : memref<10000x128xf32, #tpu.memory_space<vmem_shared>> -> memref<125x128xf32, #tpu.memory_space<vmem_shared>>
      %dma_start3A_199 = arith.constant 0 : i32
      %dma_start3A_200 = tpu.memref_slice %arg8[%add3A_28, %dma_start3A_199] : memref<10000x128xf32, #tpu.memory_space<vmem_shared>> -> memref<125x128xf32, #tpu.memory_space<vmem_shared>>
      %dma_start3A_201 = arith.constant 0 : i32
      %dma_start3A_202 = arith.constant 0 : i32
      %dma_start3A_203 = tpu.memref_slice %arg7[%run_scoped3A_29, %dma_start3A_201, %dma_start3A_202] : memref<2x125x128xf32, #tpu.memory_space<vmem>> -> memref<1x125x128xf32, #tpu.memory_space<vmem>>
      %dma_start3A_204 = tpu.memref_squeeze %dma_start3A_203 : memref<1x125x128xf32, #tpu.memory_space<vmem>> -> memref<125x128xf32, #tpu.memory_space<vmem>>
      tpu.enqueue_dma source(%dma_start3A_204 : memref<125x128xf32, #tpu.memory_space<vmem>>) target(%dma_start3A_200 : memref<125x128xf32, #tpu.memory_space<vmem_shared>>) target_semaphore(%run_scoped3A_192 : memref<!tpu.dma_semaphore, #tpu.memory_space<semaphore_mem>>)
      %dma_wait3A = arith.constant 0 : i32
      %dma_wait3A_205 = arith.constant 0 : i32
      %dma_wait3A_206 = tpu.memref_slice %arg7[%run_scoped3A_29, %dma_wait3A, %dma_wait3A_205] : memref<2x125x128xf32, #tpu.memory_space<vmem>> -> memref<1x125x128xf32, #tpu.memory_space<vmem>>
      %dma_wait3A_207 = tpu.memref_squeeze %dma_wait3A_206 : memref<1x125x128xf32, #tpu.memory_space<vmem>> -> memref<125x128xf32, #tpu.memory_space<vmem>>
      %dma_wait3A_208 = arith.constant 0 : i32
      %dma_wait3A_209 = tpu.memref_slice %arg8[%add3A_28, %dma_wait3A_208] : memref<10000x128xf32, #tpu.memory_space<vmem_shared>> -> memref<125x128xf32, #tpu.memory_space<vmem_shared>>
      %dma_wait3A_210 = arith.constant 0 : i32
      %dma_wait3A_211 = tpu.memref_slice %arg8[%add3A_28, %dma_wait3A_210] : memref<10000x128xf32, #tpu.memory_space<vmem_shared>> -> memref<125x128xf32, #tpu.memory_space<vmem_shared>>
      %dma_wait3A_212 = arith.constant 0 : i32
      %dma_wait3A_213 = arith.constant 0 : i32
      %dma_wait3A_214 = tpu.memref_slice %arg7[%run_scoped3A_29, %dma_wait3A_212, %dma_wait3A_213] : memref<2x125x128xf32, #tpu.memory_space<vmem>> -> memref<1x125x128xf32, #tpu.memory_space<vmem>>
      %dma_wait3A_215 = tpu.memref_squeeze %dma_wait3A_214 : memref<1x125x128xf32, #tpu.memory_space<vmem>> -> memref<125x128xf32, #tpu.memory_space<vmem>>
      tpu.wait_dma2 semaphore(%run_scoped3A_192 : memref<!tpu.dma_semaphore, #tpu.memory_space<semaphore_mem>>) src(%dma_wait3A_215 : memref<125x128xf32, #tpu.memory_space<vmem>>) dst(%dma_wait3A_211 : memref<125x128xf32, #tpu.memory_space<vmem_shared>>)
      tpu.yield
    }) : () -> ()
    %barrier3A = arith.constant 0 : index
    tpu.barrier barrier_id(%barrier3A)
    %mul3A_30 = arith.constant 80 : i32
    %mul3A_31 = arith.muli %add3A, %mul3A_30 : i32
    %add3A_32 = arith.constant 0 : i32
    %add3A_33 = arith.addi %mul3A_31, %add3A_32 : i32
    %run_scoped3A_34 = arith.constant 0 : i32
    "tpu.region"() ({
      %run_scoped3A_192 = tpu.sem_alloc : memref<!tpu.dma_semaphore, #tpu.memory_space<semaphore_mem>>
      %dma_start3A_193 = arith.constant 0 : i32
      %dma_start3A_194 = arith.constant 0 : i32
      %dma_start3A_195 = tpu.memref_slice %arg3[%run_scoped3A_34, %dma_start3A_193, %dma_start3A_194] : memref<2x2560x125xi32, #tpu.memory_space<hbm>> -> memref<1x2560x125xi32, #tpu.memory_space<hbm>>
      %dma_start3A_196 = tpu.memref_squeeze %dma_start3A_195 : memref<1x2560x125xi32, #tpu.memory_space<hbm>> -> memref<2560x125xi32, #tpu.memory_space<hbm>>
      %dma_start3A_197 = arith.constant 0 : i32
      %dma_start3A_198 = tpu.memref_slice %dma_start3A_196[%add3A_33, %dma_start3A_197] : memref<2560x125xi32, #tpu.memory_space<hbm>> -> memref<40x125xi32, #tpu.memory_space<hbm>>
      %dma_start3A_199 = arith.constant 0 : i32
      %dma_start3A_200 = arith.constant 0 : i32
      %dma_start3A_201 = tpu.memref_slice %arg3[%run_scoped3A_34, %dma_start3A_199, %dma_start3A_200] : memref<2x2560x125xi32, #tpu.memory_space<hbm>> -> memref<1x2560x125xi32, #tpu.memory_space<hbm>>
      %dma_start3A_202 = tpu.memref_squeeze %dma_start3A_201 : memref<1x2560x125xi32, #tpu.memory_space<hbm>> -> memref<2560x125xi32, #tpu.memory_space<hbm>>
      %dma_start3A_203 = arith.constant 0 : i32
      %dma_start3A_204 = tpu.memref_slice %dma_start3A_202[%add3A_33, %dma_start3A_203] : memref<2560x125xi32, #tpu.memory_space<hbm>> -> memref<40x125xi32, #tpu.memory_space<hbm>>
      tpu.enqueue_dma source(%dma_start3A_204 : memref<40x125xi32, #tpu.memory_space<hbm>>) target(%arg5 : memref<40x125xi32, #tpu.memory_space<vmem>>) target_semaphore(%run_scoped3A_192 : memref<!tpu.dma_semaphore, #tpu.memory_space<semaphore_mem>>)
      %dma_wait3A = arith.constant 0 : i32
      %dma_wait3A_205 = arith.constant 0 : i32
      %dma_wait3A_206 = tpu.memref_slice %arg3[%run_scoped3A_34, %dma_wait3A, %dma_wait3A_205] : memref<2x2560x125xi32, #tpu.memory_space<hbm>> -> memref<1x2560x125xi32, #tpu.memory_space<hbm>>
      %dma_wait3A_207 = tpu.memref_squeeze %dma_wait3A_206 : memref<1x2560x125xi32, #tpu.memory_space<hbm>> -> memref<2560x125xi32, #tpu.memory_space<hbm>>
      %dma_wait3A_208 = arith.constant 0 : i32
      %dma_wait3A_209 = tpu.memref_slice %dma_wait3A_207[%add3A_33, %dma_wait3A_208] : memref<2560x125xi32, #tpu.memory_space<hbm>> -> memref<40x125xi32, #tpu.memory_space<hbm>>
      %dma_wait3A_210 = arith.constant 0 : i32
      %dma_wait3A_211 = arith.constant 0 : i32
      %dma_wait3A_212 = tpu.memref_slice %arg3[%run_scoped3A_34, %dma_wait3A_210, %dma_wait3A_211] : memref<2x2560x125xi32, #tpu.memory_space<hbm>> -> memref<1x2560x125xi32, #tpu.memory_space<hbm>>
      %dma_wait3A_213 = tpu.memref_squeeze %dma_wait3A_212 : memref<1x2560x125xi32, #tpu.memory_space<hbm>> -> memref<2560x125xi32, #tpu.memory_space<hbm>>
      %dma_wait3A_214 = arith.constant 0 : i32
      %dma_wait3A_215 = tpu.memref_slice %dma_wait3A_213[%add3A_33, %dma_wait3A_214] : memref<2560x125xi32, #tpu.memory_space<hbm>> -> memref<40x125xi32, #tpu.memory_space<hbm>>
      tpu.wait_dma2 semaphore(%run_scoped3A_192 : memref<!tpu.dma_semaphore, #tpu.memory_space<semaphore_mem>>) src(%dma_wait3A_215 : memref<40x125xi32, #tpu.memory_space<hbm>>) dst(%arg5 : memref<40x125xi32, #tpu.memory_space<vmem>>)
      tpu.yield
    }) : () -> ()
    %run_scoped3A_35 = arith.constant 1 : i32
    "tpu.region"() ({
      %run_scoped3A_192 = tpu.sem_alloc : memref<!tpu.dma_semaphore, #tpu.memory_space<semaphore_mem>>
      %dma_start3A_193 = arith.constant 0 : i32
      %dma_start3A_194 = arith.constant 0 : i32
      %dma_start3A_195 = tpu.memref_slice %arg3[%run_scoped3A_35, %dma_start3A_193, %dma_start3A_194] : memref<2x2560x125xi32, #tpu.memory_space<hbm>> -> memref<1x2560x125xi32, #tpu.memory_space<hbm>>
      %dma_start3A_196 = tpu.memref_squeeze %dma_start3A_195 : memref<1x2560x125xi32, #tpu.memory_space<hbm>> -> memref<2560x125xi32, #tpu.memory_space<hbm>>
      %dma_start3A_197 = arith.constant 0 : i32
      %dma_start3A_198 = tpu.memref_slice %dma_start3A_196[%add3A_33, %dma_start3A_197] : memref<2560x125xi32, #tpu.memory_space<hbm>> -> memref<40x125xi32, #tpu.memory_space<hbm>>
      %dma_start3A_199 = arith.constant 0 : i32
      %dma_start3A_200 = arith.constant 0 : i32
      %dma_start3A_201 = tpu.memref_slice %arg3[%run_scoped3A_35, %dma_start3A_199, %dma_start3A_200] : memref<2x2560x125xi32, #tpu.memory_space<hbm>> -> memref<1x2560x125xi32, #tpu.memory_space<hbm>>
      %dma_start3A_202 = tpu.memref_squeeze %dma_start3A_201 : memref<1x2560x125xi32, #tpu.memory_space<hbm>> -> memref<2560x125xi32, #tpu.memory_space<hbm>>
      %dma_start3A_203 = arith.constant 0 : i32
      %dma_start3A_204 = tpu.memref_slice %dma_start3A_202[%add3A_33, %dma_start3A_203] : memref<2560x125xi32, #tpu.memory_space<hbm>> -> memref<40x125xi32, #tpu.memory_space<hbm>>
      tpu.enqueue_dma source(%dma_start3A_204 : memref<40x125xi32, #tpu.memory_space<hbm>>) target(%arg6 : memref<40x125xi32, #tpu.memory_space<vmem>>) target_semaphore(%run_scoped3A_192 : memref<!tpu.dma_semaphore, #tpu.memory_space<semaphore_mem>>)
      %dma_wait3A = arith.constant 0 : i32
      %dma_wait3A_205 = arith.constant 0 : i32
      %dma_wait3A_206 = tpu.memref_slice %arg3[%run_scoped3A_35, %dma_wait3A, %dma_wait3A_205] : memref<2x2560x125xi32, #tpu.memory_space<hbm>> -> memref<1x2560x125xi32, #tpu.memory_space<hbm>>
      %dma_wait3A_207 = tpu.memref_squeeze %dma_wait3A_206 : memref<1x2560x125xi32, #tpu.memory_space<hbm>> -> memref<2560x125xi32, #tpu.memory_space<hbm>>
      %dma_wait3A_208 = arith.constant 0 : i32
      %dma_wait3A_209 = tpu.memref_slice %dma_wait3A_207[%add3A_33, %dma_wait3A_208] : memref<2560x125xi32, #tpu.memory_space<hbm>> -> memref<40x125xi32, #tpu.memory_space<hbm>>
      %dma_wait3A_210 = arith.constant 0 : i32
      %dma_wait3A_211 = arith.constant 0 : i32
      %dma_wait3A_212 = tpu.memref_slice %arg3[%run_scoped3A_35, %dma_wait3A_210, %dma_wait3A_211] : memref<2x2560x125xi32, #tpu.memory_space<hbm>> -> memref<1x2560x125xi32, #tpu.memory_space<hbm>>
      %dma_wait3A_213 = tpu.memref_squeeze %dma_wait3A_212 : memref<1x2560x125xi32, #tpu.memory_space<hbm>> -> memref<2560x125xi32, #tpu.memory_space<hbm>>
      %dma_wait3A_214 = arith.constant 0 : i32
      %dma_wait3A_215 = tpu.memref_slice %dma_wait3A_213[%add3A_33, %dma_wait3A_214] : memref<2560x125xi32, #tpu.memory_space<hbm>> -> memref<40x125xi32, #tpu.memory_space<hbm>>
      tpu.wait_dma2 semaphore(%run_scoped3A_192 : memref<!tpu.dma_semaphore, #tpu.memory_space<semaphore_mem>>) src(%dma_wait3A_215 : memref<40x125xi32, #tpu.memory_space<hbm>>) dst(%arg6 : memref<40x125xi32, #tpu.memory_space<vmem>>)
      tpu.yield
    }) : () -> ()
    %dma_start3A = arith.constant 0 : i32
    %dma_start3A_36 = arith.constant 0 : i32
    %dma_start3A_37 = arith.constant 0 : i32
    %dma_start3A_38 = arith.constant 0 : i32
    %dma_start3A_39 = tpu.memref_slice %arg7[%dma_start3A_36, %dma_start3A_37, %dma_start3A_38] : memref<2x125x128xf32, #tpu.memory_space<vmem>> -> memref<1x125x128xf32, #tpu.memory_space<vmem>>
    %dma_start3A_40 = tpu.memref_squeeze %dma_start3A_39 : memref<1x125x128xf32, #tpu.memory_space<vmem>> -> memref<125x128xf32, #tpu.memory_space<vmem>>
    %dma_start3A_41 = arith.constant 0 : i32
    %dma_start3A_42 = arith.constant 0 : i32
    %dma_start3A_43 = tpu.memref_slice %dma_start3A_40[%dma_start3A_41, %dma_start3A_42] : memref<125x128xf32, #tpu.memory_space<vmem>> -> memref<32x128xf32, #tpu.memory_space<vmem>>
    %dma_start3A_44 = arith.constant 0 : i32
    %dma_start3A_45 = tpu.memref_slice %arg5[%dma_start3A, %dma_start3A_44] : memref<40x125xi32, #tpu.memory_space<vmem>> -> memref<1x125xi32, #tpu.memory_space<vmem>>
    %dma_start3A_46 = tpu.memref_squeeze %dma_start3A_45 : memref<1x125xi32, #tpu.memory_space<vmem>> -> memref<125xi32, #tpu.memory_space<vmem>>
    %dma_start3A_47 = arith.constant 0 : i32
    %dma_start3A_48 = tpu.memref_slice %dma_start3A_46[%dma_start3A_47] : memref<125xi32, #tpu.memory_space<vmem>> -> memref<32xi32, #tpu.memory_space<vmem>>
    %dma_start3A_49 = arith.constant 0 : i32
    %dma_start3A_50 = arith.constant 0 : i32
    %dma_start3A_51 = tpu.memref_slice %arg2[%dma_start3A_49, %dma_start3A_50] : memref<10000x128xf32, #tpu.memory_space<hbm>> -> memref<10000x128xf32, #tpu.memory_space<hbm>>
    tpu.enqueue_indirect_dma source(%dma_start3A_51 : memref<10000x128xf32, #tpu.memory_space<hbm>>) target(%dma_start3A_43 : memref<32x128xf32, #tpu.memory_space<vmem>>) offsets(%dma_start3A_48 : memref<32xi32, #tpu.memory_space<vmem>>) semaphore(%arg9 : memref<!tpu.dma_semaphore, #tpu.memory_space<semaphore_mem>>)
    %dma_start3A_52 = arith.constant 0 : i32
    %dma_start3A_53 = arith.constant 0 : i32
    %dma_start3A_54 = arith.constant 0 : i32
    %dma_start3A_55 = arith.constant 0 : i32
    %dma_start3A_56 = tpu.memref_slice %arg7[%dma_start3A_53, %dma_start3A_54, %dma_start3A_55] : memref<2x125x128xf32, #tpu.memory_space<vmem>> -> memref<1x125x128xf32, #tpu.memory_space<vmem>>
    %dma_start3A_57 = tpu.memref_squeeze %dma_start3A_56 : memref<1x125x128xf32, #tpu.memory_space<vmem>> -> memref<125x128xf32, #tpu.memory_space<vmem>>
    %dma_start3A_58 = arith.constant 32 : i32
    %dma_start3A_59 = arith.constant 0 : i32
    %dma_start3A_60 = tpu.memref_slice %dma_start3A_57[%dma_start3A_58, %dma_start3A_59] : memref<125x128xf32, #tpu.memory_space<vmem>> -> memref<32x128xf32, #tpu.memory_space<vmem>>
    %dma_start3A_61 = arith.constant 0 : i32
    %dma_start3A_62 = tpu.memref_slice %arg5[%dma_start3A_52, %dma_start3A_61] : memref<40x125xi32, #tpu.memory_space<vmem>> -> memref<1x125xi32, #tpu.memory_space<vmem>>
    %dma_start3A_63 = tpu.memref_squeeze %dma_start3A_62 : memref<1x125xi32, #tpu.memory_space<vmem>> -> memref<125xi32, #tpu.memory_space<vmem>>
    %dma_start3A_64 = arith.constant 32 : i32
    %dma_start3A_65 = tpu.memref_slice %dma_start3A_63[%dma_start3A_64] : memref<125xi32, #tpu.memory_space<vmem>> -> memref<32xi32, #tpu.memory_space<vmem>>
    %dma_start3A_66 = arith.constant 0 : i32
    %dma_start3A_67 = arith.constant 0 : i32
    %dma_start3A_68 = tpu.memref_slice %arg2[%dma_start3A_66, %dma_start3A_67] : memref<10000x128xf32, #tpu.memory_space<hbm>> -> memref<10000x128xf32, #tpu.memory_space<hbm>>
    tpu.enqueue_indirect_dma source(%dma_start3A_68 : memref<10000x128xf32, #tpu.memory_space<hbm>>) target(%dma_start3A_60 : memref<32x128xf32, #tpu.memory_space<vmem>>) offsets(%dma_start3A_65 : memref<32xi32, #tpu.memory_space<vmem>>) semaphore(%arg10 : memref<!tpu.dma_semaphore, #tpu.memory_space<semaphore_mem>>)
    %dma_start3A_69 = arith.constant 0 : i32
    %dma_start3A_70 = arith.constant 0 : i32
    %dma_start3A_71 = arith.constant 0 : i32
    %dma_start3A_72 = arith.constant 0 : i32
    %dma_start3A_73 = tpu.memref_slice %arg7[%dma_start3A_70, %dma_start3A_71, %dma_start3A_72] : memref<2x125x128xf32, #tpu.memory_space<vmem>> -> memref<1x125x128xf32, #tpu.memory_space<vmem>>
    %dma_start3A_74 = tpu.memref_squeeze %dma_start3A_73 : memref<1x125x128xf32, #tpu.memory_space<vmem>> -> memref<125x128xf32, #tpu.memory_space<vmem>>
    %dma_start3A_75 = arith.constant 64 : i32
    %dma_start3A_76 = arith.constant 0 : i32
    %dma_start3A_77 = tpu.memref_slice %dma_start3A_74[%dma_start3A_75, %dma_start3A_76] : memref<125x128xf32, #tpu.memory_space<vmem>> -> memref<32x128xf32, #tpu.memory_space<vmem>>
    %dma_start3A_78 = arith.constant 0 : i32
    %dma_start3A_79 = tpu.memref_slice %arg5[%dma_start3A_69, %dma_start3A_78] : memref<40x125xi32, #tpu.memory_space<vmem>> -> memref<1x125xi32, #tpu.memory_space<vmem>>
    %dma_start3A_80 = tpu.memref_squeeze %dma_start3A_79 : memref<1x125xi32, #tpu.memory_space<vmem>> -> memref<125xi32, #tpu.memory_space<vmem>>
    %dma_start3A_81 = arith.constant 64 : i32
    %dma_start3A_82 = tpu.memref_slice %dma_start3A_80[%dma_start3A_81] : memref<125xi32, #tpu.memory_space<vmem>> -> memref<32xi32, #tpu.memory_space<vmem>>
    %dma_start3A_83 = arith.constant 0 : i32
    %dma_start3A_84 = arith.constant 0 : i32
    %dma_start3A_85 = tpu.memref_slice %arg2[%dma_start3A_83, %dma_start3A_84] : memref<10000x128xf32, #tpu.memory_space<hbm>> -> memref<10000x128xf32, #tpu.memory_space<hbm>>
    tpu.enqueue_indirect_dma source(%dma_start3A_85 : memref<10000x128xf32, #tpu.memory_space<hbm>>) target(%dma_start3A_77 : memref<32x128xf32, #tpu.memory_space<vmem>>) offsets(%dma_start3A_82 : memref<32xi32, #tpu.memory_space<vmem>>) semaphore(%arg11 : memref<!tpu.dma_semaphore, #tpu.memory_space<semaphore_mem>>)
    %dma_start3A_86 = arith.constant 0 : i32
    %dma_start3A_87 = arith.constant 0 : i32
    %dma_start3A_88 = arith.constant 0 : i32
    %dma_start3A_89 = arith.constant 0 : i32
    %dma_start3A_90 = tpu.memref_slice %arg7[%dma_start3A_87, %dma_start3A_88, %dma_start3A_89] : memref<2x125x128xf32, #tpu.memory_space<vmem>> -> memref<1x125x128xf32, #tpu.memory_space<vmem>>
    %dma_start3A_91 = tpu.memref_squeeze %dma_start3A_90 : memref<1x125x128xf32, #tpu.memory_space<vmem>> -> memref<125x128xf32, #tpu.memory_space<vmem>>
    %dma_start3A_92 = arith.constant 96 : i32
    %dma_start3A_93 = arith.constant 0 : i32
    %dma_start3A_94 = tpu.memref_slice %dma_start3A_91[%dma_start3A_92, %dma_start3A_93] : memref<125x128xf32, #tpu.memory_space<vmem>> -> memref<29x128xf32, #tpu.memory_space<vmem>>
    %dma_start3A_95 = arith.constant 0 : i32
    %dma_start3A_96 = tpu.memref_slice %arg5[%dma_start3A_86, %dma_start3A_95] : memref<40x125xi32, #tpu.memory_space<vmem>> -> memref<1x125xi32, #tpu.memory_space<vmem>>
    %dma_start3A_97 = tpu.memref_squeeze %dma_start3A_96 : memref<1x125xi32, #tpu.memory_space<vmem>> -> memref<125xi32, #tpu.memory_space<vmem>>
    %dma_start3A_98 = arith.constant 96 : i32
    %dma_start3A_99 = tpu.memref_slice %dma_start3A_97[%dma_start3A_98] : memref<125xi32, #tpu.memory_space<vmem>> -> memref<29xi32, #tpu.memory_space<vmem>>
    %dma_start3A_100 = arith.constant 0 : i32
    %dma_start3A_101 = arith.constant 0 : i32
    %dma_start3A_102 = tpu.memref_slice %arg2[%dma_start3A_100, %dma_start3A_101] : memref<10000x128xf32, #tpu.memory_space<hbm>> -> memref<10000x128xf32, #tpu.memory_space<hbm>>
    tpu.enqueue_indirect_dma source(%dma_start3A_102 : memref<10000x128xf32, #tpu.memory_space<hbm>>) target(%dma_start3A_94 : memref<29x128xf32, #tpu.memory_space<vmem>>) offsets(%dma_start3A_99 : memref<29xi32, #tpu.memory_space<vmem>>) semaphore(%arg12 : memref<!tpu.dma_semaphore, #tpu.memory_space<semaphore_mem>>)
    %scan3A_103 = arith.constant 0 : i32
    %scan3A_104 = arith.constant 0 : i32
    %scan3A_105 = arith.constant 20 : i32
    %scan3A_106 = arith.addi %scan3A_104, %scan3A_105 : i32
    %scan3A_107 = arith.constant 1 : i32
    scf.for %scan3A_192 = %scan3A_104 to %scan3A_106 step %scan3A_107  : i32 {
      %mul3A_193 = arith.constant 2 : i32
      %mul3A_194 = arith.muli %mul3A_193, %scan3A_192 : i32
      %dma_wait3A = arith.constant 0 : i32
      %dma_wait3A_195 = arith.constant 0 : i32
      %dma_wait3A_196 = arith.constant 0 : i32
      %dma_wait3A_197 = tpu.memref_slice %arg7[%dma_wait3A, %dma_wait3A_195, %dma_wait3A_196] : memref<2x125x128xf32, #tpu.memory_space<vmem>> -> memref<1x125x128xf32, #tpu.memory_space<vmem>>
      %dma_wait3A_198 = tpu.memref_squeeze %dma_wait3A_197 : memref<1x125x128xf32, #tpu.memory_space<vmem>> -> memref<125x128xf32, #tpu.memory_space<vmem>>
      %dma_wait3A_199 = arith.constant 0 : i32
      %dma_wait3A_200 = arith.constant 0 : i32
      %dma_wait3A_201 = tpu.memref_slice %dma_wait3A_198[%dma_wait3A_199, %dma_wait3A_200] : memref<125x128xf32, #tpu.memory_space<vmem>> -> memref<32x128xf32, #tpu.memory_space<vmem>>
      %dma_wait3A_202 = arith.constant 0 : i32
      %dma_wait3A_203 = tpu.memref_slice %arg5[%mul3A_194, %dma_wait3A_202] : memref<40x125xi32, #tpu.memory_space<vmem>> -> memref<1x125xi32, #tpu.memory_space<vmem>>
      %dma_wait3A_204 = tpu.memref_squeeze %dma_wait3A_203 : memref<1x125xi32, #tpu.memory_space<vmem>> -> memref<125xi32, #tpu.memory_space<vmem>>
      %dma_wait3A_205 = arith.constant 0 : i32
      %dma_wait3A_206 = tpu.memref_slice %dma_wait3A_204[%dma_wait3A_205] : memref<125xi32, #tpu.memory_space<vmem>> -> memref<32xi32, #tpu.memory_space<vmem>>
      %dma_wait3A_207 = arith.constant 0 : i32
      %dma_wait3A_208 = arith.constant 0 : i32
      %dma_wait3A_209 = tpu.memref_slice %arg2[%dma_wait3A_207, %dma_wait3A_208] : memref<10000x128xf32, #tpu.memory_space<hbm>> -> memref<10000x128xf32, #tpu.memory_space<hbm>>
      tpu.wait_indirect_dma semaphore(%arg9 : memref<!tpu.dma_semaphore, #tpu.memory_space<semaphore_mem>>) src(%dma_wait3A_209 : memref<10000x128xf32, #tpu.memory_space<hbm>>) dst(%dma_wait3A_201 : memref<32x128xf32, #tpu.memory_space<vmem>>)
      %dma_wait3A_210 = arith.constant 0 : i32
      %dma_wait3A_211 = arith.constant 0 : i32
      %dma_wait3A_212 = arith.constant 0 : i32
      %dma_wait3A_213 = tpu.memref_slice %arg7[%dma_wait3A_210, %dma_wait3A_211, %dma_wait3A_212] : memref<2x125x128xf32, #tpu.memory_space<vmem>> -> memref<1x125x128xf32, #tpu.memory_space<vmem>>
      %dma_wait3A_214 = tpu.memref_squeeze %dma_wait3A_213 : memref<1x125x128xf32, #tpu.memory_space<vmem>> -> memref<125x128xf32, #tpu.memory_space<vmem>>
      %dma_wait3A_215 = arith.constant 32 : i32
      %dma_wait3A_216 = arith.constant 0 : i32
      %dma_wait3A_217 = tpu.memref_slice %dma_wait3A_214[%dma_wait3A_215, %dma_wait3A_216] : memref<125x128xf32, #tpu.memory_space<vmem>> -> memref<32x128xf32, #tpu.memory_space<vmem>>
      %dma_wait3A_218 = arith.constant 0 : i32
      %dma_wait3A_219 = tpu.memref_slice %arg5[%mul3A_194, %dma_wait3A_218] : memref<40x125xi32, #tpu.memory_space<vmem>> -> memref<1x125xi32, #tpu.memory_space<vmem>>
      %dma_wait3A_220 = tpu.memref_squeeze %dma_wait3A_219 : memref<1x125xi32, #tpu.memory_space<vmem>> -> memref<125xi32, #tpu.memory_space<vmem>>
      %dma_wait3A_221 = arith.constant 32 : i32
      %dma_wait3A_222 = tpu.memref_slice %dma_wait3A_220[%dma_wait3A_221] : memref<125xi32, #tpu.memory_space<vmem>> -> memref<32xi32, #tpu.memory_space<vmem>>
      %dma_wait3A_223 = arith.constant 0 : i32
      %dma_wait3A_224 = arith.constant 0 : i32
      %dma_wait3A_225 = tpu.memref_slice %arg2[%dma_wait3A_223, %dma_wait3A_224] : memref<10000x128xf32, #tpu.memory_space<hbm>> -> memref<10000x128xf32, #tpu.memory_space<hbm>>
      tpu.wait_indirect_dma semaphore(%arg10 : memref<!tpu.dma_semaphore, #tpu.memory_space<semaphore_mem>>) src(%dma_wait3A_225 : memref<10000x128xf32, #tpu.memory_space<hbm>>) dst(%dma_wait3A_217 : memref<32x128xf32, #tpu.memory_space<vmem>>)
      %dma_wait3A_226 = arith.constant 0 : i32
      %dma_wait3A_227 = arith.constant 0 : i32
      %dma_wait3A_228 = arith.constant 0 : i32
      %dma_wait3A_229 = tpu.memref_slice %arg7[%dma_wait3A_226, %dma_wait3A_227, %dma_wait3A_228] : memref<2x125x128xf32, #tpu.memory_space<vmem>> -> memref<1x125x128xf32, #tpu.memory_space<vmem>>
      %dma_wait3A_230 = tpu.memref_squeeze %dma_wait3A_229 : memref<1x125x128xf32, #tpu.memory_space<vmem>> -> memref<125x128xf32, #tpu.memory_space<vmem>>
      %dma_wait3A_231 = arith.constant 64 : i32
      %dma_wait3A_232 = arith.constant 0 : i32
      %dma_wait3A_233 = tpu.memref_slice %dma_wait3A_230[%dma_wait3A_231, %dma_wait3A_232] : memref<125x128xf32, #tpu.memory_space<vmem>> -> memref<32x128xf32, #tpu.memory_space<vmem>>
      %dma_wait3A_234 = arith.constant 0 : i32
      %dma_wait3A_235 = tpu.memref_slice %arg5[%mul3A_194, %dma_wait3A_234] : memref<40x125xi32, #tpu.memory_space<vmem>> -> memref<1x125xi32, #tpu.memory_space<vmem>>
      %dma_wait3A_236 = tpu.memref_squeeze %dma_wait3A_235 : memref<1x125xi32, #tpu.memory_space<vmem>> -> memref<125xi32, #tpu.memory_space<vmem>>
      %dma_wait3A_237 = arith.constant 64 : i32
      %dma_wait3A_238 = tpu.memref_slice %dma_wait3A_236[%dma_wait3A_237] : memref<125xi32, #tpu.memory_space<vmem>> -> memref<32xi32, #tpu.memory_space<vmem>>
      %dma_wait3A_239 = arith.constant 0 : i32
      %dma_wait3A_240 = arith.constant 0 : i32
      %dma_wait3A_241 = tpu.memref_slice %arg2[%dma_wait3A_239, %dma_wait3A_240] : memref<10000x128xf32, #tpu.memory_space<hbm>> -> memref<10000x128xf32, #tpu.memory_space<hbm>>
      tpu.wait_indirect_dma semaphore(%arg11 : memref<!tpu.dma_semaphore, #tpu.memory_space<semaphore_mem>>) src(%dma_wait3A_241 : memref<10000x128xf32, #tpu.memory_space<hbm>>) dst(%dma_wait3A_233 : memref<32x128xf32, #tpu.memory_space<vmem>>)
      %dma_wait3A_242 = arith.constant 0 : i32
      %dma_wait3A_243 = arith.constant 0 : i32
      %dma_wait3A_244 = arith.constant 0 : i32
      %dma_wait3A_245 = tpu.memref_slice %arg7[%dma_wait3A_242, %dma_wait3A_243, %dma_wait3A_244] : memref<2x125x128xf32, #tpu.memory_space<vmem>> -> memref<1x125x128xf32, #tpu.memory_space<vmem>>
      %dma_wait3A_246 = tpu.memref_squeeze %dma_wait3A_245 : memref<1x125x128xf32, #tpu.memory_space<vmem>> -> memref<125x128xf32, #tpu.memory_space<vmem>>
      %dma_wait3A_247 = arith.constant 96 : i32
      %dma_wait3A_248 = arith.constant 0 : i32
      %dma_wait3A_249 = tpu.memref_slice %dma_wait3A_246[%dma_wait3A_247, %dma_wait3A_248] : memref<125x128xf32, #tpu.memory_space<vmem>> -> memref<29x128xf32, #tpu.memory_space<vmem>>
      %dma_wait3A_250 = arith.constant 0 : i32
      %dma_wait3A_251 = tpu.memref_slice %arg5[%mul3A_194, %dma_wait3A_250] : memref<40x125xi32, #tpu.memory_space<vmem>> -> memref<1x125xi32, #tpu.memory_space<vmem>>
      %dma_wait3A_252 = tpu.memref_squeeze %dma_wait3A_251 : memref<1x125xi32, #tpu.memory_space<vmem>> -> memref<125xi32, #tpu.memory_space<vmem>>
      %dma_wait3A_253 = arith.constant 96 : i32
      %dma_wait3A_254 = tpu.memref_slice %dma_wait3A_252[%dma_wait3A_253] : memref<125xi32, #tpu.memory_space<vmem>> -> memref<29xi32, #tpu.memory_space<vmem>>
      %dma_wait3A_255 = arith.constant 0 : i32
      %dma_wait3A_256 = arith.constant 0 : i32
      %dma_wait3A_257 = tpu.memref_slice %arg2[%dma_wait3A_255, %dma_wait3A_256] : memref<10000x128xf32, #tpu.memory_space<hbm>> -> memref<10000x128xf32, #tpu.memory_space<hbm>>
      tpu.wait_indirect_dma semaphore(%arg12 : memref<!tpu.dma_semaphore, #tpu.memory_space<semaphore_mem>>) src(%dma_wait3A_257 : memref<10000x128xf32, #tpu.memory_space<hbm>>) dst(%dma_wait3A_249 : memref<29x128xf32, #tpu.memory_space<vmem>>)
      %add3A_258 = arith.constant 1 : i32
      %add3A_259 = arith.addi %mul3A_194, %add3A_258 : i32
      %dma_start3A_260 = arith.constant 1 : i32
      %dma_start3A_261 = arith.constant 0 : i32
      %dma_start3A_262 = arith.constant 0 : i32
      %dma_start3A_263 = tpu.memref_slice %arg7[%dma_start3A_260, %dma_start3A_261, %dma_start3A_262] : memref<2x125x128xf32, #tpu.memory_space<vmem>> -> memref<1x125x128xf32, #tpu.memory_space<vmem>>
      %dma_start3A_264 = tpu.memref_squeeze %dma_start3A_263 : memref<1x125x128xf32, #tpu.memory_space<vmem>> -> memref<125x128xf32, #tpu.memory_space<vmem>>
      %dma_start3A_265 = arith.constant 0 : i32
      %dma_start3A_266 = arith.constant 0 : i32
      %dma_start3A_267 = tpu.memref_slice %dma_start3A_264[%dma_start3A_265, %dma_start3A_266] : memref<125x128xf32, #tpu.memory_space<vmem>> -> memref<32x128xf32, #tpu.memory_space<vmem>>
      %dma_start3A_268 = arith.constant 0 : i32
      %dma_start3A_269 = tpu.memref_slice %arg5[%add3A_259, %dma_start3A_268] : memref<40x125xi32, #tpu.memory_space<vmem>> -> memref<1x125xi32, #tpu.memory_space<vmem>>
      %dma_start3A_270 = tpu.memref_squeeze %dma_start3A_269 : memref<1x125xi32, #tpu.memory_space<vmem>> -> memref<125xi32, #tpu.memory_space<vmem>>
      %dma_start3A_271 = arith.constant 0 : i32
      %dma_start3A_272 = tpu.memref_slice %dma_start3A_270[%dma_start3A_271] : memref<125xi32, #tpu.memory_space<vmem>> -> memref<32xi32, #tpu.memory_space<vmem>>
      %dma_start3A_273 = arith.constant 0 : i32
      %dma_start3A_274 = arith.constant 0 : i32
      %dma_start3A_275 = tpu.memref_slice %arg2[%dma_start3A_273, %dma_start3A_274] : memref<10000x128xf32, #tpu.memory_space<hbm>> -> memref<10000x128xf32, #tpu.memory_space<hbm>>
      tpu.enqueue_indirect_dma source(%dma_start3A_275 : memref<10000x128xf32, #tpu.memory_space<hbm>>) target(%dma_start3A_267 : memref<32x128xf32, #tpu.memory_space<vmem>>) offsets(%dma_start3A_272 : memref<32xi32, #tpu.memory_space<vmem>>) semaphore(%arg13 : memref<!tpu.dma_semaphore, #tpu.memory_space<semaphore_mem>>)
      %dma_start3A_276 = arith.constant 1 : i32
      %dma_start3A_277 = arith.constant 0 : i32
      %dma_start3A_278 = arith.constant 0 : i32
      %dma_start3A_279 = tpu.memref_slice %arg7[%dma_start3A_276, %dma_start3A_277, %dma_start3A_278] : memref<2x125x128xf32, #tpu.memory_space<vmem>> -> memref<1x125x128xf32, #tpu.memory_space<vmem>>
      %dma_start3A_280 = tpu.memref_squeeze %dma_start3A_279 : memref<1x125x128xf32, #tpu.memory_space<vmem>> -> memref<125x128xf32, #tpu.memory_space<vmem>>
      %dma_start3A_281 = arith.constant 32 : i32
      %dma_start3A_282 = arith.constant 0 : i32
      %dma_start3A_283 = tpu.memref_slice %dma_start3A_280[%dma_start3A_281, %dma_start3A_282] : memref<125x128xf32, #tpu.memory_space<vmem>> -> memref<32x128xf32, #tpu.memory_space<vmem>>
      %dma_start3A_284 = arith.constant 0 : i32
      %dma_start3A_285 = tpu.memref_slice %arg5[%add3A_259, %dma_start3A_284] : memref<40x125xi32, #tpu.memory_space<vmem>> -> memref<1x125xi32, #tpu.memory_space<vmem>>
      %dma_start3A_286 = tpu.memref_squeeze %dma_start3A_285 : memref<1x125xi32, #tpu.memory_space<vmem>> -> memref<125xi32, #tpu.memory_space<vmem>>
      %dma_start3A_287 = arith.constant 32 : i32
      %dma_start3A_288 = tpu.memref_slice %dma_start3A_286[%dma_start3A_287] : memref<125xi32, #tpu.memory_space<vmem>> -> memref<32xi32, #tpu.memory_space<vmem>>
      %dma_start3A_289 = arith.constant 0 : i32
      %dma_start3A_290 = arith.constant 0 : i32
      %dma_start3A_291 = tpu.memref_slice %arg2[%dma_start3A_289, %dma_start3A_290] : memref<10000x128xf32, #tpu.memory_space<hbm>> -> memref<10000x128xf32, #tpu.memory_space<hbm>>
      tpu.enqueue_indirect_dma source(%dma_start3A_291 : memref<10000x128xf32, #tpu.memory_space<hbm>>) target(%dma_start3A_283 : memref<32x128xf32, #tpu.memory_space<vmem>>) offsets(%dma_start3A_288 : memref<32xi32, #tpu.memory_space<vmem>>) semaphore(%arg14 : memref<!tpu.dma_semaphore, #tpu.memory_space<semaphore_mem>>)
      %dma_start3A_292 = arith.constant 1 : i32
      %dma_start3A_293 = arith.constant 0 : i32
      %dma_start3A_294 = arith.constant 0 : i32
      %dma_start3A_295 = tpu.memref_slice %arg7[%dma_start3A_292, %dma_start3A_293, %dma_start3A_294] : memref<2x125x128xf32, #tpu.memory_space<vmem>> -> memref<1x125x128xf32, #tpu.memory_space<vmem>>
      %dma_start3A_296 = tpu.memref_squeeze %dma_start3A_295 : memref<1x125x128xf32, #tpu.memory_space<vmem>> -> memref<125x128xf32, #tpu.memory_space<vmem>>
      %dma_start3A_297 = arith.constant 64 : i32
      %dma_start3A_298 = arith.constant 0 : i32
      %dma_start3A_299 = tpu.memref_slice %dma_start3A_296[%dma_start3A_297, %dma_start3A_298] : memref<125x128xf32, #tpu.memory_space<vmem>> -> memref<32x128xf32, #tpu.memory_space<vmem>>
      %dma_start3A_300 = arith.constant 0 : i32
      %dma_start3A_301 = tpu.memref_slice %arg5[%add3A_259, %dma_start3A_300] : memref<40x125xi32, #tpu.memory_space<vmem>> -> memref<1x125xi32, #tpu.memory_space<vmem>>
      %dma_start3A_302 = tpu.memref_squeeze %dma_start3A_301 : memref<1x125xi32, #tpu.memory_space<vmem>> -> memref<125xi32, #tpu.memory_space<vmem>>
      %dma_start3A_303 = arith.constant 64 : i32
      %dma_start3A_304 = tpu.memref_slice %dma_start3A_302[%dma_start3A_303] : memref<125xi32, #tpu.memory_space<vmem>> -> memref<32xi32, #tpu.memory_space<vmem>>
      %dma_start3A_305 = arith.constant 0 : i32
      %dma_start3A_306 = arith.constant 0 : i32
      %dma_start3A_307 = tpu.memref_slice %arg2[%dma_start3A_305, %dma_start3A_306] : memref<10000x128xf32, #tpu.memory_space<hbm>> -> memref<10000x128xf32, #tpu.memory_space<hbm>>
      tpu.enqueue_indirect_dma source(%dma_start3A_307 : memref<10000x128xf32, #tpu.memory_space<hbm>>) target(%dma_start3A_299 : memref<32x128xf32, #tpu.memory_space<vmem>>) offsets(%dma_start3A_304 : memref<32xi32, #tpu.memory_space<vmem>>) semaphore(%arg15 : memref<!tpu.dma_semaphore, #tpu.memory_space<semaphore_mem>>)
      %dma_start3A_308 = arith.constant 1 : i32
      %dma_start3A_309 = arith.constant 0 : i32
      %dma_start3A_310 = arith.constant 0 : i32
      %dma_start3A_311 = tpu.memref_slice %arg7[%dma_start3A_308, %dma_start3A_309, %dma_start3A_310] : memref<2x125x128xf32, #tpu.memory_space<vmem>> -> memref<1x125x128xf32, #tpu.memory_space<vmem>>
      %dma_start3A_312 = tpu.memref_squeeze %dma_start3A_311 : memref<1x125x128xf32, #tpu.memory_space<vmem>> -> memref<125x128xf32, #tpu.memory_space<vmem>>
      %dma_start3A_313 = arith.constant 96 : i32
      %dma_start3A_314 = arith.constant 0 : i32
      %dma_start3A_315 = tpu.memref_slice %dma_start3A_312[%dma_start3A_313, %dma_start3A_314] : memref<125x128xf32, #tpu.memory_space<vmem>> -> memref<29x128xf32, #tpu.memory_space<vmem>>
      %dma_start3A_316 = arith.constant 0 : i32
      %dma_start3A_317 = tpu.memref_slice %arg5[%add3A_259, %dma_start3A_316] : memref<40x125xi32, #tpu.memory_space<vmem>> -> memref<1x125xi32, #tpu.memory_space<vmem>>
      %dma_start3A_318 = tpu.memref_squeeze %dma_start3A_317 : memref<1x125xi32, #tpu.memory_space<vmem>> -> memref<125xi32, #tpu.memory_space<vmem>>
      %dma_start3A_319 = arith.constant 96 : i32
      %dma_start3A_320 = tpu.memref_slice %dma_start3A_318[%dma_start3A_319] : memref<125xi32, #tpu.memory_space<vmem>> -> memref<29xi32, #tpu.memory_space<vmem>>
      %dma_start3A_321 = arith.constant 0 : i32
      %dma_start3A_322 = arith.constant 0 : i32
      %dma_start3A_323 = tpu.memref_slice %arg2[%dma_start3A_321, %dma_start3A_322] : memref<10000x128xf32, #tpu.memory_space<hbm>> -> memref<10000x128xf32, #tpu.memory_space<hbm>>
      tpu.enqueue_indirect_dma source(%dma_start3A_323 : memref<10000x128xf32, #tpu.memory_space<hbm>>) target(%dma_start3A_315 : memref<29x128xf32, #tpu.memory_space<vmem>>) offsets(%dma_start3A_320 : memref<29xi32, #tpu.memory_space<vmem>>) semaphore(%arg16 : memref<!tpu.dma_semaphore, #tpu.memory_space<semaphore_mem>>)
      %run_scoped3A_324 = arith.constant 0 : i32
      "tpu.region"() ({
        %run_scoped3A_399 = tpu.sem_alloc : memref<!tpu.dma_semaphore, #tpu.memory_space<semaphore_mem>>
        %dma_start3A_400 = arith.constant 0 : i32
        %dma_start3A_401 = arith.constant 0 : i32
        %dma_start3A_402 = tpu.memref_slice %arg7[%run_scoped3A_324, %dma_start3A_400, %dma_start3A_401] : memref<2x125x128xf32, #tpu.memory_space<vmem>> -> memref<1x125x128xf32, #tpu.memory_space<vmem>>
        %dma_start3A_403 = tpu.memref_squeeze %dma_start3A_402 : memref<1x125x128xf32, #tpu.memory_space<vmem>> -> memref<125x128xf32, #tpu.memory_space<vmem>>
        %dma_start3A_404 = arith.constant 0 : i32
        %dma_start3A_405 = tpu.memref_slice %arg6[%mul3A_194, %dma_start3A_404] : memref<40x125xi32, #tpu.memory_space<vmem>> -> memref<1x125xi32, #tpu.memory_space<vmem>>
        %dma_start3A_406 = tpu.memref_squeeze %dma_start3A_405 : memref<1x125xi32, #tpu.memory_space<vmem>> -> memref<125xi32, #tpu.memory_space<vmem>>
        %dma_start3A_407 = arith.constant 0 : i32
        %dma_start3A_408 = arith.constant 0 : i32
        %dma_start3A_409 = tpu.memref_slice %arg8[%dma_start3A_407, %dma_start3A_408] : memref<10000x128xf32, #tpu.memory_space<vmem_shared>> -> memref<10000x128xf32, #tpu.memory_space<vmem_shared>>
        tpu.enqueue_indirect_dma source(%dma_start3A_403 : memref<125x128xf32, #tpu.memory_space<vmem>>) target(%dma_start3A_409 : memref<10000x128xf32, #tpu.memory_space<vmem_shared>>) offsets(%dma_start3A_406 : memref<125xi32, #tpu.memory_space<vmem>>) semaphore(%run_scoped3A_399 : memref<!tpu.dma_semaphore, #tpu.memory_space<semaphore_mem>>) {add = true}
        %dma_wait3A_410 = arith.constant 0 : i32
        %dma_wait3A_411 = arith.constant 0 : i32
        %dma_wait3A_412 = tpu.memref_slice %arg7[%run_scoped3A_324, %dma_wait3A_410, %dma_wait3A_411] : memref<2x125x128xf32, #tpu.memory_space<vmem>> -> memref<1x125x128xf32, #tpu.memory_space<vmem>>
        %dma_wait3A_413 = tpu.memref_squeeze %dma_wait3A_412 : memref<1x125x128xf32, #tpu.memory_space<vmem>> -> memref<125x128xf32, #tpu.memory_space<vmem>>
        %dma_wait3A_414 = arith.constant 0 : i32
        %dma_wait3A_415 = tpu.memref_slice %arg6[%mul3A_194, %dma_wait3A_414] : memref<40x125xi32, #tpu.memory_space<vmem>> -> memref<1x125xi32, #tpu.memory_space<vmem>>
        %dma_wait3A_416 = tpu.memref_squeeze %dma_wait3A_415 : memref<1x125xi32, #tpu.memory_space<vmem>> -> memref<125xi32, #tpu.memory_space<vmem>>
        %dma_wait3A_417 = arith.constant 0 : i32
        %dma_wait3A_418 = arith.constant 0 : i32
        %dma_wait3A_419 = tpu.memref_slice %arg8[%dma_wait3A_417, %dma_wait3A_418] : memref<10000x128xf32, #tpu.memory_space<vmem_shared>> -> memref<10000x128xf32, #tpu.memory_space<vmem_shared>>
        tpu.wait_indirect_dma semaphore(%run_scoped3A_399 : memref<!tpu.dma_semaphore, #tpu.memory_space<semaphore_mem>>) src(%dma_wait3A_413 : memref<125x128xf32, #tpu.memory_space<vmem>>) dst(%dma_wait3A_419 : memref<10000x128xf32, #tpu.memory_space<vmem_shared>>)
        tpu.yield
      }) : () -> ()
      %add3A_325 = arith.constant 1 : i32
      %add3A_326 = arith.addi %mul3A_194, %add3A_325 : i32
      %dma_wait3A_327 = arith.constant 1 : i32
      %dma_wait3A_328 = arith.constant 0 : i32
      %dma_wait3A_329 = arith.constant 0 : i32
      %dma_wait3A_330 = tpu.memref_slice %arg7[%dma_wait3A_327, %dma_wait3A_328, %dma_wait3A_329] : memref<2x125x128xf32, #tpu.memory_space<vmem>> -> memref<1x125x128xf32, #tpu.memory_space<vmem>>
      %dma_wait3A_331 = tpu.memref_squeeze %dma_wait3A_330 : memref<1x125x128xf32, #tpu.memory_space<vmem>> -> memref<125x128xf32, #tpu.memory_space<vmem>>
      %dma_wait3A_332 = arith.constant 0 : i32
      %dma_wait3A_333 = arith.constant 0 : i32
      %dma_wait3A_334 = tpu.memref_slice %dma_wait3A_331[%dma_wait3A_332, %dma_wait3A_333] : memref<125x128xf32, #tpu.memory_space<vmem>> -> memref<32x128xf32, #tpu.memory_space<vmem>>
      %dma_wait3A_335 = arith.constant 0 : i32
      %dma_wait3A_336 = tpu.memref_slice %arg5[%add3A_326, %dma_wait3A_335] : memref<40x125xi32, #tpu.memory_space<vmem>> -> memref<1x125xi32, #tpu.memory_space<vmem>>
      %dma_wait3A_337 = tpu.memref_squeeze %dma_wait3A_336 : memref<1x125xi32, #tpu.memory_space<vmem>> -> memref<125xi32, #tpu.memory_space<vmem>>
      %dma_wait3A_338 = arith.constant 0 : i32
      %dma_wait3A_339 = tpu.memref_slice %dma_wait3A_337[%dma_wait3A_338] : memref<125xi32, #tpu.memory_space<vmem>> -> memref<32xi32, #tpu.memory_space<vmem>>
      %dma_wait3A_340 = arith.constant 0 : i32
      %dma_wait3A_341 = arith.constant 0 : i32
      %dma_wait3A_342 = tpu.memref_slice %arg2[%dma_wait3A_340, %dma_wait3A_341] : memref<10000x128xf32, #tpu.memory_space<hbm>> -> memref<10000x128xf32, #tpu.memory_space<hbm>>
      tpu.wait_indirect_dma semaphore(%arg13 : memref<!tpu.dma_semaphore, #tpu.memory_space<semaphore_mem>>) src(%dma_wait3A_342 : memref<10000x128xf32, #tpu.memory_space<hbm>>) dst(%dma_wait3A_334 : memref<32x128xf32, #tpu.memory_space<vmem>>)
      %dma_wait3A_343 = arith.constant 1 : i32
      %dma_wait3A_344 = arith.constant 0 : i32
      %dma_wait3A_345 = arith.constant 0 : i32
      %dma_wait3A_346 = tpu.memref_slice %arg7[%dma_wait3A_343, %dma_wait3A_344, %dma_wait3A_345] : memref<2x125x128xf32, #tpu.memory_space<vmem>> -> memref<1x125x128xf32, #tpu.memory_space<vmem>>
      %dma_wait3A_347 = tpu.memref_squeeze %dma_wait3A_346 : memref<1x125x128xf32, #tpu.memory_space<vmem>> -> memref<125x128xf32, #tpu.memory_space<vmem>>
      %dma_wait3A_348 = arith.constant 32 : i32
      %dma_wait3A_349 = arith.constant 0 : i32
      %dma_wait3A_350 = tpu.memref_slice %dma_wait3A_347[%dma_wait3A_348, %dma_wait3A_349] : memref<125x128xf32, #tpu.memory_space<vmem>> -> memref<32x128xf32, #tpu.memory_space<vmem>>
      %dma_wait3A_351 = arith.constant 0 : i32
      %dma_wait3A_352 = tpu.memref_slice %arg5[%add3A_326, %dma_wait3A_351] : memref<40x125xi32, #tpu.memory_space<vmem>> -> memref<1x125xi32, #tpu.memory_space<vmem>>
      %dma_wait3A_353 = tpu.memref_squeeze %dma_wait3A_352 : memref<1x125xi32, #tpu.memory_space<vmem>> -> memref<125xi32, #tpu.memory_space<vmem>>
      %dma_wait3A_354 = arith.constant 32 : i32
      %dma_wait3A_355 = tpu.memref_slice %dma_wait3A_353[%dma_wait3A_354] : memref<125xi32, #tpu.memory_space<vmem>> -> memref<32xi32, #tpu.memory_space<vmem>>
      %dma_wait3A_356 = arith.constant 0 : i32
      %dma_wait3A_357 = arith.constant 0 : i32
      %dma_wait3A_358 = tpu.memref_slice %arg2[%dma_wait3A_356, %dma_wait3A_357] : memref<10000x128xf32, #tpu.memory_space<hbm>> -> memref<10000x128xf32, #tpu.memory_space<hbm>>
      tpu.wait_indirect_dma semaphore(%arg14 : memref<!tpu.dma_semaphore, #tpu.memory_space<semaphore_mem>>) src(%dma_wait3A_358 : memref<10000x128xf32, #tpu.memory_space<hbm>>) dst(%dma_wait3A_350 : memref<32x128xf32, #tpu.memory_space<vmem>>)
      %dma_wait3A_359 = arith.constant 1 : i32
      %dma_wait3A_360 = arith.constant 0 : i32
      %dma_wait3A_361 = arith.constant 0 : i32
      %dma_wait3A_362 = tpu.memref_slice %arg7[%dma_wait3A_359, %dma_wait3A_360, %dma_wait3A_361] : memref<2x125x128xf32, #tpu.memory_space<vmem>> -> memref<1x125x128xf32, #tpu.memory_space<vmem>>
      %dma_wait3A_363 = tpu.memref_squeeze %dma_wait3A_362 : memref<1x125x128xf32, #tpu.memory_space<vmem>> -> memref<125x128xf32, #tpu.memory_space<vmem>>
      %dma_wait3A_364 = arith.constant 64 : i32
      %dma_wait3A_365 = arith.constant 0 : i32
      %dma_wait3A_366 = tpu.memref_slice %dma_wait3A_363[%dma_wait3A_364, %dma_wait3A_365] : memref<125x128xf32, #tpu.memory_space<vmem>> -> memref<32x128xf32, #tpu.memory_space<vmem>>
      %dma_wait3A_367 = arith.constant 0 : i32
      %dma_wait3A_368 = tpu.memref_slice %arg5[%add3A_326, %dma_wait3A_367] : memref<40x125xi32, #tpu.memory_space<vmem>> -> memref<1x125xi32, #tpu.memory_space<vmem>>
      %dma_wait3A_369 = tpu.memref_squeeze %dma_wait3A_368 : memref<1x125xi32, #tpu.memory_space<vmem>> -> memref<125xi32, #tpu.memory_space<vmem>>
      %dma_wait3A_370 = arith.constant 64 : i32
      %dma_wait3A_371 = tpu.memref_slice %dma_wait3A_369[%dma_wait3A_370] : memref<125xi32, #tpu.memory_space<vmem>> -> memref<32xi32, #tpu.memory_space<vmem>>
      %dma_wait3A_372 = arith.constant 0 : i32
      %dma_wait3A_373 = arith.constant 0 : i32
      %dma_wait3A_374 = tpu.memref_slice %arg2[%dma_wait3A_372, %dma_wait3A_373] : memref<10000x128xf32, #tpu.memory_space<hbm>> -> memref<10000x128xf32, #tpu.memory_space<hbm>>
      tpu.wait_indirect_dma semaphore(%arg15 : memref<!tpu.dma_semaphore, #tpu.memory_space<semaphore_mem>>) src(%dma_wait3A_374 : memref<10000x128xf32, #tpu.memory_space<hbm>>) dst(%dma_wait3A_366 : memref<32x128xf32, #tpu.memory_space<vmem>>)
      %dma_wait3A_375 = arith.constant 1 : i32
      %dma_wait3A_376 = arith.constant 0 : i32
      %dma_wait3A_377 = arith.constant 0 : i32
      %dma_wait3A_378 = tpu.memref_slice %arg7[%dma_wait3A_375, %dma_wait3A_376, %dma_wait3A_377] : memref<2x125x128xf32, #tpu.memory_space<vmem>> -> memref<1x125x128xf32, #tpu.memory_space<vmem>>
      %dma_wait3A_379 = tpu.memref_squeeze %dma_wait3A_378 : memref<1x125x128xf32, #tpu.memory_space<vmem>> -> memref<125x128xf32, #tpu.memory_space<vmem>>
      %dma_wait3A_380 = arith.constant 96 : i32
      %dma_wait3A_381 = arith.constant 0 : i32
      %dma_wait3A_382 = tpu.memref_slice %dma_wait3A_379[%dma_wait3A_380, %dma_wait3A_381] : memref<125x128xf32, #tpu.memory_space<vmem>> -> memref<29x128xf32, #tpu.memory_space<vmem>>
      %dma_wait3A_383 = arith.constant 0 : i32
      %dma_wait3A_384 = tpu.memref_slice %arg5[%add3A_326, %dma_wait3A_383] : memref<40x125xi32, #tpu.memory_space<vmem>> -> memref<1x125xi32, #tpu.memory_space<vmem>>
      %dma_wait3A_385 = tpu.memref_squeeze %dma_wait3A_384 : memref<1x125xi32, #tpu.memory_space<vmem>> -> memref<125xi32, #tpu.memory_space<vmem>>
      %dma_wait3A_386 = arith.constant 96 : i32
      %dma_wait3A_387 = tpu.memref_slice %dma_wait3A_385[%dma_wait3A_386] : memref<125xi32, #tpu.memory_space<vmem>> -> memref<29xi32, #tpu.memory_space<vmem>>
      %dma_wait3A_388 = arith.constant 0 : i32
      %dma_wait3A_389 = arith.constant 0 : i32
      %dma_wait3A_390 = tpu.memref_slice %arg2[%dma_wait3A_388, %dma_wait3A_389] : memref<10000x128xf32, #tpu.memory_space<hbm>> -> memref<10000x128xf32, #tpu.memory_space<hbm>>
      tpu.wait_indirect_dma semaphore(%arg16 : memref<!tpu.dma_semaphore, #tpu.memory_space<semaphore_mem>>) src(%dma_wait3A_390 : memref<10000x128xf32, #tpu.memory_space<hbm>>) dst(%dma_wait3A_382 : memref<29x128xf32, #tpu.memory_space<vmem>>)
      %lt3A_391 = arith.constant 19 : i32
      %lt3A_392 = arith.cmpi slt, %scan3A_192, %lt3A_391 : i32
      %convert_element_type3A_393 = arith.extui %lt3A_392 : i1 to i32
      %cond3A_394 = arith.constant 0 : i32
      %cond3A_395 = arith.cmpi ne, %convert_element_type3A_393, %cond3A_394 : i32
      scf.if %cond3A_395 {
        %add3A_399 = arith.constant 2 : i32
        %add3A_400 = arith.addi %mul3A_194, %add3A_399 : i32
        %dma_start3A_401 = arith.constant 0 : i32
        %dma_start3A_402 = arith.constant 0 : i32
        %dma_start3A_403 = arith.constant 0 : i32
        %dma_start3A_404 = tpu.memref_slice %arg7[%dma_start3A_401, %dma_start3A_402, %dma_start3A_403] : memref<2x125x128xf32, #tpu.memory_space<vmem>> -> memref<1x125x128xf32, #tpu.memory_space<vmem>>
        %dma_start3A_405 = tpu.memref_squeeze %dma_start3A_404 : memref<1x125x128xf32, #tpu.memory_space<vmem>> -> memref<125x128xf32, #tpu.memory_space<vmem>>
        %dma_start3A_406 = arith.constant 0 : i32
        %dma_start3A_407 = arith.constant 0 : i32
        %dma_start3A_408 = tpu.memref_slice %dma_start3A_405[%dma_start3A_406, %dma_start3A_407] : memref<125x128xf32, #tpu.memory_space<vmem>> -> memref<32x128xf32, #tpu.memory_space<vmem>>
        %dma_start3A_409 = arith.constant 0 : i32
        %dma_start3A_410 = tpu.memref_slice %arg5[%add3A_400, %dma_start3A_409] : memref<40x125xi32, #tpu.memory_space<vmem>> -> memref<1x125xi32, #tpu.memory_space<vmem>>
        %dma_start3A_411 = tpu.memref_squeeze %dma_start3A_410 : memref<1x125xi32, #tpu.memory_space<vmem>> -> memref<125xi32, #tpu.memory_space<vmem>>
        %dma_start3A_412 = arith.constant 0 : i32
        %dma_start3A_413 = tpu.memref_slice %dma_start3A_411[%dma_start3A_412] : memref<125xi32, #tpu.memory_space<vmem>> -> memref<32xi32, #tpu.memory_space<vmem>>
        %dma_start3A_414 = arith.constant 0 : i32
        %dma_start3A_415 = arith.constant 0 : i32
        %dma_start3A_416 = tpu.memref_slice %arg2[%dma_start3A_414, %dma_start3A_415] : memref<10000x128xf32, #tpu.memory_space<hbm>> -> memref<10000x128xf32, #tpu.memory_space<hbm>>
        tpu.enqueue_indirect_dma source(%dma_start3A_416 : memref<10000x128xf32, #tpu.memory_space<hbm>>) target(%dma_start3A_408 : memref<32x128xf32, #tpu.memory_space<vmem>>) offsets(%dma_start3A_413 : memref<32xi32, #tpu.memory_space<vmem>>) semaphore(%arg9 : memref<!tpu.dma_semaphore, #tpu.memory_space<semaphore_mem>>)
        %dma_start3A_417 = arith.constant 0 : i32
        %dma_start3A_418 = arith.constant 0 : i32
        %dma_start3A_419 = arith.constant 0 : i32
        %dma_start3A_420 = tpu.memref_slice %arg7[%dma_start3A_417, %dma_start3A_418, %dma_start3A_419] : memref<2x125x128xf32, #tpu.memory_space<vmem>> -> memref<1x125x128xf32, #tpu.memory_space<vmem>>
        %dma_start3A_421 = tpu.memref_squeeze %dma_start3A_420 : memref<1x125x128xf32, #tpu.memory_space<vmem>> -> memref<125x128xf32, #tpu.memory_space<vmem>>
        %dma_start3A_422 = arith.constant 32 : i32
        %dma_start3A_423 = arith.constant 0 : i32
        %dma_start3A_424 = tpu.memref_slice %dma_start3A_421[%dma_start3A_422, %dma_start3A_423] : memref<125x128xf32, #tpu.memory_space<vmem>> -> memref<32x128xf32, #tpu.memory_space<vmem>>
        %dma_start3A_425 = arith.constant 0 : i32
        %dma_start3A_426 = tpu.memref_slice %arg5[%add3A_400, %dma_start3A_425] : memref<40x125xi32, #tpu.memory_space<vmem>> -> memref<1x125xi32, #tpu.memory_space<vmem>>
        %dma_start3A_427 = tpu.memref_squeeze %dma_start3A_426 : memref<1x125xi32, #tpu.memory_space<vmem>> -> memref<125xi32, #tpu.memory_space<vmem>>
        %dma_start3A_428 = arith.constant 32 : i32
        %dma_start3A_429 = tpu.memref_slice %dma_start3A_427[%dma_start3A_428] : memref<125xi32, #tpu.memory_space<vmem>> -> memref<32xi32, #tpu.memory_space<vmem>>
        %dma_start3A_430 = arith.constant 0 : i32
        %dma_start3A_431 = arith.constant 0 : i32
        %dma_start3A_432 = tpu.memref_slice %arg2[%dma_start3A_430, %dma_start3A_431] : memref<10000x128xf32, #tpu.memory_space<hbm>> -> memref<10000x128xf32, #tpu.memory_space<hbm>>
        tpu.enqueue_indirect_dma source(%dma_start3A_432 : memref<10000x128xf32, #tpu.memory_space<hbm>>) target(%dma_start3A_424 : memref<32x128xf32, #tpu.memory_space<vmem>>) offsets(%dma_start3A_429 : memref<32xi32, #tpu.memory_space<vmem>>) semaphore(%arg10 : memref<!tpu.dma_semaphore, #tpu.memory_space<semaphore_mem>>)
        %dma_start3A_433 = arith.constant 0 : i32
        %dma_start3A_434 = arith.constant 0 : i32
        %dma_start3A_435 = arith.constant 0 : i32
        %dma_start3A_436 = tpu.memref_slice %arg7[%dma_start3A_433, %dma_start3A_434, %dma_start3A_435] : memref<2x125x128xf32, #tpu.memory_space<vmem>> -> memref<1x125x128xf32, #tpu.memory_space<vmem>>
        %dma_start3A_437 = tpu.memref_squeeze %dma_start3A_436 : memref<1x125x128xf32, #tpu.memory_space<vmem>> -> memref<125x128xf32, #tpu.memory_space<vmem>>
        %dma_start3A_438 = arith.constant 64 : i32
        %dma_start3A_439 = arith.constant 0 : i32
        %dma_start3A_440 = tpu.memref_slice %dma_start3A_437[%dma_start3A_438, %dma_start3A_439] : memref<125x128xf32, #tpu.memory_space<vmem>> -> memref<32x128xf32, #tpu.memory_space<vmem>>
        %dma_start3A_441 = arith.constant 0 : i32
        %dma_start3A_442 = tpu.memref_slice %arg5[%add3A_400, %dma_start3A_441] : memref<40x125xi32, #tpu.memory_space<vmem>> -> memref<1x125xi32, #tpu.memory_space<vmem>>
        %dma_start3A_443 = tpu.memref_squeeze %dma_start3A_442 : memref<1x125xi32, #tpu.memory_space<vmem>> -> memref<125xi32, #tpu.memory_space<vmem>>
        %dma_start3A_444 = arith.constant 64 : i32
        %dma_start3A_445 = tpu.memref_slice %dma_start3A_443[%dma_start3A_444] : memref<125xi32, #tpu.memory_space<vmem>> -> memref<32xi32, #tpu.memory_space<vmem>>
        %dma_start3A_446 = arith.constant 0 : i32
        %dma_start3A_447 = arith.constant 0 : i32
        %dma_start3A_448 = tpu.memref_slice %arg2[%dma_start3A_446, %dma_start3A_447] : memref<10000x128xf32, #tpu.memory_space<hbm>> -> memref<10000x128xf32, #tpu.memory_space<hbm>>
        tpu.enqueue_indirect_dma source(%dma_start3A_448 : memref<10000x128xf32, #tpu.memory_space<hbm>>) target(%dma_start3A_440 : memref<32x128xf32, #tpu.memory_space<vmem>>) offsets(%dma_start3A_445 : memref<32xi32, #tpu.memory_space<vmem>>) semaphore(%arg11 : memref<!tpu.dma_semaphore, #tpu.memory_space<semaphore_mem>>)
        %dma_start3A_449 = arith.constant 0 : i32
        %dma_start3A_450 = arith.constant 0 : i32
        %dma_start3A_451 = arith.constant 0 : i32
        %dma_start3A_452 = tpu.memref_slice %arg7[%dma_start3A_449, %dma_start3A_450, %dma_start3A_451] : memref<2x125x128xf32, #tpu.memory_space<vmem>> -> memref<1x125x128xf32, #tpu.memory_space<vmem>>
        %dma_start3A_453 = tpu.memref_squeeze %dma_start3A_452 : memref<1x125x128xf32, #tpu.memory_space<vmem>> -> memref<125x128xf32, #tpu.memory_space<vmem>>
        %dma_start3A_454 = arith.constant 96 : i32
        %dma_start3A_455 = arith.constant 0 : i32
        %dma_start3A_456 = tpu.memref_slice %dma_start3A_453[%dma_start3A_454, %dma_start3A_455] : memref<125x128xf32, #tpu.memory_space<vmem>> -> memref<29x128xf32, #tpu.memory_space<vmem>>
        %dma_start3A_457 = arith.constant 0 : i32
        %dma_start3A_458 = tpu.memref_slice %arg5[%add3A_400, %dma_start3A_457] : memref<40x125xi32, #tpu.memory_space<vmem>> -> memref<1x125xi32, #tpu.memory_space<vmem>>
        %dma_start3A_459 = tpu.memref_squeeze %dma_start3A_458 : memref<1x125xi32, #tpu.memory_space<vmem>> -> memref<125xi32, #tpu.memory_space<vmem>>
        %dma_start3A_460 = arith.constant 96 : i32
        %dma_start3A_461 = tpu.memref_slice %dma_start3A_459[%dma_start3A_460] : memref<125xi32, #tpu.memory_space<vmem>> -> memref<29xi32, #tpu.memory_space<vmem>>
        %dma_start3A_462 = arith.constant 0 : i32
        %dma_start3A_463 = arith.constant 0 : i32
        %dma_start3A_464 = tpu.memref_slice %arg2[%dma_start3A_462, %dma_start3A_463] : memref<10000x128xf32, #tpu.memory_space<hbm>> -> memref<10000x128xf32, #tpu.memory_space<hbm>>
        tpu.enqueue_indirect_dma source(%dma_start3A_464 : memref<10000x128xf32, #tpu.memory_space<hbm>>) target(%dma_start3A_456 : memref<29x128xf32, #tpu.memory_space<vmem>>) offsets(%dma_start3A_461 : memref<29xi32, #tpu.memory_space<vmem>>) semaphore(%arg12 : memref<!tpu.dma_semaphore, #tpu.memory_space<semaphore_mem>>)
      } else {
      }
      %add3A_396 = arith.constant 1 : i32
      %add3A_397 = arith.addi %mul3A_194, %add3A_396 : i32
      %run_scoped3A_398 = arith.constant 1 : i32
      "tpu.region"() ({
        %run_scoped3A_399 = tpu.sem_alloc : memref<!tpu.dma_semaphore, #tpu.memory_space<semaphore_mem>>
        %dma_start3A_400 = arith.constant 0 : i32
        %dma_start3A_401 = arith.constant 0 : i32
        %dma_start3A_402 = tpu.memref_slice %arg7[%run_scoped3A_398, %dma_start3A_400, %dma_start3A_401] : memref<2x125x128xf32, #tpu.memory_space<vmem>> -> memref<1x125x128xf32, #tpu.memory_space<vmem>>
        %dma_start3A_403 = tpu.memref_squeeze %dma_start3A_402 : memref<1x125x128xf32, #tpu.memory_space<vmem>> -> memref<125x128xf32, #tpu.memory_space<vmem>>
        %dma_start3A_404 = arith.constant 0 : i32
        %dma_start3A_405 = tpu.memref_slice %arg6[%add3A_397, %dma_start3A_404] : memref<40x125xi32, #tpu.memory_space<vmem>> -> memref<1x125xi32, #tpu.memory_space<vmem>>
        %dma_start3A_406 = tpu.memref_squeeze %dma_start3A_405 : memref<1x125xi32, #tpu.memory_space<vmem>> -> memref<125xi32, #tpu.memory_space<vmem>>
        %dma_start3A_407 = arith.constant 0 : i32
        %dma_start3A_408 = arith.constant 0 : i32
        %dma_start3A_409 = tpu.memref_slice %arg8[%dma_start3A_407, %dma_start3A_408] : memref<10000x128xf32, #tpu.memory_space<vmem_shared>> -> memref<10000x128xf32, #tpu.memory_space<vmem_shared>>
        tpu.enqueue_indirect_dma source(%dma_start3A_403 : memref<125x128xf32, #tpu.memory_space<vmem>>) target(%dma_start3A_409 : memref<10000x128xf32, #tpu.memory_space<vmem_shared>>) offsets(%dma_start3A_406 : memref<125xi32, #tpu.memory_space<vmem>>) semaphore(%run_scoped3A_399 : memref<!tpu.dma_semaphore, #tpu.memory_space<semaphore_mem>>) {add = true}
        %dma_wait3A_410 = arith.constant 0 : i32
        %dma_wait3A_411 = arith.constant 0 : i32
        %dma_wait3A_412 = tpu.memref_slice %arg7[%run_scoped3A_398, %dma_wait3A_410, %dma_wait3A_411] : memref<2x125x128xf32, #tpu.memory_space<vmem>> -> memref<1x125x128xf32, #tpu.memory_space<vmem>>
        %dma_wait3A_413 = tpu.memref_squeeze %dma_wait3A_412 : memref<1x125x128xf32, #tpu.memory_space<vmem>> -> memref<125x128xf32, #tpu.memory_space<vmem>>
        %dma_wait3A_414 = arith.constant 0 : i32
        %dma_wait3A_415 = tpu.memref_slice %arg6[%add3A_397, %dma_wait3A_414] : memref<40x125xi32, #tpu.memory_space<vmem>> -> memref<1x125xi32, #tpu.memory_space<vmem>>
        %dma_wait3A_416 = tpu.memref_squeeze %dma_wait3A_415 : memref<1x125xi32, #tpu.memory_space<vmem>> -> memref<125xi32, #tpu.memory_space<vmem>>
        %dma_wait3A_417 = arith.constant 0 : i32
        %dma_wait3A_418 = arith.constant 0 : i32
        %dma_wait3A_419 = tpu.memref_slice %arg8[%dma_wait3A_417, %dma_wait3A_418] : memref<10000x128xf32, #tpu.memory_space<vmem_shared>> -> memref<10000x128xf32, #tpu.memory_space<vmem_shared>>
        tpu.wait_indirect_dma semaphore(%run_scoped3A_399 : memref<!tpu.dma_semaphore, #tpu.memory_space<semaphore_mem>>) src(%dma_wait3A_413 : memref<125x128xf32, #tpu.memory_space<vmem>>) dst(%dma_wait3A_419 : memref<10000x128xf32, #tpu.memory_space<vmem_shared>>)
        tpu.yield
      }) : () -> ()
    }
    %scan3A_108 = arith.constant 20 : i32
    %mul3A_109 = arith.constant 80 : i32
    %mul3A_110 = arith.muli %add3A, %mul3A_109 : i32
    %add3A_111 = arith.constant 40 : i32
    %add3A_112 = arith.addi %mul3A_110, %add3A_111 : i32
    %run_scoped3A_113 = arith.constant 0 : i32
    "tpu.region"() ({
      %run_scoped3A_192 = tpu.sem_alloc : memref<!tpu.dma_semaphore, #tpu.memory_space<semaphore_mem>>
      %dma_start3A_193 = arith.constant 0 : i32
      %dma_start3A_194 = arith.constant 0 : i32
      %dma_start3A_195 = tpu.memref_slice %arg3[%run_scoped3A_113, %dma_start3A_193, %dma_start3A_194] : memref<2x2560x125xi32, #tpu.memory_space<hbm>> -> memref<1x2560x125xi32, #tpu.memory_space<hbm>>
      %dma_start3A_196 = tpu.memref_squeeze %dma_start3A_195 : memref<1x2560x125xi32, #tpu.memory_space<hbm>> -> memref<2560x125xi32, #tpu.memory_space<hbm>>
      %dma_start3A_197 = arith.constant 0 : i32
      %dma_start3A_198 = tpu.memref_slice %dma_start3A_196[%add3A_112, %dma_start3A_197] : memref<2560x125xi32, #tpu.memory_space<hbm>> -> memref<40x125xi32, #tpu.memory_space<hbm>>
      %dma_start3A_199 = arith.constant 0 : i32
      %dma_start3A_200 = arith.constant 0 : i32
      %dma_start3A_201 = tpu.memref_slice %arg3[%run_scoped3A_113, %dma_start3A_199, %dma_start3A_200] : memref<2x2560x125xi32, #tpu.memory_space<hbm>> -> memref<1x2560x125xi32, #tpu.memory_space<hbm>>
      %dma_start3A_202 = tpu.memref_squeeze %dma_start3A_201 : memref<1x2560x125xi32, #tpu.memory_space<hbm>> -> memref<2560x125xi32, #tpu.memory_space<hbm>>
      %dma_start3A_203 = arith.constant 0 : i32
      %dma_start3A_204 = tpu.memref_slice %dma_start3A_202[%add3A_112, %dma_start3A_203] : memref<2560x125xi32, #tpu.memory_space<hbm>> -> memref<40x125xi32, #tpu.memory_space<hbm>>
      tpu.enqueue_dma source(%dma_start3A_204 : memref<40x125xi32, #tpu.memory_space<hbm>>) target(%arg5 : memref<40x125xi32, #tpu.memory_space<vmem>>) target_semaphore(%run_scoped3A_192 : memref<!tpu.dma_semaphore, #tpu.memory_space<semaphore_mem>>)
      %dma_wait3A = arith.constant 0 : i32
      %dma_wait3A_205 = arith.constant 0 : i32
      %dma_wait3A_206 = tpu.memref_slice %arg3[%run_scoped3A_113, %dma_wait3A, %dma_wait3A_205] : memref<2x2560x125xi32, #tpu.memory_space<hbm>> -> memref<1x2560x125xi32, #tpu.memory_space<hbm>>
      %dma_wait3A_207 = tpu.memref_squeeze %dma_wait3A_206 : memref<1x2560x125xi32, #tpu.memory_space<hbm>> -> memref<2560x125xi32, #tpu.memory_space<hbm>>
      %dma_wait3A_208 = arith.constant 0 : i32
      %dma_wait3A_209 = tpu.memref_slice %dma_wait3A_207[%add3A_112, %dma_wait3A_208] : memref<2560x125xi32, #tpu.memory_space<hbm>> -> memref<40x125xi32, #tpu.memory_space<hbm>>
      %dma_wait3A_210 = arith.constant 0 : i32
      %dma_wait3A_211 = arith.constant 0 : i32
      %dma_wait3A_212 = tpu.memref_slice %arg3[%run_scoped3A_113, %dma_wait3A_210, %dma_wait3A_211] : memref<2x2560x125xi32, #tpu.memory_space<hbm>> -> memref<1x2560x125xi32, #tpu.memory_space<hbm>>
      %dma_wait3A_213 = tpu.memref_squeeze %dma_wait3A_212 : memref<1x2560x125xi32, #tpu.memory_space<hbm>> -> memref<2560x125xi32, #tpu.memory_space<hbm>>
      %dma_wait3A_214 = arith.constant 0 : i32
      %dma_wait3A_215 = tpu.memref_slice %dma_wait3A_213[%add3A_112, %dma_wait3A_214] : memref<2560x125xi32, #tpu.memory_space<hbm>> -> memref<40x125xi32, #tpu.memory_space<hbm>>
      tpu.wait_dma2 semaphore(%run_scoped3A_192 : memref<!tpu.dma_semaphore, #tpu.memory_space<semaphore_mem>>) src(%dma_wait3A_215 : memref<40x125xi32, #tpu.memory_space<hbm>>) dst(%arg5 : memref<40x125xi32, #tpu.memory_space<vmem>>)
      tpu.yield
    }) : () -> ()
    %run_scoped3A_114 = arith.constant 1 : i32
    "tpu.region"() ({
      %run_scoped3A_192 = tpu.sem_alloc : memref<!tpu.dma_semaphore, #tpu.memory_space<semaphore_mem>>
      %dma_start3A_193 = arith.constant 0 : i32
      %dma_start3A_194 = arith.constant 0 : i32
      %dma_start3A_195 = tpu.memref_slice %arg3[%run_scoped3A_114, %dma_start3A_193, %dma_start3A_194] : memref<2x2560x125xi32, #tpu.memory_space<hbm>> -> memref<1x2560x125xi32, #tpu.memory_space<hbm>>
      %dma_start3A_196 = tpu.memref_squeeze %dma_start3A_195 : memref<1x2560x125xi32, #tpu.memory_space<hbm>> -> memref<2560x125xi32, #tpu.memory_space<hbm>>
      %dma_start3A_197 = arith.constant 0 : i32
      %dma_start3A_198 = tpu.memref_slice %dma_start3A_196[%add3A_112, %dma_start3A_197] : memref<2560x125xi32, #tpu.memory_space<hbm>> -> memref<40x125xi32, #tpu.memory_space<hbm>>
      %dma_start3A_199 = arith.constant 0 : i32
      %dma_start3A_200 = arith.constant 0 : i32
      %dma_start3A_201 = tpu.memref_slice %arg3[%run_scoped3A_114, %dma_start3A_199, %dma_start3A_200] : memref<2x2560x125xi32, #tpu.memory_space<hbm>> -> memref<1x2560x125xi32, #tpu.memory_space<hbm>>
      %dma_start3A_202 = tpu.memref_squeeze %dma_start3A_201 : memref<1x2560x125xi32, #tpu.memory_space<hbm>> -> memref<2560x125xi32, #tpu.memory_space<hbm>>
      %dma_start3A_203 = arith.constant 0 : i32
      %dma_start3A_204 = tpu.memref_slice %dma_start3A_202[%add3A_112, %dma_start3A_203] : memref<2560x125xi32, #tpu.memory_space<hbm>> -> memref<40x125xi32, #tpu.memory_space<hbm>>
      tpu.enqueue_dma source(%dma_start3A_204 : memref<40x125xi32, #tpu.memory_space<hbm>>) target(%arg6 : memref<40x125xi32, #tpu.memory_space<vmem>>) target_semaphore(%run_scoped3A_192 : memref<!tpu.dma_semaphore, #tpu.memory_space<semaphore_mem>>)
      %dma_wait3A = arith.constant 0 : i32
      %dma_wait3A_205 = arith.constant 0 : i32
      %dma_wait3A_206 = tpu.memref_slice %arg3[%run_scoped3A_114, %dma_wait3A, %dma_wait3A_205] : memref<2x2560x125xi32, #tpu.memory_space<hbm>> -> memref<1x2560x125xi32, #tpu.memory_space<hbm>>
      %dma_wait3A_207 = tpu.memref_squeeze %dma_wait3A_206 : memref<1x2560x125xi32, #tpu.memory_space<hbm>> -> memref<2560x125xi32, #tpu.memory_space<hbm>>
      %dma_wait3A_208 = arith.constant 0 : i32
      %dma_wait3A_209 = tpu.memref_slice %dma_wait3A_207[%add3A_112, %dma_wait3A_208] : memref<2560x125xi32, #tpu.memory_space<hbm>> -> memref<40x125xi32, #tpu.memory_space<hbm>>
      %dma_wait3A_210 = arith.constant 0 : i32
      %dma_wait3A_211 = arith.constant 0 : i32
      %dma_wait3A_212 = tpu.memref_slice %arg3[%run_scoped3A_114, %dma_wait3A_210, %dma_wait3A_211] : memref<2x2560x125xi32, #tpu.memory_space<hbm>> -> memref<1x2560x125xi32, #tpu.memory_space<hbm>>
      %dma_wait3A_213 = tpu.memref_squeeze %dma_wait3A_212 : memref<1x2560x125xi32, #tpu.memory_space<hbm>> -> memref<2560x125xi32, #tpu.memory_space<hbm>>
      %dma_wait3A_214 = arith.constant 0 : i32
      %dma_wait3A_215 = tpu.memref_slice %dma_wait3A_213[%add3A_112, %dma_wait3A_214] : memref<2560x125xi32, #tpu.memory_space<hbm>> -> memref<40x125xi32, #tpu.memory_space<hbm>>
      tpu.wait_dma2 semaphore(%run_scoped3A_192 : memref<!tpu.dma_semaphore, #tpu.memory_space<semaphore_mem>>) src(%dma_wait3A_215 : memref<40x125xi32, #tpu.memory_space<hbm>>) dst(%arg6 : memref<40x125xi32, #tpu.memory_space<vmem>>)
      tpu.yield
    }) : () -> ()
    %dma_start3A_115 = arith.constant 0 : i32
    %dma_start3A_116 = arith.constant 0 : i32
    %dma_start3A_117 = arith.constant 0 : i32
    %dma_start3A_118 = arith.constant 0 : i32
    %dma_start3A_119 = tpu.memref_slice %arg7[%dma_start3A_116, %dma_start3A_117, %dma_start3A_118] : memref<2x125x128xf32, #tpu.memory_space<vmem>> -> memref<1x125x128xf32, #tpu.memory_space<vmem>>
    %dma_start3A_120 = tpu.memref_squeeze %dma_start3A_119 : memref<1x125x128xf32, #tpu.memory_space<vmem>> -> memref<125x128xf32, #tpu.memory_space<vmem>>
    %dma_start3A_121 = arith.constant 0 : i32
    %dma_start3A_122 = arith.constant 0 : i32
    %dma_start3A_123 = tpu.memref_slice %dma_start3A_120[%dma_start3A_121, %dma_start3A_122] : memref<125x128xf32, #tpu.memory_space<vmem>> -> memref<32x128xf32, #tpu.memory_space<vmem>>
    %dma_start3A_124 = arith.constant 0 : i32
    %dma_start3A_125 = tpu.memref_slice %arg5[%dma_start3A_115, %dma_start3A_124] : memref<40x125xi32, #tpu.memory_space<vmem>> -> memref<1x125xi32, #tpu.memory_space<vmem>>
    %dma_start3A_126 = tpu.memref_squeeze %dma_start3A_125 : memref<1x125xi32, #tpu.memory_space<vmem>> -> memref<125xi32, #tpu.memory_space<vmem>>
    %dma_start3A_127 = arith.constant 0 : i32
    %dma_start3A_128 = tpu.memref_slice %dma_start3A_126[%dma_start3A_127] : memref<125xi32, #tpu.memory_space<vmem>> -> memref<32xi32, #tpu.memory_space<vmem>>
    %dma_start3A_129 = arith.constant 0 : i32
    %dma_start3A_130 = arith.constant 0 : i32
    %dma_start3A_131 = tpu.memref_slice %arg2[%dma_start3A_129, %dma_start3A_130] : memref<10000x128xf32, #tpu.memory_space<hbm>> -> memref<10000x128xf32, #tpu.memory_space<hbm>>
    tpu.enqueue_indirect_dma source(%dma_start3A_131 : memref<10000x128xf32, #tpu.memory_space<hbm>>) target(%dma_start3A_123 : memref<32x128xf32, #tpu.memory_space<vmem>>) offsets(%dma_start3A_128 : memref<32xi32, #tpu.memory_space<vmem>>) semaphore(%arg9 : memref<!tpu.dma_semaphore, #tpu.memory_space<semaphore_mem>>)
    %dma_start3A_132 = arith.constant 0 : i32
    %dma_start3A_133 = arith.constant 0 : i32
    %dma_start3A_134 = arith.constant 0 : i32
    %dma_start3A_135 = arith.constant 0 : i32
    %dma_start3A_136 = tpu.memref_slice %arg7[%dma_start3A_133, %dma_start3A_134, %dma_start3A_135] : memref<2x125x128xf32, #tpu.memory_space<vmem>> -> memref<1x125x128xf32, #tpu.memory_space<vmem>>
    %dma_start3A_137 = tpu.memref_squeeze %dma_start3A_136 : memref<1x125x128xf32, #tpu.memory_space<vmem>> -> memref<125x128xf32, #tpu.memory_space<vmem>>
    %dma_start3A_138 = arith.constant 32 : i32
    %dma_start3A_139 = arith.constant 0 : i32
    %dma_start3A_140 = tpu.memref_slice %dma_start3A_137[%dma_start3A_138, %dma_start3A_139] : memref<125x128xf32, #tpu.memory_space<vmem>> -> memref<32x128xf32, #tpu.memory_space<vmem>>
    %dma_start3A_141 = arith.constant 0 : i32
    %dma_start3A_142 = tpu.memref_slice %arg5[%dma_start3A_132, %dma_start3A_141] : memref<40x125xi32, #tpu.memory_space<vmem>> -> memref<1x125xi32, #tpu.memory_space<vmem>>
    %dma_start3A_143 = tpu.memref_squeeze %dma_start3A_142 : memref<1x125xi32, #tpu.memory_space<vmem>> -> memref<125xi32, #tpu.memory_space<vmem>>
    %dma_start3A_144 = arith.constant 32 : i32
    %dma_start3A_145 = tpu.memref_slice %dma_start3A_143[%dma_start3A_144] : memref<125xi32, #tpu.memory_space<vmem>> -> memref<32xi32, #tpu.memory_space<vmem>>
    %dma_start3A_146 = arith.constant 0 : i32
    %dma_start3A_147 = arith.constant 0 : i32
    %dma_start3A_148 = tpu.memref_slice %arg2[%dma_start3A_146, %dma_start3A_147] : memref<10000x128xf32, #tpu.memory_space<hbm>> -> memref<10000x128xf32, #tpu.memory_space<hbm>>
    tpu.enqueue_indirect_dma source(%dma_start3A_148 : memref<10000x128xf32, #tpu.memory_space<hbm>>) target(%dma_start3A_140 : memref<32x128xf32, #tpu.memory_space<vmem>>) offsets(%dma_start3A_145 : memref<32xi32, #tpu.memory_space<vmem>>) semaphore(%arg10 : memref<!tpu.dma_semaphore, #tpu.memory_space<semaphore_mem>>)
    %dma_start3A_149 = arith.constant 0 : i32
    %dma_start3A_150 = arith.constant 0 : i32
    %dma_start3A_151 = arith.constant 0 : i32
    %dma_start3A_152 = arith.constant 0 : i32
    %dma_start3A_153 = tpu.memref_slice %arg7[%dma_start3A_150, %dma_start3A_151, %dma_start3A_152] : memref<2x125x128xf32, #tpu.memory_space<vmem>> -> memref<1x125x128xf32, #tpu.memory_space<vmem>>
    %dma_start3A_154 = tpu.memref_squeeze %dma_start3A_153 : memref<1x125x128xf32, #tpu.memory_space<vmem>> -> memref<125x128xf32, #tpu.memory_space<vmem>>
    %dma_start3A_155 = arith.constant 64 : i32
    %dma_start3A_156 = arith.constant 0 : i32
    %dma_start3A_157 = tpu.memref_slice %dma_start3A_154[%dma_start3A_155, %dma_start3A_156] : memref<125x128xf32, #tpu.memory_space<vmem>> -> memref<32x128xf32, #tpu.memory_space<vmem>>
    %dma_start3A_158 = arith.constant 0 : i32
    %dma_start3A_159 = tpu.memref_slice %arg5[%dma_start3A_149, %dma_start3A_158] : memref<40x125xi32, #tpu.memory_space<vmem>> -> memref<1x125xi32, #tpu.memory_space<vmem>>
    %dma_start3A_160 = tpu.memref_squeeze %dma_start3A_159 : memref<1x125xi32, #tpu.memory_space<vmem>> -> memref<125xi32, #tpu.memory_space<vmem>>
    %dma_start3A_161 = arith.constant 64 : i32
    %dma_start3A_162 = tpu.memref_slice %dma_start3A_160[%dma_start3A_161] : memref<125xi32, #tpu.memory_space<vmem>> -> memref<32xi32, #tpu.memory_space<vmem>>
    %dma_start3A_163 = arith.constant 0 : i32
    %dma_start3A_164 = arith.constant 0 : i32
    %dma_start3A_165 = tpu.memref_slice %arg2[%dma_start3A_163, %dma_start3A_164] : memref<10000x128xf32, #tpu.memory_space<hbm>> -> memref<10000x128xf32, #tpu.memory_space<hbm>>
    tpu.enqueue_indirect_dma source(%dma_start3A_165 : memref<10000x128xf32, #tpu.memory_space<hbm>>) target(%dma_start3A_157 : memref<32x128xf32, #tpu.memory_space<vmem>>) offsets(%dma_start3A_162 : memref<32xi32, #tpu.memory_space<vmem>>) semaphore(%arg11 : memref<!tpu.dma_semaphore, #tpu.memory_space<semaphore_mem>>)
    %dma_start3A_166 = arith.constant 0 : i32
    %dma_start3A_167 = arith.constant 0 : i32
    %dma_start3A_168 = arith.constant 0 : i32
    %dma_start3A_169 = arith.constant 0 : i32
    %dma_start3A_170 = tpu.memref_slice %arg7[%dma_start3A_167, %dma_start3A_168, %dma_start3A_169] : memref<2x125x128xf32, #tpu.memory_space<vmem>> -> memref<1x125x128xf32, #tpu.memory_space<vmem>>
    %dma_start3A_171 = tpu.memref_squeeze %dma_start3A_170 : memref<1x125x128xf32, #tpu.memory_space<vmem>> -> memref<125x128xf32, #tpu.memory_space<vmem>>
    %dma_start3A_172 = arith.constant 96 : i32
    %dma_start3A_173 = arith.constant 0 : i32
    %dma_start3A_174 = tpu.memref_slice %dma_start3A_171[%dma_start3A_172, %dma_start3A_173] : memref<125x128xf32, #tpu.memory_space<vmem>> -> memref<29x128xf32, #tpu.memory_space<vmem>>
    %dma_start3A_175 = arith.constant 0 : i32
    %dma_start3A_176 = tpu.memref_slice %arg5[%dma_start3A_166, %dma_start3A_175] : memref<40x125xi32, #tpu.memory_space<vmem>> -> memref<1x125xi32, #tpu.memory_space<vmem>>
    %dma_start3A_177 = tpu.memref_squeeze %dma_start3A_176 : memref<1x125xi32, #tpu.memory_space<vmem>> -> memref<125xi32, #tpu.memory_space<vmem>>
    %dma_start3A_178 = arith.constant 96 : i32
    %dma_start3A_179 = tpu.memref_slice %dma_start3A_177[%dma_start3A_178] : memref<125xi32, #tpu.memory_space<vmem>> -> memref<29xi32, #tpu.memory_space<vmem>>
    %dma_start3A_180 = arith.constant 0 : i32
    %dma_start3A_181 = arith.constant 0 : i32
    %dma_start3A_182 = tpu.memref_slice %arg2[%dma_start3A_180, %dma_start3A_181] : memref<10000x128xf32, #tpu.memory_space<hbm>> -> memref<10000x128xf32, #tpu.memory_space<hbm>>
    tpu.enqueue_indirect_dma source(%dma_start3A_182 : memref<10000x128xf32, #tpu.memory_space<hbm>>) target(%dma_start3A_174 : memref<29x128xf32, #tpu.memory_space<vmem>>) offsets(%dma_start3A_179 : memref<29xi32, #tpu.memory_space<vmem>>) semaphore(%arg12 : memref<!tpu.dma_semaphore, #tpu.memory_space<semaphore_mem>>)
    %scan3A_183 = arith.constant 0 : i32
    %scan3A_184 = arith.constant 0 : i32
    %scan3A_185 = arith.constant 20 : i32
    %scan3A_186 = arith.addi %scan3A_184, %scan3A_185 : i32
    %scan3A_187 = arith.constant 1 : i32
    scf.for %scan3A_192 = %scan3A_184 to %scan3A_186 step %scan3A_187  : i32 {
      %mul3A_193 = arith.constant 2 : i32
      %mul3A_194 = arith.muli %mul3A_193, %scan3A_192 : i32
      %dma_wait3A = arith.constant 0 : i32
      %dma_wait3A_195 = arith.constant 0 : i32
      %dma_wait3A_196 = arith.constant 0 : i32
      %dma_wait3A_197 = tpu.memref_slice %arg7[%dma_wait3A, %dma_wait3A_195, %dma_wait3A_196] : memref<2x125x128xf32, #tpu.memory_space<vmem>> -> memref<1x125x128xf32, #tpu.memory_space<vmem>>
      %dma_wait3A_198 = tpu.memref_squeeze %dma_wait3A_197 : memref<1x125x128xf32, #tpu.memory_space<vmem>> -> memref<125x128xf32, #tpu.memory_space<vmem>>
      %dma_wait3A_199 = arith.constant 0 : i32
      %dma_wait3A_200 = arith.constant 0 : i32
      %dma_wait3A_201 = tpu.memref_slice %dma_wait3A_198[%dma_wait3A_199, %dma_wait3A_200] : memref<125x128xf32, #tpu.memory_space<vmem>> -> memref<32x128xf32, #tpu.memory_space<vmem>>
      %dma_wait3A_202 = arith.constant 0 : i32
      %dma_wait3A_203 = tpu.memref_slice %arg5[%mul3A_194, %dma_wait3A_202] : memref<40x125xi32, #tpu.memory_space<vmem>> -> memref<1x125xi32, #tpu.memory_space<vmem>>
      %dma_wait3A_204 = tpu.memref_squeeze %dma_wait3A_203 : memref<1x125xi32, #tpu.memory_space<vmem>> -> memref<125xi32, #tpu.memory_space<vmem>>
      %dma_wait3A_205 = arith.constant 0 : i32
      %dma_wait3A_206 = tpu.memref_slice %dma_wait3A_204[%dma_wait3A_205] : memref<125xi32, #tpu.memory_space<vmem>> -> memref<32xi32, #tpu.memory_space<vmem>>
      %dma_wait3A_207 = arith.constant 0 : i32
      %dma_wait3A_208 = arith.constant 0 : i32
      %dma_wait3A_209 = tpu.memref_slice %arg2[%dma_wait3A_207, %dma_wait3A_208] : memref<10000x128xf32, #tpu.memory_space<hbm>> -> memref<10000x128xf32, #tpu.memory_space<hbm>>
      tpu.wait_indirect_dma semaphore(%arg9 : memref<!tpu.dma_semaphore, #tpu.memory_space<semaphore_mem>>) src(%dma_wait3A_209 : memref<10000x128xf32, #tpu.memory_space<hbm>>) dst(%dma_wait3A_201 : memref<32x128xf32, #tpu.memory_space<vmem>>)
      %dma_wait3A_210 = arith.constant 0 : i32
      %dma_wait3A_211 = arith.constant 0 : i32
      %dma_wait3A_212 = arith.constant 0 : i32
      %dma_wait3A_213 = tpu.memref_slice %arg7[%dma_wait3A_210, %dma_wait3A_211, %dma_wait3A_212] : memref<2x125x128xf32, #tpu.memory_space<vmem>> -> memref<1x125x128xf32, #tpu.memory_space<vmem>>
      %dma_wait3A_214 = tpu.memref_squeeze %dma_wait3A_213 : memref<1x125x128xf32, #tpu.memory_space<vmem>> -> memref<125x128xf32, #tpu.memory_space<vmem>>
      %dma_wait3A_215 = arith.constant 32 : i32
      %dma_wait3A_216 = arith.constant 0 : i32
      %dma_wait3A_217 = tpu.memref_slice %dma_wait3A_214[%dma_wait3A_215, %dma_wait3A_216] : memref<125x128xf32, #tpu.memory_space<vmem>> -> memref<32x128xf32, #tpu.memory_space<vmem>>
      %dma_wait3A_218 = arith.constant 0 : i32
      %dma_wait3A_219 = tpu.memref_slice %arg5[%mul3A_194, %dma_wait3A_218] : memref<40x125xi32, #tpu.memory_space<vmem>> -> memref<1x125xi32, #tpu.memory_space<vmem>>
      %dma_wait3A_220 = tpu.memref_squeeze %dma_wait3A_219 : memref<1x125xi32, #tpu.memory_space<vmem>> -> memref<125xi32, #tpu.memory_space<vmem>>
      %dma_wait3A_221 = arith.constant 32 : i32
      %dma_wait3A_222 = tpu.memref_slice %dma_wait3A_220[%dma_wait3A_221] : memref<125xi32, #tpu.memory_space<vmem>> -> memref<32xi32, #tpu.memory_space<vmem>>
      %dma_wait3A_223 = arith.constant 0 : i32
      %dma_wait3A_224 = arith.constant 0 : i32
      %dma_wait3A_225 = tpu.memref_slice %arg2[%dma_wait3A_223, %dma_wait3A_224] : memref<10000x128xf32, #tpu.memory_space<hbm>> -> memref<10000x128xf32, #tpu.memory_space<hbm>>
      tpu.wait_indirect_dma semaphore(%arg10 : memref<!tpu.dma_semaphore, #tpu.memory_space<semaphore_mem>>) src(%dma_wait3A_225 : memref<10000x128xf32, #tpu.memory_space<hbm>>) dst(%dma_wait3A_217 : memref<32x128xf32, #tpu.memory_space<vmem>>)
      %dma_wait3A_226 = arith.constant 0 : i32
      %dma_wait3A_227 = arith.constant 0 : i32
      %dma_wait3A_228 = arith.constant 0 : i32
      %dma_wait3A_229 = tpu.memref_slice %arg7[%dma_wait3A_226, %dma_wait3A_227, %dma_wait3A_228] : memref<2x125x128xf32, #tpu.memory_space<vmem>> -> memref<1x125x128xf32, #tpu.memory_space<vmem>>
      %dma_wait3A_230 = tpu.memref_squeeze %dma_wait3A_229 : memref<1x125x128xf32, #tpu.memory_space<vmem>> -> memref<125x128xf32, #tpu.memory_space<vmem>>
      %dma_wait3A_231 = arith.constant 64 : i32
      %dma_wait3A_232 = arith.constant 0 : i32
      %dma_wait3A_233 = tpu.memref_slice %dma_wait3A_230[%dma_wait3A_231, %dma_wait3A_232] : memref<125x128xf32, #tpu.memory_space<vmem>> -> memref<32x128xf32, #tpu.memory_space<vmem>>
      %dma_wait3A_234 = arith.constant 0 : i32
      %dma_wait3A_235 = tpu.memref_slice %arg5[%mul3A_194, %dma_wait3A_234] : memref<40x125xi32, #tpu.memory_space<vmem>> -> memref<1x125xi32, #tpu.memory_space<vmem>>
      %dma_wait3A_236 = tpu.memref_squeeze %dma_wait3A_235 : memref<1x125xi32, #tpu.memory_space<vmem>> -> memref<125xi32, #tpu.memory_space<vmem>>
      %dma_wait3A_237 = arith.constant 64 : i32
      %dma_wait3A_238 = tpu.memref_slice %dma_wait3A_236[%dma_wait3A_237] : memref<125xi32, #tpu.memory_space<vmem>> -> memref<32xi32, #tpu.memory_space<vmem>>
      %dma_wait3A_239 = arith.constant 0 : i32
      %dma_wait3A_240 = arith.constant 0 : i32
      %dma_wait3A_241 = tpu.memref_slice %arg2[%dma_wait3A_239, %dma_wait3A_240] : memref<10000x128xf32, #tpu.memory_space<hbm>> -> memref<10000x128xf32, #tpu.memory_space<hbm>>
      tpu.wait_indirect_dma semaphore(%arg11 : memref<!tpu.dma_semaphore, #tpu.memory_space<semaphore_mem>>) src(%dma_wait3A_241 : memref<10000x128xf32, #tpu.memory_space<hbm>>) dst(%dma_wait3A_233 : memref<32x128xf32, #tpu.memory_space<vmem>>)
      %dma_wait3A_242 = arith.constant 0 : i32
      %dma_wait3A_243 = arith.constant 0 : i32
      %dma_wait3A_244 = arith.constant 0 : i32
      %dma_wait3A_245 = tpu.memref_slice %arg7[%dma_wait3A_242, %dma_wait3A_243, %dma_wait3A_244] : memref<2x125x128xf32, #tpu.memory_space<vmem>> -> memref<1x125x128xf32, #tpu.memory_space<vmem>>
      %dma_wait3A_246 = tpu.memref_squeeze %dma_wait3A_245 : memref<1x125x128xf32, #tpu.memory_space<vmem>> -> memref<125x128xf32, #tpu.memory_space<vmem>>
      %dma_wait3A_247 = arith.constant 96 : i32
      %dma_wait3A_248 = arith.constant 0 : i32
      %dma_wait3A_249 = tpu.memref_slice %dma_wait3A_246[%dma_wait3A_247, %dma_wait3A_248] : memref<125x128xf32, #tpu.memory_space<vmem>> -> memref<29x128xf32, #tpu.memory_space<vmem>>
      %dma_wait3A_250 = arith.constant 0 : i32
      %dma_wait3A_251 = tpu.memref_slice %arg5[%mul3A_194, %dma_wait3A_250] : memref<40x125xi32, #tpu.memory_space<vmem>> -> memref<1x125xi32, #tpu.memory_space<vmem>>
      %dma_wait3A_252 = tpu.memref_squeeze %dma_wait3A_251 : memref<1x125xi32, #tpu.memory_space<vmem>> -> memref<125xi32, #tpu.memory_space<vmem>>
      %dma_wait3A_253 = arith.constant 96 : i32
      %dma_wait3A_254 = tpu.memref_slice %dma_wait3A_252[%dma_wait3A_253] : memref<125xi32, #tpu.memory_space<vmem>> -> memref<29xi32, #tpu.memory_space<vmem>>
      %dma_wait3A_255 = arith.constant 0 : i32
      %dma_wait3A_256 = arith.constant 0 : i32
      %dma_wait3A_257 = tpu.memref_slice %arg2[%dma_wait3A_255, %dma_wait3A_256] : memref<10000x128xf32, #tpu.memory_space<hbm>> -> memref<10000x128xf32, #tpu.memory_space<hbm>>
      tpu.wait_indirect_dma semaphore(%arg12 : memref<!tpu.dma_semaphore, #tpu.memory_space<semaphore_mem>>) src(%dma_wait3A_257 : memref<10000x128xf32, #tpu.memory_space<hbm>>) dst(%dma_wait3A_249 : memref<29x128xf32, #tpu.memory_space<vmem>>)
      %add3A_258 = arith.constant 1 : i32
      %add3A_259 = arith.addi %mul3A_194, %add3A_258 : i32
      %dma_start3A_260 = arith.constant 1 : i32
      %dma_start3A_261 = arith.constant 0 : i32
      %dma_start3A_262 = arith.constant 0 : i32
      %dma_start3A_263 = tpu.memref_slice %arg7[%dma_start3A_260, %dma_start3A_261, %dma_start3A_262] : memref<2x125x128xf32, #tpu.memory_space<vmem>> -> memref<1x125x128xf32, #tpu.memory_space<vmem>>
      %dma_start3A_264 = tpu.memref_squeeze %dma_start3A_263 : memref<1x125x128xf32, #tpu.memory_space<vmem>> -> memref<125x128xf32, #tpu.memory_space<vmem>>
      %dma_start3A_265 = arith.constant 0 : i32
      %dma_start3A_266 = arith.constant 0 : i32
      %dma_start3A_267 = tpu.memref_slice %dma_start3A_264[%dma_start3A_265, %dma_start3A_266] : memref<125x128xf32, #tpu.memory_space<vmem>> -> memref<32x128xf32, #tpu.memory_space<vmem>>
      %dma_start3A_268 = arith.constant 0 : i32
      %dma_start3A_269 = tpu.memref_slice %arg5[%add3A_259, %dma_start3A_268] : memref<40x125xi32, #tpu.memory_space<vmem>> -> memref<1x125xi32, #tpu.memory_space<vmem>>
      %dma_start3A_270 = tpu.memref_squeeze %dma_start3A_269 : memref<1x125xi32, #tpu.memory_space<vmem>> -> memref<125xi32, #tpu.memory_space<vmem>>
      %dma_start3A_271 = arith.constant 0 : i32
      %dma_start3A_272 = tpu.memref_slice %dma_start3A_270[%dma_start3A_271] : memref<125xi32, #tpu.memory_space<vmem>> -> memref<32xi32, #tpu.memory_space<vmem>>
      %dma_start3A_273 = arith.constant 0 : i32
      %dma_start3A_274 = arith.constant 0 : i32
      %dma_start3A_275 = tpu.memref_slice %arg2[%dma_start3A_273, %dma_start3A_274] : memref<10000x128xf32, #tpu.memory_space<hbm>> -> memref<10000x128xf32, #tpu.memory_space<hbm>>
      tpu.enqueue_indirect_dma source(%dma_start3A_275 : memref<10000x128xf32, #tpu.memory_space<hbm>>) target(%dma_start3A_267 : memref<32x128xf32, #tpu.memory_space<vmem>>) offsets(%dma_start3A_272 : memref<32xi32, #tpu.memory_space<vmem>>) semaphore(%arg13 : memref<!tpu.dma_semaphore, #tpu.memory_space<semaphore_mem>>)
      %dma_start3A_276 = arith.constant 1 : i32
      %dma_start3A_277 = arith.constant 0 : i32
      %dma_start3A_278 = arith.constant 0 : i32
      %dma_start3A_279 = tpu.memref_slice %arg7[%dma_start3A_276, %dma_start3A_277, %dma_start3A_278] : memref<2x125x128xf32, #tpu.memory_space<vmem>> -> memref<1x125x128xf32, #tpu.memory_space<vmem>>
      %dma_start3A_280 = tpu.memref_squeeze %dma_start3A_279 : memref<1x125x128xf32, #tpu.memory_space<vmem>> -> memref<125x128xf32, #tpu.memory_space<vmem>>
      %dma_start3A_281 = arith.constant 32 : i32
      %dma_start3A_282 = arith.constant 0 : i32
      %dma_start3A_283 = tpu.memref_slice %dma_start3A_280[%dma_start3A_281, %dma_start3A_282] : memref<125x128xf32, #tpu.memory_space<vmem>> -> memref<32x128xf32, #tpu.memory_space<vmem>>
      %dma_start3A_284 = arith.constant 0 : i32
      %dma_start3A_285 = tpu.memref_slice %arg5[%add3A_259, %dma_start3A_284] : memref<40x125xi32, #tpu.memory_space<vmem>> -> memref<1x125xi32, #tpu.memory_space<vmem>>
      %dma_start3A_286 = tpu.memref_squeeze %dma_start3A_285 : memref<1x125xi32, #tpu.memory_space<vmem>> -> memref<125xi32, #tpu.memory_space<vmem>>
      %dma_start3A_287 = arith.constant 32 : i32
      %dma_start3A_288 = tpu.memref_slice %dma_start3A_286[%dma_start3A_287] : memref<125xi32, #tpu.memory_space<vmem>> -> memref<32xi32, #tpu.memory_space<vmem>>
      %dma_start3A_289 = arith.constant 0 : i32
      %dma_start3A_290 = arith.constant 0 : i32
      %dma_start3A_291 = tpu.memref_slice %arg2[%dma_start3A_289, %dma_start3A_290] : memref<10000x128xf32, #tpu.memory_space<hbm>> -> memref<10000x128xf32, #tpu.memory_space<hbm>>
      tpu.enqueue_indirect_dma source(%dma_start3A_291 : memref<10000x128xf32, #tpu.memory_space<hbm>>) target(%dma_start3A_283 : memref<32x128xf32, #tpu.memory_space<vmem>>) offsets(%dma_start3A_288 : memref<32xi32, #tpu.memory_space<vmem>>) semaphore(%arg14 : memref<!tpu.dma_semaphore, #tpu.memory_space<semaphore_mem>>)
      %dma_start3A_292 = arith.constant 1 : i32
      %dma_start3A_293 = arith.constant 0 : i32
      %dma_start3A_294 = arith.constant 0 : i32
      %dma_start3A_295 = tpu.memref_slice %arg7[%dma_start3A_292, %dma_start3A_293, %dma_start3A_294] : memref<2x125x128xf32, #tpu.memory_space<vmem>> -> memref<1x125x128xf32, #tpu.memory_space<vmem>>
      %dma_start3A_296 = tpu.memref_squeeze %dma_start3A_295 : memref<1x125x128xf32, #tpu.memory_space<vmem>> -> memref<125x128xf32, #tpu.memory_space<vmem>>
      %dma_start3A_297 = arith.constant 64 : i32
      %dma_start3A_298 = arith.constant 0 : i32
      %dma_start3A_299 = tpu.memref_slice %dma_start3A_296[%dma_start3A_297, %dma_start3A_298] : memref<125x128xf32, #tpu.memory_space<vmem>> -> memref<32x128xf32, #tpu.memory_space<vmem>>
      %dma_start3A_300 = arith.constant 0 : i32
      %dma_start3A_301 = tpu.memref_slice %arg5[%add3A_259, %dma_start3A_300] : memref<40x125xi32, #tpu.memory_space<vmem>> -> memref<1x125xi32, #tpu.memory_space<vmem>>
      %dma_start3A_302 = tpu.memref_squeeze %dma_start3A_301 : memref<1x125xi32, #tpu.memory_space<vmem>> -> memref<125xi32, #tpu.memory_space<vmem>>
      %dma_start3A_303 = arith.constant 64 : i32
      %dma_start3A_304 = tpu.memref_slice %dma_start3A_302[%dma_start3A_303] : memref<125xi32, #tpu.memory_space<vmem>> -> memref<32xi32, #tpu.memory_space<vmem>>
      %dma_start3A_305 = arith.constant 0 : i32
      %dma_start3A_306 = arith.constant 0 : i32
      %dma_start3A_307 = tpu.memref_slice %arg2[%dma_start3A_305, %dma_start3A_306] : memref<10000x128xf32, #tpu.memory_space<hbm>> -> memref<10000x128xf32, #tpu.memory_space<hbm>>
      tpu.enqueue_indirect_dma source(%dma_start3A_307 : memref<10000x128xf32, #tpu.memory_space<hbm>>) target(%dma_start3A_299 : memref<32x128xf32, #tpu.memory_space<vmem>>) offsets(%dma_start3A_304 : memref<32xi32, #tpu.memory_space<vmem>>) semaphore(%arg15 : memref<!tpu.dma_semaphore, #tpu.memory_space<semaphore_mem>>)
      %dma_start3A_308 = arith.constant 1 : i32
      %dma_start3A_309 = arith.constant 0 : i32
      %dma_start3A_310 = arith.constant 0 : i32
      %dma_start3A_311 = tpu.memref_slice %arg7[%dma_start3A_308, %dma_start3A_309, %dma_start3A_310] : memref<2x125x128xf32, #tpu.memory_space<vmem>> -> memref<1x125x128xf32, #tpu.memory_space<vmem>>
      %dma_start3A_312 = tpu.memref_squeeze %dma_start3A_311 : memref<1x125x128xf32, #tpu.memory_space<vmem>> -> memref<125x128xf32, #tpu.memory_space<vmem>>
      %dma_start3A_313 = arith.constant 96 : i32
      %dma_start3A_314 = arith.constant 0 : i32
      %dma_start3A_315 = tpu.memref_slice %dma_start3A_312[%dma_start3A_313, %dma_start3A_314] : memref<125x128xf32, #tpu.memory_space<vmem>> -> memref<29x128xf32, #tpu.memory_space<vmem>>
      %dma_start3A_316 = arith.constant 0 : i32
      %dma_start3A_317 = tpu.memref_slice %arg5[%add3A_259, %dma_start3A_316] : memref<40x125xi32, #tpu.memory_space<vmem>> -> memref<1x125xi32, #tpu.memory_space<vmem>>
      %dma_start3A_318 = tpu.memref_squeeze %dma_start3A_317 : memref<1x125xi32, #tpu.memory_space<vmem>> -> memref<125xi32, #tpu.memory_space<vmem>>
      %dma_start3A_319 = arith.constant 96 : i32
      %dma_start3A_320 = tpu.memref_slice %dma_start3A_318[%dma_start3A_319] : memref<125xi32, #tpu.memory_space<vmem>> -> memref<29xi32, #tpu.memory_space<vmem>>
      %dma_start3A_321 = arith.constant 0 : i32
      %dma_start3A_322 = arith.constant 0 : i32
      %dma_start3A_323 = tpu.memref_slice %arg2[%dma_start3A_321, %dma_start3A_322] : memref<10000x128xf32, #tpu.memory_space<hbm>> -> memref<10000x128xf32, #tpu.memory_space<hbm>>
      tpu.enqueue_indirect_dma source(%dma_start3A_323 : memref<10000x128xf32, #tpu.memory_space<hbm>>) target(%dma_start3A_315 : memref<29x128xf32, #tpu.memory_space<vmem>>) offsets(%dma_start3A_320 : memref<29xi32, #tpu.memory_space<vmem>>) semaphore(%arg16 : memref<!tpu.dma_semaphore, #tpu.memory_space<semaphore_mem>>)
      %run_scoped3A_324 = arith.constant 0 : i32
      "tpu.region"() ({
        %run_scoped3A_399 = tpu.sem_alloc : memref<!tpu.dma_semaphore, #tpu.memory_space<semaphore_mem>>
        %dma_start3A_400 = arith.constant 0 : i32
        %dma_start3A_401 = arith.constant 0 : i32
        %dma_start3A_402 = tpu.memref_slice %arg7[%run_scoped3A_324, %dma_start3A_400, %dma_start3A_401] : memref<2x125x128xf32, #tpu.memory_space<vmem>> -> memref<1x125x128xf32, #tpu.memory_space<vmem>>
        %dma_start3A_403 = tpu.memref_squeeze %dma_start3A_402 : memref<1x125x128xf32, #tpu.memory_space<vmem>> -> memref<125x128xf32, #tpu.memory_space<vmem>>
        %dma_start3A_404 = arith.constant 0 : i32
        %dma_start3A_405 = tpu.memref_slice %arg6[%mul3A_194, %dma_start3A_404] : memref<40x125xi32, #tpu.memory_space<vmem>> -> memref<1x125xi32, #tpu.memory_space<vmem>>
        %dma_start3A_406 = tpu.memref_squeeze %dma_start3A_405 : memref<1x125xi32, #tpu.memory_space<vmem>> -> memref<125xi32, #tpu.memory_space<vmem>>
        %dma_start3A_407 = arith.constant 0 : i32
        %dma_start3A_408 = arith.constant 0 : i32
        %dma_start3A_409 = tpu.memref_slice %arg8[%dma_start3A_407, %dma_start3A_408] : memref<10000x128xf32, #tpu.memory_space<vmem_shared>> -> memref<10000x128xf32, #tpu.memory_space<vmem_shared>>
        tpu.enqueue_indirect_dma source(%dma_start3A_403 : memref<125x128xf32, #tpu.memory_space<vmem>>) target(%dma_start3A_409 : memref<10000x128xf32, #tpu.memory_space<vmem_shared>>) offsets(%dma_start3A_406 : memref<125xi32, #tpu.memory_space<vmem>>) semaphore(%run_scoped3A_399 : memref<!tpu.dma_semaphore, #tpu.memory_space<semaphore_mem>>) {add = true}
        %dma_wait3A_410 = arith.constant 0 : i32
        %dma_wait3A_411 = arith.constant 0 : i32
        %dma_wait3A_412 = tpu.memref_slice %arg7[%run_scoped3A_324, %dma_wait3A_410, %dma_wait3A_411] : memref<2x125x128xf32, #tpu.memory_space<vmem>> -> memref<1x125x128xf32, #tpu.memory_space<vmem>>
        %dma_wait3A_413 = tpu.memref_squeeze %dma_wait3A_412 : memref<1x125x128xf32, #tpu.memory_space<vmem>> -> memref<125x128xf32, #tpu.memory_space<vmem>>
        %dma_wait3A_414 = arith.constant 0 : i32
        %dma_wait3A_415 = tpu.memref_slice %arg6[%mul3A_194, %dma_wait3A_414] : memref<40x125xi32, #tpu.memory_space<vmem>> -> memref<1x125xi32, #tpu.memory_space<vmem>>
        %dma_wait3A_416 = tpu.memref_squeeze %dma_wait3A_415 : memref<1x125xi32, #tpu.memory_space<vmem>> -> memref<125xi32, #tpu.memory_space<vmem>>
        %dma_wait3A_417 = arith.constant 0 : i32
        %dma_wait3A_418 = arith.constant 0 : i32
        %dma_wait3A_419 = tpu.memref_slice %arg8[%dma_wait3A_417, %dma_wait3A_418] : memref<10000x128xf32, #tpu.memory_space<vmem_shared>> -> memref<10000x128xf32, #tpu.memory_space<vmem_shared>>
        tpu.wait_indirect_dma semaphore(%run_scoped3A_399 : memref<!tpu.dma_semaphore, #tpu.memory_space<semaphore_mem>>) src(%dma_wait3A_413 : memref<125x128xf32, #tpu.memory_space<vmem>>) dst(%dma_wait3A_419 : memref<10000x128xf32, #tpu.memory_space<vmem_shared>>)
        tpu.yield
      }) : () -> ()
      %add3A_325 = arith.constant 1 : i32
      %add3A_326 = arith.addi %mul3A_194, %add3A_325 : i32
      %dma_wait3A_327 = arith.constant 1 : i32
      %dma_wait3A_328 = arith.constant 0 : i32
      %dma_wait3A_329 = arith.constant 0 : i32
      %dma_wait3A_330 = tpu.memref_slice %arg7[%dma_wait3A_327, %dma_wait3A_328, %dma_wait3A_329] : memref<2x125x128xf32, #tpu.memory_space<vmem>> -> memref<1x125x128xf32, #tpu.memory_space<vmem>>
      %dma_wait3A_331 = tpu.memref_squeeze %dma_wait3A_330 : memref<1x125x128xf32, #tpu.memory_space<vmem>> -> memref<125x128xf32, #tpu.memory_space<vmem>>
      %dma_wait3A_332 = arith.constant 0 : i32
      %dma_wait3A_333 = arith.constant 0 : i32
      %dma_wait3A_334 = tpu.memref_slice %dma_wait3A_331[%dma_wait3A_332, %dma_wait3A_333] : memref<125x128xf32, #tpu.memory_space<vmem>> -> memref<32x128xf32, #tpu.memory_space<vmem>>
      %dma_wait3A_335 = arith.constant 0 : i32
      %dma_wait3A_336 = tpu.memref_slice %arg5[%add3A_326, %dma_wait3A_335] : memref<40x125xi32, #tpu.memory_space<vmem>> -> memref<1x125xi32, #tpu.memory_space<vmem>>
      %dma_wait3A_337 = tpu.memref_squeeze %dma_wait3A_336 : memref<1x125xi32, #tpu.memory_space<vmem>> -> memref<125xi32, #tpu.memory_space<vmem>>
      %dma_wait3A_338 = arith.constant 0 : i32
      %dma_wait3A_339 = tpu.memref_slice %dma_wait3A_337[%dma_wait3A_338] : memref<125xi32, #tpu.memory_space<vmem>> -> memref<32xi32, #tpu.memory_space<vmem>>
      %dma_wait3A_340 = arith.constant 0 : i32
      %dma_wait3A_341 = arith.constant 0 : i32
      %dma_wait3A_342 = tpu.memref_slice %arg2[%dma_wait3A_340, %dma_wait3A_341] : memref<10000x128xf32, #tpu.memory_space<hbm>> -> memref<10000x128xf32, #tpu.memory_space<hbm>>
      tpu.wait_indirect_dma semaphore(%arg13 : memref<!tpu.dma_semaphore, #tpu.memory_space<semaphore_mem>>) src(%dma_wait3A_342 : memref<10000x128xf32, #tpu.memory_space<hbm>>) dst(%dma_wait3A_334 : memref<32x128xf32, #tpu.memory_space<vmem>>)
      %dma_wait3A_343 = arith.constant 1 : i32
      %dma_wait3A_344 = arith.constant 0 : i32
      %dma_wait3A_345 = arith.constant 0 : i32
      %dma_wait3A_346 = tpu.memref_slice %arg7[%dma_wait3A_343, %dma_wait3A_344, %dma_wait3A_345] : memref<2x125x128xf32, #tpu.memory_space<vmem>> -> memref<1x125x128xf32, #tpu.memory_space<vmem>>
      %dma_wait3A_347 = tpu.memref_squeeze %dma_wait3A_346 : memref<1x125x128xf32, #tpu.memory_space<vmem>> -> memref<125x128xf32, #tpu.memory_space<vmem>>
      %dma_wait3A_348 = arith.constant 32 : i32
      %dma_wait3A_349 = arith.constant 0 : i32
      %dma_wait3A_350 = tpu.memref_slice %dma_wait3A_347[%dma_wait3A_348, %dma_wait3A_349] : memref<125x128xf32, #tpu.memory_space<vmem>> -> memref<32x128xf32, #tpu.memory_space<vmem>>
      %dma_wait3A_351 = arith.constant 0 : i32
      %dma_wait3A_352 = tpu.memref_slice %arg5[%add3A_326, %dma_wait3A_351] : memref<40x125xi32, #tpu.memory_space<vmem>> -> memref<1x125xi32, #tpu.memory_space<vmem>>
      %dma_wait3A_353 = tpu.memref_squeeze %dma_wait3A_352 : memref<1x125xi32, #tpu.memory_space<vmem>> -> memref<125xi32, #tpu.memory_space<vmem>>
      %dma_wait3A_354 = arith.constant 32 : i32
      %dma_wait3A_355 = tpu.memref_slice %dma_wait3A_353[%dma_wait3A_354] : memref<125xi32, #tpu.memory_space<vmem>> -> memref<32xi32, #tpu.memory_space<vmem>>
      %dma_wait3A_356 = arith.constant 0 : i32
      %dma_wait3A_357 = arith.constant 0 : i32
      %dma_wait3A_358 = tpu.memref_slice %arg2[%dma_wait3A_356, %dma_wait3A_357] : memref<10000x128xf32, #tpu.memory_space<hbm>> -> memref<10000x128xf32, #tpu.memory_space<hbm>>
      tpu.wait_indirect_dma semaphore(%arg14 : memref<!tpu.dma_semaphore, #tpu.memory_space<semaphore_mem>>) src(%dma_wait3A_358 : memref<10000x128xf32, #tpu.memory_space<hbm>>) dst(%dma_wait3A_350 : memref<32x128xf32, #tpu.memory_space<vmem>>)
      %dma_wait3A_359 = arith.constant 1 : i32
      %dma_wait3A_360 = arith.constant 0 : i32
      %dma_wait3A_361 = arith.constant 0 : i32
      %dma_wait3A_362 = tpu.memref_slice %arg7[%dma_wait3A_359, %dma_wait3A_360, %dma_wait3A_361] : memref<2x125x128xf32, #tpu.memory_space<vmem>> -> memref<1x125x128xf32, #tpu.memory_space<vmem>>
      %dma_wait3A_363 = tpu.memref_squeeze %dma_wait3A_362 : memref<1x125x128xf32, #tpu.memory_space<vmem>> -> memref<125x128xf32, #tpu.memory_space<vmem>>
      %dma_wait3A_364 = arith.constant 64 : i32
      %dma_wait3A_365 = arith.constant 0 : i32
      %dma_wait3A_366 = tpu.memref_slice %dma_wait3A_363[%dma_wait3A_364, %dma_wait3A_365] : memref<125x128xf32, #tpu.memory_space<vmem>> -> memref<32x128xf32, #tpu.memory_space<vmem>>
      %dma_wait3A_367 = arith.constant 0 : i32
      %dma_wait3A_368 = tpu.memref_slice %arg5[%add3A_326, %dma_wait3A_367] : memref<40x125xi32, #tpu.memory_space<vmem>> -> memref<1x125xi32, #tpu.memory_space<vmem>>
      %dma_wait3A_369 = tpu.memref_squeeze %dma_wait3A_368 : memref<1x125xi32, #tpu.memory_space<vmem>> -> memref<125xi32, #tpu.memory_space<vmem>>
      %dma_wait3A_370 = arith.constant 64 : i32
      %dma_wait3A_371 = tpu.memref_slice %dma_wait3A_369[%dma_wait3A_370] : memref<125xi32, #tpu.memory_space<vmem>> -> memref<32xi32, #tpu.memory_space<vmem>>
      %dma_wait3A_372 = arith.constant 0 : i32
      %dma_wait3A_373 = arith.constant 0 : i32
      %dma_wait3A_374 = tpu.memref_slice %arg2[%dma_wait3A_372, %dma_wait3A_373] : memref<10000x128xf32, #tpu.memory_space<hbm>> -> memref<10000x128xf32, #tpu.memory_space<hbm>>
      tpu.wait_indirect_dma semaphore(%arg15 : memref<!tpu.dma_semaphore, #tpu.memory_space<semaphore_mem>>) src(%dma_wait3A_374 : memref<10000x128xf32, #tpu.memory_space<hbm>>) dst(%dma_wait3A_366 : memref<32x128xf32, #tpu.memory_space<vmem>>)
      %dma_wait3A_375 = arith.constant 1 : i32
      %dma_wait3A_376 = arith.constant 0 : i32
      %dma_wait3A_377 = arith.constant 0 : i32
      %dma_wait3A_378 = tpu.memref_slice %arg7[%dma_wait3A_375, %dma_wait3A_376, %dma_wait3A_377] : memref<2x125x128xf32, #tpu.memory_space<vmem>> -> memref<1x125x128xf32, #tpu.memory_space<vmem>>
      %dma_wait3A_379 = tpu.memref_squeeze %dma_wait3A_378 : memref<1x125x128xf32, #tpu.memory_space<vmem>> -> memref<125x128xf32, #tpu.memory_space<vmem>>
      %dma_wait3A_380 = arith.constant 96 : i32
      %dma_wait3A_381 = arith.constant 0 : i32
      %dma_wait3A_382 = tpu.memref_slice %dma_wait3A_379[%dma_wait3A_380, %dma_wait3A_381] : memref<125x128xf32, #tpu.memory_space<vmem>> -> memref<29x128xf32, #tpu.memory_space<vmem>>
      %dma_wait3A_383 = arith.constant 0 : i32
      %dma_wait3A_384 = tpu.memref_slice %arg5[%add3A_326, %dma_wait3A_383] : memref<40x125xi32, #tpu.memory_space<vmem>> -> memref<1x125xi32, #tpu.memory_space<vmem>>
      %dma_wait3A_385 = tpu.memref_squeeze %dma_wait3A_384 : memref<1x125xi32, #tpu.memory_space<vmem>> -> memref<125xi32, #tpu.memory_space<vmem>>
      %dma_wait3A_386 = arith.constant 96 : i32
      %dma_wait3A_387 = tpu.memref_slice %dma_wait3A_385[%dma_wait3A_386] : memref<125xi32, #tpu.memory_space<vmem>> -> memref<29xi32, #tpu.memory_space<vmem>>
      %dma_wait3A_388 = arith.constant 0 : i32
      %dma_wait3A_389 = arith.constant 0 : i32
      %dma_wait3A_390 = tpu.memref_slice %arg2[%dma_wait3A_388, %dma_wait3A_389] : memref<10000x128xf32, #tpu.memory_space<hbm>> -> memref<10000x128xf32, #tpu.memory_space<hbm>>
      tpu.wait_indirect_dma semaphore(%arg16 : memref<!tpu.dma_semaphore, #tpu.memory_space<semaphore_mem>>) src(%dma_wait3A_390 : memref<10000x128xf32, #tpu.memory_space<hbm>>) dst(%dma_wait3A_382 : memref<29x128xf32, #tpu.memory_space<vmem>>)
      %lt3A_391 = arith.constant 19 : i32
      %lt3A_392 = arith.cmpi slt, %scan3A_192, %lt3A_391 : i32
      %convert_element_type3A_393 = arith.extui %lt3A_392 : i1 to i32
      %cond3A_394 = arith.constant 0 : i32
      %cond3A_395 = arith.cmpi ne, %convert_element_type3A_393, %cond3A_394 : i32
      scf.if %cond3A_395 {
        %add3A_399 = arith.constant 2 : i32
        %add3A_400 = arith.addi %mul3A_194, %add3A_399 : i32
        %dma_start3A_401 = arith.constant 0 : i32
        %dma_start3A_402 = arith.constant 0 : i32
        %dma_start3A_403 = arith.constant 0 : i32
        %dma_start3A_404 = tpu.memref_slice %arg7[%dma_start3A_401, %dma_start3A_402, %dma_start3A_403] : memref<2x125x128xf32, #tpu.memory_space<vmem>> -> memref<1x125x128xf32, #tpu.memory_space<vmem>>
        %dma_start3A_405 = tpu.memref_squeeze %dma_start3A_404 : memref<1x125x128xf32, #tpu.memory_space<vmem>> -> memref<125x128xf32, #tpu.memory_space<vmem>>
        %dma_start3A_406 = arith.constant 0 : i32
        %dma_start3A_407 = arith.constant 0 : i32
        %dma_start3A_408 = tpu.memref_slice %dma_start3A_405[%dma_start3A_406, %dma_start3A_407] : memref<125x128xf32, #tpu.memory_space<vmem>> -> memref<32x128xf32, #tpu.memory_space<vmem>>
        %dma_start3A_409 = arith.constant 0 : i32
        %dma_start3A_410 = tpu.memref_slice %arg5[%add3A_400, %dma_start3A_409] : memref<40x125xi32, #tpu.memory_space<vmem>> -> memref<1x125xi32, #tpu.memory_space<vmem>>
        %dma_start3A_411 = tpu.memref_squeeze %dma_start3A_410 : memref<1x125xi32, #tpu.memory_space<vmem>> -> memref<125xi32, #tpu.memory_space<vmem>>
        %dma_start3A_412 = arith.constant 0 : i32
        %dma_start3A_413 = tpu.memref_slice %dma_start3A_411[%dma_start3A_412] : memref<125xi32, #tpu.memory_space<vmem>> -> memref<32xi32, #tpu.memory_space<vmem>>
        %dma_start3A_414 = arith.constant 0 : i32
        %dma_start3A_415 = arith.constant 0 : i32
        %dma_start3A_416 = tpu.memref_slice %arg2[%dma_start3A_414, %dma_start3A_415] : memref<10000x128xf32, #tpu.memory_space<hbm>> -> memref<10000x128xf32, #tpu.memory_space<hbm>>
        tpu.enqueue_indirect_dma source(%dma_start3A_416 : memref<10000x128xf32, #tpu.memory_space<hbm>>) target(%dma_start3A_408 : memref<32x128xf32, #tpu.memory_space<vmem>>) offsets(%dma_start3A_413 : memref<32xi32, #tpu.memory_space<vmem>>) semaphore(%arg9 : memref<!tpu.dma_semaphore, #tpu.memory_space<semaphore_mem>>)
        %dma_start3A_417 = arith.constant 0 : i32
        %dma_start3A_418 = arith.constant 0 : i32
        %dma_start3A_419 = arith.constant 0 : i32
        %dma_start3A_420 = tpu.memref_slice %arg7[%dma_start3A_417, %dma_start3A_418, %dma_start3A_419] : memref<2x125x128xf32, #tpu.memory_space<vmem>> -> memref<1x125x128xf32, #tpu.memory_space<vmem>>
        %dma_start3A_421 = tpu.memref_squeeze %dma_start3A_420 : memref<1x125x128xf32, #tpu.memory_space<vmem>> -> memref<125x128xf32, #tpu.memory_space<vmem>>
        %dma_start3A_422 = arith.constant 32 : i32
        %dma_start3A_423 = arith.constant 0 : i32
        %dma_start3A_424 = tpu.memref_slice %dma_start3A_421[%dma_start3A_422, %dma_start3A_423] : memref<125x128xf32, #tpu.memory_space<vmem>> -> memref<32x128xf32, #tpu.memory_space<vmem>>
        %dma_start3A_425 = arith.constant 0 : i32
        %dma_start3A_426 = tpu.memref_slice %arg5[%add3A_400, %dma_start3A_425] : memref<40x125xi32, #tpu.memory_space<vmem>> -> memref<1x125xi32, #tpu.memory_space<vmem>>
        %dma_start3A_427 = tpu.memref_squeeze %dma_start3A_426 : memref<1x125xi32, #tpu.memory_space<vmem>> -> memref<125xi32, #tpu.memory_space<vmem>>
        %dma_start3A_428 = arith.constant 32 : i32
        %dma_start3A_429 = tpu.memref_slice %dma_start3A_427[%dma_start3A_428] : memref<125xi32, #tpu.memory_space<vmem>> -> memref<32xi32, #tpu.memory_space<vmem>>
        %dma_start3A_430 = arith.constant 0 : i32
        %dma_start3A_431 = arith.constant 0 : i32
        %dma_start3A_432 = tpu.memref_slice %arg2[%dma_start3A_430, %dma_start3A_431] : memref<10000x128xf32, #tpu.memory_space<hbm>> -> memref<10000x128xf32, #tpu.memory_space<hbm>>
        tpu.enqueue_indirect_dma source(%dma_start3A_432 : memref<10000x128xf32, #tpu.memory_space<hbm>>) target(%dma_start3A_424 : memref<32x128xf32, #tpu.memory_space<vmem>>) offsets(%dma_start3A_429 : memref<32xi32, #tpu.memory_space<vmem>>) semaphore(%arg10 : memref<!tpu.dma_semaphore, #tpu.memory_space<semaphore_mem>>)
        %dma_start3A_433 = arith.constant 0 : i32
        %dma_start3A_434 = arith.constant 0 : i32
        %dma_start3A_435 = arith.constant 0 : i32
        %dma_start3A_436 = tpu.memref_slice %arg7[%dma_start3A_433, %dma_start3A_434, %dma_start3A_435] : memref<2x125x128xf32, #tpu.memory_space<vmem>> -> memref<1x125x128xf32, #tpu.memory_space<vmem>>
        %dma_start3A_437 = tpu.memref_squeeze %dma_start3A_436 : memref<1x125x128xf32, #tpu.memory_space<vmem>> -> memref<125x128xf32, #tpu.memory_space<vmem>>
        %dma_start3A_438 = arith.constant 64 : i32
        %dma_start3A_439 = arith.constant 0 : i32
        %dma_start3A_440 = tpu.memref_slice %dma_start3A_437[%dma_start3A_438, %dma_start3A_439] : memref<125x128xf32, #tpu.memory_space<vmem>> -> memref<32x128xf32, #tpu.memory_space<vmem>>
        %dma_start3A_441 = arith.constant 0 : i32
        %dma_start3A_442 = tpu.memref_slice %arg5[%add3A_400, %dma_start3A_441] : memref<40x125xi32, #tpu.memory_space<vmem>> -> memref<1x125xi32, #tpu.memory_space<vmem>>
        %dma_start3A_443 = tpu.memref_squeeze %dma_start3A_442 : memref<1x125xi32, #tpu.memory_space<vmem>> -> memref<125xi32, #tpu.memory_space<vmem>>
        %dma_start3A_444 = arith.constant 64 : i32
        %dma_start3A_445 = tpu.memref_slice %dma_start3A_443[%dma_start3A_444] : memref<125xi32, #tpu.memory_space<vmem>> -> memref<32xi32, #tpu.memory_space<vmem>>
        %dma_start3A_446 = arith.constant 0 : i32
        %dma_start3A_447 = arith.constant 0 : i32
        %dma_start3A_448 = tpu.memref_slice %arg2[%dma_start3A_446, %dma_start3A_447] : memref<10000x128xf32, #tpu.memory_space<hbm>> -> memref<10000x128xf32, #tpu.memory_space<hbm>>
        tpu.enqueue_indirect_dma source(%dma_start3A_448 : memref<10000x128xf32, #tpu.memory_space<hbm>>) target(%dma_start3A_440 : memref<32x128xf32, #tpu.memory_space<vmem>>) offsets(%dma_start3A_445 : memref<32xi32, #tpu.memory_space<vmem>>) semaphore(%arg11 : memref<!tpu.dma_semaphore, #tpu.memory_space<semaphore_mem>>)
        %dma_start3A_449 = arith.constant 0 : i32
        %dma_start3A_450 = arith.constant 0 : i32
        %dma_start3A_451 = arith.constant 0 : i32
        %dma_start3A_452 = tpu.memref_slice %arg7[%dma_start3A_449, %dma_start3A_450, %dma_start3A_451] : memref<2x125x128xf32, #tpu.memory_space<vmem>> -> memref<1x125x128xf32, #tpu.memory_space<vmem>>
        %dma_start3A_453 = tpu.memref_squeeze %dma_start3A_452 : memref<1x125x128xf32, #tpu.memory_space<vmem>> -> memref<125x128xf32, #tpu.memory_space<vmem>>
        %dma_start3A_454 = arith.constant 96 : i32
        %dma_start3A_455 = arith.constant 0 : i32
        %dma_start3A_456 = tpu.memref_slice %dma_start3A_453[%dma_start3A_454, %dma_start3A_455] : memref<125x128xf32, #tpu.memory_space<vmem>> -> memref<29x128xf32, #tpu.memory_space<vmem>>
        %dma_start3A_457 = arith.constant 0 : i32
        %dma_start3A_458 = tpu.memref_slice %arg5[%add3A_400, %dma_start3A_457] : memref<40x125xi32, #tpu.memory_space<vmem>> -> memref<1x125xi32, #tpu.memory_space<vmem>>
        %dma_start3A_459 = tpu.memref_squeeze %dma_start3A_458 : memref<1x125xi32, #tpu.memory_space<vmem>> -> memref<125xi32, #tpu.memory_space<vmem>>
        %dma_start3A_460 = arith.constant 96 : i32
        %dma_start3A_461 = tpu.memref_slice %dma_start3A_459[%dma_start3A_460] : memref<125xi32, #tpu.memory_space<vmem>> -> memref<29xi32, #tpu.memory_space<vmem>>
        %dma_start3A_462 = arith.constant 0 : i32
        %dma_start3A_463 = arith.constant 0 : i32
        %dma_start3A_464 = tpu.memref_slice %arg2[%dma_start3A_462, %dma_start3A_463] : memref<10000x128xf32, #tpu.memory_space<hbm>> -> memref<10000x128xf32, #tpu.memory_space<hbm>>
        tpu.enqueue_indirect_dma source(%dma_start3A_464 : memref<10000x128xf32, #tpu.memory_space<hbm>>) target(%dma_start3A_456 : memref<29x128xf32, #tpu.memory_space<vmem>>) offsets(%dma_start3A_461 : memref<29xi32, #tpu.memory_space<vmem>>) semaphore(%arg12 : memref<!tpu.dma_semaphore, #tpu.memory_space<semaphore_mem>>)
      } else {
      }
      %add3A_396 = arith.constant 1 : i32
      %add3A_397 = arith.addi %mul3A_194, %add3A_396 : i32
      %run_scoped3A_398 = arith.constant 1 : i32
      "tpu.region"() ({
        %run_scoped3A_399 = tpu.sem_alloc : memref<!tpu.dma_semaphore, #tpu.memory_space<semaphore_mem>>
        %dma_start3A_400 = arith.constant 0 : i32
        %dma_start3A_401 = arith.constant 0 : i32
        %dma_start3A_402 = tpu.memref_slice %arg7[%run_scoped3A_398, %dma_start3A_400, %dma_start3A_401] : memref<2x125x128xf32, #tpu.memory_space<vmem>> -> memref<1x125x128xf32, #tpu.memory_space<vmem>>
        %dma_start3A_403 = tpu.memref_squeeze %dma_start3A_402 : memref<1x125x128xf32, #tpu.memory_space<vmem>> -> memref<125x128xf32, #tpu.memory_space<vmem>>
        %dma_start3A_404 = arith.constant 0 : i32
        %dma_start3A_405 = tpu.memref_slice %arg6[%add3A_397, %dma_start3A_404] : memref<40x125xi32, #tpu.memory_space<vmem>> -> memref<1x125xi32, #tpu.memory_space<vmem>>
        %dma_start3A_406 = tpu.memref_squeeze %dma_start3A_405 : memref<1x125xi32, #tpu.memory_space<vmem>> -> memref<125xi32, #tpu.memory_space<vmem>>
        %dma_start3A_407 = arith.constant 0 : i32
        %dma_start3A_408 = arith.constant 0 : i32
        %dma_start3A_409 = tpu.memref_slice %arg8[%dma_start3A_407, %dma_start3A_408] : memref<10000x128xf32, #tpu.memory_space<vmem_shared>> -> memref<10000x128xf32, #tpu.memory_space<vmem_shared>>
        tpu.enqueue_indirect_dma source(%dma_start3A_403 : memref<125x128xf32, #tpu.memory_space<vmem>>) target(%dma_start3A_409 : memref<10000x128xf32, #tpu.memory_space<vmem_shared>>) offsets(%dma_start3A_406 : memref<125xi32, #tpu.memory_space<vmem>>) semaphore(%run_scoped3A_399 : memref<!tpu.dma_semaphore, #tpu.memory_space<semaphore_mem>>) {add = true}
        %dma_wait3A_410 = arith.constant 0 : i32
        %dma_wait3A_411 = arith.constant 0 : i32
        %dma_wait3A_412 = tpu.memref_slice %arg7[%run_scoped3A_398, %dma_wait3A_410, %dma_wait3A_411] : memref<2x125x128xf32, #tpu.memory_space<vmem>> -> memref<1x125x128xf32, #tpu.memory_space<vmem>>
        %dma_wait3A_413 = tpu.memref_squeeze %dma_wait3A_412 : memref<1x125x128xf32, #tpu.memory_space<vmem>> -> memref<125x128xf32, #tpu.memory_space<vmem>>
        %dma_wait3A_414 = arith.constant 0 : i32
        %dma_wait3A_415 = tpu.memref_slice %arg6[%add3A_397, %dma_wait3A_414] : memref<40x125xi32, #tpu.memory_space<vmem>> -> memref<1x125xi32, #tpu.memory_space<vmem>>
        %dma_wait3A_416 = tpu.memref_squeeze %dma_wait3A_415 : memref<1x125xi32, #tpu.memory_space<vmem>> -> memref<125xi32, #tpu.memory_space<vmem>>
        %dma_wait3A_417 = arith.constant 0 : i32
        %dma_wait3A_418 = arith.constant 0 : i32
        %dma_wait3A_419 = tpu.memref_slice %arg8[%dma_wait3A_417, %dma_wait3A_418] : memref<10000x128xf32, #tpu.memory_space<vmem_shared>> -> memref<10000x128xf32, #tpu.memory_space<vmem_shared>>
        tpu.wait_indirect_dma semaphore(%run_scoped3A_399 : memref<!tpu.dma_semaphore, #tpu.memory_space<semaphore_mem>>) src(%dma_wait3A_413 : memref<125x128xf32, #tpu.memory_space<vmem>>) dst(%dma_wait3A_419 : memref<10000x128xf32, #tpu.memory_space<vmem_shared>>)
        tpu.yield
      }) : () -> ()
    }
    %scan3A_188 = arith.constant 20 : i32
    %barrier3A_189 = arith.constant 0 : index
    tpu.barrier barrier_id(%barrier3A_189)
    %lt3A = arith.constant 10 : i32
    %lt3A_190 = arith.cmpi slt, %arg1, %lt3A : i32
    %convert_element_type3A = arith.extui %lt3A_190 : i1 to i32
    %cond3A = arith.constant 0 : i32
    %cond3A_191 = arith.cmpi ne, %convert_element_type3A, %cond3A : i32
    scf.if %cond3A_191 {
      %mul3A_192 = arith.constant 1000 : i32
      %mul3A_193 = arith.muli %arg1, %mul3A_192 : i32
      %mul3A_194 = arith.constant 1000 : i32
      %mul3A_195 = arith.muli %arg1, %mul3A_194 : i32
      "tpu.region"() ({
        %run_scoped3A_196 = tpu.sem_alloc : memref<!tpu.dma_semaphore, #tpu.memory_space<semaphore_mem>>
        %dma_start3A_197 = arith.constant 0 : i32
        %dma_start3A_198 = arith.constant 0 : i32
        %dma_start3A_199 = tpu.memref_slice %arg4[%arg0, %dma_start3A_197, %dma_start3A_198] : memref<2x10000x128xf32, #tpu.memory_space<hbm>> -> memref<1x10000x128xf32, #tpu.memory_space<hbm>>
        %dma_start3A_200 = tpu.memref_squeeze %dma_start3A_199 : memref<1x10000x128xf32, #tpu.memory_space<hbm>> -> memref<10000x128xf32, #tpu.memory_space<hbm>>
        %dma_start3A_201 = arith.constant 0 : i32
        %dma_start3A_202 = tpu.memref_slice %dma_start3A_200[%mul3A_195, %dma_start3A_201] : memref<10000x128xf32, #tpu.memory_space<hbm>> -> memref<1000x128xf32, #tpu.memory_space<hbm>>
        %dma_start3A_203 = arith.constant 0 : i32
        %dma_start3A_204 = tpu.memref_slice %arg8[%mul3A_193, %dma_start3A_203] : memref<10000x128xf32, #tpu.memory_space<vmem_shared>> -> memref<1000x128xf32, #tpu.memory_space<vmem_shared>>
        tpu.enqueue_dma source(%dma_start3A_204 : memref<1000x128xf32, #tpu.memory_space<vmem_shared>>) target(%dma_start3A_202 : memref<1000x128xf32, #tpu.memory_space<hbm>>) target_semaphore(%run_scoped3A_196 : memref<!tpu.dma_semaphore, #tpu.memory_space<semaphore_mem>>)
        %dma_wait3A = arith.constant 0 : i32
        %dma_wait3A_205 = arith.constant 0 : i32
        %dma_wait3A_206 = tpu.memref_slice %arg4[%arg0, %dma_wait3A, %dma_wait3A_205] : memref<2x10000x128xf32, #tpu.memory_space<hbm>> -> memref<1x10000x128xf32, #tpu.memory_space<hbm>>
        %dma_wait3A_207 = tpu.memref_squeeze %dma_wait3A_206 : memref<1x10000x128xf32, #tpu.memory_space<hbm>> -> memref<10000x128xf32, #tpu.memory_space<hbm>>
        %dma_wait3A_208 = arith.constant 0 : i32
        %dma_wait3A_209 = tpu.memref_slice %dma_wait3A_207[%mul3A_195, %dma_wait3A_208] : memref<10000x128xf32, #tpu.memory_space<hbm>> -> memref<1000x128xf32, #tpu.memory_space<hbm>>
        %dma_wait3A_210 = arith.constant 0 : i32
        %dma_wait3A_211 = tpu.memref_slice %arg8[%mul3A_193, %dma_wait3A_210] : memref<10000x128xf32, #tpu.memory_space<vmem_shared>> -> memref<1000x128xf32, #tpu.memory_space<vmem_shared>>
        tpu.wait_dma2 semaphore(%run_scoped3A_196 : memref<!tpu.dma_semaphore, #tpu.memory_space<semaphore_mem>>) src(%dma_wait3A_211 : memref<1000x128xf32, #tpu.memory_space<vmem_shared>>) dst(%dma_wait3A_209 : memref<1000x128xf32, #tpu.memory_space<hbm>>)
        tpu.yield
      }) : () -> ()
    } else {
    }
    return
  }
}

module attributes {stable_mosaic.version = 14 : i64} {
  func.func @_prep1_body(%arg0: i32, %arg1: memref<1000x128xf32, #tpu.memory_space<vmem>>, %arg2: memref<128x128xf32, #tpu.memory_space<vmem>>, %arg3: memref<2x1000x1xf32, #tpu.memory_space<vmem>>, %arg4: memref<1000x1xf32, #tpu.memory_space<vmem>>, %arg5: memref<1000x128xf32, #tpu.memory_space<vmem>>, %arg6: memref<1000x128xf32, #tpu.memory_space<vmem>>) attributes {dimension_semantics = [#tpu.dimension_semantics<arbitrary>], iteration_bounds = array<i64: 10>, scalar_prefetch = 0 : i64, scratch_operands = 0 : i64, tpu.core_type = #tpu.core_type<tc>, window_params = [{transform_indices = @transform_0, window_bounds = array<i64: 1000, 128>}, {pipeline_mode = #tpu.pipeline_mode<synchronous>, transform_indices = @transform_1, window_bounds = array<i64: 128, 128>}, {transform_indices = @transform_2, window_bounds = array<i64: 2, 1000, 1>}, {transform_indices = @transform_3, window_bounds = array<i64: 1000, 1>}, {transform_indices = @transform_4, window_bounds = array<i64: 1000, 128>}, {transform_indices = @transform_5, window_bounds = array<i64: 1000, 128>}]} {
    %get3A = arith.constant 0 : index
    %get3A_0 = arith.constant 0 : index
    %get3A_1 = arith.constant 0 : index
    %get3A_2 = vector.load %arg3[%get3A, %get3A_0, %get3A_1] : memref<2x1000x1xf32, #tpu.memory_space<vmem>>, vector<1x1000x1xf32>
    %get3A_3 = vector.shape_cast %get3A_2 : vector<1x1000x1xf32> to vector<1000x1xf32>
    %get3A_4 = arith.constant 1 : index
    %get3A_5 = arith.constant 0 : index
    %get3A_6 = arith.constant 0 : index
    %get3A_7 = vector.load %arg3[%get3A_4, %get3A_5, %get3A_6] : memref<2x1000x1xf32, #tpu.memory_space<vmem>>, vector<1x1000x1xf32>
    %get3A_8 = vector.shape_cast %get3A_7 : vector<1x1000x1xf32> to vector<1000x1xf32>
    %add3A = arith.addf %get3A_3, %get3A_8 : vector<1000x1xf32>
    %add3A_9 = arith.constant 1.000000e+00 : f32
    %add3A_10 = vector.broadcast %add3A_9 : f32 to vector<1000x1xf32>
    %add3A_11 = arith.addf %add3A, %add3A_10 : vector<1000x1xf32>
    %rsqrt3A = math.rsqrt %add3A_11 : vector<1000x1xf32>
    %get3A_12 = arith.constant 0 : index
    %get3A_13 = arith.constant 0 : index
    %get3A_14 = vector.load %arg1[%get3A_12, %get3A_13] : memref<1000x128xf32, #tpu.memory_space<vmem>>, vector<1000x128xf32>
    %get3A_15 = arith.constant 0 : index
    %get3A_16 = arith.constant 0 : index
    %get3A_17 = vector.load %arg2[%get3A_15, %get3A_16] : memref<128x128xf32, #tpu.memory_space<vmem>>, vector<128x128xf32>
    %dot_general3A = arith.constant dense<0.000000e+00> : vector<1000x128xf32>
    %dot_general3A_18 = tpu.matmul %get3A_14, %get3A_17, %dot_general3A {dimension_numbers = #tpu.dot_dimension_numbers<[1], [0], [0], [1], [0, 0, 1, 1], [], []>, transpose_lhs_hint = false} : vector<1000x128xf32>, vector<128x128xf32>, vector<1000x128xf32> -> vector<1000x128xf32>
    %swap3A = arith.constant 0 : index
    %swap3A_19 = arith.constant 0 : index
    %swap3A_20 = vector.load %arg4[%swap3A, %swap3A_19] : memref<1000x1xf32, #tpu.memory_space<vmem>>, vector<1000x1xf32>
    tpu.vector_store %arg4[%swap3A, %swap3A_19], %rsqrt3A {strides = array<i32>} : memref<1000x1xf32, #tpu.memory_space<vmem>>, vector<1000x1xf32>,
    %swap3A_21 = arith.constant 0 : index
    %swap3A_22 = arith.constant 0 : index
    %swap3A_23 = vector.load %arg5[%swap3A_21, %swap3A_22] : memref<1000x128xf32, #tpu.memory_space<vmem>>, vector<1000x128xf32>
    tpu.vector_store %arg5[%swap3A_21, %swap3A_22], %dot_general3A_18 {strides = array<i32>} : memref<1000x128xf32, #tpu.memory_space<vmem>>, vector<1000x128xf32>,
    %mul3A = vector.broadcast %rsqrt3A : vector<1000x1xf32> to vector<1000x128xf32>
    %mul3A_24 = arith.mulf %dot_general3A_18, %mul3A : vector<1000x128xf32>
    %swap3A_25 = arith.constant 0 : index
    %swap3A_26 = arith.constant 0 : index
    %swap3A_27 = vector.load %arg6[%swap3A_25, %swap3A_26] : memref<1000x128xf32, #tpu.memory_space<vmem>>, vector<1000x128xf32>
    tpu.vector_store %arg6[%swap3A_25, %swap3A_26], %mul3A_24 {strides = array<i32>} : memref<1000x128xf32, #tpu.memory_space<vmem>>, vector<1000x128xf32>,
    return
  }
  func.func @transform_0(%arg0: i32) -> (i32, i32) {
    %c0_i32 = arith.constant 0 : i32
    %c0_i32_0 = arith.constant 0 : i32
    return %arg0, %c0_i32 : i32, i32
  }
  func.func @transform_1(%arg0: i32) -> (i32, i32) {
    %c0_i32 = arith.constant 0 : i32
    %c0_i32_0 = arith.constant 0 : i32
    %c0_i32_1 = arith.constant 0 : i32
    return %c0_i32, %c0_i32_0 : i32, i32
  }
  func.func @transform_2(%arg0: i32) -> (i32, i32, i32) {
    %c0_i32 = arith.constant 0 : i32
    %c0_i32_0 = arith.constant 0 : i32
    %c0_i32_1 = arith.constant 0 : i32
    return %c0_i32, %arg0, %c0_i32_0 : i32, i32, i32
  }
  func.func @transform_3(%arg0: i32) -> (i32, i32) {
    %c0_i32 = arith.constant 0 : i32
    %c0_i32_0 = arith.constant 0 : i32
    return %arg0, %c0_i32 : i32, i32
  }
  func.func @transform_4(%arg0: i32) -> (i32, i32) {
    %c0_i32 = arith.constant 0 : i32
    %c0_i32_0 = arith.constant 0 : i32
    return %arg0, %c0_i32 : i32, i32
  }
  func.func @transform_5(%arg0: i32) -> (i32, i32) {
    %c0_i32 = arith.constant 0 : i32
    %c0_i32_0 = arith.constant 0 : i32
    return %arg0, %c0_i32 : i32, i32
  }
}

module attributes {stable_mosaic.version = 14 : i64} {
  func.func @_mid_body(%arg0: i32, %arg1: memref<2x1000x128xf32, #tpu.memory_space<vmem>>, %arg2: memref<1000x128xf32, #tpu.memory_space<vmem>>, %arg3: memref<1000x1xf32, #tpu.memory_space<vmem>>, %arg4: memref<1x128xf32, #tpu.memory_space<vmem>>, %arg5: memref<128x128xf32, #tpu.memory_space<vmem>>, %arg6: memref<1000x128xf32, #tpu.memory_space<vmem>>, %arg7: memref<1000x128xf32, #tpu.memory_space<vmem>>) attributes {dimension_semantics = [#tpu.dimension_semantics<arbitrary>], iteration_bounds = array<i64: 10>, scalar_prefetch = 0 : i64, scratch_operands = 0 : i64, tpu.core_type = #tpu.core_type<tc>, window_params = [{transform_indices = @transform_0, window_bounds = array<i64: 2, 1000, 128>}, {transform_indices = @transform_1, window_bounds = array<i64: 1000, 128>}, {transform_indices = @transform_2, window_bounds = array<i64: 1000, 1>}, {pipeline_mode = #tpu.pipeline_mode<synchronous>, transform_indices = @transform_3, window_bounds = array<i64: 1, 128>}, {pipeline_mode = #tpu.pipeline_mode<synchronous>, transform_indices = @transform_4, window_bounds = array<i64: 128, 128>}, {transform_indices = @transform_5, window_bounds = array<i64: 1000, 128>}, {transform_indices = @transform_6, window_bounds = array<i64: 1000, 128>}]} {
    %get3A = arith.constant 0 : index
    %get3A_0 = arith.constant 0 : index
    %get3A_1 = vector.load %arg3[%get3A, %get3A_0] : memref<1000x1xf32, #tpu.memory_space<vmem>>, vector<1000x1xf32>
    %get3A_2 = arith.constant 0 : index
    %get3A_3 = arith.constant 0 : index
    %get3A_4 = arith.constant 0 : index
    %get3A_5 = vector.load %arg1[%get3A_2, %get3A_3, %get3A_4] : memref<2x1000x128xf32, #tpu.memory_space<vmem>>, vector<1x1000x128xf32>
    %get3A_6 = vector.shape_cast %get3A_5 : vector<1x1000x128xf32> to vector<1000x128xf32>
    %get3A_7 = arith.constant 1 : index
    %get3A_8 = arith.constant 0 : index
    %get3A_9 = arith.constant 0 : index
    %get3A_10 = vector.load %arg1[%get3A_7, %get3A_8, %get3A_9] : memref<2x1000x128xf32, #tpu.memory_space<vmem>>, vector<1x1000x128xf32>
    %get3A_11 = vector.shape_cast %get3A_10 : vector<1x1000x128xf32> to vector<1000x128xf32>
    %add3A = arith.addf %get3A_6, %get3A_11 : vector<1000x128xf32>
    %mul3A = vector.broadcast %get3A_1 : vector<1000x1xf32> to vector<1000x128xf32>
    %mul3A_12 = arith.mulf %add3A, %mul3A : vector<1000x128xf32>
    %get3A_13 = arith.constant 0 : index
    %get3A_14 = arith.constant 0 : index
    %get3A_15 = vector.load %arg2[%get3A_13, %get3A_14] : memref<1000x128xf32, #tpu.memory_space<vmem>>, vector<1000x128xf32>
    %mul3A_16 = arith.mulf %get3A_1, %get3A_1 : vector<1000x1xf32>
    %mul3A_17 = vector.broadcast %mul3A_16 : vector<1000x1xf32> to vector<1000x128xf32>
    %mul3A_18 = arith.mulf %get3A_15, %mul3A_17 : vector<1000x128xf32>
    %add3A_19 = arith.addf %mul3A_12, %mul3A_18 : vector<1000x128xf32>
    %get3A_20 = arith.constant 0 : index
    %get3A_21 = arith.constant 0 : index
    %get3A_22 = vector.load %arg4[%get3A_20, %get3A_21] : memref<1x128xf32, #tpu.memory_space<vmem>>, vector<1x128xf32>
    %add3A_23 = vector.broadcast %get3A_22 : vector<1x128xf32> to vector<1000x128xf32>
    %add3A_24 = arith.addf %add3A_19, %add3A_23 : vector<1000x128xf32>
    %max3A = arith.constant 0.000000e+00 : f32
    %max3A_25 = vector.broadcast %max3A : f32 to vector<1000x128xf32>
    %max3A_26 = arith.maximumf %add3A_24, %max3A_25 : vector<1000x128xf32>
    %get3A_27 = arith.constant 0 : index
    %get3A_28 = arith.constant 0 : index
    %get3A_29 = vector.load %arg5[%get3A_27, %get3A_28] : memref<128x128xf32, #tpu.memory_space<vmem>>, vector<128x128xf32>
    %dot_general3A = arith.constant dense<0.000000e+00> : vector<1000x128xf32>
    %dot_general3A_30 = tpu.matmul %max3A_26, %get3A_29, %dot_general3A {dimension_numbers = #tpu.dot_dimension_numbers<[1], [0], [0], [1], [0, 0, 1, 1], [], []>, transpose_lhs_hint = false} : vector<1000x128xf32>, vector<128x128xf32>, vector<1000x128xf32> -> vector<1000x128xf32>
    %swap3A = arith.constant 0 : index
    %swap3A_31 = arith.constant 0 : index
    %swap3A_32 = vector.load %arg6[%swap3A, %swap3A_31] : memref<1000x128xf32, #tpu.memory_space<vmem>>, vector<1000x128xf32>
    tpu.vector_store %arg6[%swap3A, %swap3A_31], %dot_general3A_30 {strides = array<i32>} : memref<1000x128xf32, #tpu.memory_space<vmem>>, vector<1000x128xf32>,
    %mul3A_33 = vector.broadcast %get3A_1 : vector<1000x1xf32> to vector<1000x128xf32>
    %mul3A_34 = arith.mulf %dot_general3A_30, %mul3A_33 : vector<1000x128xf32>
    %swap3A_35 = arith.constant 0 : index
    %swap3A_36 = arith.constant 0 : index
    %swap3A_37 = vector.load %arg7[%swap3A_35, %swap3A_36] : memref<1000x128xf32, #tpu.memory_space<vmem>>, vector<1000x128xf32>
    tpu.vector_store %arg7[%swap3A_35, %swap3A_36], %mul3A_34 {strides = array<i32>} : memref<1000x128xf32, #tpu.memory_space<vmem>>, vector<1000x128xf32>,
    return
  }
  func.func @transform_0(%arg0: i32) -> (i32, i32, i32) {
    %c0_i32 = arith.constant 0 : i32
    %c0_i32_0 = arith.constant 0 : i32
    %c0_i32_1 = arith.constant 0 : i32
    return %c0_i32, %arg0, %c0_i32_0 : i32, i32, i32
  }
  func.func @transform_1(%arg0: i32) -> (i32, i32) {
    %c0_i32 = arith.constant 0 : i32
    %c0_i32_0 = arith.constant 0 : i32
    return %arg0, %c0_i32 : i32, i32
  }
  func.func @transform_2(%arg0: i32) -> (i32, i32) {
    %c0_i32 = arith.constant 0 : i32
    %c0_i32_0 = arith.constant 0 : i32
    return %arg0, %c0_i32 : i32, i32
  }
  func.func @transform_3(%arg0: i32) -> (i32, i32) {
    %c0_i32 = arith.constant 0 : i32
    %c0_i32_0 = arith.constant 0 : i32
    %c0_i32_1 = arith.constant 0 : i32
    return %c0_i32, %c0_i32_0 : i32, i32
  }
  func.func @transform_4(%arg0: i32) -> (i32, i32) {
    %c0_i32 = arith.constant 0 : i32
    %c0_i32_0 = arith.constant 0 : i32
    %c0_i32_1 = arith.constant 0 : i32
    return %c0_i32, %c0_i32_0 : i32, i32
  }
  func.func @transform_5(%arg0: i32) -> (i32, i32) {
    %c0_i32 = arith.constant 0 : i32
    %c0_i32_0 = arith.constant 0 : i32
    return %arg0, %c0_i32 : i32, i32
  }
  func.func @transform_6(%arg0: i32) -> (i32, i32) {
    %c0_i32 = arith.constant 0 : i32
    %c0_i32_0 = arith.constant 0 : i32
    return %arg0, %c0_i32 : i32, i32
  }
}

module attributes {stable_mosaic.version = 14 : i64} {
  func.func @_fin_body(%arg0: i32, %arg1: memref<2x1000x128xf32, #tpu.memory_space<vmem>>, %arg2: memref<1000x128xf32, #tpu.memory_space<vmem>>, %arg3: memref<1000x1xf32, #tpu.memory_space<vmem>>, %arg4: memref<1x128xf32, #tpu.memory_space<vmem>>, %arg5: memref<1000x128xf32, #tpu.memory_space<vmem>>) attributes {dimension_semantics = [#tpu.dimension_semantics<arbitrary>], iteration_bounds = array<i64: 10>, scalar_prefetch = 0 : i64, scratch_operands = 0 : i64, tpu.core_type = #tpu.core_type<tc>, window_params = [{transform_indices = @transform_0, window_bounds = array<i64: 2, 1000, 128>}, {transform_indices = @transform_1, window_bounds = array<i64: 1000, 128>}, {transform_indices = @transform_2, window_bounds = array<i64: 1000, 1>}, {pipeline_mode = #tpu.pipeline_mode<synchronous>, transform_indices = @transform_3, window_bounds = array<i64: 1, 128>}, {transform_indices = @transform_4, window_bounds = array<i64: 1000, 128>}]} {
    %get3A = arith.constant 0 : index
    %get3A_0 = arith.constant 0 : index
    %get3A_1 = vector.load %arg3[%get3A, %get3A_0] : memref<1000x1xf32, #tpu.memory_space<vmem>>, vector<1000x1xf32>
    %get3A_2 = arith.constant 0 : index
    %get3A_3 = arith.constant 0 : index
    %get3A_4 = arith.constant 0 : index
    %get3A_5 = vector.load %arg1[%get3A_2, %get3A_3, %get3A_4] : memref<2x1000x128xf32, #tpu.memory_space<vmem>>, vector<1x1000x128xf32>
    %get3A_6 = vector.shape_cast %get3A_5 : vector<1x1000x128xf32> to vector<1000x128xf32>
    %get3A_7 = arith.constant 1 : index
    %get3A_8 = arith.constant 0 : index
    %get3A_9 = arith.constant 0 : index
    %get3A_10 = vector.load %arg1[%get3A_7, %get3A_8, %get3A_9] : memref<2x1000x128xf32, #tpu.memory_space<vmem>>, vector<1x1000x128xf32>
    %get3A_11 = vector.shape_cast %get3A_10 : vector<1x1000x128xf32> to vector<1000x128xf32>
    %add3A = arith.addf %get3A_6, %get3A_11 : vector<1000x128xf32>
    %mul3A = vector.broadcast %get3A_1 : vector<1000x1xf32> to vector<1000x128xf32>
    %mul3A_12 = arith.mulf %add3A, %mul3A : vector<1000x128xf32>
    %get3A_13 = arith.constant 0 : index
    %get3A_14 = arith.constant 0 : index
    %get3A_15 = vector.load %arg2[%get3A_13, %get3A_14] : memref<1000x128xf32, #tpu.memory_space<vmem>>, vector<1000x128xf32>
    %mul3A_16 = arith.mulf %get3A_1, %get3A_1 : vector<1000x1xf32>
    %mul3A_17 = vector.broadcast %mul3A_16 : vector<1000x1xf32> to vector<1000x128xf32>
    %mul3A_18 = arith.mulf %get3A_15, %mul3A_17 : vector<1000x128xf32>
    %add3A_19 = arith.addf %mul3A_12, %mul3A_18 : vector<1000x128xf32>
    %get3A_20 = arith.constant 0 : index
    %get3A_21 = arith.constant 0 : index
    %get3A_22 = vector.load %arg4[%get3A_20, %get3A_21] : memref<1x128xf32, #tpu.memory_space<vmem>>, vector<1x128xf32>
    %add3A_23 = vector.broadcast %get3A_22 : vector<1x128xf32> to vector<1000x128xf32>
    %add3A_24 = arith.addf %add3A_19, %add3A_23 : vector<1000x128xf32>
    %max3A = arith.constant 0.000000e+00 : f32
    %max3A_25 = vector.broadcast %max3A : f32 to vector<1000x128xf32>
    %max3A_26 = arith.maximumf %add3A_24, %max3A_25 : vector<1000x128xf32>
    %swap3A = arith.constant 0 : index
    %swap3A_27 = arith.constant 0 : index
    %swap3A_28 = vector.load %arg5[%swap3A, %swap3A_27] : memref<1000x128xf32, #tpu.memory_space<vmem>>, vector<1000x128xf32>
    tpu.vector_store %arg5[%swap3A, %swap3A_27], %max3A_26 {strides = array<i32>} : memref<1000x128xf32, #tpu.memory_space<vmem>>, vector<1000x128xf32>,
    return
  }
  func.func @transform_0(%arg0: i32) -> (i32, i32, i32) {
    %c0_i32 = arith.constant 0 : i32
    %c0_i32_0 = arith.constant 0 : i32
    %c0_i32_1 = arith.constant 0 : i32
    return %c0_i32, %arg0, %c0_i32_0 : i32, i32, i32
  }
  func.func @transform_1(%arg0: i32) -> (i32, i32) {
    %c0_i32 = arith.constant 0 : i32
    %c0_i32_0 = arith.constant 0 : i32
    return %arg0, %c0_i32 : i32, i32
  }
  func.func @transform_2(%arg0: i32) -> (i32, i32) {
    %c0_i32 = arith.constant 0 : i32
    %c0_i32_0 = arith.constant 0 : i32
    return %arg0, %c0_i32 : i32, i32
  }
  func.func @transform_3(%arg0: i32) -> (i32, i32) {
    %c0_i32 = arith.constant 0 : i32
    %c0_i32_0 = arith.constant 0 : i32
    %c0_i32_1 = arith.constant 0 : i32
    return %c0_i32, %c0_i32_0 : i32, i32
  }
  func.func @transform_4(%arg0: i32) -> (i32, i32) {
    %c0_i32 = arith.constant 0 : i32
    %c0_i32_0 = arith.constant 0 : i32
    return %arg0, %c0_i32 : i32, i32
  }
}

</mosaic_0001>

<sc_bundles>
// kernel: kernel.11.cloned.1.call-start
scs
__scs_entry_jumppad:
0x0: {  	(pc) =	sbr.rel $0x88, $3  }
0x1: {  	(tag) =	ssettag $0x0;
	lr =	simm.s32 $0x1  }
0x2: {  	[smem:$0x3F9B] =	sst lr;
	_ =	strace $0xD0000000  }
0x3: {  	_ = 	snop  }
0x4: {  	_ = 	snop  }
0x5: {  	_ = 	snop  }
0x6: {  	_ = 	snop  }
0x7: {  	_ = 	snop  }
__scs_overlays_trampoline_lowered:
0x8: {  	[smem:$0x3FAA] =	sst s0  }
0x9: {  	[smem:$0x3FAB] =	sst s1  }
0xa: {  	[smem:$0x3FAC] =	sst s2  }
0xb: {  	[smem:$0x3FAD] =	sst s3  }
0xc: {  	[smem:$0x3FAE] =	sst s4  }
0xd: {  	[smem:$0x3FAF] =	sst s5  }
0xe: {  	[smem:$0x3FB0] =	sst s6  }
0xf: {  	[smem:$0x3FB1] =	sst s7  }
0x10: {  	[smem:$0x3FB2] =	sst s8  }
0x11: {  	[smem:$0x3FB3] =	sst s9;
	s0 =	simm.s32 @!p0 $0x0  }
0x12: {  	s1 =	sld [smem:$0x3F99];
	s0 =	simm.s32 @p0 $0x1  }
0x13: {  	[smem:$0x3FB4] =	sst s0;
	s0 =	simm.s32 @!p1 $0x0  }
0x14: {  	s2 =	sld [smem:$0x3F98];
	s0 =	simm.s32 @p1 $0x1  }
0x15: {  	[smem:$0x3FB5] =	sst s0;
	s0 =	simm.s32 @!p2 $0x0  }
0x16: {  	s3 =	sld [smem:$0x3FDB];
	s0 =	simm.s32 @p2 $0x1  }
0x17: {  	s4 =	simm.s32 $0x1BF5;
	[smem:$0x3FB7] =	sst s0  }
0x18: {  	s0 =	sld [smem:$0x3F9A];
	_ =	swait.ge [sflag:s4], $0x0  }
0x19: {  	s7 =	sld [smem:$0x3F9B]  }
0x1a: {  	s8 =	sadd.s32 $0xFFFFE003, lr  }
0x1b: {  	s9 =	sadd.s32 $0xFFFFFEF7, lr;
	s5 =	simm.s32 $0xFFFFFFFF;
	p2 =	slt.u32 s8, $0xFFFFF086  }
0x1c: {  	p1 =	slt.u32 s9, $0xF7A;
	s5 =	simm.s32 @!p2 $0x0  }
0x1d: {  	s5 =	simm.s32 @p1 $0x1;
	p0 =	seq.s32 s7, s2  }
0x1e: {  	s7 =	smul.u32 @!p0 $0xF7A, s2;
	p2 =	seq.s32 @!p0 s5, $0x0  }
0x1f: {  	s9 =	smul.u32 $0xF7A, s1;
	s8 =	simm.s32 @!p0 $0x1BF5;
	p2 =	por !p2, p0  }
0x20: {  	[sflag:s8] =	ssyncset.s32 @!p0 $0xFFFFF086;
	s6 =	sadd.s32 @!p0 s3, s7;
	s7 =	simm.s32 @!p0 $0x108  }
0x21: {  	s3 =	sadd.s32 s3, s9;
	s6 =	sadd.s32 @!p0 $0x88, s6;
	s7 =	simm.s32 @p2 $0x1082  }
0x22: {  	[simem:s7], [sflag:s8] =	dma.local @!p0 [hbm:s6], $0xF7A  }
0x23: {  	s9 =	sor.u32 $0xD0000000, s2;
	s6 =	simm.s32 $0x108;
	_ =	swait.ge @!p0 [sflag:s8], $0x0  }
0x24: {  	s3 =	sadd.s32 $0x88, s3;
	s6 =	simm.s32 @!p1 $0x1082;
	[sflag:s4] =	ssyncset.s32 $0xFFFFF086  }
0x25: {  	[simem:s6], [sflag:s4] =	dma.local [hbm:s3], $0xF7A  }
0x26: {  	[smem:$0x3F9B] =	sst s1;
	(tag) =	ssettag s2;
	_ =	strace s9  }
0x27: {  	s1 =	sld [smem:$0x3FAB]  }
0x28: {  	s2 =	sld [smem:$0x3FAC]  }
0x29: {  	s4 =	sld [smem:$0x3FAE]  }
0x2a: {  	p0 =	seq.s32 s5, $0x0;
	s5 =	sld [smem:$0x3FAF]  }
0x2b: {  	s6 =	sld [smem:$0x3FB0]  }
0x2c: {  	s7 =	sld [smem:$0x3FB1]  }
0x2d: {  	s3 =	simm.s32 $0x108;
	s8 =	sld [smem:$0x3FB2]  }
0x2e: {  	s3 =	simm.s32 @!p0 $0x1082;
	s9 =	sld [smem:$0x3FB3]  }
0x2f: {  	lr =	sadd.s32 s0, s3;
	s0 =	sld [smem:$0x3FAA]  }
0x30: {  	s3 =	sld [smem:$0x3FAD]  }
0x31: {  	[smem:$0x3FB6] =	sst s10  }
0x32: {  	s10 =	sld [smem:$0x3FB4];
	_ =	sdelay $0x3  }
0x33: {  	p0 =	seq.s32 s10, $0x1;
	s10 =	sld [smem:$0x3FB6];
	_ =	sdelay $0x3  }
0x34: {  	[smem:$0x3FB6] =	sst s10  }
0x35: {  	s10 =	sld [smem:$0x3FB5];
	_ =	sdelay $0x3  }
0x36: {  	p1 =	seq.s32 s10, $0x1;
	s10 =	sld [smem:$0x3FB6];
	_ =	sdelay $0x3  }
0x37: {  	[smem:$0x3FB6] =	sst s10  }
0x38: {  	s10 =	sld [smem:$0x3FB7]  }
0x39: {  	_ = 	snop;
	(pc) =	sbr.ind lr, $3  }
0x3a: {  	_ = 	snop  }
0x3b: {  	_ = 	snop  }
0x3c: {  	p2 =	seq.s32 s10, $0x1;
	s10 =	sld [smem:$0x3FB6]  }
0x3d: {  	_ =	shalt  }
0x3e: {  	_ =	shalt  }
0x3f: {  	_ =	shalt  }
0x40: {  	_ =	shalt  }
0x41: {  	_ =	shalt  }
0x42: {  	_ =	shalt  }
0x43: {  	_ =	shalt  }
0x44: {  	_ =	shalt  }
0x45: {  	_ =	shalt  }
0x46: {  	_ =	shalt  }
0x47: {  	_ =	shalt  }
0x48: {  	_ =	shalt  }
0x49: {  	_ =	shalt  }
0x4a: {  	_ =	shalt  }
0x4b: {  	_ =	shalt  }
0x4c: {  	_ =	shalt  }
0x4d: {  	_ =	shalt  }
0x4e: {  	_ =	shalt  }
0x4f: {  	_ =	shalt  }
0x50: {  	_ =	shalt  }
0x51: {  	_ =	shalt  }
0x52: {  	_ =	shalt  }
0x53: {  	_ =	shalt  }
0x54: {  	_ =	shalt  }
0x55: {  	_ =	shalt  }
0x56: {  	_ =	shalt  }
0x57: {  	_ =	shalt  }
0x58: {  	_ =	shalt  }
0x59: {  	_ =	shalt  }
0x5a: {  	_ =	shalt  }
0x5b: {  	_ =	shalt  }
0x5c: {  	_ =	shalt  }
0x5d: {  	_ =	shalt  }
0x5e: {  	_ =	shalt  }
0x5f: {  	_ =	shalt  }
0x60: {  	_ =	shalt  }
0x61: {  	_ =	shalt  }
0x62: {  	_ =	shalt  }
0x63: {  	_ =	shalt  }
0x64: {  	_ =	shalt  }
0x65: {  	_ =	shalt  }
0x66: {  	_ =	shalt  }
0x67: {  	_ =	shalt  }
0x68: {  	_ =	shalt  }
0x69: {  	_ =	shalt  }
0x6a: {  	_ =	shalt  }
0x6b: {  	_ =	shalt  }
0x6c: {  	_ =	shalt  }
0x6d: {  	_ =	shalt  }
0x6e: {  	_ =	shalt  }
0x6f: {  	_ =	shalt  }
0x70: {  	_ =	shalt  }
0x71: {  	_ =	shalt  }
0x72: {  	_ =	shalt  }
0x73: {  	_ =	shalt  }
0x74: {  	_ =	shalt  }
0x75: {  	_ =	shalt  }
0x76: {  	_ =	shalt  }
0x77: {  	_ =	shalt  }
0x78: {  	_ =	shalt  }
0x79: {  	_ =	shalt  }
0x7a: {  	_ =	shalt  }
0x7b: {  	_ =	shalt  }
0x7c: {  	_ =	shalt  }
0x7d: {  	_ =	shalt  }
0x7e: {  	_ =	shalt  }
0x7f: {  	_ =	shalt  }
0x80: {  	_ =	shalt  }
0x81: {  	_ =	shalt  }
0x82: {  	_ =	shalt  }
0x83: {  	_ =	shalt  }
0x84: {  	_ =	shalt  }
0x85: {  	_ =	shalt  }
0x86: {  	_ =	shalt  }
0x87: {  	_ =	shalt  }
.Lfunc_end0:
.L_simem_size_0:
called_computation.1_lowered:
.L_overlay_start_0:
0x88: {  	s2 =	sld [smem:$0x3FD9]  }
0x89: {  	s3 =	sld [smem:$0x3FFE];
	_ =	sdelay $0x1  }
0x8a: {  	s1 =	srdreg.scid  }
0x8b: {  	s0 =	sand.u32 $0x1, s1  }
0x8c: {  	s17 =	sshll.u32 s0, $0xA;
	s2 =	sadd.s32 s3, s2  }
0x8d: {  	s2 =	sadd.s32 s2, s17  }
0x8e: {  	[smem:$0x3FC2] =	sst s2  }
0x8f: {  	_ = 	snop  }
0x90: {  	s2 =	sld [smem:$0x3FD0];
	(tm) =	ssettm $0x1  }
0x91: {  	s18 =	sld [smem:$0x3FFB];
	_ =	sdelay $0x3  }
0x92: {  	_ =	strace s18  }
0x93: {  	s3 =	sld [smem:$0x3FFC];
	_ =	sdelay $0x3  }
0x94: {  	_ =	strace s3  }
0x95: {  	s3 =	sld [smem:$0x3FFD];
	_ =	sdelay $0x3  }
0x96: {  	_ =	strace s3  }
0x97: {  	_ =	strace $0x8FFFFFFF  }
0x98: {  	s19 =	sld [smem:$0x3FDB];
	_ =	sdelay $0x1  }
0x99: {  	s4 =	simm.s32 $_scs_section_size  }
0x9a: {  	s5 =	simm.s32 $_size__tile_overlayer_lowered;
	s6 =	simm.s32 $_tile_overlayer_lowered  }
0x9b: {  	s22 =	simm.s32 $0x1BFF;
	s21 =	sshll.u32 s6, $0x1;
	s3 =	sadd.s32 s4, s19  }
0x9c: {  	s7 =	simm.s32 $0x0;
	s20 =	sshll.u32 s5, $0x1;
	s5 =	sadd.s32 s21, s3  }
0x9d: {  	[timem:s7], [sflag:s22] =	dma.local [hbm:s5], s20  }
0x9e: {  	_ =	swait.ge [sflag:s22], s20  }
0x9f: {  	s4 =	ssub.s32 $0x0, s20;
	[sflag:s22] =	ssyncset.done $0x0  }
0xa0: {  	[sflag:s22] =	ssyncadd.s32 s4;
	_ =	sdelay $0x1  }
0xa1: {  	s23 =	simm.s32 $0x1B8B  }
0xa2: {  	_ =	swait.ge [sflag:s23], $0x1  }
0xa3: {  	[sflag:s23] =	ssyncset.done $0x0  }
0xa4: {  	s25 =	simm.s32 $0x1B8E;
	s24 =	sld [smem:$0x3FFE];
	[sflag:s23] =	ssyncadd.s32 $0xFFFFFFFF  }
0xa5: {  	s26 =	simm.s32 $execute0_lowered;
	[smem:$0x3FD2] =	sst s25  }
0xa6: {  	s5 =	sshll.u32 s26, $0x1;
	_ =	strace $0x80000049;
	[dreg:$0x1] =	wrdreg $0xFFFFFFFF  }
0xa7: {  	s28 =	simm.s32 $_size_execute0_lowered;
	s3 =	sadd.s32 s3, s5;
	[dreg:$0x0] =	wrdreg $0x0  }
0xa8: {  	s5 =	sshll.u32 s28, $0x1;
	[dreg:$0x2] =	wrdreg s3  }
0xa9: {  	[dreg:$0x3] =	wrdreg s5  }
0xaa: {  	[dreg:$0x4] =	wrdreg $0xC0  }
0xab: {  	_ =	task [dreg:s7], $0x5FFFF  }
0xac: {  	[dreg:$0x1] =	wrdreg $0xFFFFFFFF  }
0xad: {  	[dreg:$0x0] =	wrdreg $0x60  }
0xae: {  	[dreg:$0x2] =	wrdreg s2  }
0xaf: {  	[dreg:$0x3] =	wrdreg s24  }
0xb0: {  	[dreg:$0x4] =	wrdreg $0xA8000  }
0xb1: {  	[dreg:$0x5] =	wrdreg $0x9  }
0xb2: {  	_ =	task.clear_ibuf [dreg:s7], $0x6FFFF;
	_ =	strace $0x90000049  }
0xb3: {  	s29 =	simm.s32 $0x9;
	_ =	strace $0x8000004B  }
0xb4: {  	_ =	swait.ge [sflag:s29], $0x1  }
0xb5: {  	[sflag:s29] =	ssyncadd.s32 $0xFFFFFFFF  }
0xb6: {  	_ =	strace $0x9000004B  }
0xb7: {  	_ =	sfence  }
0xb8: {  	s30 =	sld [smem:$0x0];
	_ =	sdelay $0x2  }
0xb9: {  	s31 =	sshll.u32 s1, $0xD;
	s1 =	sshrl.u32 s1, $0x2  }
0xba: {  	s3 =	sand.u32 $0x4000, s31;
	s1 =	sadd.s32 s1, s30  }
0xbb: {  	s0 =	sor.u32 s3, s0;
	s1 =	sshll.u32 s1, $0x11  }
0xbc: {  	s0 =	sor.u32 s1, s0  }
0xbd: {  	s0 =	sadd.s32 $0x8F2B, s0  }
0xbe: {  	[sflag:s0] =	ssyncadd.remote.s32 $0x1  }
0xbf: {  	_ =	sfence.sel $0xFFFF  }
0xc0: {  	[dreg:$0x0] =	wrdreg $0xFFFFFFFF;
	(pc) =	sbr.abs _section_cstart, $3  }
0xc1: {  	[dreg:$0x1] =	wrdreg $0xFFFFFFFF  }
0xc2: {  	_ =	task.clear_ibuf [dreg:s7], $0x2FFFF;
	_ =	strace $0x9FFFFFFF  }
0xc3: {  	(tm) =	ssettm $0x7FFFFFFF  }
tec
execute0_lowered:
.L_overlay_start_1:
0x0: {  	(tag) =	ssettag $0x1  }
0x1: {  	s1 =	rddreg [dreg:$0x0]  }
0x2: {  	s0 =	rddreg [dreg:$0x1]  }
0x3: {  	s2 =	rddreg [dreg:$0x2];
	s3 =	simm.s32 $0x0;
	s4 =	srdreg.scid  }
0x4: {  	s10 =	stileid.u32;
	s16 =	simm.s32 $0x2800;
	s28 =	simm.s32 $0x5800  }
0x5: {  	s29 =	simm.s32 $0x1;
	s30 =	simm.s32 $0x2;
	s31 =	simm.s32 $0x3  }
0x6: {  	s14 =	simm.s32 $0x7;
	[smem:$0x7FF] =	sst s3;
	s7 =	smul.u32 $0x4E200, s10  }
0x7: {  	s4 =	sand.u32 $0x1, s4;
	s6 =	sadd.s32 $0x2600, s0;
	s23 =	smul.u32 $0x7D000, s10  }
0x8: {  	s13 =	sadd.s32 $0xC600, s0;
	p0 =	sgt.u32 s10, $0x9;
	s5 =	smul.u32 $0x27100, s4  }
0x9: {  	_ =	strace $0x8000004A;
	s17 =	ssub.s32 $0x2, s4;
	s4 =	sshll.u32 s4, $0x4  }
0xa: {  	s9 =	sshrl.u32 s17, $0x1;
	s4 =	sor.u32 s10, s4;
	s7 =	sshrl.u32 s7, $0x2  }
0xb: {  	s25 =	sshrl.u32 s23, $0x2;
	s23 =	simm.s32 $0x13E0;
	s8 =	sadd.s32 s5, s0  }
0xc: {  	s9 =	ssub.s32 s17, s9;
	s5 =	sadd.s32 s7, s2;
	s18 =	smul.u32 $0x2800, s4  }
0xd: {  	s20 =	smul.u32 $0x500, s4;
	s0 =	sadd.s32 s25, s2;
	s11 =	sadd.s32 $0x3E80, s5  }
0xe: {  	s17 =	simm.s32 $0x9;
	s19 =	sadd.s32 $0x7D00, s5;
	[dreg:$0x4] =	wrdreg s11  }
0xf: {  	s7 =	simm.s32 $0x8800;
	s21 =	sadd.s32 $0xBB80, s5;
	[dreg:$0x5] =	wrdreg s19  }
0x10: {  	s25 =	simm.s32 $0x2780;
	s12 =	sadd.s32 $0xFA00, s5;
	[dreg:$0x7] =	wrdreg s21  }
0x11: {  	s26 =	smax.u32 s9, $0x1;
	s0 =	sshrl.u32 @!p0 s0, $0x3;
	[dreg:$0x8] =	wrdreg s12  }
0x12: {  	s9 =	simm.s32 $0x9800;
	s22 =	sshrl.u32 s18, $0x3;
	[dreg:$0x6] =	wrdreg s20  }
0x13: {  	s11 =	sadd.s32 s6, s20;
	[dreg:$0xc] =	wrdreg s26;
	s19 =	simm.s32 $0x20  }
0x14: {  	s20 =	simm.s32 $0x3800;
	[dreg:$0xe] =	wrdreg s0;
	s0 =	simm.s32 $0x4  }
0x15: {  	s18 =	simm.s32 $0x6;
	s21 =	simm.s32 $0x8;
	s12 =	simm.s32 $0x2700  }
0x16: {  	[dreg:$0x9] =	wrdreg s11;
	s4 =	sadd.s32 $0x280, s22;
	s22 =	simm.s32 $0x4800  }
0x17: {  	s11 =	simm.s32 $0x5;
	s24 =	sadd.s32 s6, s4;
	s6 =	smul.u32 $0x3E80, s10  }
0x18: {  	[dreg:$0xa] =	wrdreg s4;
	s4 =	sadd.s32 $0x16600, s8;
	s10 =	simm.s32 $0x7D  }
0x19: {  	[dreg:$0xb] =	wrdreg s24;
	s24 =	simm.s32 $0x1D;
	s4 =	sadd.s32 @!p0 s6, s4  }
0x1a: {  	v0 =	vimm.f32 $0.0e+00;
	s6 =	simm.s32 $0x7800;
	[dreg:$0xd] =	wrdreg s4;
	s4 =	simm.s32 $0x6800  }
.LBB2_1:
0x1b: {  	s8 =	simm.s32 $0x0;
	s15 =	simm.s32 $0x200  }
.LBB2_2:
0x1c: {  	p1 =	sne.s32 s15, $0xF800;
	[tilespmem:s8+$0x2870] =	vst v0  }
0x1d: {  	[tilespmem:s8+$0x2800] =	vst v0  }
0x1e: {  	[tilespmem:s8+$0x2810] =	vst v0  }
.Ltmp0:
0x1f: {  	[tilespmem:s8+$0x2820] =	vst v0;
	(pc) =	sbr.rel @p1 .LBB2_2-.Ltmp0, $4  }
0x20: {  	[tilespmem:s8+$0x2830] =	vst v0  }
0x21: {  	[tilespmem:s8+$0x2840] =	vst v0  }
0x22: {  	[tilespmem:s8+$0x2850] =	vst v0  }
0x23: {  	[tilespmem:s8+$0x2860] =	vst v0;
	s8 =	sshra.s32 s15, $0x2;
	s15 =	sadd.s32 $0x200, s15  }
0x24: {  	[tilespmem:s8+$0x2870] =	vst v0  }
0x25: {  	[tilespmem:s8+$0x2800] =	vst v0  }
0x26: {  	[tilespmem:s8+$0x2810] =	vst v0  }
0x27: {  	[tilespmem:s8+$0x2820] =	vst v0  }
0x28: {  	[tilespmem:s8+$0x2830] =	vst v0  }
0x29: {  	[tilespmem:s8+$0x2840] =	vst v0  }
0x2a: {  	[tilespmem:s8+$0x2850] =	vst v0  }
0x2b: {  	[tilespmem:s8+$0x2860] =	vst v0  }
0x2c: {  	[spmem:s5] =	stream.linear.scatter [tilespmem:s16], [sflag:$0x9], $0x3E80, $0x38;
	[tilespmem:$0x1E080] =	vst v63  }
0x2d: {  	_ =	swait.ge [sflag:s17], $0x3E80  }
0x2e: {  	[sflag:s17] =	ssyncset.done $0x0  }
0x2f: {  	s26 =	rddreg [dreg:$0x4];
	[sflag:s17] =	ssyncadd.s32 $0xFFFFC180  }
0x30: {  	[spmem:s26] =	stream.linear.scatter [tilespmem:s16], [sflag:$0x9], $0x3E80, $0x38;
	[tilespmem:$0x1E080] =	vst v63  }
0x31: {  	_ =	swait.ge [sflag:s17], $0x3E80  }
0x32: {  	[sflag:s17] =	ssyncset.done $0x0  }
0x33: {  	s15 =	rddreg [dreg:$0x5];
	[sflag:s17] =	ssyncadd.s32 $0xFFFFC180  }
0x34: {  	[spmem:s15] =	stream.linear.scatter [tilespmem:s16], [sflag:$0x9], $0x3E80, $0x38;
	[tilespmem:$0x1E080] =	vst v63  }
0x35: {  	_ =	swait.ge [sflag:s17], $0x3E80  }
0x36: {  	[sflag:s17] =	ssyncset.done $0x0  }
0x37: {  	s26 =	rddreg [dreg:$0x7];
	[sflag:s17] =	ssyncadd.s32 $0xFFFFC180  }
0x38: {  	[spmem:s26] =	stream.linear.scatter [tilespmem:s16], [sflag:$0x9], $0x3E80, $0x38;
	[tilespmem:$0x1E080] =	vst v63  }
0x39: {  	_ =	swait.ge [sflag:s17], $0x3E80  }
0x3a: {  	[sflag:s17] =	ssyncset.done $0x0  }
0x3b: {  	s15 =	rddreg [dreg:$0x8];
	[sflag:s17] =	ssyncadd.s32 $0xFFFFC180  }
0x3c: {  	[spmem:s15] =	stream.linear.scatter [tilespmem:s16], [sflag:$0x9], $0x3E80, $0x38;
	[tilespmem:$0x1E080] =	vst v63  }
0x3d: {  	_ =	swait.ge [sflag:s17], $0x3E80  }
0x3e: {  	[sflag:s17] =	ssyncset.done $0x0  }
0x3f: {  	[sflag:s17] =	ssyncadd.s32 $0xFFFFC180  }
0x40: {  	[bflag:$0x0] =	sbarrier.arrive $0xFFFF  }
0x41: {  	s8 =	simm.s32 $0x0;
	s15 =	rddreg [dreg:$0x9]  }
0x42: {  	[tilespmem:s8], [sflag:$0x9] =	stream.linear.gather [hbm4b:s15+s8], $0x1400, $0x38;
	[tilespmem:$0x1E080] =	vst v63  }
0x43: {  	_ =	swait.ge [sflag:s17], $0x1400  }
0x44: {  	[sflag:s17] =	ssyncset.done $0x0;
	s26 =	rddreg [dreg:$0x6]  }
0x45: {  	[sflag:s17] =	ssyncadd.s32 $0xFFFFEC00;
	s15 =	sadd.s32 s26, s13;
	s26 =	simm.s32 $0x1400  }
0x46: {  	[tilespmem:s26], [sflag:$0x9] =	stream.linear.gather [hbm4b:s15+s8], $0x1400, $0x38;
	[tilespmem:$0x1E080] =	vst v63  }
0x47: {  	_ =	swait.ge [sflag:s17], $0x1400  }
0x48: {  	[sflag:s17] =	ssyncset.done $0x0  }
0x49: {  	[sflag:s17] =	ssyncadd.s32 $0xFFFFEC00  }
0x4a: {  	[tilespmem:s16], [sflag:$0x1] =	stream.indirect.gather [hbm4b:s1+s19], $0x80, s8, s19, $0xb8;
	[tilespmem:$0x1E080] =	vst v63  }
0x4b: {  	_ = 	snop  }
0x4c: {  	[tilespmem:s20], [sflag:$0x2] =	stream.indirect.gather [hbm4b:s1+s19], $0x80, s19, s19, $0xb8;
	[tilespmem:$0x1E080] =	vst v63  }
0x4d: {  	s15 =	simm.s32 $0x40  }
0x4e: {  	[tilespmem:s22], [sflag:$0x3] =	stream.indirect.gather [hbm4b:s1+s19], $0x80, s15, s19, $0xb8;
	[tilespmem:$0x1E080] =	vst v63  }
0x4f: {  	s26 =	simm.s32 $0x60  }
0x50: {  	[tilespmem:s28], [sflag:$0x4] =	stream.indirect.gather [hbm4b:s1+s24], $0x80, s26, s24, $0xb8;
	[tilespmem:$0x1E080] =	vst v63  }
0x51: {  	_ =	swait.ge [sflag:s29], $0x1000  }
0x52: {  	[sflag:s29] =	ssyncset.done $0x0  }
0x53: {  	[sflag:s29] =	ssyncadd.s32 $0xFFFFF000  }
0x54: {  	_ =	swait.ge [sflag:s30], $0x1000  }
0x55: {  	[sflag:s30] =	ssyncset.done $0x0  }
0x56: {  	[sflag:s30] =	ssyncadd.s32 $0xFFFFF000  }
0x57: {  	_ =	swait.ge [sflag:s31], $0x1000  }
0x58: {  	[sflag:s31] =	ssyncset.done $0x0  }
0x59: {  	[sflag:s31] =	ssyncadd.s32 $0xFFFFF000  }
0x5a: {  	_ =	swait.ge [sflag:s0], $0xE80  }
0x5b: {  	[sflag:s0] =	ssyncset.done $0x0  }
0x5c: {  	s15 =	simm.s32 $0x80;
	[sflag:s0] =	ssyncadd.s32 $0xFFFFF180  }
0x5d: {  	[tilespmem:s4], [sflag:$0x5] =	stream.indirect.gather [hbm4b:s1+s19], $0x80, s15, s19, $0xb8;
	[tilespmem:$0x1E080] =	vst v63  }
0x5e: {  	s26 =	simm.s32 $0xA0  }
0x5f: {  	[tilespmem:s6], [sflag:$0x6] =	stream.indirect.gather [hbm4b:s1+s19], $0x80, s26, s19, $0xb8;
	[tilespmem:$0x1E080] =	vst v63  }
0x60: {  	s15 =	simm.s32 $0xC0  }
0x61: {  	[tilespmem:s7], [sflag:$0x7] =	stream.indirect.gather [hbm4b:s1+s19], $0x80, s15, s19, $0xb8;
	[tilespmem:$0x1E080] =	vst v63  }
0x62: {  	s26 =	simm.s32 $0xE0  }
0x63: {  	[tilespmem:s9], [sflag:$0x8] =	stream.indirect.gather [hbm4b:s1+s24], $0x80, s26, s24, $0xb8;
	[tilespmem:$0x1E080] =	vst v63  }
0x64: {  	s15 =	simm.s32 $0x1400  }
0x65: {  	[spmem:s2] =	stream.indirect.scatter.add.f32 [tilespmem:s16], [sflag:$0x9], $0x80, s15, s10, $0xb8;
	[tilespmem:$0x1E080] =	vst v63  }
0x66: {  	_ =	swait.ge [sflag:s17], $0x3E80  }
0x67: {  	[sflag:s17] =	ssyncset.done $0x0  }
0x68: {  	[sflag:s17] =	ssyncadd.s32 $0xFFFFC180  }
0x69: {  	_ =	swait.ge [sflag:s11], $0x1000  }
0x6a: {  	[sflag:s11] =	ssyncset.done $0x0  }
0x6b: {  	[sflag:s11] =	ssyncadd.s32 $0xFFFFF000  }
0x6c: {  	_ =	swait.ge [sflag:s18], $0x1000  }
0x6d: {  	[sflag:s18] =	ssyncset.done $0x0  }
0x6e: {  	[sflag:s18] =	ssyncadd.s32 $0xFFFFF000  }
0x6f: {  	_ =	swait.ge [sflag:s14], $0x1000  }
0x70: {  	[sflag:s14] =	ssyncset.done $0x0  }
0x71: {  	[sflag:s14] =	ssyncadd.s32 $0xFFFFF000  }
0x72: {  	_ =	swait.ge [sflag:s21], $0xE80  }
0x73: {  	[sflag:s21] =	ssyncset.done $0x0  }
0x74: {  	s26 =	simm.s32 $0x100;
	[sflag:s21] =	ssyncadd.s32 $0xFFFFF180  }
0x75: {  	[tilespmem:s16], [sflag:$0x1] =	stream.indirect.gather [hbm4b:s1+s19], $0x80, s26, s19, $0xb8;
	[tilespmem:$0x1E080] =	vst v63  }
0x76: {  	s15 =	simm.s32 $0x120  }
0x77: {  	[tilespmem:s20], [sflag:$0x2] =	stream.indirect.gather [hbm4b:s1+s19], $0x80, s15, s19, $0xb8;
	[tilespmem:$0x1E080] =	vst v63  }
0x78: {  	s26 =	simm.s32 $0x140  }
0x79: {  	[tilespmem:s22], [sflag:$0x3] =	stream.indirect.gather [hbm4b:s1+s19], $0x80, s26, s19, $0xb8;
	[tilespmem:$0x1E080] =	vst v63  }
0x7a: {  	s15 =	simm.s32 $0x160  }
0x7b: {  	[tilespmem:s28], [sflag:$0x4] =	stream.indirect.gather [hbm4b:s1+s24], $0x80, s15, s24, $0xb8;
	[tilespmem:$0x1E080] =	vst v63  }
0x7c: {  	s26 =	simm.s32 $0x1480  }
0x7d: {  	[spmem:s2] =	stream.indirect.scatter.add.f32 [tilespmem:s4], [sflag:$0x9], $0x80, s26, s10, $0xb8;
	[tilespmem:$0x1E080] =	vst v63  }
0x7e: {  	_ =	swait.ge [sflag:s17], $0x3E80  }
0x7f: {  	s15 =	simm.s32 $0x400;
	[sflag:s17] =	ssyncset.done $0x0  }
.LBB2_4:
0x80: {  	p1 =	sne.s32 s15, $0x4800  }
0x81: {  	[sflag:s17] =	ssyncadd.s32 $0xFFFFC180;
	s8 =	smov.u32 s15;
	s15 =	sadd.s32 $0x400, s15  }
0x82: {  	_ = 	snop  }
0x83: {  	_ =	swait.ge [sflag:s29], $0x1000  }
0x84: {  	[sflag:s29] =	ssyncset.done $0x0  }
0x85: {  	[sflag:s29] =	ssyncadd.s32 $0xFFFFF000  }
0x86: {  	_ =	swait.ge [sflag:s30], $0x1000  }
0x87: {  	[sflag:s30] =	ssyncset.done $0x0  }
0x88: {  	[sflag:s30] =	ssyncadd.s32 $0xFFFFF000  }
0x89: {  	_ =	swait.ge [sflag:s31], $0x1000  }
0x8a: {  	[sflag:s31] =	ssyncset.done $0x0  }
0x8b: {  	[sflag:s31] =	ssyncadd.s32 $0xFFFFF000  }
0x8c: {  	_ =	swait.ge [sflag:s0], $0xE80  }
0x8d: {  	s8 =	sshra.s32 s8, $0x2;
	[sflag:s0] =	ssyncset.done $0x0  }
0x8e: {  	s26 =	sadd.s32 $0x80, s8;
	[sflag:s0] =	ssyncadd.s32 $0xFFFFF180  }
0x8f: {  	[tilespmem:s4], [sflag:$0x5] =	stream.indirect.gather [hbm4b:s1+s19], $0x80, s26, s19, $0xb8;
	[tilespmem:$0x1E080] =	vst v63  }
0x90: {  	s26 =	sadd.s32 $0xA0, s8  }
0x91: {  	[tilespmem:s6], [sflag:$0x6] =	stream.indirect.gather [hbm4b:s1+s19], $0x80, s26, s19, $0xb8;
	[tilespmem:$0x1E080] =	vst v63  }
0x92: {  	s26 =	sadd.s32 $0xC0, s8  }
0x93: {  	[tilespmem:s7], [sflag:$0x7] =	stream.indirect.gather [hbm4b:s1+s19], $0x80, s26, s19, $0xb8;
	[tilespmem:$0x1E080] =	vst v63  }
0x94: {  	s26 =	sadd.s32 $0xE0, s8  }
0x95: {  	[tilespmem:s9], [sflag:$0x8] =	stream.indirect.gather [hbm4b:s1+s24], $0x80, s26, s24, $0xb8;
	[tilespmem:$0x1E080] =	vst v63  }
0x96: {  	s26 =	sadd.s32 $0x1400, s8  }
0x97: {  	[spmem:s2] =	stream.indirect.scatter.add.f32 [tilespmem:s16], [sflag:$0x9], $0x80, s26, s10, $0xb8;
	[tilespmem:$0x1E080] =	vst v63  }
0x98: {  	_ =	swait.ge [sflag:s17], $0x3E80  }
0x99: {  	[sflag:s17] =	ssyncset.done $0x0  }
0x9a: {  	[sflag:s17] =	ssyncadd.s32 $0xFFFFC180  }
0x9b: {  	_ =	swait.ge [sflag:s11], $0x1000  }
0x9c: {  	[sflag:s11] =	ssyncset.done $0x0  }
0x9d: {  	[sflag:s11] =	ssyncadd.s32 $0xFFFFF000  }
0x9e: {  	_ =	swait.ge [sflag:s18], $0x1000  }
0x9f: {  	[sflag:s18] =	ssyncset.done $0x0  }
0xa0: {  	[sflag:s18] =	ssyncadd.s32 $0xFFFFF000  }
0xa1: {  	_ =	swait.ge [sflag:s14], $0x1000  }
0xa2: {  	[sflag:s14] =	ssyncset.done $0x0  }
0xa3: {  	[sflag:s14] =	ssyncadd.s32 $0xFFFFF000  }
0xa4: {  	_ =	swait.ge [sflag:s21], $0xE80  }
0xa5: {  	[sflag:s21] =	ssyncset.done $0x0  }
0xa6: {  	s26 =	sadd.s32 $0x100, s8;
	[sflag:s21] =	ssyncadd.s32 $0xFFFFF180  }
0xa7: {  	[tilespmem:s16], [sflag:$0x1] =	stream.indirect.gather [hbm4b:s1+s19], $0x80, s26, s19, $0xb8;
	[tilespmem:$0x1E080] =	vst v63  }
0xa8: {  	s26 =	sadd.s32 $0x120, s8  }
0xa9: {  	[tilespmem:s20], [sflag:$0x2] =	stream.indirect.gather [hbm4b:s1+s19], $0x80, s26, s19, $0xb8;
	[tilespmem:$0x1E080] =	vst v63  }
0xaa: {  	s26 =	sadd.s32 $0x140, s8  }
0xab: {  	[tilespmem:s22], [sflag:$0x3] =	stream.indirect.gather [hbm4b:s1+s19], $0x80, s26, s19, $0xb8;
	[tilespmem:$0x1E080] =	vst v63  }
0xac: {  	s26 =	sadd.s32 $0x160, s8  }
0xad: {  	[tilespmem:s28], [sflag:$0x4] =	stream.indirect.gather [hbm4b:s1+s24], $0x80, s26, s24, $0xb8;
	[tilespmem:$0x1E080] =	vst v63  }
.Ltmp1:
0xae: {  	_ = 	snop;
	(pc) =	sbr.rel @p1 .LBB2_4-.Ltmp1, $4  }
0xaf: {  	s8 =	sadd.s32 $0x1480, s8  }
0xb0: {  	[spmem:s2] =	stream.indirect.scatter.add.f32 [tilespmem:s4], [sflag:$0x9], $0x80, s8, s10, $0xb8;
	[tilespmem:$0x1E080] =	vst v63  }
0xb1: {  	_ =	swait.ge [sflag:s17], $0x3E80  }
0xb2: {  	[sflag:s17] =	ssyncset.done $0x0  }
0xb3: {  	[sflag:s17] =	ssyncadd.s32 $0xFFFFC180  }
0xb4: {  	_ =	swait.ge [sflag:s29], $0x1000  }
0xb5: {  	[sflag:s29] =	ssyncset.done $0x0  }
0xb6: {  	[sflag:s29] =	ssyncadd.s32 $0xFFFFF000  }
0xb7: {  	_ =	swait.ge [sflag:s30], $0x1000  }
0xb8: {  	[sflag:s30] =	ssyncset.done $0x0  }
0xb9: {  	[sflag:s30] =	ssyncadd.s32 $0xFFFFF000  }
0xba: {  	_ =	swait.ge [sflag:s31], $0x1000  }
0xbb: {  	[sflag:s31] =	ssyncset.done $0x0  }
0xbc: {  	[sflag:s31] =	ssyncadd.s32 $0xFFFFF000  }
0xbd: {  	_ =	swait.ge [sflag:s0], $0xE80  }
0xbe: {  	[sflag:s0] =	ssyncset.done $0x0  }
0xbf: {  	s8 =	simm.s32 $0x1380;
	[sflag:s0] =	ssyncadd.s32 $0xFFFFF180  }
0xc0: {  	[tilespmem:s4], [sflag:$0x5] =	stream.indirect.gather [hbm4b:s1+s19], $0x80, s8, s19, $0xb8;
	[tilespmem:$0x1E080] =	vst v63  }
0xc1: {  	s26 =	simm.s32 $0x13A0  }
0xc2: {  	[tilespmem:s6], [sflag:$0x6] =	stream.indirect.gather [hbm4b:s1+s19], $0x80, s26, s19, $0xb8;
	[tilespmem:$0x1E080] =	vst v63  }
0xc3: {  	s15 =	simm.s32 $0x13C0  }
0xc4: {  	[tilespmem:s7], [sflag:$0x7] =	stream.indirect.gather [hbm4b:s1+s19], $0x80, s15, s19, $0xb8;
	[tilespmem:$0x1E080] =	vst v63  }
0xc5: {  	_ = 	snop  }
0xc6: {  	[tilespmem:s9], [sflag:$0x8] =	stream.indirect.gather [hbm4b:s1+s24], $0x80, s23, s24, $0xb8;
	[tilespmem:$0x1E080] =	vst v63  }
0xc7: {  	_ = 	snop  }
0xc8: {  	[spmem:s2] =	stream.indirect.scatter.add.f32 [tilespmem:s16], [sflag:$0x9], $0x80, s12, s10, $0xb8;
	[tilespmem:$0x1E080] =	vst v63  }
0xc9: {  	_ =	swait.ge [sflag:s17], $0x3E80  }
0xca: {  	[sflag:s17] =	ssyncset.done $0x0  }
0xcb: {  	[sflag:s17] =	ssyncadd.s32 $0xFFFFC180  }
0xcc: {  	_ =	swait.ge [sflag:s11], $0x1000  }
0xcd: {  	[sflag:s11] =	ssyncset.done $0x0  }
0xce: {  	[sflag:s11] =	ssyncadd.s32 $0xFFFFF000  }
0xcf: {  	_ =	swait.ge [sflag:s18], $0x1000  }
0xd0: {  	[sflag:s18] =	ssyncset.done $0x0  }
0xd1: {  	[sflag:s18] =	ssyncadd.s32 $0xFFFFF000  }
0xd2: {  	_ =	swait.ge [sflag:s14], $0x1000  }
0xd3: {  	[sflag:s14] =	ssyncset.done $0x0  }
0xd4: {  	[sflag:s14] =	ssyncadd.s32 $0xFFFFF000  }
0xd5: {  	_ =	swait.ge [sflag:s21], $0xE80  }
0xd6: {  	[sflag:s21] =	ssyncset.done $0x0  }
0xd7: {  	[sflag:s21] =	ssyncadd.s32 $0xFFFFF180  }
0xd8: {  	[spmem:s2] =	stream.indirect.scatter.add.f32 [tilespmem:s4], [sflag:$0x9], $0x80, s25, s10, $0xb8;
	[tilespmem:$0x1E080] =	vst v63  }
0xd9: {  	_ =	swait.ge [sflag:s17], $0x3E80  }
0xda: {  	[sflag:s17] =	ssyncset.done $0x0  }
0xdb: {  	s8 =	simm.s32 $0x0;
	s15 =	rddreg [dreg:$0xb];
	[sflag:s17] =	ssyncadd.s32 $0xFFFFC180  }
0xdc: {  	[tilespmem:s8], [sflag:$0x9] =	stream.linear.gather [hbm4b:s15+s8], $0x1400, $0x38;
	[tilespmem:$0x1E080] =	vst v63  }
0xdd: {  	_ =	swait.ge [sflag:s17], $0x1400  }
0xde: {  	[sflag:s17] =	ssyncset.done $0x0;
	s26 =	rddreg [dreg:$0xa]  }
0xdf: {  	[sflag:s17] =	ssyncadd.s32 $0xFFFFEC00;
	s15 =	sadd.s32 s26, s13;
	s26 =	simm.s32 $0x1400  }
0xe0: {  	[tilespmem:s26], [sflag:$0x9] =	stream.linear.gather [hbm4b:s15+s8], $0x1400, $0x38;
	[tilespmem:$0x1E080] =	vst v63  }
0xe1: {  	_ =	swait.ge [sflag:s17], $0x1400  }
0xe2: {  	[sflag:s17] =	ssyncset.done $0x0  }
0xe3: {  	[sflag:s17] =	ssyncadd.s32 $0xFFFFEC00  }
0xe4: {  	[tilespmem:s16], [sflag:$0x1] =	stream.indirect.gather [hbm4b:s1+s19], $0x80, s8, s19, $0xb8;
	[tilespmem:$0x1E080] =	vst v63  }
0xe5: {  	_ = 	snop  }
0xe6: {  	[tilespmem:s20], [sflag:$0x2] =	stream.indirect.gather [hbm4b:s1+s19], $0x80, s19, s19, $0xb8;
	[tilespmem:$0x1E080] =	vst v63  }
0xe7: {  	s15 =	simm.s32 $0x40  }
0xe8: {  	[tilespmem:s22], [sflag:$0x3] =	stream.indirect.gather [hbm4b:s1+s19], $0x80, s15, s19, $0xb8;
	[tilespmem:$0x1E080] =	vst v63  }
0xe9: {  	s26 =	simm.s32 $0x60  }
0xea: {  	[tilespmem:s28], [sflag:$0x4] =	stream.indirect.gather [hbm4b:s1+s24], $0x80, s26, s24, $0xb8;
	[tilespmem:$0x1E080] =	vst v63  }
0xeb: {  	_ =	swait.ge [sflag:s29], $0x1000  }
0xec: {  	[sflag:s29] =	ssyncset.done $0x0  }
0xed: {  	[sflag:s29] =	ssyncadd.s32 $0xFFFFF000  }
0xee: {  	_ =	swait.ge [sflag:s30], $0x1000  }
0xef: {  	[sflag:s30] =	ssyncset.done $0x0  }
0xf0: {  	[sflag:s30] =	ssyncadd.s32 $0xFFFFF000  }
0xf1: {  	_ =	swait.ge [sflag:s31], $0x1000  }
0xf2: {  	[sflag:s31] =	ssyncset.done $0x0  }
0xf3: {  	[sflag:s31] =	ssyncadd.s32 $0xFFFFF000  }
0xf4: {  	_ =	swait.ge [sflag:s0], $0xE80  }
0xf5: {  	[sflag:s0] =	ssyncset.done $0x0  }
0xf6: {  	s15 =	simm.s32 $0x80;
	[sflag:s0] =	ssyncadd.s32 $0xFFFFF180  }
0xf7: {  	[tilespmem:s4], [sflag:$0x5] =	stream.indirect.gather [hbm4b:s1+s19], $0x80, s15, s19, $0xb8;
	[tilespmem:$0x1E080] =	vst v63  }
0xf8: {  	s26 =	simm.s32 $0xA0  }
0xf9: {  	[tilespmem:s6], [sflag:$0x6] =	stream.indirect.gather [hbm4b:s1+s19], $0x80, s26, s19, $0xb8;
	[tilespmem:$0x1E080] =	vst v63  }
0xfa: {  	s15 =	simm.s32 $0xC0  }
0xfb: {  	[tilespmem:s7], [sflag:$0x7] =	stream.indirect.gather [hbm4b:s1+s19], $0x80, s15, s19, $0xb8;
	[tilespmem:$0x1E080] =	vst v63  }
0xfc: {  	s26 =	simm.s32 $0xE0  }
0xfd: {  	[tilespmem:s9], [sflag:$0x8] =	stream.indirect.gather [hbm4b:s1+s24], $0x80, s26, s24, $0xb8;
	[tilespmem:$0x1E080] =	vst v63  }
0xfe: {  	s15 =	simm.s32 $0x1400  }
0xff: {  	[spmem:s2] =	stream.indirect.scatter.add.f32 [tilespmem:s16], [sflag:$0x9], $0x80, s15, s10, $0xb8;
	[tilespmem:$0x1E080] =	vst v63  }
0x100: {  	_ =	swait.ge [sflag:s17], $0x3E80  }
0x101: {  	[sflag:s17] =	ssyncset.done $0x0  }
0x102: {  	[sflag:s17] =	ssyncadd.s32 $0xFFFFC180  }
0x103: {  	_ =	swait.ge [sflag:s11], $0x1000  }
0x104: {  	[sflag:s11] =	ssyncset.done $0x0  }
0x105: {  	[sflag:s11] =	ssyncadd.s32 $0xFFFFF000  }
0x106: {  	_ =	swait.ge [sflag:s18], $0x1000  }
0x107: {  	[sflag:s18] =	ssyncset.done $0x0  }
0x108: {  	[sflag:s18] =	ssyncadd.s32 $0xFFFFF000  }
0x109: {  	_ =	swait.ge [sflag:s14], $0x1000  }
0x10a: {  	[sflag:s14] =	ssyncset.done $0x0  }
0x10b: {  	[sflag:s14] =	ssyncadd.s32 $0xFFFFF000  }
0x10c: {  	_ =	swait.ge [sflag:s21], $0xE80  }
0x10d: {  	[sflag:s21] =	ssyncset.done $0x0  }
0x10e: {  	s26 =	simm.s32 $0x100;
	[sflag:s21] =	ssyncadd.s32 $0xFFFFF180  }
0x10f: {  	[tilespmem:s16], [sflag:$0x1] =	stream.indirect.gather [hbm4b:s1+s19], $0x80, s26, s19, $0xb8;
	[tilespmem:$0x1E080] =	vst v63  }
0x110: {  	s15 =	simm.s32 $0x120  }
0x111: {  	[tilespmem:s20], [sflag:$0x2] =	stream.indirect.gather [hbm4b:s1+s19], $0x80, s15, s19, $0xb8;
	[tilespmem:$0x1E080] =	vst v63  }
0x112: {  	s26 =	simm.s32 $0x140  }
0x113: {  	[tilespmem:s22], [sflag:$0x3] =	stream.indirect.gather [hbm4b:s1+s19], $0x80, s26, s19, $0xb8;
	[tilespmem:$0x1E080] =	vst v63  }
0x114: {  	s15 =	simm.s32 $0x160  }
0x115: {  	[tilespmem:s28], [sflag:$0x4] =	stream.indirect.gather [hbm4b:s1+s24], $0x80, s15, s24, $0xb8;
	[tilespmem:$0x1E080] =	vst v63  }
0x116: {  	s26 =	simm.s32 $0x1480  }
0x117: {  	[spmem:s2] =	stream.indirect.scatter.add.f32 [tilespmem:s4], [sflag:$0x9], $0x80, s26, s10, $0xb8;
	[tilespmem:$0x1E080] =	vst v63  }
0x118: {  	_ =	swait.ge [sflag:s17], $0x3E80  }
0x119: {  	s15 =	simm.s32 $0x400;
	[sflag:s17] =	ssyncset.done $0x0  }
.LBB2_6:
0x11a: {  	p1 =	sne.s32 s15, $0x4800  }
0x11b: {  	[sflag:s17] =	ssyncadd.s32 $0xFFFFC180;
	s8 =	smov.u32 s15;
	s15 =	sadd.s32 $0x400, s15  }
0x11c: {  	_ = 	snop  }
0x11d: {  	_ =	swait.ge [sflag:s29], $0x1000  }
0x11e: {  	[sflag:s29] =	ssyncset.done $0x0  }
0x11f: {  	[sflag:s29] =	ssyncadd.s32 $0xFFFFF000  }
0x120: {  	_ =	swait.ge [sflag:s30], $0x1000  }
0x121: {  	[sflag:s30] =	ssyncset.done $0x0  }
0x122: {  	[sflag:s30] =	ssyncadd.s32 $0xFFFFF000  }
0x123: {  	_ =	swait.ge [sflag:s31], $0x1000  }
0x124: {  	[sflag:s31] =	ssyncset.done $0x0  }
0x125: {  	[sflag:s31] =	ssyncadd.s32 $0xFFFFF000  }
0x126: {  	_ =	swait.ge [sflag:s0], $0xE80  }
0x127: {  	s8 =	sshra.s32 s8, $0x2;
	[sflag:s0] =	ssyncset.done $0x0  }
0x128: {  	s26 =	sadd.s32 $0x80, s8;
	[sflag:s0] =	ssyncadd.s32 $0xFFFFF180  }
0x129: {  	[tilespmem:s4], [sflag:$0x5] =	stream.indirect.gather [hbm4b:s1+s19], $0x80, s26, s19, $0xb8;
	[tilespmem:$0x1E080] =	vst v63  }
0x12a: {  	s26 =	sadd.s32 $0xA0, s8  }
0x12b: {  	[tilespmem:s6], [sflag:$0x6] =	stream.indirect.gather [hbm4b:s1+s19], $0x80, s26, s19, $0xb8;
	[tilespmem:$0x1E080] =	vst v63  }
0x12c: {  	s26 =	sadd.s32 $0xC0, s8  }
0x12d: {  	[tilespmem:s7], [sflag:$0x7] =	stream.indirect.gather [hbm4b:s1+s19], $0x80, s26, s19, $0xb8;
	[tilespmem:$0x1E080] =	vst v63  }
0x12e: {  	s26 =	sadd.s32 $0xE0, s8  }
0x12f: {  	[tilespmem:s9], [sflag:$0x8] =	stream.indirect.gather [hbm4b:s1+s24], $0x80, s26, s24, $0xb8;
	[tilespmem:$0x1E080] =	vst v63  }
0x130: {  	s26 =	sadd.s32 $0x1400, s8  }
0x131: {  	[spmem:s2] =	stream.indirect.scatter.add.f32 [tilespmem:s16], [sflag:$0x9], $0x80, s26, s10, $0xb8;
	[tilespmem:$0x1E080] =	vst v63  }
0x132: {  	_ =	swait.ge [sflag:s17], $0x3E80  }
0x133: {  	[sflag:s17] =	ssyncset.done $0x0  }
0x134: {  	[sflag:s17] =	ssyncadd.s32 $0xFFFFC180  }
0x135: {  	_ =	swait.ge [sflag:s11], $0x1000  }
0x136: {  	[sflag:s11] =	ssyncset.done $0x0  }
0x137: {  	[sflag:s11] =	ssyncadd.s32 $0xFFFFF000  }
0x138: {  	_ =	swait.ge [sflag:s18], $0x1000  }
0x139: {  	[sflag:s18] =	ssyncset.done $0x0  }
0x13a: {  	[sflag:s18] =	ssyncadd.s32 $0xFFFFF000  }
0x13b: {  	_ =	swait.ge [sflag:s14], $0x1000  }
0x13c: {  	[sflag:s14] =	ssyncset.done $0x0  }
0x13d: {  	[sflag:s14] =	ssyncadd.s32 $0xFFFFF000  }
0x13e: {  	_ =	swait.ge [sflag:s21], $0xE80  }
0x13f: {  	[sflag:s21] =	ssyncset.done $0x0  }
0x140: {  	s26 =	sadd.s32 $0x100, s8;
	[sflag:s21] =	ssyncadd.s32 $0xFFFFF180  }
0x141: {  	[tilespmem:s16], [sflag:$0x1] =	stream.indirect.gather [hbm4b:s1+s19], $0x80, s26, s19, $0xb8;
	[tilespmem:$0x1E080] =	vst v63  }
0x142: {  	s26 =	sadd.s32 $0x120, s8  }
0x143: {  	[tilespmem:s20], [sflag:$0x2] =	stream.indirect.gather [hbm4b:s1+s19], $0x80, s26, s19, $0xb8;
	[tilespmem:$0x1E080] =	vst v63  }
0x144: {  	s26 =	sadd.s32 $0x140, s8  }
0x145: {  	[tilespmem:s22], [sflag:$0x3] =	stream.indirect.gather [hbm4b:s1+s19], $0x80, s26, s19, $0xb8;
	[tilespmem:$0x1E080] =	vst v63  }
0x146: {  	s26 =	sadd.s32 $0x160, s8  }
0x147: {  	[tilespmem:s28], [sflag:$0x4] =	stream.indirect.gather [hbm4b:s1+s24], $0x80, s26, s24, $0xb8;
	[tilespmem:$0x1E080] =	vst v63  }
.Ltmp2:
0x148: {  	_ = 	snop;
	(pc) =	sbr.rel @p1 .LBB2_6-.Ltmp2, $4  }
0x149: {  	s8 =	sadd.s32 $0x1480, s8  }
0x14a: {  	[spmem:s2] =	stream.indirect.scatter.add.f32 [tilespmem:s4], [sflag:$0x9], $0x80, s8, s10, $0xb8;
	[tilespmem:$0x1E080] =	vst v63  }
0x14b: {  	_ =	swait.ge [sflag:s17], $0x3E80  }
0x14c: {  	[sflag:s17] =	ssyncset.done $0x0  }
0x14d: {  	[sflag:s17] =	ssyncadd.s32 $0xFFFFC180  }
0x14e: {  	_ =	swait.ge [sflag:s29], $0x1000  }
0x14f: {  	[sflag:s29] =	ssyncset.done $0x0  }
0x150: {  	[sflag:s29] =	ssyncadd.s32 $0xFFFFF000  }
0x151: {  	_ =	swait.ge [sflag:s30], $0x1000  }
0x152: {  	[sflag:s30] =	ssyncset.done $0x0  }
0x153: {  	[sflag:s30] =	ssyncadd.s32 $0xFFFFF000  }
0x154: {  	_ =	swait.ge [sflag:s31], $0x1000  }
0x155: {  	[sflag:s31] =	ssyncset.done $0x0  }
0x156: {  	[sflag:s31] =	ssyncadd.s32 $0xFFFFF000  }
0x157: {  	_ =	swait.ge [sflag:s0], $0xE80  }
0x158: {  	[sflag:s0] =	ssyncset.done $0x0  }
0x159: {  	s8 =	simm.s32 $0x1380;
	[sflag:s0] =	ssyncadd.s32 $0xFFFFF180  }
0x15a: {  	[tilespmem:s4], [sflag:$0x5] =	stream.indirect.gather [hbm4b:s1+s19], $0x80, s8, s19, $0xb8;
	[tilespmem:$0x1E080] =	vst v63  }
0x15b: {  	s26 =	simm.s32 $0x13A0  }
0x15c: {  	[tilespmem:s6], [sflag:$0x6] =	stream.indirect.gather [hbm4b:s1+s19], $0x80, s26, s19, $0xb8;
	[tilespmem:$0x1E080] =	vst v63  }
0x15d: {  	s15 =	simm.s32 $0x13C0  }
0x15e: {  	[tilespmem:s7], [sflag:$0x7] =	stream.indirect.gather [hbm4b:s1+s19], $0x80, s15, s19, $0xb8;
	[tilespmem:$0x1E080] =	vst v63  }
0x15f: {  	_ = 	snop  }
0x160: {  	[tilespmem:s9], [sflag:$0x8] =	stream.indirect.gather [hbm4b:s1+s24], $0x80, s23, s24, $0xb8;
	[tilespmem:$0x1E080] =	vst v63  }
0x161: {  	_ = 	snop  }
0x162: {  	[spmem:s2] =	stream.indirect.scatter.add.f32 [tilespmem:s16], [sflag:$0x9], $0x80, s12, s10, $0xb8;
	[tilespmem:$0x1E080] =	vst v63  }
0x163: {  	_ =	swait.ge [sflag:s17], $0x3E80  }
0x164: {  	[sflag:s17] =	ssyncset.done $0x0  }
0x165: {  	[sflag:s17] =	ssyncadd.s32 $0xFFFFC180  }
0x166: {  	_ =	swait.ge [sflag:s11], $0x1000  }
0x167: {  	[sflag:s11] =	ssyncset.done $0x0  }
0x168: {  	[sflag:s11] =	ssyncadd.s32 $0xFFFFF000  }
0x169: {  	_ =	swait.ge [sflag:s18], $0x1000  }
0x16a: {  	[sflag:s18] =	ssyncset.done $0x0  }
0x16b: {  	[sflag:s18] =	ssyncadd.s32 $0xFFFFF000  }
0x16c: {  	_ =	swait.ge [sflag:s14], $0x1000  }
0x16d: {  	[sflag:s14] =	ssyncset.done $0x0  }
0x16e: {  	[sflag:s14] =	ssyncadd.s32 $0xFFFFF000  }
0x16f: {  	_ =	swait.ge [sflag:s21], $0xE80  }
0x170: {  	[sflag:s21] =	ssyncset.done $0x0  }
0x171: {  	[sflag:s21] =	ssyncadd.s32 $0xFFFFF180  }
0x172: {  	[spmem:s2] =	stream.indirect.scatter.add.f32 [tilespmem:s4], [sflag:$0x9], $0x80, s25, s10, $0xb8;
	[tilespmem:$0x1E080] =	vst v63  }
0x173: {  	_ =	swait.ge [sflag:s17], $0x3E80  }
0x174: {  	[sflag:s17] =	ssyncset.done $0x0  }
0x175: {  	[sflag:s17] =	ssyncadd.s32 $0xFFFFC180  }
0x176: {  	s8 =	stileid.u32;
	[bflag:$0x0] =	sbarrier.arrive $0xFFFF  }
0x177: {  	s8 =	sshll.u32 @!p0 s8, $0x6;
	s15 =	rddreg [dreg:$0xd]  }
0x178: {  	s8 =	sor.u32 @!p0 $0x1C09, s8;
	s26 =	rddreg [dreg:$0xe]  }
0x179: {  	[hbm:s15], [sflag:s8] =	dma.local @!p0 [spmem:s26], $0x3E80  }
0x17a: {  	s8 =	simm.s32 @!p0 $0x9  }
0x17b: {  	_ =	swait.ge @!p0 [sflag:s8], $0x3E80  }
0x17c: {  	s3 =	sadd.s32 $0x1, s3;
	s26 =	rddreg [dreg:$0xc]  }
0x17d: {  	p1 =	sne.s32 s3, s26  }
.Ltmp3:
0x17e: {  	_ = 	snop;
	(pc) =	sbr.rel @p1 .LBB2_1-.Ltmp3, $3  }
0x17f: {  	_ =	sdelay $0x1  }
0x180: {  	[sflag:s8] =	ssyncset.done @!p0 $0x0  }
0x181: {  	[sflag:s8] =	ssyncadd.s32 @!p0 $0xFFFFC180  }
0x182: {  	_ =	sfence.sel $0x180000  }
0x183: {  	[bflag:$0x0] =	sbarrier.arrive $0xFFFF  }
0x184: {  	_ =	strace $0x9000004A  }
0x185: {  	s0 =	stileid.u32;
	[bflag:$0x2] =	sbarrier.arrive $0xFFFF  }
0x186: {  	p0 =	sne.s32 s0, $0x0;
	s0 =	rddreg [dreg:$0x3]  }
0x187: {  	s0 =	sadd.s32 @!p0 $0x100000, s0  }
0x188: {  	[sflag:s0] =	ssyncadd.tile.s32 @!p0 $0x1;
	_ =	shalt  }
.Lfunc_end2:
_tile_overlayer_lowered:
.L_overlay_start_2:
0x189: {  	(tag) =	ssettag $0x2  }
0x18a: {  	s0 =	rddreg [dreg:$0x0];
	s2 =	stileid.u32  }
0x18b: {  	s1 =	rddreg [dreg:$0x1];
	p0 =	sne.s32 s2, $0x0  }
0x18c: {  	s3 =	rddreg [dreg:$0x2];
	[bflag:$0x3] =	sbarrier.arrive $0xFFFF;
	s2 =	simm.s32 @!p0 $0x1C09  }
0x18d: {  	[timem:s3], [sflag:s2] =	dma.local @!p0 [hbm:s0], s1  }
0x18e: {  	s0 =	simm.s32 @!p0 $0x9  }
0x18f: {  	_ =	swait.ge @!p0 [sflag:s0], s1  }
0x190: {  	s1 =	ssub.s32 @!p0 $0x0, s1;
	[sflag:s0] =	ssyncset.done @!p0 $0x0  }
0x191: {  	[sflag:s0] =	ssyncadd.s32 @!p0 s1  }
0x192: {  	[bflag:$0x3] =	sbarrier.arrive $0xFFFF  }
0x193: {  	_ =	shalt  }

// kernel: kernel.14.cloned.1.call-start
scs
__scs_entry_jumppad:
0x0: {  	(pc) =	sbr.rel $0x88, $3  }
0x1: {  	(tag) =	ssettag $0x0;
	lr =	simm.s32 $0x1  }
0x2: {  	[smem:$0x3F9B] =	sst lr;
	_ =	strace $0xD0000000  }
0x3: {  	_ = 	snop  }
0x4: {  	_ = 	snop  }
0x5: {  	_ = 	snop  }
0x6: {  	_ = 	snop  }
0x7: {  	_ = 	snop  }
__scs_overlays_trampoline_lowered:
0x8: {  	[smem:$0x3FAA] =	sst s0  }
0x9: {  	[smem:$0x3FAB] =	sst s1  }
0xa: {  	[smem:$0x3FAC] =	sst s2  }
0xb: {  	[smem:$0x3FAD] =	sst s3  }
0xc: {  	[smem:$0x3FAE] =	sst s4  }
0xd: {  	[smem:$0x3FAF] =	sst s5  }
0xe: {  	[smem:$0x3FB0] =	sst s6  }
0xf: {  	[smem:$0x3FB1] =	sst s7  }
0x10: {  	[smem:$0x3FB2] =	sst s8  }
0x11: {  	[smem:$0x3FB3] =	sst s9;
	s0 =	simm.s32 @!p0 $0x0  }
0x12: {  	s1 =	sld [smem:$0x3F99];
	s0 =	simm.s32 @p0 $0x1  }
0x13: {  	[smem:$0x3FB4] =	sst s0;
	s0 =	simm.s32 @!p1 $0x0  }
0x14: {  	s2 =	sld [smem:$0x3F98];
	s0 =	simm.s32 @p1 $0x1  }
0x15: {  	[smem:$0x3FB5] =	sst s0;
	s0 =	simm.s32 @!p2 $0x0  }
0x16: {  	s3 =	sld [smem:$0x3FDB];
	s0 =	simm.s32 @p2 $0x1  }
0x17: {  	s4 =	simm.s32 $0x1BF5;
	[smem:$0x3FB7] =	sst s0  }
0x18: {  	s0 =	sld [smem:$0x3F9A];
	_ =	swait.ge [sflag:s4], $0x0  }
0x19: {  	s7 =	sld [smem:$0x3F9B]  }
0x1a: {  	s8 =	sadd.s32 $0xFFFFE003, lr  }
0x1b: {  	s9 =	sadd.s32 $0xFFFFFEF7, lr;
	s5 =	simm.s32 $0xFFFFFFFF;
	p2 =	slt.u32 s8, $0xFFFFF086  }
0x1c: {  	p1 =	slt.u32 s9, $0xF7A;
	s5 =	simm.s32 @!p2 $0x0  }
0x1d: {  	s5 =	simm.s32 @p1 $0x1;
	p0 =	seq.s32 s7, s2  }
0x1e: {  	s7 =	smul.u32 @!p0 $0xF7A, s2;
	p2 =	seq.s32 @!p0 s5, $0x0  }
0x1f: {  	s9 =	smul.u32 $0xF7A, s1;
	s8 =	simm.s32 @!p0 $0x1BF5;
	p2 =	por !p2, p0  }
0x20: {  	[sflag:s8] =	ssyncset.s32 @!p0 $0xFFFFF086;
	s6 =	sadd.s32 @!p0 s3, s7;
	s7 =	simm.s32 @!p0 $0x108  }
0x21: {  	s3 =	sadd.s32 s3, s9;
	s6 =	sadd.s32 @!p0 $0x88, s6;
	s7 =	simm.s32 @p2 $0x1082  }
0x22: {  	[simem:s7], [sflag:s8] =	dma.local @!p0 [hbm:s6], $0xF7A  }
0x23: {  	s9 =	sor.u32 $0xD0000000, s2;
	s6 =	simm.s32 $0x108;
	_ =	swait.ge @!p0 [sflag:s8], $0x0  }
0x24: {  	s3 =	sadd.s32 $0x88, s3;
	s6 =	simm.s32 @!p1 $0x1082;
	[sflag:s4] =	ssyncset.s32 $0xFFFFF086  }
0x25: {  	[simem:s6], [sflag:s4] =	dma.local [hbm:s3], $0xF7A  }
0x26: {  	[smem:$0x3F9B] =	sst s1;
	(tag) =	ssettag s2;
	_ =	strace s9  }
0x27: {  	s1 =	sld [smem:$0x3FAB]  }
0x28: {  	s2 =	sld [smem:$0x3FAC]  }
0x29: {  	s4 =	sld [smem:$0x3FAE]  }
0x2a: {  	p0 =	seq.s32 s5, $0x0;
	s5 =	sld [smem:$0x3FAF]  }
0x2b: {  	s6 =	sld [smem:$0x3FB0]  }
0x2c: {  	s7 =	sld [smem:$0x3FB1]  }
0x2d: {  	s3 =	simm.s32 $0x108;
	s8 =	sld [smem:$0x3FB2]  }
0x2e: {  	s3 =	simm.s32 @!p0 $0x1082;
	s9 =	sld [smem:$0x3FB3]  }
0x2f: {  	lr =	sadd.s32 s0, s3;
	s0 =	sld [smem:$0x3FAA]  }
0x30: {  	s3 =	sld [smem:$0x3FAD]  }
0x31: {  	[smem:$0x3FB6] =	sst s10  }
0x32: {  	s10 =	sld [smem:$0x3FB4];
	_ =	sdelay $0x3  }
0x33: {  	p0 =	seq.s32 s10, $0x1;
	s10 =	sld [smem:$0x3FB6];
	_ =	sdelay $0x3  }
0x34: {  	[smem:$0x3FB6] =	sst s10  }
0x35: {  	s10 =	sld [smem:$0x3FB5];
	_ =	sdelay $0x3  }
0x36: {  	p1 =	seq.s32 s10, $0x1;
	s10 =	sld [smem:$0x3FB6];
	_ =	sdelay $0x3  }
0x37: {  	[smem:$0x3FB6] =	sst s10  }
0x38: {  	s10 =	sld [smem:$0x3FB7]  }
0x39: {  	_ = 	snop;
	(pc) =	sbr.ind lr, $3  }
0x3a: {  	_ = 	snop  }
0x3b: {  	_ = 	snop  }
0x3c: {  	p2 =	seq.s32 s10, $0x1;
	s10 =	sld [smem:$0x3FB6]  }
0x3d: {  	_ =	shalt  }
0x3e: {  	_ =	shalt  }
0x3f: {  	_ =	shalt  }
0x40: {  	_ =	shalt  }
0x41: {  	_ =	shalt  }
0x42: {  	_ =	shalt  }
0x43: {  	_ =	shalt  }
0x44: {  	_ =	shalt  }
0x45: {  	_ =	shalt  }
0x46: {  	_ =	shalt  }
0x47: {  	_ =	shalt  }
0x48: {  	_ =	shalt  }
0x49: {  	_ =	shalt  }
0x4a: {  	_ =	shalt  }
0x4b: {  	_ =	shalt  }
0x4c: {  	_ =	shalt  }
0x4d: {  	_ =	shalt  }
0x4e: {  	_ =	shalt  }
0x4f: {  	_ =	shalt  }
0x50: {  	_ =	shalt  }
0x51: {  	_ =	shalt  }
0x52: {  	_ =	shalt  }
0x53: {  	_ =	shalt  }
0x54: {  	_ =	shalt  }
0x55: {  	_ =	shalt  }
0x56: {  	_ =	shalt  }
0x57: {  	_ =	shalt  }
0x58: {  	_ =	shalt  }
0x59: {  	_ =	shalt  }
0x5a: {  	_ =	shalt  }
0x5b: {  	_ =	shalt  }
0x5c: {  	_ =	shalt  }
0x5d: {  	_ =	shalt  }
0x5e: {  	_ =	shalt  }
0x5f: {  	_ =	shalt  }
0x60: {  	_ =	shalt  }
0x61: {  	_ =	shalt  }
0x62: {  	_ =	shalt  }
0x63: {  	_ =	shalt  }
0x64: {  	_ =	shalt  }
0x65: {  	_ =	shalt  }
0x66: {  	_ =	shalt  }
0x67: {  	_ =	shalt  }
0x68: {  	_ =	shalt  }
0x69: {  	_ =	shalt  }
0x6a: {  	_ =	shalt  }
0x6b: {  	_ =	shalt  }
0x6c: {  	_ =	shalt  }
0x6d: {  	_ =	shalt  }
0x6e: {  	_ =	shalt  }
0x6f: {  	_ =	shalt  }
0x70: {  	_ =	shalt  }
0x71: {  	_ =	shalt  }
0x72: {  	_ =	shalt  }
0x73: {  	_ =	shalt  }
0x74: {  	_ =	shalt  }
0x75: {  	_ =	shalt  }
0x76: {  	_ =	shalt  }
0x77: {  	_ =	shalt  }
0x78: {  	_ =	shalt  }
0x79: {  	_ =	shalt  }
0x7a: {  	_ =	shalt  }
0x7b: {  	_ =	shalt  }
0x7c: {  	_ =	shalt  }
0x7d: {  	_ =	shalt  }
0x7e: {  	_ =	shalt  }
0x7f: {  	_ =	shalt  }
0x80: {  	_ =	shalt  }
0x81: {  	_ =	shalt  }
0x82: {  	_ =	shalt  }
0x83: {  	_ =	shalt  }
0x84: {  	_ =	shalt  }
0x85: {  	_ =	shalt  }
0x86: {  	_ =	shalt  }
0x87: {  	_ =	shalt  }
.Lfunc_end0:
.L_simem_size_0:
called_computation.2_lowered:
.L_overlay_start_0:
0x88: {  	s2 =	sld [smem:$0x3FD9]  }
0x89: {  	s3 =	sld [smem:$0x3FFE];
	_ =	sdelay $0x1  }
0x8a: {  	s1 =	srdreg.scid  }
0x8b: {  	s0 =	sand.u32 $0x1, s1  }
0x8c: {  	s17 =	sshll.u32 s0, $0xA;
	s2 =	sadd.s32 s3, s2  }
0x8d: {  	s2 =	sadd.s32 s2, s17  }
0x8e: {  	[smem:$0x3FC2] =	sst s2  }
0x8f: {  	_ = 	snop  }
0x90: {  	s2 =	sld [smem:$0x3FD0];
	(tm) =	ssettm $0x1  }
0x91: {  	s18 =	sld [smem:$0x3FFB];
	_ =	sdelay $0x3  }
0x92: {  	_ =	strace s18  }
0x93: {  	s3 =	sld [smem:$0x3FFC];
	_ =	sdelay $0x3  }
0x94: {  	_ =	strace s3  }
0x95: {  	s3 =	sld [smem:$0x3FFD];
	_ =	sdelay $0x3  }
0x96: {  	_ =	strace s3  }
0x97: {  	_ =	strace $0x8FFFFFFF  }
0x98: {  	s19 =	sld [smem:$0x3FDB];
	_ =	sdelay $0x1  }
0x99: {  	s4 =	simm.s32 $_scs_section_size  }
0x9a: {  	s5 =	simm.s32 $_size__tile_overlayer_lowered;
	s6 =	simm.s32 $_tile_overlayer_lowered  }
0x9b: {  	s22 =	simm.s32 $0x1BFF;
	s21 =	sshll.u32 s6, $0x1;
	s3 =	sadd.s32 s4, s19  }
0x9c: {  	s7 =	simm.s32 $0x0;
	s20 =	sshll.u32 s5, $0x1;
	s5 =	sadd.s32 s21, s3  }
0x9d: {  	[timem:s7], [sflag:s22] =	dma.local [hbm:s5], s20  }
0x9e: {  	_ =	swait.ge [sflag:s22], s20  }
0x9f: {  	s4 =	ssub.s32 $0x0, s20;
	[sflag:s22] =	ssyncset.done $0x0  }
0xa0: {  	[sflag:s22] =	ssyncadd.s32 s4;
	_ =	sdelay $0x1  }
0xa1: {  	s23 =	simm.s32 $0x1B8B  }
0xa2: {  	_ =	swait.ge [sflag:s23], $0x1  }
0xa3: {  	[sflag:s23] =	ssyncset.done $0x0  }
0xa4: {  	s25 =	simm.s32 $0x1B8E;
	s24 =	sld [smem:$0x3FFE];
	[sflag:s23] =	ssyncadd.s32 $0xFFFFFFFF  }
0xa5: {  	s26 =	simm.s32 $execute0_lowered;
	[smem:$0x3FD2] =	sst s25  }
0xa6: {  	s5 =	sshll.u32 s26, $0x1;
	_ =	strace $0x8000004C;
	[dreg:$0x1] =	wrdreg $0xFFFFFFFF  }
0xa7: {  	s28 =	simm.s32 $_size_execute0_lowered;
	s3 =	sadd.s32 s3, s5;
	[dreg:$0x0] =	wrdreg $0x0  }
0xa8: {  	s5 =	sshll.u32 s28, $0x1;
	[dreg:$0x2] =	wrdreg s3  }
0xa9: {  	[dreg:$0x3] =	wrdreg s5  }
0xaa: {  	[dreg:$0x4] =	wrdreg $0xC0  }
0xab: {  	_ =	task [dreg:s7], $0x5FFFF  }
0xac: {  	[dreg:$0x1] =	wrdreg $0xFFFFFFFF  }
0xad: {  	[dreg:$0x0] =	wrdreg $0x60  }
0xae: {  	[dreg:$0x2] =	wrdreg s2  }
0xaf: {  	[dreg:$0x3] =	wrdreg s24  }
0xb0: {  	[dreg:$0x4] =	wrdreg $0xA8000  }
0xb1: {  	[dreg:$0x5] =	wrdreg $0x9  }
0xb2: {  	_ =	task.clear_ibuf [dreg:s7], $0x6FFFF;
	_ =	strace $0x9000004C  }
0xb3: {  	s29 =	simm.s32 $0x9;
	_ =	strace $0x8000004E  }
0xb4: {  	_ =	swait.ge [sflag:s29], $0x1  }
0xb5: {  	[sflag:s29] =	ssyncadd.s32 $0xFFFFFFFF  }
0xb6: {  	_ =	strace $0x9000004E  }
0xb7: {  	_ =	sfence  }
0xb8: {  	s30 =	sld [smem:$0x0];
	_ =	sdelay $0x2  }
0xb9: {  	s31 =	sshll.u32 s1, $0xD;
	s1 =	sshrl.u32 s1, $0x2  }
0xba: {  	s3 =	sand.u32 $0x4000, s31;
	s1 =	sadd.s32 s1, s30  }
0xbb: {  	s0 =	sor.u32 s3, s0;
	s1 =	sshll.u32 s1, $0x11  }
0xbc: {  	s0 =	sor.u32 s1, s0  }
0xbd: {  	s0 =	sadd.s32 $0x8F2B, s0  }
0xbe: {  	[sflag:s0] =	ssyncadd.remote.s32 $0x1  }
0xbf: {  	_ =	sfence.sel $0xFFFF  }
0xc0: {  	[dreg:$0x0] =	wrdreg $0xFFFFFFFF;
	(pc) =	sbr.abs _section_cstart, $3  }
0xc1: {  	[dreg:$0x1] =	wrdreg $0xFFFFFFFF  }
0xc2: {  	_ =	task.clear_ibuf [dreg:s7], $0x2FFFF;
	_ =	strace $0x9FFFFFFF  }
0xc3: {  	(tm) =	ssettm $0x7FFFFFFF  }
tec
execute0_lowered:
.L_overlay_start_1:
0x0: {  	(tag) =	ssettag $0x1  }
0x1: {  	s1 =	rddreg [dreg:$0x0]  }
0x2: {  	s0 =	rddreg [dreg:$0x1]  }
0x3: {  	s2 =	rddreg [dreg:$0x2];
	s3 =	simm.s32 $0x0;
	s4 =	srdreg.scid  }
0x4: {  	s10 =	stileid.u32;
	s16 =	simm.s32 $0x2800;
	s28 =	simm.s32 $0x5800  }
0x5: {  	s29 =	simm.s32 $0x1;
	s30 =	simm.s32 $0x2;
	s31 =	simm.s32 $0x3  }
0x6: {  	s14 =	simm.s32 $0x7;
	[smem:$0x7FF] =	sst s3;
	s7 =	smul.u32 $0x4E200, s10  }
0x7: {  	s4 =	sand.u32 $0x1, s4;
	s6 =	sadd.s32 $0x2600, s0;
	s23 =	smul.u32 $0x7D000, s10  }
0x8: {  	s13 =	sadd.s32 $0xC600, s0;
	p0 =	sgt.u32 s10, $0x9;
	s5 =	smul.u32 $0x27100, s4  }
0x9: {  	_ =	strace $0x8000004D;
	s17 =	ssub.s32 $0x2, s4;
	s4 =	sshll.u32 s4, $0x4  }
0xa: {  	s9 =	sshrl.u32 s17, $0x1;
	s4 =	sor.u32 s10, s4;
	s7 =	sshrl.u32 s7, $0x2  }
0xb: {  	s25 =	sshrl.u32 s23, $0x2;
	s23 =	simm.s32 $0x13E0;
	s8 =	sadd.s32 s5, s0  }
0xc: {  	s9 =	ssub.s32 s17, s9;
	s5 =	sadd.s32 s7, s2;
	s18 =	smul.u32 $0x2800, s4  }
0xd: {  	s20 =	smul.u32 $0x500, s4;
	s0 =	sadd.s32 s25, s2;
	s11 =	sadd.s32 $0x3E80, s5  }
0xe: {  	s17 =	simm.s32 $0x9;
	s19 =	sadd.s32 $0x7D00, s5;
	[dreg:$0x4] =	wrdreg s11  }
0xf: {  	s7 =	simm.s32 $0x8800;
	s21 =	sadd.s32 $0xBB80, s5;
	[dreg:$0x5] =	wrdreg s19  }
0x10: {  	s25 =	simm.s32 $0x2780;
	s12 =	sadd.s32 $0xFA00, s5;
	[dreg:$0x7] =	wrdreg s21  }
0x11: {  	s26 =	smax.u32 s9, $0x1;
	s0 =	sshrl.u32 @!p0 s0, $0x3;
	[dreg:$0x8] =	wrdreg s12  }
0x12: {  	s9 =	simm.s32 $0x9800;
	s22 =	sshrl.u32 s18, $0x3;
	[dreg:$0x6] =	wrdreg s20  }
0x13: {  	s11 =	sadd.s32 s6, s20;
	[dreg:$0xc] =	wrdreg s26;
	s19 =	simm.s32 $0x20  }
0x14: {  	s20 =	simm.s32 $0x3800;
	[dreg:$0xe] =	wrdreg s0;
	s0 =	simm.s32 $0x4  }
0x15: {  	s18 =	simm.s32 $0x6;
	s21 =	simm.s32 $0x8;
	s12 =	simm.s32 $0x2700  }
0x16: {  	[dreg:$0x9] =	wrdreg s11;
	s4 =	sadd.s32 $0x280, s22;
	s22 =	simm.s32 $0x4800  }
0x17: {  	s11 =	simm.s32 $0x5;
	s24 =	sadd.s32 s6, s4;
	s6 =	smul.u32 $0x3E80, s10  }
0x18: {  	[dreg:$0xa] =	wrdreg s4;
	s4 =	sadd.s32 $0x16600, s8;
	s10 =	simm.s32 $0x7D  }
0x19: {  	[dreg:$0xb] =	wrdreg s24;
	s24 =	simm.s32 $0x1D;
	s4 =	sadd.s32 @!p0 s6, s4  }
0x1a: {  	v0 =	vimm.f32 $0.0e+00;
	s6 =	simm.s32 $0x7800;
	[dreg:$0xd] =	wrdreg s4;
	s4 =	simm.s32 $0x6800  }
.LBB2_1:
0x1b: {  	s8 =	simm.s32 $0x0;
	s15 =	simm.s32 $0x200  }
.LBB2_2:
0x1c: {  	p1 =	sne.s32 s15, $0xF800;
	[tilespmem:s8+$0x2870] =	vst v0  }
0x1d: {  	[tilespmem:s8+$0x2800] =	vst v0  }
0x1e: {  	[tilespmem:s8+$0x2810] =	vst v0  }
.Ltmp0:
0x1f: {  	[tilespmem:s8+$0x2820] =	vst v0;
	(pc) =	sbr.rel @p1 .LBB2_2-.Ltmp0, $4  }
0x20: {  	[tilespmem:s8+$0x2830] =	vst v0  }
0x21: {  	[tilespmem:s8+$0x2840] =	vst v0  }
0x22: {  	[tilespmem:s8+$0x2850] =	vst v0  }
0x23: {  	[tilespmem:s8+$0x2860] =	vst v0;
	s8 =	sshra.s32 s15, $0x2;
	s15 =	sadd.s32 $0x200, s15  }
0x24: {  	[tilespmem:s8+$0x2870] =	vst v0  }
0x25: {  	[tilespmem:s8+$0x2800] =	vst v0  }
0x26: {  	[tilespmem:s8+$0x2810] =	vst v0  }
0x27: {  	[tilespmem:s8+$0x2820] =	vst v0  }
0x28: {  	[tilespmem:s8+$0x2830] =	vst v0  }
0x29: {  	[tilespmem:s8+$0x2840] =	vst v0  }
0x2a: {  	[tilespmem:s8+$0x2850] =	vst v0  }
0x2b: {  	[tilespmem:s8+$0x2860] =	vst v0  }
0x2c: {  	[spmem:s5] =	stream.linear.scatter [tilespmem:s16], [sflag:$0x9], $0x3E80, $0x38;
	[tilespmem:$0x1E080] =	vst v63  }
0x2d: {  	_ =	swait.ge [sflag:s17], $0x3E80  }
0x2e: {  	[sflag:s17] =	ssyncset.done $0x0  }
0x2f: {  	s26 =	rddreg [dreg:$0x4];
	[sflag:s17] =	ssyncadd.s32 $0xFFFFC180  }
0x30: {  	[spmem:s26] =	stream.linear.scatter [tilespmem:s16], [sflag:$0x9], $0x3E80, $0x38;
	[tilespmem:$0x1E080] =	vst v63  }
0x31: {  	_ =	swait.ge [sflag:s17], $0x3E80  }
0x32: {  	[sflag:s17] =	ssyncset.done $0x0  }
0x33: {  	s15 =	rddreg [dreg:$0x5];
	[sflag:s17] =	ssyncadd.s32 $0xFFFFC180  }
0x34: {  	[spmem:s15] =	stream.linear.scatter [tilespmem:s16], [sflag:$0x9], $0x3E80, $0x38;
	[tilespmem:$0x1E080] =	vst v63  }
0x35: {  	_ =	swait.ge [sflag:s17], $0x3E80  }
0x36: {  	[sflag:s17] =	ssyncset.done $0x0  }
0x37: {  	s26 =	rddreg [dreg:$0x7];
	[sflag:s17] =	ssyncadd.s32 $0xFFFFC180  }
0x38: {  	[spmem:s26] =	stream.linear.scatter [tilespmem:s16], [sflag:$0x9], $0x3E80, $0x38;
	[tilespmem:$0x1E080] =	vst v63  }
0x39: {  	_ =	swait.ge [sflag:s17], $0x3E80  }
0x3a: {  	[sflag:s17] =	ssyncset.done $0x0  }
0x3b: {  	s15 =	rddreg [dreg:$0x8];
	[sflag:s17] =	ssyncadd.s32 $0xFFFFC180  }
0x3c: {  	[spmem:s15] =	stream.linear.scatter [tilespmem:s16], [sflag:$0x9], $0x3E80, $0x38;
	[tilespmem:$0x1E080] =	vst v63  }
0x3d: {  	_ =	swait.ge [sflag:s17], $0x3E80  }
0x3e: {  	[sflag:s17] =	ssyncset.done $0x0  }
0x3f: {  	[sflag:s17] =	ssyncadd.s32 $0xFFFFC180  }
0x40: {  	[bflag:$0x0] =	sbarrier.arrive $0xFFFF  }
0x41: {  	s8 =	simm.s32 $0x0;
	s15 =	rddreg [dreg:$0x9]  }
0x42: {  	[tilespmem:s8], [sflag:$0x9] =	stream.linear.gather [hbm4b:s15+s8], $0x1400, $0x38;
	[tilespmem:$0x1E080] =	vst v63  }
0x43: {  	_ =	swait.ge [sflag:s17], $0x1400  }
0x44: {  	[sflag:s17] =	ssyncset.done $0x0;
	s26 =	rddreg [dreg:$0x6]  }
0x45: {  	[sflag:s17] =	ssyncadd.s32 $0xFFFFEC00;
	s15 =	sadd.s32 s26, s13;
	s26 =	simm.s32 $0x1400  }
0x46: {  	[tilespmem:s26], [sflag:$0x9] =	stream.linear.gather [hbm4b:s15+s8], $0x1400, $0x38;
	[tilespmem:$0x1E080] =	vst v63  }
0x47: {  	_ =	swait.ge [sflag:s17], $0x1400  }
0x48: {  	[sflag:s17] =	ssyncset.done $0x0  }
0x49: {  	[sflag:s17] =	ssyncadd.s32 $0xFFFFEC00  }
0x4a: {  	[tilespmem:s16], [sflag:$0x1] =	stream.indirect.gather [hbm4b:s1+s19], $0x80, s8, s19, $0xb8;
	[tilespmem:$0x1E080] =	vst v63  }
0x4b: {  	_ = 	snop  }
0x4c: {  	[tilespmem:s20], [sflag:$0x2] =	stream.indirect.gather [hbm4b:s1+s19], $0x80, s19, s19, $0xb8;
	[tilespmem:$0x1E080] =	vst v63  }
0x4d: {  	s15 =	simm.s32 $0x40  }
0x4e: {  	[tilespmem:s22], [sflag:$0x3] =	stream.indirect.gather [hbm4b:s1+s19], $0x80, s15, s19, $0xb8;
	[tilespmem:$0x1E080] =	vst v63  }
0x4f: {  	s26 =	simm.s32 $0x60  }
0x50: {  	[tilespmem:s28], [sflag:$0x4] =	stream.indirect.gather [hbm4b:s1+s24], $0x80, s26, s24, $0xb8;
	[tilespmem:$0x1E080] =	vst v63  }
0x51: {  	_ =	swait.ge [sflag:s29], $0x1000  }
0x52: {  	[sflag:s29] =	ssyncset.done $0x0  }
0x53: {  	[sflag:s29] =	ssyncadd.s32 $0xFFFFF000  }
0x54: {  	_ =	swait.ge [sflag:s30], $0x1000  }
0x55: {  	[sflag:s30] =	ssyncset.done $0x0  }
0x56: {  	[sflag:s30] =	ssyncadd.s32 $0xFFFFF000  }
0x57: {  	_ =	swait.ge [sflag:s31], $0x1000  }
0x58: {  	[sflag:s31] =	ssyncset.done $0x0  }
0x59: {  	[sflag:s31] =	ssyncadd.s32 $0xFFFFF000  }
0x5a: {  	_ =	swait.ge [sflag:s0], $0xE80  }
0x5b: {  	[sflag:s0] =	ssyncset.done $0x0  }
0x5c: {  	s15 =	simm.s32 $0x80;
	[sflag:s0] =	ssyncadd.s32 $0xFFFFF180  }
0x5d: {  	[tilespmem:s4], [sflag:$0x5] =	stream.indirect.gather [hbm4b:s1+s19], $0x80, s15, s19, $0xb8;
	[tilespmem:$0x1E080] =	vst v63  }
0x5e: {  	s26 =	simm.s32 $0xA0  }
0x5f: {  	[tilespmem:s6], [sflag:$0x6] =	stream.indirect.gather [hbm4b:s1+s19], $0x80, s26, s19, $0xb8;
	[tilespmem:$0x1E080] =	vst v63  }
0x60: {  	s15 =	simm.s32 $0xC0  }
0x61: {  	[tilespmem:s7], [sflag:$0x7] =	stream.indirect.gather [hbm4b:s1+s19], $0x80, s15, s19, $0xb8;
	[tilespmem:$0x1E080] =	vst v63  }
0x62: {  	s26 =	simm.s32 $0xE0  }
0x63: {  	[tilespmem:s9], [sflag:$0x8] =	stream.indirect.gather [hbm4b:s1+s24], $0x80, s26, s24, $0xb8;
	[tilespmem:$0x1E080] =	vst v63  }
0x64: {  	s15 =	simm.s32 $0x1400  }
0x65: {  	[spmem:s2] =	stream.indirect.scatter.add.f32 [tilespmem:s16], [sflag:$0x9], $0x80, s15, s10, $0xb8;
	[tilespmem:$0x1E080] =	vst v63  }
0x66: {  	_ =	swait.ge [sflag:s17], $0x3E80  }
0x67: {  	[sflag:s17] =	ssyncset.done $0x0  }
0x68: {  	[sflag:s17] =	ssyncadd.s32 $0xFFFFC180  }
0x69: {  	_ =	swait.ge [sflag:s11], $0x1000  }
0x6a: {  	[sflag:s11] =	ssyncset.done $0x0  }
0x6b: {  	[sflag:s11] =	ssyncadd.s32 $0xFFFFF000  }
0x6c: {  	_ =	swait.ge [sflag:s18], $0x1000  }
0x6d: {  	[sflag:s18] =	ssyncset.done $0x0  }
0x6e: {  	[sflag:s18] =	ssyncadd.s32 $0xFFFFF000  }
0x6f: {  	_ =	swait.ge [sflag:s14], $0x1000  }
0x70: {  	[sflag:s14] =	ssyncset.done $0x0  }
0x71: {  	[sflag:s14] =	ssyncadd.s32 $0xFFFFF000  }
0x72: {  	_ =	swait.ge [sflag:s21], $0xE80  }
0x73: {  	[sflag:s21] =	ssyncset.done $0x0  }
0x74: {  	s26 =	simm.s32 $0x100;
	[sflag:s21] =	ssyncadd.s32 $0xFFFFF180  }
0x75: {  	[tilespmem:s16], [sflag:$0x1] =	stream.indirect.gather [hbm4b:s1+s19], $0x80, s26, s19, $0xb8;
	[tilespmem:$0x1E080] =	vst v63  }
0x76: {  	s15 =	simm.s32 $0x120  }
0x77: {  	[tilespmem:s20], [sflag:$0x2] =	stream.indirect.gather [hbm4b:s1+s19], $0x80, s15, s19, $0xb8;
	[tilespmem:$0x1E080] =	vst v63  }
0x78: {  	s26 =	simm.s32 $0x140  }
0x79: {  	[tilespmem:s22], [sflag:$0x3] =	stream.indirect.gather [hbm4b:s1+s19], $0x80, s26, s19, $0xb8;
	[tilespmem:$0x1E080] =	vst v63  }
0x7a: {  	s15 =	simm.s32 $0x160  }
0x7b: {  	[tilespmem:s28], [sflag:$0x4] =	stream.indirect.gather [hbm4b:s1+s24], $0x80, s15, s24, $0xb8;
	[tilespmem:$0x1E080] =	vst v63  }
0x7c: {  	s26 =	simm.s32 $0x1480  }
0x7d: {  	[spmem:s2] =	stream.indirect.scatter.add.f32 [tilespmem:s4], [sflag:$0x9], $0x80, s26, s10, $0xb8;
	[tilespmem:$0x1E080] =	vst v63  }
0x7e: {  	_ =	swait.ge [sflag:s17], $0x3E80  }
0x7f: {  	s15 =	simm.s32 $0x400;
	[sflag:s17] =	ssyncset.done $0x0  }
.LBB2_4:
0x80: {  	p1 =	sne.s32 s15, $0x4800  }
0x81: {  	[sflag:s17] =	ssyncadd.s32 $0xFFFFC180;
	s8 =	smov.u32 s15;
	s15 =	sadd.s32 $0x400, s15  }
0x82: {  	_ = 	snop  }
0x83: {  	_ =	swait.ge [sflag:s29], $0x1000  }
0x84: {  	[sflag:s29] =	ssyncset.done $0x0  }
0x85: {  	[sflag:s29] =	ssyncadd.s32 $0xFFFFF000  }
0x86: {  	_ =	swait.ge [sflag:s30], $0x1000  }
0x87: {  	[sflag:s30] =	ssyncset.done $0x0  }
0x88: {  	[sflag:s30] =	ssyncadd.s32 $0xFFFFF000  }
0x89: {  	_ =	swait.ge [sflag:s31], $0x1000  }
0x8a: {  	[sflag:s31] =	ssyncset.done $0x0  }
0x8b: {  	[sflag:s31] =	ssyncadd.s32 $0xFFFFF000  }
0x8c: {  	_ =	swait.ge [sflag:s0], $0xE80  }
0x8d: {  	s8 =	sshra.s32 s8, $0x2;
	[sflag:s0] =	ssyncset.done $0x0  }
0x8e: {  	s26 =	sadd.s32 $0x80, s8;
	[sflag:s0] =	ssyncadd.s32 $0xFFFFF180  }
0x8f: {  	[tilespmem:s4], [sflag:$0x5] =	stream.indirect.gather [hbm4b:s1+s19], $0x80, s26, s19, $0xb8;
	[tilespmem:$0x1E080] =	vst v63  }
0x90: {  	s26 =	sadd.s32 $0xA0, s8  }
0x91: {  	[tilespmem:s6], [sflag:$0x6] =	stream.indirect.gather [hbm4b:s1+s19], $0x80, s26, s19, $0xb8;
	[tilespmem:$0x1E080] =	vst v63  }
0x92: {  	s26 =	sadd.s32 $0xC0, s8  }
0x93: {  	[tilespmem:s7], [sflag:$0x7] =	stream.indirect.gather [hbm4b:s1+s19], $0x80, s26, s19, $0xb8;
	[tilespmem:$0x1E080] =	vst v63  }
0x94: {  	s26 =	sadd.s32 $0xE0, s8  }
0x95: {  	[tilespmem:s9], [sflag:$0x8] =	stream.indirect.gather [hbm4b:s1+s24], $0x80, s26, s24, $0xb8;
	[tilespmem:$0x1E080] =	vst v63  }
0x96: {  	s26 =	sadd.s32 $0x1400, s8  }
0x97: {  	[spmem:s2] =	stream.indirect.scatter.add.f32 [tilespmem:s16], [sflag:$0x9], $0x80, s26, s10, $0xb8;
	[tilespmem:$0x1E080] =	vst v63  }
0x98: {  	_ =	swait.ge [sflag:s17], $0x3E80  }
0x99: {  	[sflag:s17] =	ssyncset.done $0x0  }
0x9a: {  	[sflag:s17] =	ssyncadd.s32 $0xFFFFC180  }
0x9b: {  	_ =	swait.ge [sflag:s11], $0x1000  }
0x9c: {  	[sflag:s11] =	ssyncset.done $0x0  }
0x9d: {  	[sflag:s11] =	ssyncadd.s32 $0xFFFFF000  }
0x9e: {  	_ =	swait.ge [sflag:s18], $0x1000  }
0x9f: {  	[sflag:s18] =	ssyncset.done $0x0  }
0xa0: {  	[sflag:s18] =	ssyncadd.s32 $0xFFFFF000  }
0xa1: {  	_ =	swait.ge [sflag:s14], $0x1000  }
0xa2: {  	[sflag:s14] =	ssyncset.done $0x0  }
0xa3: {  	[sflag:s14] =	ssyncadd.s32 $0xFFFFF000  }
0xa4: {  	_ =	swait.ge [sflag:s21], $0xE80  }
0xa5: {  	[sflag:s21] =	ssyncset.done $0x0  }
0xa6: {  	s26 =	sadd.s32 $0x100, s8;
	[sflag:s21] =	ssyncadd.s32 $0xFFFFF180  }
0xa7: {  	[tilespmem:s16], [sflag:$0x1] =	stream.indirect.gather [hbm4b:s1+s19], $0x80, s26, s19, $0xb8;
	[tilespmem:$0x1E080] =	vst v63  }
0xa8: {  	s26 =	sadd.s32 $0x120, s8  }
0xa9: {  	[tilespmem:s20], [sflag:$0x2] =	stream.indirect.gather [hbm4b:s1+s19], $0x80, s26, s19, $0xb8;
	[tilespmem:$0x1E080] =	vst v63  }
0xaa: {  	s26 =	sadd.s32 $0x140, s8  }
0xab: {  	[tilespmem:s22], [sflag:$0x3] =	stream.indirect.gather [hbm4b:s1+s19], $0x80, s26, s19, $0xb8;
	[tilespmem:$0x1E080] =	vst v63  }
0xac: {  	s26 =	sadd.s32 $0x160, s8  }
0xad: {  	[tilespmem:s28], [sflag:$0x4] =	stream.indirect.gather [hbm4b:s1+s24], $0x80, s26, s24, $0xb8;
	[tilespmem:$0x1E080] =	vst v63  }
.Ltmp1:
0xae: {  	_ = 	snop;
	(pc) =	sbr.rel @p1 .LBB2_4-.Ltmp1, $4  }
0xaf: {  	s8 =	sadd.s32 $0x1480, s8  }
0xb0: {  	[spmem:s2] =	stream.indirect.scatter.add.f32 [tilespmem:s4], [sflag:$0x9], $0x80, s8, s10, $0xb8;
	[tilespmem:$0x1E080] =	vst v63  }
0xb1: {  	_ =	swait.ge [sflag:s17], $0x3E80  }
0xb2: {  	[sflag:s17] =	ssyncset.done $0x0  }
0xb3: {  	[sflag:s17] =	ssyncadd.s32 $0xFFFFC180  }
0xb4: {  	_ =	swait.ge [sflag:s29], $0x1000  }
0xb5: {  	[sflag:s29] =	ssyncset.done $0x0  }
0xb6: {  	[sflag:s29] =	ssyncadd.s32 $0xFFFFF000  }
0xb7: {  	_ =	swait.ge [sflag:s30], $0x1000  }
0xb8: {  	[sflag:s30] =	ssyncset.done $0x0  }
0xb9: {  	[sflag:s30] =	ssyncadd.s32 $0xFFFFF000  }
0xba: {  	_ =	swait.ge [sflag:s31], $0x1000  }
0xbb: {  	[sflag:s31] =	ssyncset.done $0x0  }
0xbc: {  	[sflag:s31] =	ssyncadd.s32 $0xFFFFF000  }
0xbd: {  	_ =	swait.ge [sflag:s0], $0xE80  }
0xbe: {  	[sflag:s0] =	ssyncset.done $0x0  }
0xbf: {  	s8 =	simm.s32 $0x1380;
	[sflag:s0] =	ssyncadd.s32 $0xFFFFF180  }
0xc0: {  	[tilespmem:s4], [sflag:$0x5] =	stream.indirect.gather [hbm4b:s1+s19], $0x80, s8, s19, $0xb8;
	[tilespmem:$0x1E080] =	vst v63  }
0xc1: {  	s26 =	simm.s32 $0x13A0  }
0xc2: {  	[tilespmem:s6], [sflag:$0x6] =	stream.indirect.gather [hbm4b:s1+s19], $0x80, s26, s19, $0xb8;
	[tilespmem:$0x1E080] =	vst v63  }
0xc3: {  	s15 =	simm.s32 $0x13C0  }
0xc4: {  	[tilespmem:s7], [sflag:$0x7] =	stream.indirect.gather [hbm4b:s1+s19], $0x80, s15, s19, $0xb8;
	[tilespmem:$0x1E080] =	vst v63  }
0xc5: {  	_ = 	snop  }
0xc6: {  	[tilespmem:s9], [sflag:$0x8] =	stream.indirect.gather [hbm4b:s1+s24], $0x80, s23, s24, $0xb8;
	[tilespmem:$0x1E080] =	vst v63  }
0xc7: {  	_ = 	snop  }
0xc8: {  	[spmem:s2] =	stream.indirect.scatter.add.f32 [tilespmem:s16], [sflag:$0x9], $0x80, s12, s10, $0xb8;
	[tilespmem:$0x1E080] =	vst v63  }
0xc9: {  	_ =	swait.ge [sflag:s17], $0x3E80  }
0xca: {  	[sflag:s17] =	ssyncset.done $0x0  }
0xcb: {  	[sflag:s17] =	ssyncadd.s32 $0xFFFFC180  }
0xcc: {  	_ =	swait.ge [sflag:s11], $0x1000  }
0xcd: {  	[sflag:s11] =	ssyncset.done $0x0  }
0xce: {  	[sflag:s11] =	ssyncadd.s32 $0xFFFFF000  }
0xcf: {  	_ =	swait.ge [sflag:s18], $0x1000  }
0xd0: {  	[sflag:s18] =	ssyncset.done $0x0  }
0xd1: {  	[sflag:s18] =	ssyncadd.s32 $0xFFFFF000  }
0xd2: {  	_ =	swait.ge [sflag:s14], $0x1000  }
0xd3: {  	[sflag:s14] =	ssyncset.done $0x0  }
0xd4: {  	[sflag:s14] =	ssyncadd.s32 $0xFFFFF000  }
0xd5: {  	_ =	swait.ge [sflag:s21], $0xE80  }
0xd6: {  	[sflag:s21] =	ssyncset.done $0x0  }
0xd7: {  	[sflag:s21] =	ssyncadd.s32 $0xFFFFF180  }
0xd8: {  	[spmem:s2] =	stream.indirect.scatter.add.f32 [tilespmem:s4], [sflag:$0x9], $0x80, s25, s10, $0xb8;
	[tilespmem:$0x1E080] =	vst v63  }
0xd9: {  	_ =	swait.ge [sflag:s17], $0x3E80  }
0xda: {  	[sflag:s17] =	ssyncset.done $0x0  }
0xdb: {  	s8 =	simm.s32 $0x0;
	s15 =	rddreg [dreg:$0xb];
	[sflag:s17] =	ssyncadd.s32 $0xFFFFC180  }
0xdc: {  	[tilespmem:s8], [sflag:$0x9] =	stream.linear.gather [hbm4b:s15+s8], $0x1400, $0x38;
	[tilespmem:$0x1E080] =	vst v63  }
0xdd: {  	_ =	swait.ge [sflag:s17], $0x1400  }
0xde: {  	[sflag:s17] =	ssyncset.done $0x0;
	s26 =	rddreg [dreg:$0xa]  }
0xdf: {  	[sflag:s17] =	ssyncadd.s32 $0xFFFFEC00;
	s15 =	sadd.s32 s26, s13;
	s26 =	simm.s32 $0x1400  }
0xe0: {  	[tilespmem:s26], [sflag:$0x9] =	stream.linear.gather [hbm4b:s15+s8], $0x1400, $0x38;
	[tilespmem:$0x1E080] =	vst v63  }
0xe1: {  	_ =	swait.ge [sflag:s17], $0x1400  }
0xe2: {  	[sflag:s17] =	ssyncset.done $0x0  }
0xe3: {  	[sflag:s17] =	ssyncadd.s32 $0xFFFFEC00  }
0xe4: {  	[tilespmem:s16], [sflag:$0x1] =	stream.indirect.gather [hbm4b:s1+s19], $0x80, s8, s19, $0xb8;
	[tilespmem:$0x1E080] =	vst v63  }
0xe5: {  	_ = 	snop  }
0xe6: {  	[tilespmem:s20], [sflag:$0x2] =	stream.indirect.gather [hbm4b:s1+s19], $0x80, s19, s19, $0xb8;
	[tilespmem:$0x1E080] =	vst v63  }
0xe7: {  	s15 =	simm.s32 $0x40  }
0xe8: {  	[tilespmem:s22], [sflag:$0x3] =	stream.indirect.gather [hbm4b:s1+s19], $0x80, s15, s19, $0xb8;
	[tilespmem:$0x1E080] =	vst v63  }
0xe9: {  	s26 =	simm.s32 $0x60  }
0xea: {  	[tilespmem:s28], [sflag:$0x4] =	stream.indirect.gather [hbm4b:s1+s24], $0x80, s26, s24, $0xb8;
	[tilespmem:$0x1E080] =	vst v63  }
0xeb: {  	_ =	swait.ge [sflag:s29], $0x1000  }
0xec: {  	[sflag:s29] =	ssyncset.done $0x0  }
0xed: {  	[sflag:s29] =	ssyncadd.s32 $0xFFFFF000  }
0xee: {  	_ =	swait.ge [sflag:s30], $0x1000  }
0xef: {  	[sflag:s30] =	ssyncset.done $0x0  }
0xf0: {  	[sflag:s30] =	ssyncadd.s32 $0xFFFFF000  }
0xf1: {  	_ =	swait.ge [sflag:s31], $0x1000  }
0xf2: {  	[sflag:s31] =	ssyncset.done $0x0  }
0xf3: {  	[sflag:s31] =	ssyncadd.s32 $0xFFFFF000  }
0xf4: {  	_ =	swait.ge [sflag:s0], $0xE80  }
0xf5: {  	[sflag:s0] =	ssyncset.done $0x0  }
0xf6: {  	s15 =	simm.s32 $0x80;
	[sflag:s0] =	ssyncadd.s32 $0xFFFFF180  }
0xf7: {  	[tilespmem:s4], [sflag:$0x5] =	stream.indirect.gather [hbm4b:s1+s19], $0x80, s15, s19, $0xb8;
	[tilespmem:$0x1E080] =	vst v63  }
0xf8: {  	s26 =	simm.s32 $0xA0  }
0xf9: {  	[tilespmem:s6], [sflag:$0x6] =	stream.indirect.gather [hbm4b:s1+s19], $0x80, s26, s19, $0xb8;
	[tilespmem:$0x1E080] =	vst v63  }
0xfa: {  	s15 =	simm.s32 $0xC0  }
0xfb: {  	[tilespmem:s7], [sflag:$0x7] =	stream.indirect.gather [hbm4b:s1+s19], $0x80, s15, s19, $0xb8;
	[tilespmem:$0x1E080] =	vst v63  }
0xfc: {  	s26 =	simm.s32 $0xE0  }
0xfd: {  	[tilespmem:s9], [sflag:$0x8] =	stream.indirect.gather [hbm4b:s1+s24], $0x80, s26, s24, $0xb8;
	[tilespmem:$0x1E080] =	vst v63  }
0xfe: {  	s15 =	simm.s32 $0x1400  }
0xff: {  	[spmem:s2] =	stream.indirect.scatter.add.f32 [tilespmem:s16], [sflag:$0x9], $0x80, s15, s10, $0xb8;
	[tilespmem:$0x1E080] =	vst v63  }
0x100: {  	_ =	swait.ge [sflag:s17], $0x3E80  }
0x101: {  	[sflag:s17] =	ssyncset.done $0x0  }
0x102: {  	[sflag:s17] =	ssyncadd.s32 $0xFFFFC180  }
0x103: {  	_ =	swait.ge [sflag:s11], $0x1000  }
0x104: {  	[sflag:s11] =	ssyncset.done $0x0  }
0x105: {  	[sflag:s11] =	ssyncadd.s32 $0xFFFFF000  }
0x106: {  	_ =	swait.ge [sflag:s18], $0x1000  }
0x107: {  	[sflag:s18] =	ssyncset.done $0x0  }
0x108: {  	[sflag:s18] =	ssyncadd.s32 $0xFFFFF000  }
0x109: {  	_ =	swait.ge [sflag:s14], $0x1000  }
0x10a: {  	[sflag:s14] =	ssyncset.done $0x0  }
0x10b: {  	[sflag:s14] =	ssyncadd.s32 $0xFFFFF000  }
0x10c: {  	_ =	swait.ge [sflag:s21], $0xE80  }
0x10d: {  	[sflag:s21] =	ssyncset.done $0x0  }
0x10e: {  	s26 =	simm.s32 $0x100;
	[sflag:s21] =	ssyncadd.s32 $0xFFFFF180  }
0x10f: {  	[tilespmem:s16], [sflag:$0x1] =	stream.indirect.gather [hbm4b:s1+s19], $0x80, s26, s19, $0xb8;
	[tilespmem:$0x1E080] =	vst v63  }
0x110: {  	s15 =	simm.s32 $0x120  }
0x111: {  	[tilespmem:s20], [sflag:$0x2] =	stream.indirect.gather [hbm4b:s1+s19], $0x80, s15, s19, $0xb8;
	[tilespmem:$0x1E080] =	vst v63  }
0x112: {  	s26 =	simm.s32 $0x140  }
0x113: {  	[tilespmem:s22], [sflag:$0x3] =	stream.indirect.gather [hbm4b:s1+s19], $0x80, s26, s19, $0xb8;
	[tilespmem:$0x1E080] =	vst v63  }
0x114: {  	s15 =	simm.s32 $0x160  }
0x115: {  	[tilespmem:s28], [sflag:$0x4] =	stream.indirect.gather [hbm4b:s1+s24], $0x80, s15, s24, $0xb8;
	[tilespmem:$0x1E080] =	vst v63  }
0x116: {  	s26 =	simm.s32 $0x1480  }
0x117: {  	[spmem:s2] =	stream.indirect.scatter.add.f32 [tilespmem:s4], [sflag:$0x9], $0x80, s26, s10, $0xb8;
	[tilespmem:$0x1E080] =	vst v63  }
0x118: {  	_ =	swait.ge [sflag:s17], $0x3E80  }
0x119: {  	s15 =	simm.s32 $0x400;
	[sflag:s17] =	ssyncset.done $0x0  }
.LBB2_6:
0x11a: {  	p1 =	sne.s32 s15, $0x4800  }
0x11b: {  	[sflag:s17] =	ssyncadd.s32 $0xFFFFC180;
	s8 =	smov.u32 s15;
	s15 =	sadd.s32 $0x400, s15  }
0x11c: {  	_ = 	snop  }
0x11d: {  	_ =	swait.ge [sflag:s29], $0x1000  }
0x11e: {  	[sflag:s29] =	ssyncset.done $0x0  }
0x11f: {  	[sflag:s29] =	ssyncadd.s32 $0xFFFFF000  }
0x120: {  	_ =	swait.ge [sflag:s30], $0x1000  }
0x121: {  	[sflag:s30] =	ssyncset.done $0x0  }
0x122: {  	[sflag:s30] =	ssyncadd.s32 $0xFFFFF000  }
0x123: {  	_ =	swait.ge [sflag:s31], $0x1000  }
0x124: {  	[sflag:s31] =	ssyncset.done $0x0  }
0x125: {  	[sflag:s31] =	ssyncadd.s32 $0xFFFFF000  }
0x126: {  	_ =	swait.ge [sflag:s0], $0xE80  }
0x127: {  	s8 =	sshra.s32 s8, $0x2;
	[sflag:s0] =	ssyncset.done $0x0  }
0x128: {  	s26 =	sadd.s32 $0x80, s8;
	[sflag:s0] =	ssyncadd.s32 $0xFFFFF180  }
0x129: {  	[tilespmem:s4], [sflag:$0x5] =	stream.indirect.gather [hbm4b:s1+s19], $0x80, s26, s19, $0xb8;
	[tilespmem:$0x1E080] =	vst v63  }
0x12a: {  	s26 =	sadd.s32 $0xA0, s8  }
0x12b: {  	[tilespmem:s6], [sflag:$0x6] =	stream.indirect.gather [hbm4b:s1+s19], $0x80, s26, s19, $0xb8;
	[tilespmem:$0x1E080] =	vst v63  }
0x12c: {  	s26 =	sadd.s32 $0xC0, s8  }
0x12d: {  	[tilespmem:s7], [sflag:$0x7] =	stream.indirect.gather [hbm4b:s1+s19], $0x80, s26, s19, $0xb8;
	[tilespmem:$0x1E080] =	vst v63  }
0x12e: {  	s26 =	sadd.s32 $0xE0, s8  }
0x12f: {  	[tilespmem:s9], [sflag:$0x8] =	stream.indirect.gather [hbm4b:s1+s24], $0x80, s26, s24, $0xb8;
	[tilespmem:$0x1E080] =	vst v63  }
0x130: {  	s26 =	sadd.s32 $0x1400, s8  }
0x131: {  	[spmem:s2] =	stream.indirect.scatter.add.f32 [tilespmem:s16], [sflag:$0x9], $0x80, s26, s10, $0xb8;
	[tilespmem:$0x1E080] =	vst v63  }
0x132: {  	_ =	swait.ge [sflag:s17], $0x3E80  }
0x133: {  	[sflag:s17] =	ssyncset.done $0x0  }
0x134: {  	[sflag:s17] =	ssyncadd.s32 $0xFFFFC180  }
0x135: {  	_ =	swait.ge [sflag:s11], $0x1000  }
0x136: {  	[sflag:s11] =	ssyncset.done $0x0  }
0x137: {  	[sflag:s11] =	ssyncadd.s32 $0xFFFFF000  }
0x138: {  	_ =	swait.ge [sflag:s18], $0x1000  }
0x139: {  	[sflag:s18] =	ssyncset.done $0x0  }
0x13a: {  	[sflag:s18] =	ssyncadd.s32 $0xFFFFF000  }
0x13b: {  	_ =	swait.ge [sflag:s14], $0x1000  }
0x13c: {  	[sflag:s14] =	ssyncset.done $0x0  }
0x13d: {  	[sflag:s14] =	ssyncadd.s32 $0xFFFFF000  }
0x13e: {  	_ =	swait.ge [sflag:s21], $0xE80  }
0x13f: {  	[sflag:s21] =	ssyncset.done $0x0  }
0x140: {  	s26 =	sadd.s32 $0x100, s8;
	[sflag:s21] =	ssyncadd.s32 $0xFFFFF180  }
0x141: {  	[tilespmem:s16], [sflag:$0x1] =	stream.indirect.gather [hbm4b:s1+s19], $0x80, s26, s19, $0xb8;
	[tilespmem:$0x1E080] =	vst v63  }
0x142: {  	s26 =	sadd.s32 $0x120, s8  }
0x143: {  	[tilespmem:s20], [sflag:$0x2] =	stream.indirect.gather [hbm4b:s1+s19], $0x80, s26, s19, $0xb8;
	[tilespmem:$0x1E080] =	vst v63  }
0x144: {  	s26 =	sadd.s32 $0x140, s8  }
0x145: {  	[tilespmem:s22], [sflag:$0x3] =	stream.indirect.gather [hbm4b:s1+s19], $0x80, s26, s19, $0xb8;
	[tilespmem:$0x1E080] =	vst v63  }
0x146: {  	s26 =	sadd.s32 $0x160, s8  }
0x147: {  	[tilespmem:s28], [sflag:$0x4] =	stream.indirect.gather [hbm4b:s1+s24], $0x80, s26, s24, $0xb8;
	[tilespmem:$0x1E080] =	vst v63  }
.Ltmp2:
0x148: {  	_ = 	snop;
	(pc) =	sbr.rel @p1 .LBB2_6-.Ltmp2, $4  }
0x149: {  	s8 =	sadd.s32 $0x1480, s8  }
0x14a: {  	[spmem:s2] =	stream.indirect.scatter.add.f32 [tilespmem:s4], [sflag:$0x9], $0x80, s8, s10, $0xb8;
	[tilespmem:$0x1E080] =	vst v63  }
0x14b: {  	_ =	swait.ge [sflag:s17], $0x3E80  }
0x14c: {  	[sflag:s17] =	ssyncset.done $0x0  }
0x14d: {  	[sflag:s17] =	ssyncadd.s32 $0xFFFFC180  }
0x14e: {  	_ =	swait.ge [sflag:s29], $0x1000  }
0x14f: {  	[sflag:s29] =	ssyncset.done $0x0  }
0x150: {  	[sflag:s29] =	ssyncadd.s32 $0xFFFFF000  }
0x151: {  	_ =	swait.ge [sflag:s30], $0x1000  }
0x152: {  	[sflag:s30] =	ssyncset.done $0x0  }
0x153: {  	[sflag:s30] =	ssyncadd.s32 $0xFFFFF000  }
0x154: {  	_ =	swait.ge [sflag:s31], $0x1000  }
0x155: {  	[sflag:s31] =	ssyncset.done $0x0  }
0x156: {  	[sflag:s31] =	ssyncadd.s32 $0xFFFFF000  }
0x157: {  	_ =	swait.ge [sflag:s0], $0xE80  }
0x158: {  	[sflag:s0] =	ssyncset.done $0x0  }
0x159: {  	s8 =	simm.s32 $0x1380;
	[sflag:s0] =	ssyncadd.s32 $0xFFFFF180  }
0x15a: {  	[tilespmem:s4], [sflag:$0x5] =	stream.indirect.gather [hbm4b:s1+s19], $0x80, s8, s19, $0xb8;
	[tilespmem:$0x1E080] =	vst v63  }
0x15b: {  	s26 =	simm.s32 $0x13A0  }
0x15c: {  	[tilespmem:s6], [sflag:$0x6] =	stream.indirect.gather [hbm4b:s1+s19], $0x80, s26, s19, $0xb8;
	[tilespmem:$0x1E080] =	vst v63  }
0x15d: {  	s15 =	simm.s32 $0x13C0  }
0x15e: {  	[tilespmem:s7], [sflag:$0x7] =	stream.indirect.gather [hbm4b:s1+s19], $0x80, s15, s19, $0xb8;
	[tilespmem:$0x1E080] =	vst v63  }
0x15f: {  	_ = 	snop  }
0x160: {  	[tilespmem:s9], [sflag:$0x8] =	stream.indirect.gather [hbm4b:s1+s24], $0x80, s23, s24, $0xb8;
	[tilespmem:$0x1E080] =	vst v63  }
0x161: {  	_ = 	snop  }
0x162: {  	[spmem:s2] =	stream.indirect.scatter.add.f32 [tilespmem:s16], [sflag:$0x9], $0x80, s12, s10, $0xb8;
	[tilespmem:$0x1E080] =	vst v63  }
0x163: {  	_ =	swait.ge [sflag:s17], $0x3E80  }
0x164: {  	[sflag:s17] =	ssyncset.done $0x0  }
0x165: {  	[sflag:s17] =	ssyncadd.s32 $0xFFFFC180  }
0x166: {  	_ =	swait.ge [sflag:s11], $0x1000  }
0x167: {  	[sflag:s11] =	ssyncset.done $0x0  }
0x168: {  	[sflag:s11] =	ssyncadd.s32 $0xFFFFF000  }
0x169: {  	_ =	swait.ge [sflag:s18], $0x1000  }
0x16a: {  	[sflag:s18] =	ssyncset.done $0x0  }
0x16b: {  	[sflag:s18] =	ssyncadd.s32 $0xFFFFF000  }
0x16c: {  	_ =	swait.ge [sflag:s14], $0x1000  }
0x16d: {  	[sflag:s14] =	ssyncset.done $0x0  }
0x16e: {  	[sflag:s14] =	ssyncadd.s32 $0xFFFFF000  }
0x16f: {  	_ =	swait.ge [sflag:s21], $0xE80  }
0x170: {  	[sflag:s21] =	ssyncset.done $0x0  }
0x171: {  	[sflag:s21] =	ssyncadd.s32 $0xFFFFF180  }
0x172: {  	[spmem:s2] =	stream.indirect.scatter.add.f32 [tilespmem:s4], [sflag:$0x9], $0x80, s25, s10, $0xb8;
	[tilespmem:$0x1E080] =	vst v63  }
0x173: {  	_ =	swait.ge [sflag:s17], $0x3E80  }
0x174: {  	[sflag:s17] =	ssyncset.done $0x0  }
0x175: {  	[sflag:s17] =	ssyncadd.s32 $0xFFFFC180  }
0x176: {  	s8 =	stileid.u32;
	[bflag:$0x0] =	sbarrier.arrive $0xFFFF  }
0x177: {  	s8 =	sshll.u32 @!p0 s8, $0x6;
	s15 =	rddreg [dreg:$0xd]  }
0x178: {  	s8 =	sor.u32 @!p0 $0x1C09, s8;
	s26 =	rddreg [dreg:$0xe]  }
0x179: {  	[hbm:s15], [sflag:s8] =	dma.local @!p0 [spmem:s26], $0x3E80  }
0x17a: {  	s8 =	simm.s32 @!p0 $0x9  }
0x17b: {  	_ =	swait.ge @!p0 [sflag:s8], $0x3E80  }
0x17c: {  	s3 =	sadd.s32 $0x1, s3;
	s26 =	rddreg [dreg:$0xc]  }
0x17d: {  	p1 =	sne.s32 s3, s26  }
.Ltmp3:
0x17e: {  	_ = 	snop;
	(pc) =	sbr.rel @p1 .LBB2_1-.Ltmp3, $3  }
0x17f: {  	_ =	sdelay $0x1  }
0x180: {  	[sflag:s8] =	ssyncset.done @!p0 $0x0  }
0x181: {  	[sflag:s8] =	ssyncadd.s32 @!p0 $0xFFFFC180  }
0x182: {  	_ =	sfence.sel $0x180000  }
0x183: {  	[bflag:$0x0] =	sbarrier.arrive $0xFFFF  }
0x184: {  	_ =	strace $0x9000004D  }
0x185: {  	s0 =	stileid.u32;
	[bflag:$0x2] =	sbarrier.arrive $0xFFFF  }
0x186: {  	p0 =	sne.s32 s0, $0x0;
	s0 =	rddreg [dreg:$0x3]  }
0x187: {  	s0 =	sadd.s32 @!p0 $0x100000, s0  }
0x188: {  	[sflag:s0] =	ssyncadd.tile.s32 @!p0 $0x1;
	_ =	shalt  }
.Lfunc_end2:
_tile_overlayer_lowered:
.L_overlay_start_2:
0x189: {  	(tag) =	ssettag $0x2  }
0x18a: {  	s0 =	rddreg [dreg:$0x0];
	s2 =	stileid.u32  }
0x18b: {  	s1 =	rddreg [dreg:$0x1];
	p0 =	sne.s32 s2, $0x0  }
0x18c: {  	s3 =	rddreg [dreg:$0x2];
	[bflag:$0x3] =	sbarrier.arrive $0xFFFF;
	s2 =	simm.s32 @!p0 $0x1C09  }
0x18d: {  	[timem:s3], [sflag:s2] =	dma.local @!p0 [hbm:s0], s1  }
0x18e: {  	s0 =	simm.s32 @!p0 $0x9  }
0x18f: {  	_ =	swait.ge @!p0 [sflag:s0], s1  }
0x190: {  	s1 =	ssub.s32 @!p0 $0x0, s1;
	[sflag:s0] =	ssyncset.done @!p0 $0x0  }
0x191: {  	[sflag:s0] =	ssyncadd.s32 @!p0 s1  }
0x192: {  	[bflag:$0x3] =	sbarrier.arrive $0xFFFF  }
0x193: {  	_ =	shalt  }

// kernel: kernel.8.cloned.1.call-start
scs
__scs_entry_jumppad:
0x0: {  	(pc) =	sbr.rel $0x88, $3  }
0x1: {  	(tag) =	ssettag $0x0;
	lr =	simm.s32 $0x1  }
0x2: {  	[smem:$0x3F9B] =	sst lr;
	_ =	strace $0xD0000000  }
0x3: {  	_ = 	snop  }
0x4: {  	_ = 	snop  }
0x5: {  	_ = 	snop  }
0x6: {  	_ = 	snop  }
0x7: {  	_ = 	snop  }
__scs_overlays_trampoline_lowered:
0x8: {  	[smem:$0x3FAA] =	sst s0  }
0x9: {  	[smem:$0x3FAB] =	sst s1  }
0xa: {  	[smem:$0x3FAC] =	sst s2  }
0xb: {  	[smem:$0x3FAD] =	sst s3  }
0xc: {  	[smem:$0x3FAE] =	sst s4  }
0xd: {  	[smem:$0x3FAF] =	sst s5  }
0xe: {  	[smem:$0x3FB0] =	sst s6  }
0xf: {  	[smem:$0x3FB1] =	sst s7  }
0x10: {  	[smem:$0x3FB2] =	sst s8  }
0x11: {  	[smem:$0x3FB3] =	sst s9;
	s0 =	simm.s32 @!p0 $0x0  }
0x12: {  	s1 =	sld [smem:$0x3F99];
	s0 =	simm.s32 @p0 $0x1  }
0x13: {  	[smem:$0x3FB4] =	sst s0;
	s0 =	simm.s32 @!p1 $0x0  }
0x14: {  	s2 =	sld [smem:$0x3F98];
	s0 =	simm.s32 @p1 $0x1  }
0x15: {  	[smem:$0x3FB5] =	sst s0;
	s0 =	simm.s32 @!p2 $0x0  }
0x16: {  	s3 =	sld [smem:$0x3FDB];
	s0 =	simm.s32 @p2 $0x1  }
0x17: {  	s4 =	simm.s32 $0x1BF5;
	[smem:$0x3FB7] =	sst s0  }
0x18: {  	s0 =	sld [smem:$0x3F9A];
	_ =	swait.ge [sflag:s4], $0x0  }
0x19: {  	s7 =	sld [smem:$0x3F9B]  }
0x1a: {  	s8 =	sadd.s32 $0xFFFFE003, lr  }
0x1b: {  	s9 =	sadd.s32 $0xFFFFFEF7, lr;
	s5 =	simm.s32 $0xFFFFFFFF;
	p2 =	slt.u32 s8, $0xFFFFF086  }
0x1c: {  	p1 =	slt.u32 s9, $0xF7A;
	s5 =	simm.s32 @!p2 $0x0  }
0x1d: {  	s5 =	simm.s32 @p1 $0x1;
	p0 =	seq.s32 s7, s2  }
0x1e: {  	s7 =	smul.u32 @!p0 $0xF7A, s2;
	p2 =	seq.s32 @!p0 s5, $0x0  }
0x1f: {  	s9 =	smul.u32 $0xF7A, s1;
	s8 =	simm.s32 @!p0 $0x1BF5;
	p2 =	por !p2, p0  }
0x20: {  	[sflag:s8] =	ssyncset.s32 @!p0 $0xFFFFF086;
	s6 =	sadd.s32 @!p0 s3, s7;
	s7 =	simm.s32 @!p0 $0x108  }
0x21: {  	s3 =	sadd.s32 s3, s9;
	s6 =	sadd.s32 @!p0 $0x88, s6;
	s7 =	simm.s32 @p2 $0x1082  }
0x22: {  	[simem:s7], [sflag:s8] =	dma.local @!p0 [hbm:s6], $0xF7A  }
0x23: {  	s9 =	sor.u32 $0xD0000000, s2;
	s6 =	simm.s32 $0x108;
	_ =	swait.ge @!p0 [sflag:s8], $0x0  }
0x24: {  	s3 =	sadd.s32 $0x88, s3;
	s6 =	simm.s32 @!p1 $0x1082;
	[sflag:s4] =	ssyncset.s32 $0xFFFFF086  }
0x25: {  	[simem:s6], [sflag:s4] =	dma.local [hbm:s3], $0xF7A  }
0x26: {  	[smem:$0x3F9B] =	sst s1;
	(tag) =	ssettag s2;
	_ =	strace s9  }
0x27: {  	s1 =	sld [smem:$0x3FAB]  }
0x28: {  	s2 =	sld [smem:$0x3FAC]  }
0x29: {  	s4 =	sld [smem:$0x3FAE]  }
0x2a: {  	p0 =	seq.s32 s5, $0x0;
	s5 =	sld [smem:$0x3FAF]  }
0x2b: {  	s6 =	sld [smem:$0x3FB0]  }
0x2c: {  	s7 =	sld [smem:$0x3FB1]  }
0x2d: {  	s3 =	simm.s32 $0x108;
	s8 =	sld [smem:$0x3FB2]  }
0x2e: {  	s3 =	simm.s32 @!p0 $0x1082;
	s9 =	sld [smem:$0x3FB3]  }
0x2f: {  	lr =	sadd.s32 s0, s3;
	s0 =	sld [smem:$0x3FAA]  }
0x30: {  	s3 =	sld [smem:$0x3FAD]  }
0x31: {  	[smem:$0x3FB6] =	sst s10  }
0x32: {  	s10 =	sld [smem:$0x3FB4];
	_ =	sdelay $0x3  }
0x33: {  	p0 =	seq.s32 s10, $0x1;
	s10 =	sld [smem:$0x3FB6];
	_ =	sdelay $0x3  }
0x34: {  	[smem:$0x3FB6] =	sst s10  }
0x35: {  	s10 =	sld [smem:$0x3FB5];
	_ =	sdelay $0x3  }
0x36: {  	p1 =	seq.s32 s10, $0x1;
	s10 =	sld [smem:$0x3FB6];
	_ =	sdelay $0x3  }
0x37: {  	[smem:$0x3FB6] =	sst s10  }
0x38: {  	s10 =	sld [smem:$0x3FB7]  }
0x39: {  	_ = 	snop;
	(pc) =	sbr.ind lr, $3  }
0x3a: {  	_ = 	snop  }
0x3b: {  	_ = 	snop  }
0x3c: {  	p2 =	seq.s32 s10, $0x1;
	s10 =	sld [smem:$0x3FB6]  }
0x3d: {  	_ =	shalt  }
0x3e: {  	_ =	shalt  }
0x3f: {  	_ =	shalt  }
0x40: {  	_ =	shalt  }
0x41: {  	_ =	shalt  }
0x42: {  	_ =	shalt  }
0x43: {  	_ =	shalt  }
0x44: {  	_ =	shalt  }
0x45: {  	_ =	shalt  }
0x46: {  	_ =	shalt  }
0x47: {  	_ =	shalt  }
0x48: {  	_ =	shalt  }
0x49: {  	_ =	shalt  }
0x4a: {  	_ =	shalt  }
0x4b: {  	_ =	shalt  }
0x4c: {  	_ =	shalt  }
0x4d: {  	_ =	shalt  }
0x4e: {  	_ =	shalt  }
0x4f: {  	_ =	shalt  }
0x50: {  	_ =	shalt  }
0x51: {  	_ =	shalt  }
0x52: {  	_ =	shalt  }
0x53: {  	_ =	shalt  }
0x54: {  	_ =	shalt  }
0x55: {  	_ =	shalt  }
0x56: {  	_ =	shalt  }
0x57: {  	_ =	shalt  }
0x58: {  	_ =	shalt  }
0x59: {  	_ =	shalt  }
0x5a: {  	_ =	shalt  }
0x5b: {  	_ =	shalt  }
0x5c: {  	_ =	shalt  }
0x5d: {  	_ =	shalt  }
0x5e: {  	_ =	shalt  }
0x5f: {  	_ =	shalt  }
0x60: {  	_ =	shalt  }
0x61: {  	_ =	shalt  }
0x62: {  	_ =	shalt  }
0x63: {  	_ =	shalt  }
0x64: {  	_ =	shalt  }
0x65: {  	_ =	shalt  }
0x66: {  	_ =	shalt  }
0x67: {  	_ =	shalt  }
0x68: {  	_ =	shalt  }
0x69: {  	_ =	shalt  }
0x6a: {  	_ =	shalt  }
0x6b: {  	_ =	shalt  }
0x6c: {  	_ =	shalt  }
0x6d: {  	_ =	shalt  }
0x6e: {  	_ =	shalt  }
0x6f: {  	_ =	shalt  }
0x70: {  	_ =	shalt  }
0x71: {  	_ =	shalt  }
0x72: {  	_ =	shalt  }
0x73: {  	_ =	shalt  }
0x74: {  	_ =	shalt  }
0x75: {  	_ =	shalt  }
0x76: {  	_ =	shalt  }
0x77: {  	_ =	shalt  }
0x78: {  	_ =	shalt  }
0x79: {  	_ =	shalt  }
0x7a: {  	_ =	shalt  }
0x7b: {  	_ =	shalt  }
0x7c: {  	_ =	shalt  }
0x7d: {  	_ =	shalt  }
0x7e: {  	_ =	shalt  }
0x7f: {  	_ =	shalt  }
0x80: {  	_ =	shalt  }
0x81: {  	_ =	shalt  }
0x82: {  	_ =	shalt  }
0x83: {  	_ =	shalt  }
0x84: {  	_ =	shalt  }
0x85: {  	_ =	shalt  }
0x86: {  	_ =	shalt  }
0x87: {  	_ =	shalt  }
.Lfunc_end0:
.L_simem_size_0:
called_computation_lowered:
.L_overlay_start_0:
0x88: {  	s2 =	sld [smem:$0x3FD9]  }
0x89: {  	s3 =	sld [smem:$0x3FFE];
	_ =	sdelay $0x1  }
0x8a: {  	s1 =	srdreg.scid  }
0x8b: {  	s0 =	sand.u32 $0x1, s1  }
0x8c: {  	s17 =	sshll.u32 s0, $0xA;
	s2 =	sadd.s32 s3, s2  }
0x8d: {  	s2 =	sadd.s32 s2, s17  }
0x8e: {  	[smem:$0x3FC2] =	sst s2  }
0x8f: {  	_ = 	snop  }
0x90: {  	s2 =	sld [smem:$0x3FD0];
	(tm) =	ssettm $0x1  }
0x91: {  	s18 =	sld [smem:$0x3FFB];
	_ =	sdelay $0x3  }
0x92: {  	_ =	strace s18  }
0x93: {  	s3 =	sld [smem:$0x3FFC];
	_ =	sdelay $0x3  }
0x94: {  	_ =	strace s3  }
0x95: {  	s3 =	sld [smem:$0x3FFD];
	_ =	sdelay $0x3  }
0x96: {  	_ =	strace s3  }
0x97: {  	_ =	strace $0x8FFFFFFF  }
0x98: {  	s19 =	sld [smem:$0x3FDB];
	_ =	sdelay $0x1  }
0x99: {  	s4 =	simm.s32 $_scs_section_size  }
0x9a: {  	s5 =	simm.s32 $_size__tile_overlayer_lowered;
	s6 =	simm.s32 $_tile_overlayer_lowered  }
0x9b: {  	s22 =	simm.s32 $0x1BFF;
	s21 =	sshll.u32 s6, $0x1;
	s3 =	sadd.s32 s4, s19  }
0x9c: {  	s7 =	simm.s32 $0x0;
	s20 =	sshll.u32 s5, $0x1;
	s5 =	sadd.s32 s21, s3  }
0x9d: {  	[timem:s7], [sflag:s22] =	dma.local [hbm:s5], s20  }
0x9e: {  	_ =	swait.ge [sflag:s22], s20  }
0x9f: {  	s4 =	ssub.s32 $0x0, s20;
	[sflag:s22] =	ssyncset.done $0x0  }
0xa0: {  	[sflag:s22] =	ssyncadd.s32 s4;
	_ =	sdelay $0x1  }
0xa1: {  	s23 =	simm.s32 $0x1B8B  }
0xa2: {  	_ =	swait.ge [sflag:s23], $0x1  }
0xa3: {  	[sflag:s23] =	ssyncset.done $0x0  }
0xa4: {  	s25 =	simm.s32 $0x1B8E;
	s24 =	sld [smem:$0x3FFE];
	[sflag:s23] =	ssyncadd.s32 $0xFFFFFFFF  }
0xa5: {  	s26 =	simm.s32 $execute0_lowered;
	[smem:$0x3FD2] =	sst s25  }
0xa6: {  	s5 =	sshll.u32 s26, $0x1;
	_ =	strace $0x80000046;
	[dreg:$0x1] =	wrdreg $0xFFFFFFFF  }
0xa7: {  	s28 =	simm.s32 $_size_execute0_lowered;
	s3 =	sadd.s32 s3, s5;
	[dreg:$0x0] =	wrdreg $0x0  }
0xa8: {  	s5 =	sshll.u32 s28, $0x1;
	[dreg:$0x2] =	wrdreg s3  }
0xa9: {  	[dreg:$0x3] =	wrdreg s5  }
0xaa: {  	[dreg:$0x4] =	wrdreg $0xC0  }
0xab: {  	_ =	task [dreg:s7], $0x5FFFF  }
0xac: {  	[dreg:$0x1] =	wrdreg $0xFFFFFFFF  }
0xad: {  	[dreg:$0x0] =	wrdreg $0x60  }
0xae: {  	[dreg:$0x2] =	wrdreg s24  }
0xaf: {  	[dreg:$0x3] =	wrdreg s2  }
0xb0: {  	[dreg:$0x4] =	wrdreg $0x2C800  }
0xb1: {  	[dreg:$0x5] =	wrdreg $0x9  }
0xb2: {  	_ =	task.clear_ibuf [dreg:s7], $0x6FFFF;
	_ =	strace $0x90000046  }
0xb3: {  	s29 =	simm.s32 $0x9;
	_ =	strace $0x80000048  }
0xb4: {  	_ =	swait.ge [sflag:s29], $0x1  }
0xb5: {  	[sflag:s29] =	ssyncadd.s32 $0xFFFFFFFF  }
0xb6: {  	_ =	strace $0x90000048  }
0xb7: {  	_ =	sfence  }
0xb8: {  	s30 =	sld [smem:$0x0];
	_ =	sdelay $0x2  }
0xb9: {  	s31 =	sshll.u32 s1, $0xD;
	s1 =	sshrl.u32 s1, $0x2  }
0xba: {  	s3 =	sand.u32 $0x4000, s31;
	s1 =	sadd.s32 s1, s30  }
0xbb: {  	s0 =	sor.u32 s3, s0;
	s1 =	sshll.u32 s1, $0x11  }
0xbc: {  	s0 =	sor.u32 s1, s0  }
0xbd: {  	s0 =	sadd.s32 $0x8F2B, s0  }
0xbe: {  	[sflag:s0] =	ssyncadd.remote.s32 $0x1  }
0xbf: {  	_ =	sfence.sel $0xFFFF  }
0xc0: {  	[dreg:$0x0] =	wrdreg $0xFFFFFFFF;
	(pc) =	sbr.abs _section_cstart, $3  }
0xc1: {  	[dreg:$0x1] =	wrdreg $0xFFFFFFFF  }
0xc2: {  	_ =	task.clear_ibuf [dreg:s7], $0x2FFFF;
	_ =	strace $0x9FFFFFFF  }
0xc3: {  	(tm) =	ssettm $0x7FFFFFFF  }
tec
execute0_lowered:
.L_overlay_start_1:
0x0: {  	(tag) =	ssettag $0x1  }
0x1: {  	s5 =	rddreg [dreg:$0x0]  }
0x2: {  	s6 =	rddreg [dreg:$0x1]  }
0x3: {  	s2 =	rddreg [dreg:$0x2]  }
0x4: {  	s3 =	srdreg.scid;
	s1 =	stileid.u32  }
0x5: {  	s0 =	rddreg [dreg:$0x3];
	s4 =	sand.u32 $0x1, s3;
	s7 =	smul.u32 $0xFA0, s1  }
0x6: {  	s3 =	simm.s32 $0x0;
	s9 =	smul.u32 $0x3E8, s1;
	s31 =	sadd.s32 $0xC600, s5  }
0x7: {  	p0 =	sgt.u32 s1, $0x9;
	s8 =	ssub.s32 $0x2, s4;
	[smem:$0x7FF] =	sst s3  }
0x8: {  	s11 =	smul.u32 $0x2710, s4;
	s4 =	sshll.u32 s4, $0x4;
	s10 =	sshrl.u32 s8, $0x1  }
0x9: {  	_ =	strace $0x80000047;
	s28 =	sor.u32 s1, s4;
	s29 =	sshrl.u32 s7, $0x2  }
0xa: {  	s5 =	sadd.s32 s9, s2;
	s8 =	ssub.s32 s8, s10;
	s30 =	sadd.s32 s9, s11  }
0xb: {  	s4 =	sadd.s32 s29, s2;
	s10 =	smul.u32 $0x500, s28;
	s7 =	sshrl.u32 s30, $0x3  }
0xc: {  	s9 =	simm.s32 $0x1;
	s11 =	simm.s32 $0x2800;
	s6 =	sadd.s32 s6, s7  }
0xd: {  	v0 =	vimm.f32 $1.000000000e+00;
	v1 =	vimm.f32 $0.0e+00;
	s7 =	smax.u32 s8, $0x1;
	s8 =	sadd.s32 s10, s31;
	s10 =	simm.s32 $0x7D  }
.LBB2_1:
0xe: {  	[tilespmem:$0x2800] =	vst v0  }
0xf: {  	[tilespmem:$0x2810] =	vst v0  }
0x10: {  	[tilespmem:$0x2820] =	vst v0  }
0x11: {  	[tilespmem:$0x2830] =	vst v0  }
0x12: {  	[tilespmem:$0x2840] =	vst v0  }
0x13: {  	[tilespmem:$0x2850] =	vst v0  }
0x14: {  	[tilespmem:$0x2860] =	vst v0  }
0x15: {  	[tilespmem:$0x2870] =	vst v0;
	s12 =	simm.s32 $0x40;
	s13 =	simm.s32 $0x0  }
.LBB2_2:
0x16: {  	p1 =	sne.s32 s12, $0xF80;
	[tilespmem:s13+$0x2880] =	vst v1;
	s13 =	smov.u32 s12;
	s12 =	sadd.s32 $0x40, s12  }
.Ltmp0:
0x17: {  	(pc) =	sbr.rel @p1 .LBB2_2-.Ltmp0, $2  }
0x18: {  	_ =	sdelay $0x2  }
0x19: {  	s13 =	sshra.s32 s13, $0x2  }
0x1a: {  	[tilespmem:s13+$0x2880] =	vst v1;
	s12 =	simm.s32 @!p0 $0x2880  }
0x1b: {  	[spmem:s4] =	stream.linear.scatter @!p0 [tilespmem:s12], [sflag:$0x1], $0x3E8, $0x38;
	[tilespmem:$0x2EF8] =	vst v63  }
0x1c: {  	s12 =	simm.s32 @!p0 $0x1  }
0x1d: {  	_ =	swait.ge @!p0 [sflag:s12], $0x3E8  }
0x1e: {  	[sflag:s12] =	ssyncset.done @!p0 $0x0  }
0x1f: {  	[sflag:s12] =	ssyncadd.s32 @!p0 $0xFFFFFC18  }
0x20: {  	s30 =	simm.s32 $0x0;
	[bflag:$0x0] =	sbarrier.arrive $0xFFFF  }
0x21: {  	[tilespmem:s30], [sflag:$0x1] =	stream.linear.gather [hbm4b:s8+s30], $0x2800, $0x38;
	[tilespmem:$0x2EF8] =	vst v63  }
0x22: {  	_ =	swait.ge [sflag:s9], $0x2800  }
0x23: {  	[sflag:s9] =	ssyncset.done $0x0  }
0x24: {  	s31 =	simm.s32 $0x0;
	[sflag:s9] =	ssyncadd.s32 $0xFFFFD800  }
0x25: {  	[spmem:s2] =	stream.indirect.scatter.add.f32 [tilespmem:s11], [sflag:$0x1], $0x1, s31, s10, $0xb8;
	[tilespmem:$0x2EF8] =	vst v63  }
0x26: {  	_ =	swait.ge [sflag:s9], $0x7D  }
0x27: {  	s12 =	simm.s32 $0x200;
	[sflag:s9] =	ssyncset.done $0x0  }
.LBB2_4:
0x28: {  	s13 =	sshra.s32 s12, $0x2;
	[sflag:s9] =	ssyncadd.s32 $0xFFFFFF83;
	p1 =	sne.s32 s12, $0x9E00  }
0x29: {  	[spmem:s2] =	stream.indirect.scatter.add.f32 [tilespmem:s11], [sflag:$0x1], $0x1, s13, s10, $0xb8;
	[tilespmem:$0x2EF8] =	vst v63  }
.Ltmp1:
0x2a: {  	_ = 	snop;
	(pc) =	sbr.rel @p1 .LBB2_4-.Ltmp1, $4  }
0x2b: {  	_ = 	snop  }
0x2c: {  	s12 =	sadd.s32 $0x200, s12  }
0x2d: {  	_ =	swait.ge [sflag:s9], $0x7D  }
0x2e: {  	[sflag:s9] =	ssyncset.done $0x0  }
0x2f: {  	[sflag:s9] =	ssyncadd.s32 $0xFFFFFF83  }
0x30: {  	s12 =	simm.s32 @!p0 $0x2880;
	s13 =	simm.s32 @!p0 $0x1;
	[bflag:$0x0] =	sbarrier.arrive $0xFFFF  }
0x31: {  	[tilespmem:s12], [sflag:$0x1] =	stream.linear.gather @!p0 [spmem:s5], $0x3E8, $0x38;
	[tilespmem:$0x2EF8] =	vst v63  }
0x32: {  	s3 =	sadd.s32 $0x1, s3;
	_ =	swait.ge @!p0 [sflag:s13], $0x3E8  }
0x33: {  	p1 =	sne.s32 s3, s7;
	[sflag:s13] =	ssyncset.done @!p0 $0x0  }
.Ltmp2:
0x34: {  	s14 =	simm.s32 @!p0 $0x0;
	[sflag:s13] =	ssyncadd.s32 @!p0 $0xFFFFFC18;
	(pc) =	sbr.rel @p1 .LBB2_1-.Ltmp2, $4  }
0x35: {  	[hbm4b:s6+s14] =	stream.linear.scatter @!p0 [tilespmem:s12], [sflag:$0x1], $0x3E8, $0x38;
	[tilespmem:$0x2EF8] =	vst v63  }
0x36: {  	_ =	swait.ge @!p0 [sflag:s13], $0x3E8  }
0x37: {  	[sflag:s13] =	ssyncset.done @!p0 $0x0  }
0x38: {  	[sflag:s13] =	ssyncadd.s32 @!p0 $0xFFFFFC18  }
0x39: {  	_ =	sfence.sel $0x180000  }
0x3a: {  	[bflag:$0x0] =	sbarrier.arrive $0xFFFF  }
0x3b: {  	p0 =	sne.s32 s1, $0x0;
	_ =	strace $0x90000047  }
0x3c: {  	s0 =	sadd.s32 @!p0 $0x100000, s0;
	[bflag:$0x2] =	sbarrier.arrive $0xFFFF  }
0x3d: {  	[sflag:s0] =	ssyncadd.tile.s32 @!p0 $0x1;
	_ =	shalt  }
.Lfunc_end2:
_tile_overlayer_lowered:
.L_overlay_start_2:
0x3e: {  	(tag) =	ssettag $0x2  }
0x3f: {  	s0 =	rddreg [dreg:$0x0];
	s2 =	stileid.u32  }
0x40: {  	s1 =	rddreg [dreg:$0x1];
	p0 =	sne.s32 s2, $0x0  }
0x41: {  	s3 =	rddreg [dreg:$0x2];
	[bflag:$0x3] =	sbarrier.arrive $0xFFFF;
	s2 =	simm.s32 @!p0 $0x1C01  }
0x42: {  	[timem:s3], [sflag:s2] =	dma.local @!p0 [hbm:s0], s1  }
0x43: {  	s0 =	simm.s32 @!p0 $0x1  }
0x44: {  	_ =	swait.ge @!p0 [sflag:s0], s1  }
0x45: {  	s1 =	ssub.s32 @!p0 $0x0, s1;
	[sflag:s0] =	ssyncset.done @!p0 $0x0  }
0x46: {  	[sflag:s0] =	ssyncadd.s32 @!p0 s1  }
0x47: {  	[bflag:$0x3] =	sbarrier.arrive $0xFFFF  }
0x48: {  	_ =	shalt  }

</sc_bundles>
